<compile_context>
chip_gen: v7x
topology: tpu7x:2x2x1
jax: 0.10.2.dev20260603
libtpu: 0.0.44.dev20260713+nightly
codegen_flags: <defaults>
</compile_context>

<pallas_src>
import functools

import jax
import jax.numpy as jnp
from jax import lax
from jax.experimental import pallas as pl
from jax.experimental.pallas import tpu as pltpu
from jax.experimental.pallas import tpu_sc as plsc

N = 10000
E = 160000
D = 256
H = 8
HD = 32

NP = 10240
EP = 163840
NBLK = EP // 128
STRIPE = NP // 16

f32 = jnp.float32
i32 = jnp.int32

_MESH = plsc.VectorSubcoreMesh(core_axis_name="c", subcore_axis_name="s")
_SC_PARAMS = pltpu.CompilerParams(
    needs_layout_passes=False, use_tc_tiling_on_sc=False
)



def _node_body(x_ref, wt_ref, a12_ref, h4_ref, src_ref):
    t = pl.program_id(0)
    x = x_ref[...].astype(jnp.bfloat16)
    h = jnp.dot(x, wt_ref[...].astype(jnp.bfloat16),
                preferred_element_type=f32)
    rows = t * 1024 + lax.broadcasted_iota(i32, (1024, 1), 0)
    h = jnp.where(rows < N, h, 0.0)
    for q in range(4):
        h4_ref[q, :, :] = h[:, 64 * q:64 * q + 64]
    src_ref[...] = jnp.dot(h, a12_ref[...], preferred_element_type=f32)


def _k_node(feats, wt, a12):
    return pl.pallas_call(
        _node_body,
        grid=(10,),
        in_specs=[
            pl.BlockSpec((1024, 256), lambda t: (t, 0)),
            pl.BlockSpec((256, 256), lambda t: (0, 0)),
            pl.BlockSpec((256, 16), lambda t: (0, 0)),
        ],
        out_specs=[
            pl.BlockSpec((4, 1024, 64), lambda t: (0, t, 0)),
            pl.BlockSpec((1024, 16), lambda t: (t, 0)),
        ],
        out_shape=[
            jax.ShapeDtypeStruct((4, NP, 64), f32),
            jax.ShapeDtypeStruct((NP, 16), f32),
        ],
    )(feats, wt, a12)


def _edge_body(x_ref, wt_ref, b8_ref, ea_ref, t_ref):
    ea = jnp.dot(x_ref[...], wt_ref[...], preferred_element_type=f32)
    ea_ref[...] = ea
    t_ref[...] = jnp.dot(ea, b8_ref[...], preferred_element_type=f32)


def _k_edge(edge_attr, wt, b8):
    return pl.pallas_call(
        _edge_body,
        grid=(80,),
        in_specs=[
            pl.BlockSpec((2000, 16), lambda t: (t, 0)),
            pl.BlockSpec((16, 16), lambda t: (0, 0)),
            pl.BlockSpec((16, 8), lambda t: (0, 0)),
        ],
        out_specs=[
            pl.BlockSpec((2000, 16), lambda t: (t, 0)),
            pl.BlockSpec((2000, 8), lambda t: (t, 0)),
        ],
        out_shape=[
            jax.ShapeDtypeStruct((E, 16), f32),
            jax.ShapeDtypeStruct((E, 8), f32),
        ],
    )(edge_attr, wt, b8)


def _rden_body(dp_ref, r_ref, rexp_ref):
    r = 1.0 / (dp_ref[0, :, :] + dp_ref[1, :, :])
    rexp_ref[...] = jnp.dot(r, r_ref[...], preferred_element_type=f32)


def _k_rden(dp3, rmat):
    return pl.pallas_call(
        _rden_body,
        grid=(10,),
        in_specs=[
            pl.BlockSpec((2, 1024, 8), lambda t: (0, t, 0)),
            pl.BlockSpec((8, 256), lambda t: (0, 0)),
        ],
        out_specs=pl.BlockSpec((1024, 256), lambda t: (t, 0)),
        out_shape=jax.ShapeDtypeStruct((NP, 256), f32),
    )(dp3, rmat)


def _out_body(a0_ref, a1_ref, a2_ref, a3_ref, rexp_ref, wt_ref, b_ref, bo_ref,
              o_ref):
    x = jnp.concatenate(
        [a0_ref[...], a1_ref[...], a2_ref[...], a3_ref[...]], axis=1)
    x = (x * rexp_ref[...] + b_ref[...]).astype(jnp.bfloat16)
    o_ref[...] = jnp.dot(x, wt_ref[...].astype(jnp.bfloat16),
                         preferred_element_type=f32) + bo_ref[...]


def _k_out(a4, rexp, wt, b, bo):
    return pl.pallas_call(
        _out_body,
        grid=(10,),
        in_specs=[
            pl.BlockSpec((1024, 64), lambda t: (t, 0)),
            pl.BlockSpec((1024, 64), lambda t: (t, 0)),
            pl.BlockSpec((1024, 64), lambda t: (t, 0)),
            pl.BlockSpec((1024, 64), lambda t: (t, 0)),
            pl.BlockSpec((1024, 256), lambda t: (t, 0)),
            pl.BlockSpec((256, 256), lambda t: (0, 0)),
            pl.BlockSpec((1, 256), lambda t: (0, 0)),
            pl.BlockSpec((1, 256), lambda t: (0, 0)),
        ],
        out_specs=pl.BlockSpec((1024, 256), lambda t: (t, 0)),
        out_shape=jax.ShapeDtypeStruct((N, 256), f32),
    )(a4[0], a4[1], a4[2], a4[3], rexp, wt, b, bo)



NB_A = NBLK // 32
NB_G = NBLK // 16


def _attn_body(row_hbm, col_hbm, t_hbm, src_hbm, z8_hbm, ex_hbm, dp_hbm,
               rowslab, colflat, tslab, srgs, scgs, exflats, ex2ds, acc,
               gsems, ssems):
    c = lax.axis_index("c")
    s = lax.axis_index("s")
    w = c * 16 + s
    pltpu.sync_copy(z8_hbm.at[pl.ds(s * STRIPE, STRIPE), :],
                    acc.at[pl.ds(s * STRIPE, STRIPE), :])
    pltpu.sync_copy(row_hbm.at[pl.ds(w * NB_A, NB_A), :], rowslab)
    pltpu.sync_copy(col_hbm.at[pl.ds(w * NB_A, NB_A), :], colflat)
    pltpu.sync_copy(t_hbm.at[pl.ds(w * NB_A * 1024, NB_A * 1024)], tslab)
    plsc.subcore_barrier()

    iota = lax.iota(i32, 16)
    id8 = iota // 8
    im8 = iota % 8

    def g_descs(k, p):
        return [
            pltpu.make_async_copy(src_hbm.at[rowslab.at[k]], srgs[p], gsems[p]),
            pltpu.make_async_copy(src_hbm.at[colflat.at[k]], scgs[p], gsems[p]),
        ]

    def step(k, p):
        for d in g_descs(k, p):
            d.wait()

        @pl.loop(0, 64, unroll=4)
        def _vec(v):
            ir = 2 * v + id8
            srv = plsc.load_gather(srgs[p], [ir, im8])
            scv = plsc.load_gather(scgs[p], [ir, im8 + 8])
            tv = tslab[pl.ds(1024 * k + 16 * v, 16)]
            lg = srv + scv + tv
            exv = jnp.exp(jnp.maximum(lg, 0.01 * lg))
            exflats[0][pl.ds(16 * v, 16)] = exv
            plsc.store_scatter(ex2ds[0], [ir, im8], exv)

        pltpu.sync_copy(ex2ds[0], acc.at[rowslab.at[k]], add=True)
        pltpu.sync_copy(exflats[0],
                        ex_hbm.at[pl.ds((w * NB_A + k) * 1024, 1024)])
        knext = jnp.minimum(k + 2, NB_A - 1)
        for d in g_descs(knext, p):
            d.start()

    for p in range(2):
        for d in g_descs(p, p):
            d.start()

    @pl.loop(0, NB_A // 2)
    def _pair(kk):
        step(2 * kk, 0)
        step(2 * kk + 1, 1)

    for p in range(2):
        for d in g_descs(NB_A - 1, p):
            d.wait()

    plsc.subcore_barrier()
    pltpu.sync_copy(acc.at[pl.ds(s * STRIPE, STRIPE), :],
                    dp_hbm.at[c].at[pl.ds(s * STRIPE, STRIPE), :])


def _k_attn(row2d, col2d, tp, src_tab, z8):
    return pl.kernel(
        _attn_body,
        out_type=(
            jax.ShapeDtypeStruct((EP * 8,), f32),
            jax.ShapeDtypeStruct((2, NP, 8), f32),
        ),
        mesh=_MESH,
        compiler_params=_SC_PARAMS,
        scratch_types=[
            pltpu.VMEM((NB_A, 128), i32),
            pltpu.VMEM((NB_A, 128), i32),
            pltpu.VMEM((NB_A * 1024,), f32),
            [pltpu.VMEM((128, 16), f32)] * 2,
            [pltpu.VMEM((128, 16), f32)] * 2,
            [pltpu.VMEM((1024,), f32)] * 2,
            [pltpu.VMEM((128, 8), f32)] * 2,
            pltpu.VMEM_SHARED((NP, 8), f32),
            [pltpu.SemaphoreType.DMA] * 2,
            [pltpu.SemaphoreType.DMA] * 2,
        ],
    )(row2d, col2d, tp, src_tab, z8)


def _agg_body(row_hbm, col_hbm, ex_hbm, h4_hbm, z64_hbm, agg_hbm,
              rowslab, colflat2, hbufs, exbs, acc, gsems, ssems):
    c = lax.axis_index("c")
    s = lax.axis_index("s")
    pltpu.sync_copy(row_hbm.at[pl.ds(s * NB_G, NB_G), :], rowslab)
    pltpu.sync_copy(col_hbm.at[pl.ds(s * NB_G * 128, NB_G * 128)], colflat2)

    iota = lax.iota(i32, 16)
    izero = iota * 0

    off0 = 2 * c * NP

    @pl.loop(0, NB_G * 8, unroll=4)
    def _shift(v):
        colflat2[pl.ds(16 * v, 16)] = colflat2[pl.ds(16 * v, 16)] + off0

    for q in range(2):
        if q == 1:
            @pl.loop(0, NB_G * 8, unroll=4)
            def _shift2(v):
                colflat2[pl.ds(16 * v, 16)] = colflat2[pl.ds(16 * v, 16)] + NP

        pltpu.sync_copy(z64_hbm.at[pl.ds(s * STRIPE, STRIPE), :],
                        acc.at[pl.ds(s * STRIPE, STRIPE), :])
        plsc.subcore_barrier()

        def g_descs(k, p):
            return [
                pltpu.make_async_copy(
                    h4_hbm.at[colflat2.at[pl.ds(256 * k, 128)]],
                    hbufs[p].at[pl.ds(0, 128), :], gsems[p]),
                pltpu.make_async_copy(
                    h4_hbm.at[colflat2.at[pl.ds(256 * k + 128, 128)]],
                    hbufs[p].at[pl.ds(128, 128), :], gsems[p]),
                pltpu.make_async_copy(
                    ex_hbm.at[pl.ds((s * NB_G + 2 * k) * 1024, 2048)],
                    exbs[p], gsems[p]),
            ]

        h0 = 4 * c + 2 * q
        NS = NB_G // 2

        def step(k, p):
            for d in g_descs(k, p):
                d.wait()

            @pl.loop(0, 256, unroll=8)
            def _edge(i):
                base = 8 * i + h0
                for jj in range(2):
                    av = plsc.load_gather(exbs[p], [(base + jj) + izero])
                    lo = 32 * jj
                    hbufs[p][i, pl.ds(lo, 16)] = (
                        hbufs[p][i, pl.ds(lo, 16)] * av)
                    hbufs[p][i, pl.ds(lo + 16, 16)] = (
                        hbufs[p][i, pl.ds(lo + 16, 16)] * av)

            pltpu.sync_copy(hbufs[p].at[pl.ds(0, 128), :],
                            acc.at[rowslab.at[2 * k]], add=True)
            pltpu.sync_copy(hbufs[p].at[pl.ds(128, 128), :],
                            acc.at[rowslab.at[2 * k + 1]], add=True)
            knext = jnp.minimum(k + 2, NS - 1)
            for d in g_descs(knext, p):
                d.start()

        for p in range(2):
            for d in g_descs(p, p):
                d.start()

        @pl.loop(0, NS // 2)
        def _pair(kk):
            step(2 * kk, 0)
            step(2 * kk + 1, 1)

        for p in range(2):
            for d in g_descs(NS - 1, p):
                d.wait()

        plsc.subcore_barrier()
        pltpu.sync_copy(acc.at[pl.ds(s * STRIPE, STRIPE), :],
                        agg_hbm.at[2 * c + q].at[pl.ds(s * STRIPE, STRIPE), :])


def _k_agg(row2d, col_flat, ex_flat, h4flat, z64):
    return pl.kernel(
        _agg_body,
        out_type=jax.ShapeDtypeStruct((4, NP, 64), f32),
        mesh=_MESH,
        compiler_params=_SC_PARAMS,
        scratch_types=[
            pltpu.VMEM((NB_G, 128), i32),
            pltpu.VMEM((NB_G * 128,), i32),
            [pltpu.VMEM((256, 64), f32)] * 2,
            [pltpu.VMEM((2048,), f32)] * 2,
            pltpu.VMEM_SHARED((NP, 64), f32),
            [pltpu.SemaphoreType.DMA] * 2,
            [pltpu.SemaphoreType.DMA] * 2,
        ],
    )(row2d, col_flat, ex_flat, h4flat, z64)



@jax.jit
def kernel(feats, edge_index, edge_attr, W_fc, W_edge, att, bias, W_out, b_out):
    row = edge_index[:, 0]
    col = edge_index[:, 1]
    rowp = jnp.concatenate([row, jnp.full((EP - E,), N, i32)]).reshape(NBLK, 128)
    colp = jnp.concatenate([col, jnp.full((EP - E,), N, i32)]).reshape(NBLK, 128)

    att_f = att[..., 0]
    r256 = jnp.arange(256)
    a12 = (
        jnp.zeros((256, 16), f32)
        .at[r256, r256 // 32].set(att_f[:, :32].reshape(-1))
        .at[r256, 8 + r256 // 32].set(att_f[:, 32:64].reshape(-1))
    )
    r16 = jnp.arange(16)
    b8 = jnp.zeros((16, 8), f32).at[r16, r16 // 2].set(att_f[:, 64:66].reshape(-1))

    r64 = jnp.arange(256)
    rmat = jnp.zeros((8, 256), f32).at[r64 // 32, r64].set(1.0)

    h4, src_tab = _k_node(feats, W_fc.T, a12)
    ea16, t8 = _k_edge(edge_attr, W_edge.T, b8)
    tp = jnp.pad(t8.reshape(-1), (0, (EP - E) * 8))

    z8 = jnp.zeros((NP, 8), f32)
    z64 = jnp.zeros((NP, 64), f32)

    ex_flat, dpart = _k_attn(rowp, colp, tp, src_tab, z8)
    rexp = _k_rden(dpart, rmat)
    agg4 = _k_agg(rowp, colp.reshape(-1), ex_flat,
                  h4.reshape(4 * NP, 64), z64)

    out = _k_out(agg4, rexp, W_out.T, bias.reshape(1, 256),
                 b_out.reshape(1, 256))
    return out, edge_index, ea16

# --- scband reference (transcript-rebuilt; emitter-appended) ---
"""Pipeline reference for scband-multi-head-mlp-31619549233292 (READ-ONLY COPY).

The authoritative reference and input builder live on the scoring server;
editing this copy changes nothing except your own understanding.
"""

import jax, jax.numpy as jnp
import numpy as np
import math

N_NODES = 10000
N_EDGES = 160000
EMBED_DIM = 256
NUM_HEADS = 8
HEAD_DIM = EMBED_DIM // NUM_HEADS  # 32
EDGE_DIM = 16
EDGE_HEAD_DIM = EDGE_DIM // NUM_HEADS  # 2
ATT_IN = 2 * HEAD_DIM + EDGE_HEAD_DIM  # 66


def _xavier_uniform(key, shape):
    fan_in, fan_out = shape[-1], shape[-2]
    s = math.sqrt(6.0 / (fan_in + fan_out))
    return jax.random.uniform(key, shape, minval=-s, maxval=s, dtype=jnp.float32)


def _glorot(key, shape):
    s = math.sqrt(6.0 / (shape[-2] + shape[-1]))
    return jax.random.uniform(key, shape, minval=-s, maxval=s, dtype=jnp.float32)


def setup_inputs(seed: int = 0) -> dict:
    key = jax.random.key(seed)
    ks = jax.random.split(key, 8)
    feats = jax.random.normal(ks[0], (N_NODES, EMBED_DIM), dtype=jnp.float32)
    edge_index = jax.random.randint(ks[1], (N_EDGES, 2), 0, N_NODES, dtype=jnp.int32)
    edge_attr = jax.random.normal(ks[2], (N_EDGES, EDGE_DIM), dtype=jnp.float32)
    # parameters (torch nn.Linear stores weight as [out, in]; y = x @ W.T)
    W_fc = _xavier_uniform(ks[3], (EMBED_DIM, EMBED_DIM))
    W_edge = _xavier_uniform(ks[4], (EDGE_DIM, EDGE_DIM))
    att = _glorot(ks[5], (NUM_HEADS, ATT_IN, 1))
    bias = jnp.zeros((EMBED_DIM,), dtype=jnp.float32)
    W_out = _xavier_uniform(ks[6], (EMBED_DIM, EMBED_DIM))
    b_out = jnp.zeros((EMBED_DIM,), dtype=jnp.float32)
    return {
        'feats': feats,
        'edge_index': edge_index,
        'edge_attr': edge_attr,
        'W_fc': W_fc,
        'W_edge': W_edge,
        'att': att,
        'bias': bias,
        'W_out': W_out,
        'b_out': b_out,
    }


def _leaky_relu(x, slope=0.01):
    return jnp.where(x >= 0, x, slope * x)


def reference(feats, edge_index, edge_attr, W_fc, W_edge, att, bias, W_out, b_out):
    bs = feats.shape[0]
    e = edge_attr.shape[0]
    # fc (no bias), reshape to heads: [H, N, head_dim]
    h = (feats @ W_fc.T).reshape(bs, NUM_HEADS, HEAD_DIM).transpose(1, 0, 2)
    # fc_edge (no bias): [H, E, edge_head_dim]
    ea = (edge_attr @ W_edge.T).reshape(e, NUM_HEADS, EDGE_HEAD_DIM).transpose(1, 0, 2)
    row = edge_index[:, 0]
    col = edge_index[:, 1]
    # attention logits
    cat = jnp.concatenate([h[:, row], h[:, col], ea], axis=2)  # [H, E, 2*hd+ehd]
    alpha = jnp.matmul(cat, att)  # [H, E, 1]
    # dropout in eval mode = identity
    alpha = _leaky_relu(alpha)
    # softmax over incoming edges grouped by row (dst node)
    ex = jnp.exp(alpha)
    denom = jnp.zeros((NUM_HEADS, bs, 1), dtype=feats.dtype).at[:, row].add(ex)
    alpha = ex / denom[:, row]
    # weighted message + scatter-add aggregation
    msg = alpha * h[:, col]  # [H, E, hd]
    agg = jnp.zeros((NUM_HEADS, bs, HEAD_DIM), dtype=feats.dtype).at[:, row].add(msg)
    out = agg.transpose(1, 0, 2).reshape(bs, NUM_HEADS * HEAD_DIM)
    out = out + bias
    out = out @ W_out.T + b_out
    ea_out = ea.transpose(1, 0, 2).reshape(e, NUM_HEADS * EDGE_HEAD_DIM)
    return (out, edge_index, ea_out)

if __name__ == "__main__":
    import jax
    _d = setup_inputs()
    print(jax.jit(kernel)(*tuple(_d.values())))

</pallas_src>

<mosaic_0001>
#map = affine_map<(d0, d1) -> (0, 0)>
#map1 = affine_map<(d0, d1) -> (0)>
#map2 = affine_map<(d0, d1) -> (0, 0, 0)>
module attributes {stable_mosaic.version = 14 : i64} {
  func.func @_attn_body(%arg0: i32, %arg1: i32, %arg2: memref<1280x128xi32, #tpu.memory_space<hbm>>, %arg3: memref<1280x128xi32, #tpu.memory_space<hbm>>, %arg4: memref<1310720xf32, #tpu.memory_space<hbm>>, %arg5: memref<10240x16xf32, #tpu.memory_space<hbm>>, %arg6: memref<10240x8xf32, #tpu.memory_space<hbm>>, %arg7: memref<1310720xf32, #tpu.memory_space<hbm>>, %arg8: memref<2x10240x8xf32, #tpu.memory_space<hbm>>, %arg9: memref<40x128xi32, #tpu.memory_space<vmem>>, %arg10: memref<40x128xi32, #tpu.memory_space<vmem>>, %arg11: memref<40960xf32, #tpu.memory_space<vmem>>, %arg12: memref<128x16xf32, #tpu.memory_space<vmem>>, %arg13: memref<128x16xf32, #tpu.memory_space<vmem>>, %arg14: memref<128x16xf32, #tpu.memory_space<vmem>>, %arg15: memref<128x16xf32, #tpu.memory_space<vmem>>, %arg16: memref<1024xf32, #tpu.memory_space<vmem>>, %arg17: memref<1024xf32, #tpu.memory_space<vmem>>, %arg18: memref<128x8xf32, #tpu.memory_space<vmem>>, %arg19: memref<128x8xf32, #tpu.memory_space<vmem>>, %arg20: memref<10240x8xf32, #tpu.memory_space<vmem_shared>>, %arg21: memref<!tpu.dma_semaphore, #tpu.memory_space<semaphore_mem>>, %arg22: memref<!tpu.dma_semaphore, #tpu.memory_space<semaphore_mem>>, %arg23: memref<!tpu.dma_semaphore, #tpu.memory_space<semaphore_mem>>, %arg24: memref<!tpu.dma_semaphore, #tpu.memory_space<semaphore_mem>>) attributes {dimension_semantics = [#tpu.dimension_semantics<core_parallel>, #tpu.dimension_semantics<subcore_parallel>], iteration_bounds = array<i64: 2, 16>, scalar_prefetch = 0 : i64, scratch_operands = 16 : i64, tpu.core_type = #tpu.core_type<sc_vector_subcore>, window_params = [{transform_indices = #map}, {transform_indices = #map}, {transform_indices = #map1}, {transform_indices = #map}, {transform_indices = #map}, {transform_indices = #map1}, {transform_indices = #map2}]} {
    %mul3A = arith.constant 16 : i32
    %mul3A_0 = arith.muli %arg0, %mul3A : i32
    %add3A = arith.addi %mul3A_0, %arg1 : i32
    %mul3A_1 = arith.constant 640 : i32
    %mul3A_2 = arith.muli %arg1, %mul3A_1 : i32
    %mul3A_3 = arith.constant 640 : i32
    %mul3A_4 = arith.muli %arg1, %mul3A_3 : i32
    "tpu.region"() ({
      %run_scoped3A = tpu.sem_alloc : memref<!tpu.dma_semaphore, #tpu.memory_space<semaphore_mem>>
      %dma_start3A_119 = arith.constant 0 : i32
      %dma_start3A_120 = tpu.memref_slice %arg20[%mul3A_4, %dma_start3A_119] : memref<10240x8xf32, #tpu.memory_space<vmem_shared>> -> memref<640x8xf32, #tpu.memory_space<vmem_shared>>
      %dma_start3A_121 = arith.constant 0 : i32
      %dma_start3A_122 = tpu.memref_slice %arg6[%mul3A_2, %dma_start3A_121] : memref<10240x8xf32, #tpu.memory_space<hbm>> -> memref<640x8xf32, #tpu.memory_space<hbm>>
      tpu.enqueue_dma source(%dma_start3A_122 : memref<640x8xf32, #tpu.memory_space<hbm>>) target(%dma_start3A_120 : memref<640x8xf32, #tpu.memory_space<vmem_shared>>) target_semaphore(%run_scoped3A : memref<!tpu.dma_semaphore, #tpu.memory_space<semaphore_mem>>)
      %dma_wait3A_123 = arith.constant 0 : i32
      %dma_wait3A_124 = tpu.memref_slice %arg20[%mul3A_4, %dma_wait3A_123] : memref<10240x8xf32, #tpu.memory_space<vmem_shared>> -> memref<640x8xf32, #tpu.memory_space<vmem_shared>>
      %dma_wait3A_125 = arith.constant 0 : i32
      %dma_wait3A_126 = tpu.memref_slice %arg6[%mul3A_2, %dma_wait3A_125] : memref<10240x8xf32, #tpu.memory_space<hbm>> -> memref<640x8xf32, #tpu.memory_space<hbm>>
      tpu.wait_dma2 semaphore(%run_scoped3A : memref<!tpu.dma_semaphore, #tpu.memory_space<semaphore_mem>>) src(%dma_wait3A_126 : memref<640x8xf32, #tpu.memory_space<hbm>>) dst(%dma_wait3A_124 : memref<640x8xf32, #tpu.memory_space<vmem_shared>>)
      tpu.yield
    }) : () -> ()
    %mul3A_5 = arith.constant 40 : i32
    %mul3A_6 = arith.muli %add3A, %mul3A_5 : i32
    "tpu.region"() ({
      %run_scoped3A = tpu.sem_alloc : memref<!tpu.dma_semaphore, #tpu.memory_space<semaphore_mem>>
      %dma_start3A_119 = arith.constant 0 : i32
      %dma_start3A_120 = tpu.memref_slice %arg2[%mul3A_6, %dma_start3A_119] : memref<1280x128xi32, #tpu.memory_space<hbm>> -> memref<40x128xi32, #tpu.memory_space<hbm>>
      %dma_start3A_121 = arith.constant 0 : i32
      %dma_start3A_122 = tpu.memref_slice %arg2[%mul3A_6, %dma_start3A_121] : memref<1280x128xi32, #tpu.memory_space<hbm>> -> memref<40x128xi32, #tpu.memory_space<hbm>>
      tpu.enqueue_dma source(%dma_start3A_122 : memref<40x128xi32, #tpu.memory_space<hbm>>) target(%arg9 : memref<40x128xi32, #tpu.memory_space<vmem>>) target_semaphore(%run_scoped3A : memref<!tpu.dma_semaphore, #tpu.memory_space<semaphore_mem>>)
      %dma_wait3A_123 = arith.constant 0 : i32
      %dma_wait3A_124 = tpu.memref_slice %arg2[%mul3A_6, %dma_wait3A_123] : memref<1280x128xi32, #tpu.memory_space<hbm>> -> memref<40x128xi32, #tpu.memory_space<hbm>>
      %dma_wait3A_125 = arith.constant 0 : i32
      %dma_wait3A_126 = tpu.memref_slice %arg2[%mul3A_6, %dma_wait3A_125] : memref<1280x128xi32, #tpu.memory_space<hbm>> -> memref<40x128xi32, #tpu.memory_space<hbm>>
      tpu.wait_dma2 semaphore(%run_scoped3A : memref<!tpu.dma_semaphore, #tpu.memory_space<semaphore_mem>>) src(%dma_wait3A_126 : memref<40x128xi32, #tpu.memory_space<hbm>>) dst(%arg9 : memref<40x128xi32, #tpu.memory_space<vmem>>)
      tpu.yield
    }) : () -> ()
    %mul3A_7 = arith.constant 40 : i32
    %mul3A_8 = arith.muli %add3A, %mul3A_7 : i32
    "tpu.region"() ({
      %run_scoped3A = tpu.sem_alloc : memref<!tpu.dma_semaphore, #tpu.memory_space<semaphore_mem>>
      %dma_start3A_119 = arith.constant 0 : i32
      %dma_start3A_120 = tpu.memref_slice %arg3[%mul3A_8, %dma_start3A_119] : memref<1280x128xi32, #tpu.memory_space<hbm>> -> memref<40x128xi32, #tpu.memory_space<hbm>>
      %dma_start3A_121 = arith.constant 0 : i32
      %dma_start3A_122 = tpu.memref_slice %arg3[%mul3A_8, %dma_start3A_121] : memref<1280x128xi32, #tpu.memory_space<hbm>> -> memref<40x128xi32, #tpu.memory_space<hbm>>
      tpu.enqueue_dma source(%dma_start3A_122 : memref<40x128xi32, #tpu.memory_space<hbm>>) target(%arg10 : memref<40x128xi32, #tpu.memory_space<vmem>>) target_semaphore(%run_scoped3A : memref<!tpu.dma_semaphore, #tpu.memory_space<semaphore_mem>>)
      %dma_wait3A_123 = arith.constant 0 : i32
      %dma_wait3A_124 = tpu.memref_slice %arg3[%mul3A_8, %dma_wait3A_123] : memref<1280x128xi32, #tpu.memory_space<hbm>> -> memref<40x128xi32, #tpu.memory_space<hbm>>
      %dma_wait3A_125 = arith.constant 0 : i32
      %dma_wait3A_126 = tpu.memref_slice %arg3[%mul3A_8, %dma_wait3A_125] : memref<1280x128xi32, #tpu.memory_space<hbm>> -> memref<40x128xi32, #tpu.memory_space<hbm>>
      tpu.wait_dma2 semaphore(%run_scoped3A : memref<!tpu.dma_semaphore, #tpu.memory_space<semaphore_mem>>) src(%dma_wait3A_126 : memref<40x128xi32, #tpu.memory_space<hbm>>) dst(%arg10 : memref<40x128xi32, #tpu.memory_space<vmem>>)
      tpu.yield
    }) : () -> ()
    %mul3A_9 = arith.constant 40 : i32
    %mul3A_10 = arith.muli %add3A, %mul3A_9 : i32
    %mul3A_11 = arith.constant 1024 : i32
    %mul3A_12 = arith.muli %mul3A_10, %mul3A_11 : i32
    "tpu.region"() ({
      %run_scoped3A = tpu.sem_alloc : memref<!tpu.dma_semaphore, #tpu.memory_space<semaphore_mem>>
      %dma_start3A_119 = tpu.memref_slice %arg4[%mul3A_12] : memref<1310720xf32, #tpu.memory_space<hbm>> -> memref<40960xf32, #tpu.memory_space<hbm>>
      %dma_start3A_120 = tpu.memref_slice %arg4[%mul3A_12] : memref<1310720xf32, #tpu.memory_space<hbm>> -> memref<40960xf32, #tpu.memory_space<hbm>>
      tpu.enqueue_dma source(%dma_start3A_120 : memref<40960xf32, #tpu.memory_space<hbm>>) target(%arg11 : memref<40960xf32, #tpu.memory_space<vmem>>) target_semaphore(%run_scoped3A : memref<!tpu.dma_semaphore, #tpu.memory_space<semaphore_mem>>)
      %dma_wait3A_121 = tpu.memref_slice %arg4[%mul3A_12] : memref<1310720xf32, #tpu.memory_space<hbm>> -> memref<40960xf32, #tpu.memory_space<hbm>>
      %dma_wait3A_122 = tpu.memref_slice %arg4[%mul3A_12] : memref<1310720xf32, #tpu.memory_space<hbm>> -> memref<40960xf32, #tpu.memory_space<hbm>>
      tpu.wait_dma2 semaphore(%run_scoped3A : memref<!tpu.dma_semaphore, #tpu.memory_space<semaphore_mem>>) src(%dma_wait3A_122 : memref<40960xf32, #tpu.memory_space<hbm>>) dst(%arg11 : memref<40960xf32, #tpu.memory_space<vmem>>)
      tpu.yield
    }) : () -> ()
    %barrier3A = arith.constant 0 : index
    tpu.barrier barrier_id(%barrier3A)
    %iota3A = tpu.iota {dimensions = array<i32: 0>} : vector<16xi32>
    %jit3A = arith.constant 8 : i32
    %div3A = vector.broadcast %jit3A : i32 to vector<16xi32>
    %div3A_13 = arith.divsi %iota3A, %div3A : vector<16xi32>
    %sign3A = arith.constant 0 : i32
    %sign3A_14 = vector.broadcast %sign3A : i32 to vector<16xi32>
    %sign3A_15 = arith.cmpi sgt, %iota3A, %sign3A_14 : vector<16xi32>
    %sign3A_16 = arith.extui %sign3A_15 : vector<16xi1> to vector<16xi32>
    %sign3A_17 = arith.constant 0 : i32
    %sign3A_18 = vector.broadcast %sign3A_17 : i32 to vector<16xi32>
    %sign3A_19 = arith.cmpi slt, %iota3A, %sign3A_18 : vector<16xi32>
    %sign3A_20 = arith.extui %sign3A_19 : vector<16xi1> to vector<16xi32>
    %sign3A_21 = arith.subi %sign3A_16, %sign3A_20 : vector<16xi32>
    %sign3A_22 = arith.constant 0 : i32
    %sign3A_23 = arith.cmpi sgt, %jit3A, %sign3A_22 : i32
    %sign3A_24 = arith.extui %sign3A_23 : i1 to i32
    %sign3A_25 = arith.constant 0 : i32
    %sign3A_26 = arith.cmpi slt, %jit3A, %sign3A_25 : i32
    %sign3A_27 = arith.extui %sign3A_26 : i1 to i32
    %sign3A_28 = arith.subi %sign3A_24, %sign3A_27 : i32
    %ne3A = vector.broadcast %sign3A_28 : i32 to vector<16xi32>
    %ne3A_29 = arith.cmpi ne, %sign3A_21, %ne3A : vector<16xi32>
    %rem3A = vector.broadcast %jit3A : i32 to vector<16xi32>
    %rem3A_30 = arith.remsi %iota3A, %rem3A : vector<16xi32>
    %ne3A_31 = arith.constant 0 : i32
    %ne3A_32 = vector.broadcast %ne3A_31 : i32 to vector<16xi32>
    %ne3A_33 = arith.cmpi ne, %rem3A_30, %ne3A_32 : vector<16xi32>
    %and3A = arith.andi %ne3A_29, %ne3A_33 : vector<16xi1>
    %sub3A = arith.constant 1 : i32
    %sub3A_34 = vector.broadcast %sub3A : i32 to vector<16xi32>
    %sub3A_35 = arith.subi %div3A_13, %sub3A_34 : vector<16xi32>
    %select_n3A = arith.select %and3A, %sub3A_35, %div3A_13 : vector<16xi1>, vector<16xi32>
    %jit3A_36 = arith.constant 8 : i32
    %eq3A = arith.constant 0 : i32
    %eq3A_37 = arith.cmpi eq, %jit3A_36, %eq3A : i32
    %jit3A_38 = arith.constant 1 : i32
    %select_n3A_39 = arith.select %eq3A_37, %jit3A_38, %jit3A_36 : i32
    %rem3A_40 = vector.broadcast %select_n3A_39 : i32 to vector<16xi32>
    %rem3A_41 = arith.remsi %iota3A, %rem3A_40 : vector<16xi32>
    %ne3A_42 = arith.constant 0 : i32
    %ne3A_43 = vector.broadcast %ne3A_42 : i32 to vector<16xi32>
    %ne3A_44 = arith.cmpi ne, %rem3A_41, %ne3A_43 : vector<16xi32>
    %lt3A = arith.constant 0 : i32
    %lt3A_45 = vector.broadcast %lt3A : i32 to vector<16xi32>
    %lt3A_46 = arith.cmpi slt, %rem3A_41, %lt3A_45 : vector<16xi32>
    %lt3A_47 = arith.constant 0 : i32
    %lt3A_48 = arith.cmpi slt, %select_n3A_39, %lt3A_47 : i32
    %ne3A_49 = vector.broadcast %lt3A_48 : i1 to vector<16xi1>
    %ne3A_50 = vector.broadcast %ne3A_49 : vector<16xi1> to vector<16xi1>
    %ne3A_51 = arith.xori %lt3A_46, %ne3A_50 : vector<16xi1>
    %and3A_52 = arith.andi %ne3A_51, %ne3A_44 : vector<16xi1>
    %add3A_53 = vector.broadcast %select_n3A_39 : i32 to vector<16xi32>
    %add3A_54 = arith.addi %rem3A_41, %add3A_53 : vector<16xi32>
    %select_n3A_55 = arith.select %and3A_52, %add3A_54, %rem3A_41 : vector<16xi1>, vector<16xi32>
    %dma_start3A = arith.constant 0 : i32
    %dma_start3A_56 = arith.constant 0 : i32
    %dma_start3A_57 = tpu.memref_slice %arg9[%dma_start3A, %dma_start3A_56] : memref<40x128xi32, #tpu.memory_space<vmem>> -> memref<1x128xi32, #tpu.memory_space<vmem>>
    %dma_start3A_58 = tpu.memref_squeeze %dma_start3A_57 : memref<1x128xi32, #tpu.memory_space<vmem>> -> memref<128xi32, #tpu.memory_space<vmem>>
    %dma_start3A_59 = arith.constant 0 : i32
    %dma_start3A_60 = arith.constant 0 : i32
    %dma_start3A_61 = tpu.memref_slice %arg5[%dma_start3A_59, %dma_start3A_60] : memref<10240x16xf32, #tpu.memory_space<hbm>> -> memref<10240x16xf32, #tpu.memory_space<hbm>>
    tpu.enqueue_indirect_dma source(%dma_start3A_61 : memref<10240x16xf32, #tpu.memory_space<hbm>>) target(%arg12 : memref<128x16xf32, #tpu.memory_space<vmem>>) offsets(%dma_start3A_58 : memref<128xi32, #tpu.memory_space<vmem>>) semaphore(%arg21 : memref<!tpu.dma_semaphore, #tpu.memory_space<semaphore_mem>>)
    %dma_start3A_62 = arith.constant 0 : i32
    %dma_start3A_63 = arith.constant 0 : i32
    %dma_start3A_64 = tpu.memref_slice %arg10[%dma_start3A_62, %dma_start3A_63] : memref<40x128xi32, #tpu.memory_space<vmem>> -> memref<1x128xi32, #tpu.memory_space<vmem>>
    %dma_start3A_65 = tpu.memref_squeeze %dma_start3A_64 : memref<1x128xi32, #tpu.memory_space<vmem>> -> memref<128xi32, #tpu.memory_space<vmem>>
    %dma_start3A_66 = arith.constant 0 : i32
    %dma_start3A_67 = arith.constant 0 : i32
    %dma_start3A_68 = tpu.memref_slice %arg5[%dma_start3A_66, %dma_start3A_67] : memref<10240x16xf32, #tpu.memory_space<hbm>> -> memref<10240x16xf32, #tpu.memory_space<hbm>>
    tpu.enqueue_indirect_dma source(%dma_start3A_68 : memref<10240x16xf32, #tpu.memory_space<hbm>>) target(%arg14 : memref<128x16xf32, #tpu.memory_space<vmem>>) offsets(%dma_start3A_65 : memref<128xi32, #tpu.memory_space<vmem>>) semaphore(%arg21 : memref<!tpu.dma_semaphore, #tpu.memory_space<semaphore_mem>>)
    %dma_start3A_69 = arith.constant 1 : i32
    %dma_start3A_70 = arith.constant 0 : i32
    %dma_start3A_71 = tpu.memref_slice %arg9[%dma_start3A_69, %dma_start3A_70] : memref<40x128xi32, #tpu.memory_space<vmem>> -> memref<1x128xi32, #tpu.memory_space<vmem>>
    %dma_start3A_72 = tpu.memref_squeeze %dma_start3A_71 : memref<1x128xi32, #tpu.memory_space<vmem>> -> memref<128xi32, #tpu.memory_space<vmem>>
    %dma_start3A_73 = arith.constant 0 : i32
    %dma_start3A_74 = arith.constant 0 : i32
    %dma_start3A_75 = tpu.memref_slice %arg5[%dma_start3A_73, %dma_start3A_74] : memref<10240x16xf32, #tpu.memory_space<hbm>> -> memref<10240x16xf32, #tpu.memory_space<hbm>>
    tpu.enqueue_indirect_dma source(%dma_start3A_75 : memref<10240x16xf32, #tpu.memory_space<hbm>>) target(%arg13 : memref<128x16xf32, #tpu.memory_space<vmem>>) offsets(%dma_start3A_72 : memref<128xi32, #tpu.memory_space<vmem>>) semaphore(%arg22 : memref<!tpu.dma_semaphore, #tpu.memory_space<semaphore_mem>>)
    %dma_start3A_76 = arith.constant 1 : i32
    %dma_start3A_77 = arith.constant 0 : i32
    %dma_start3A_78 = tpu.memref_slice %arg10[%dma_start3A_76, %dma_start3A_77] : memref<40x128xi32, #tpu.memory_space<vmem>> -> memref<1x128xi32, #tpu.memory_space<vmem>>
    %dma_start3A_79 = tpu.memref_squeeze %dma_start3A_78 : memref<1x128xi32, #tpu.memory_space<vmem>> -> memref<128xi32, #tpu.memory_space<vmem>>
    %dma_start3A_80 = arith.constant 0 : i32
    %dma_start3A_81 = arith.constant 0 : i32
    %dma_start3A_82 = tpu.memref_slice %arg5[%dma_start3A_80, %dma_start3A_81] : memref<10240x16xf32, #tpu.memory_space<hbm>> -> memref<10240x16xf32, #tpu.memory_space<hbm>>
    tpu.enqueue_indirect_dma source(%dma_start3A_82 : memref<10240x16xf32, #tpu.memory_space<hbm>>) target(%arg15 : memref<128x16xf32, #tpu.memory_space<vmem>>) offsets(%dma_start3A_79 : memref<128xi32, #tpu.memory_space<vmem>>) semaphore(%arg22 : memref<!tpu.dma_semaphore, #tpu.memory_space<semaphore_mem>>)
    %scan3A = arith.constant 0 : i32
    %scan3A_83 = arith.constant 20 : i32
    %scan3A_84 = arith.addi %scan3A, %scan3A_83 : i32
    %scan3A_85 = arith.constant 1 : i32
    scf.for %scan3A_119 = %scan3A to %scan3A_84 step %scan3A_85  : i32 {
      %mul3A_120 = arith.constant 1 : i32
      %mul3A_121 = arith.muli %scan3A_119, %mul3A_120 : i32
      %add3A_122 = arith.constant 0 : i32
      %add3A_123 = arith.addi %add3A_122, %mul3A_121 : i32
      %mul3A_124 = arith.constant 2 : i32
      %mul3A_125 = arith.muli %mul3A_124, %add3A_123 : i32
      %dma_wait3A_126 = arith.constant 0 : i32
      %dma_wait3A_127 = tpu.memref_slice %arg9[%mul3A_125, %dma_wait3A_126] : memref<40x128xi32, #tpu.memory_space<vmem>> -> memref<1x128xi32, #tpu.memory_space<vmem>>
      %dma_wait3A_128 = tpu.memref_squeeze %dma_wait3A_127 : memref<1x128xi32, #tpu.memory_space<vmem>> -> memref<128xi32, #tpu.memory_space<vmem>>
      %dma_wait3A_129 = arith.constant 0 : i32
      %dma_wait3A_130 = arith.constant 0 : i32
      %dma_wait3A_131 = tpu.memref_slice %arg5[%dma_wait3A_129, %dma_wait3A_130] : memref<10240x16xf32, #tpu.memory_space<hbm>> -> memref<10240x16xf32, #tpu.memory_space<hbm>>
      tpu.wait_indirect_dma semaphore(%arg21 : memref<!tpu.dma_semaphore, #tpu.memory_space<semaphore_mem>>) src(%dma_wait3A_131 : memref<10240x16xf32, #tpu.memory_space<hbm>>) dst(%arg12 : memref<128x16xf32, #tpu.memory_space<vmem>>)
      %dma_wait3A_132 = arith.constant 0 : i32
      %dma_wait3A_133 = tpu.memref_slice %arg10[%mul3A_125, %dma_wait3A_132] : memref<40x128xi32, #tpu.memory_space<vmem>> -> memref<1x128xi32, #tpu.memory_space<vmem>>
      %dma_wait3A_134 = tpu.memref_squeeze %dma_wait3A_133 : memref<1x128xi32, #tpu.memory_space<vmem>> -> memref<128xi32, #tpu.memory_space<vmem>>
      %dma_wait3A_135 = arith.constant 0 : i32
      %dma_wait3A_136 = arith.constant 0 : i32
      %dma_wait3A_137 = tpu.memref_slice %arg5[%dma_wait3A_135, %dma_wait3A_136] : memref<10240x16xf32, #tpu.memory_space<hbm>> -> memref<10240x16xf32, #tpu.memory_space<hbm>>
      tpu.wait_indirect_dma semaphore(%arg21 : memref<!tpu.dma_semaphore, #tpu.memory_space<semaphore_mem>>) src(%dma_wait3A_137 : memref<10240x16xf32, #tpu.memory_space<hbm>>) dst(%arg14 : memref<128x16xf32, #tpu.memory_space<vmem>>)
      %scan3A_138 = arith.constant 0 : i32
      %scan3A_139 = arith.constant 64 : i32
      %scan3A_140 = arith.addi %scan3A_138, %scan3A_139 : i32
      %scan3A_141 = arith.constant 4 : i32
      scf.for %scan3A_205 = %scan3A_138 to %scan3A_140 step %scan3A_141  : i32 {
        %mul3A_206 = arith.constant 1 : i32
        %mul3A_207 = arith.muli %scan3A_205, %mul3A_206 : i32
        %add3A_208 = arith.constant 0 : i32
        %add3A_209 = arith.addi %add3A_208, %mul3A_207 : i32
        %mul3A_210 = arith.constant 2 : i32
        %mul3A_211 = arith.muli %mul3A_210, %add3A_209 : i32
        %add3A_212 = vector.broadcast %mul3A_211 : i32 to vector<16xi32>
        %add3A_213 = arith.addi %add3A_212, %select_n3A : vector<16xi32>
        %gather3A = tpu.vector_load_idx %arg12[%add3A_213, %select_n3A_55] : memref<128x16xf32, #tpu.memory_space<vmem>>[vector<16xi32>, vector<16xi32>], vector<16xf32>,
        %add3A_214 = arith.constant 8 : i32
        %add3A_215 = vector.broadcast %add3A_214 : i32 to vector<16xi32>
        %add3A_216 = arith.addi %select_n3A_55, %add3A_215 : vector<16xi32>
        %gather3A_217 = tpu.vector_load_idx %arg14[%add3A_213, %add3A_216] : memref<128x16xf32, #tpu.memory_space<vmem>>[vector<16xi32>, vector<16xi32>], vector<16xf32>,
        %mul3A_218 = arith.constant 1024 : i32
        %mul3A_219 = arith.muli %mul3A_218, %mul3A_125 : i32
        %mul3A_220 = arith.constant 16 : i32
        %mul3A_221 = arith.muli %mul3A_220, %add3A_209 : i32
        %add3A_222 = arith.addi %mul3A_219, %mul3A_221 : i32
        %get3A = arith.index_cast %add3A_222 : i32 to index
        %get3A_223 = tpu.vector_load %arg11[%get3A] {strides = array<i32>} : memref<40960xf32, #tpu.memory_space<vmem>>, vector<16xf32>,
        %add3A_224 = arith.addf %gather3A, %gather3A_217 : vector<16xf32>
        %add3A_225 = arith.addf %add3A_224, %get3A_223 : vector<16xf32>
        %mul3A_226 = arith.constant 0.00999999977 : f32
        %mul3A_227 = vector.broadcast %mul3A_226 : f32 to vector<16xf32>
        %mul3A_228 = arith.mulf %mul3A_227, %add3A_225 : vector<16xf32>
        %max3A = arith.maximumf %add3A_225, %mul3A_228 : vector<16xf32>
        %exp3A = math.exp %max3A : vector<16xf32>
        %mul3A_229 = arith.constant 16 : i32
        %mul3A_230 = arith.muli %mul3A_229, %add3A_209 : i32
        %swap3A = arith.index_cast %mul3A_230 : i32 to index
        %swap3A_231 = tpu.vector_load %arg16[%swap3A] {strides = array<i32>} : memref<1024xf32, #tpu.memory_space<vmem>>, vector<16xf32>,
        tpu.vector_store %arg16[%swap3A], %exp3A {strides = array<i32>} : memref<1024xf32, #tpu.memory_space<vmem>>, vector<16xf32>,
        tpu.vector_store_idx %arg18[%add3A_213, %select_n3A_55], %exp3A : memref<128x8xf32, #tpu.memory_space<vmem>>[vector<16xi32>, vector<16xi32>], vector<16xf32>,
        %scan3A_232 = arith.constant 1 : i32
        %scan3A_233 = arith.addi %scan3A_205, %scan3A_232 : i32
        %mul3A_234 = arith.constant 1 : i32
        %mul3A_235 = arith.muli %scan3A_233, %mul3A_234 : i32
        %add3A_236 = arith.constant 0 : i32
        %add3A_237 = arith.addi %add3A_236, %mul3A_235 : i32
        %mul3A_238 = arith.constant 2 : i32
        %mul3A_239 = arith.muli %mul3A_238, %add3A_237 : i32
        %add3A_240 = vector.broadcast %mul3A_239 : i32 to vector<16xi32>
        %add3A_241 = arith.addi %add3A_240, %select_n3A : vector<16xi32>
        %gather3A_242 = tpu.vector_load_idx %arg12[%add3A_241, %select_n3A_55] : memref<128x16xf32, #tpu.memory_space<vmem>>[vector<16xi32>, vector<16xi32>], vector<16xf32>,
        %add3A_243 = arith.constant 8 : i32
        %add3A_244 = vector.broadcast %add3A_243 : i32 to vector<16xi32>
        %add3A_245 = arith.addi %select_n3A_55, %add3A_244 : vector<16xi32>
        %gather3A_246 = tpu.vector_load_idx %arg14[%add3A_241, %add3A_245] : memref<128x16xf32, #tpu.memory_space<vmem>>[vector<16xi32>, vector<16xi32>], vector<16xf32>,
        %mul3A_247 = arith.constant 1024 : i32
        %mul3A_248 = arith.muli %mul3A_247, %mul3A_125 : i32
        %mul3A_249 = arith.constant 16 : i32
        %mul3A_250 = arith.muli %mul3A_249, %add3A_237 : i32
        %add3A_251 = arith.addi %mul3A_248, %mul3A_250 : i32
        %get3A_252 = arith.index_cast %add3A_251 : i32 to index
        %get3A_253 = tpu.vector_load %arg11[%get3A_252] {strides = array<i32>} : memref<40960xf32, #tpu.memory_space<vmem>>, vector<16xf32>,
        %add3A_254 = arith.addf %gather3A_242, %gather3A_246 : vector<16xf32>
        %add3A_255 = arith.addf %add3A_254, %get3A_253 : vector<16xf32>
        %mul3A_256 = arith.constant 0.00999999977 : f32
        %mul3A_257 = vector.broadcast %mul3A_256 : f32 to vector<16xf32>
        %mul3A_258 = arith.mulf %mul3A_257, %add3A_255 : vector<16xf32>
        %max3A_259 = arith.maximumf %add3A_255, %mul3A_258 : vector<16xf32>
        %exp3A_260 = math.exp %max3A_259 : vector<16xf32>
        %mul3A_261 = arith.constant 16 : i32
        %mul3A_262 = arith.muli %mul3A_261, %add3A_237 : i32
        %swap3A_263 = arith.index_cast %mul3A_262 : i32 to index
        %swap3A_264 = tpu.vector_load %arg16[%swap3A_263] {strides = array<i32>} : memref<1024xf32, #tpu.memory_space<vmem>>, vector<16xf32>,
        tpu.vector_store %arg16[%swap3A_263], %exp3A_260 {strides = array<i32>} : memref<1024xf32, #tpu.memory_space<vmem>>, vector<16xf32>,
        tpu.vector_store_idx %arg18[%add3A_241, %select_n3A_55], %exp3A_260 : memref<128x8xf32, #tpu.memory_space<vmem>>[vector<16xi32>, vector<16xi32>], vector<16xf32>,
        %scan3A_265 = arith.constant 2 : i32
        %scan3A_266 = arith.addi %scan3A_205, %scan3A_265 : i32
        %mul3A_267 = arith.constant 1 : i32
        %mul3A_268 = arith.muli %scan3A_266, %mul3A_267 : i32
        %add3A_269 = arith.constant 0 : i32
        %add3A_270 = arith.addi %add3A_269, %mul3A_268 : i32
        %mul3A_271 = arith.constant 2 : i32
        %mul3A_272 = arith.muli %mul3A_271, %add3A_270 : i32
        %add3A_273 = vector.broadcast %mul3A_272 : i32 to vector<16xi32>
        %add3A_274 = arith.addi %add3A_273, %select_n3A : vector<16xi32>
        %gather3A_275 = tpu.vector_load_idx %arg12[%add3A_274, %select_n3A_55] : memref<128x16xf32, #tpu.memory_space<vmem>>[vector<16xi32>, vector<16xi32>], vector<16xf32>,
        %add3A_276 = arith.constant 8 : i32
        %add3A_277 = vector.broadcast %add3A_276 : i32 to vector<16xi32>
        %add3A_278 = arith.addi %select_n3A_55, %add3A_277 : vector<16xi32>
        %gather3A_279 = tpu.vector_load_idx %arg14[%add3A_274, %add3A_278] : memref<128x16xf32, #tpu.memory_space<vmem>>[vector<16xi32>, vector<16xi32>], vector<16xf32>,
        %mul3A_280 = arith.constant 1024 : i32
        %mul3A_281 = arith.muli %mul3A_280, %mul3A_125 : i32
        %mul3A_282 = arith.constant 16 : i32
        %mul3A_283 = arith.muli %mul3A_282, %add3A_270 : i32
        %add3A_284 = arith.addi %mul3A_281, %mul3A_283 : i32
        %get3A_285 = arith.index_cast %add3A_284 : i32 to index
        %get3A_286 = tpu.vector_load %arg11[%get3A_285] {strides = array<i32>} : memref<40960xf32, #tpu.memory_space<vmem>>, vector<16xf32>,
        %add3A_287 = arith.addf %gather3A_275, %gather3A_279 : vector<16xf32>
        %add3A_288 = arith.addf %add3A_287, %get3A_286 : vector<16xf32>
        %mul3A_289 = arith.constant 0.00999999977 : f32
        %mul3A_290 = vector.broadcast %mul3A_289 : f32 to vector<16xf32>
        %mul3A_291 = arith.mulf %mul3A_290, %add3A_288 : vector<16xf32>
        %max3A_292 = arith.maximumf %add3A_288, %mul3A_291 : vector<16xf32>
        %exp3A_293 = math.exp %max3A_292 : vector<16xf32>
        %mul3A_294 = arith.constant 16 : i32
        %mul3A_295 = arith.muli %mul3A_294, %add3A_270 : i32
        %swap3A_296 = arith.index_cast %mul3A_295 : i32 to index
        %swap3A_297 = tpu.vector_load %arg16[%swap3A_296] {strides = array<i32>} : memref<1024xf32, #tpu.memory_space<vmem>>, vector<16xf32>,
        tpu.vector_store %arg16[%swap3A_296], %exp3A_293 {strides = array<i32>} : memref<1024xf32, #tpu.memory_space<vmem>>, vector<16xf32>,
        tpu.vector_store_idx %arg18[%add3A_274, %select_n3A_55], %exp3A_293 : memref<128x8xf32, #tpu.memory_space<vmem>>[vector<16xi32>, vector<16xi32>], vector<16xf32>,
        %scan3A_298 = arith.constant 3 : i32
        %scan3A_299 = arith.addi %scan3A_205, %scan3A_298 : i32
        %mul3A_300 = arith.constant 1 : i32
        %mul3A_301 = arith.muli %scan3A_299, %mul3A_300 : i32
        %add3A_302 = arith.constant 0 : i32
        %add3A_303 = arith.addi %add3A_302, %mul3A_301 : i32
        %mul3A_304 = arith.constant 2 : i32
        %mul3A_305 = arith.muli %mul3A_304, %add3A_303 : i32
        %add3A_306 = vector.broadcast %mul3A_305 : i32 to vector<16xi32>
        %add3A_307 = arith.addi %add3A_306, %select_n3A : vector<16xi32>
        %gather3A_308 = tpu.vector_load_idx %arg12[%add3A_307, %select_n3A_55] : memref<128x16xf32, #tpu.memory_space<vmem>>[vector<16xi32>, vector<16xi32>], vector<16xf32>,
        %add3A_309 = arith.constant 8 : i32
        %add3A_310 = vector.broadcast %add3A_309 : i32 to vector<16xi32>
        %add3A_311 = arith.addi %select_n3A_55, %add3A_310 : vector<16xi32>
        %gather3A_312 = tpu.vector_load_idx %arg14[%add3A_307, %add3A_311] : memref<128x16xf32, #tpu.memory_space<vmem>>[vector<16xi32>, vector<16xi32>], vector<16xf32>,
        %mul3A_313 = arith.constant 1024 : i32
        %mul3A_314 = arith.muli %mul3A_313, %mul3A_125 : i32
        %mul3A_315 = arith.constant 16 : i32
        %mul3A_316 = arith.muli %mul3A_315, %add3A_303 : i32
        %add3A_317 = arith.addi %mul3A_314, %mul3A_316 : i32
        %get3A_318 = arith.index_cast %add3A_317 : i32 to index
        %get3A_319 = tpu.vector_load %arg11[%get3A_318] {strides = array<i32>} : memref<40960xf32, #tpu.memory_space<vmem>>, vector<16xf32>,
        %add3A_320 = arith.addf %gather3A_308, %gather3A_312 : vector<16xf32>
        %add3A_321 = arith.addf %add3A_320, %get3A_319 : vector<16xf32>
        %mul3A_322 = arith.constant 0.00999999977 : f32
        %mul3A_323 = vector.broadcast %mul3A_322 : f32 to vector<16xf32>
        %mul3A_324 = arith.mulf %mul3A_323, %add3A_321 : vector<16xf32>
        %max3A_325 = arith.maximumf %add3A_321, %mul3A_324 : vector<16xf32>
        %exp3A_326 = math.exp %max3A_325 : vector<16xf32>
        %mul3A_327 = arith.constant 16 : i32
        %mul3A_328 = arith.muli %mul3A_327, %add3A_303 : i32
        %swap3A_329 = arith.index_cast %mul3A_328 : i32 to index
        %swap3A_330 = tpu.vector_load %arg16[%swap3A_329] {strides = array<i32>} : memref<1024xf32, #tpu.memory_space<vmem>>, vector<16xf32>,
        tpu.vector_store %arg16[%swap3A_329], %exp3A_326 {strides = array<i32>} : memref<1024xf32, #tpu.memory_space<vmem>>, vector<16xf32>,
        tpu.vector_store_idx %arg18[%add3A_307, %select_n3A_55], %exp3A_326 : memref<128x8xf32, #tpu.memory_space<vmem>>[vector<16xi32>, vector<16xi32>], vector<16xf32>,
      }
      %scan3A_142 = arith.constant 64 : i32
      "tpu.region"() ({
        %run_scoped3A = tpu.sem_alloc : memref<!tpu.dma_semaphore, #tpu.memory_space<semaphore_mem>>
        %dma_start3A_205 = arith.constant 0 : i32
        %dma_start3A_206 = tpu.memref_slice %arg9[%mul3A_125, %dma_start3A_205] : memref<40x128xi32, #tpu.memory_space<vmem>> -> memref<1x128xi32, #tpu.memory_space<vmem>>
        %dma_start3A_207 = tpu.memref_squeeze %dma_start3A_206 : memref<1x128xi32, #tpu.memory_space<vmem>> -> memref<128xi32, #tpu.memory_space<vmem>>
        %dma_start3A_208 = arith.constant 0 : i32
        %dma_start3A_209 = arith.constant 0 : i32
        %dma_start3A_210 = tpu.memref_slice %arg20[%dma_start3A_208, %dma_start3A_209] : memref<10240x8xf32, #tpu.memory_space<vmem_shared>> -> memref<10240x8xf32, #tpu.memory_space<vmem_shared>>
        tpu.enqueue_indirect_dma source(%arg18 : memref<128x8xf32, #tpu.memory_space<vmem>>) target(%dma_start3A_210 : memref<10240x8xf32, #tpu.memory_space<vmem_shared>>) offsets(%dma_start3A_207 : memref<128xi32, #tpu.memory_space<vmem>>) semaphore(%run_scoped3A : memref<!tpu.dma_semaphore, #tpu.memory_space<semaphore_mem>>) {add = true}
        %dma_wait3A_211 = arith.constant 0 : i32
        %dma_wait3A_212 = tpu.memref_slice %arg9[%mul3A_125, %dma_wait3A_211] : memref<40x128xi32, #tpu.memory_space<vmem>> -> memref<1x128xi32, #tpu.memory_space<vmem>>
        %dma_wait3A_213 = tpu.memref_squeeze %dma_wait3A_212 : memref<1x128xi32, #tpu.memory_space<vmem>> -> memref<128xi32, #tpu.memory_space<vmem>>
        %dma_wait3A_214 = arith.constant 0 : i32
        %dma_wait3A_215 = arith.constant 0 : i32
        %dma_wait3A_216 = tpu.memref_slice %arg20[%dma_wait3A_214, %dma_wait3A_215] : memref<10240x8xf32, #tpu.memory_space<vmem_shared>> -> memref<10240x8xf32, #tpu.memory_space<vmem_shared>>
        tpu.wait_indirect_dma semaphore(%run_scoped3A : memref<!tpu.dma_semaphore, #tpu.memory_space<semaphore_mem>>) src(%arg18 : memref<128x8xf32, #tpu.memory_space<vmem>>) dst(%dma_wait3A_216 : memref<10240x8xf32, #tpu.memory_space<vmem_shared>>)
        tpu.yield
      }) : () -> ()
      %mul3A_143 = arith.constant 40 : i32
      %mul3A_144 = arith.muli %add3A, %mul3A_143 : i32
      %add3A_145 = arith.addi %mul3A_144, %mul3A_125 : i32
      %mul3A_146 = arith.constant 1024 : i32
      %mul3A_147 = arith.muli %add3A_145, %mul3A_146 : i32
      "tpu.region"() ({
        %run_scoped3A = tpu.sem_alloc : memref<!tpu.dma_semaphore, #tpu.memory_space<semaphore_mem>>
        %dma_start3A_205 = tpu.memref_slice %arg7[%mul3A_147] : memref<1310720xf32, #tpu.memory_space<hbm>> -> memref<1024xf32, #tpu.memory_space<hbm>>
        %dma_start3A_206 = tpu.memref_slice %arg7[%mul3A_147] : memref<1310720xf32, #tpu.memory_space<hbm>> -> memref<1024xf32, #tpu.memory_space<hbm>>
        tpu.enqueue_dma source(%arg16 : memref<1024xf32, #tpu.memory_space<vmem>>) target(%dma_start3A_206 : memref<1024xf32, #tpu.memory_space<hbm>>) target_semaphore(%run_scoped3A : memref<!tpu.dma_semaphore, #tpu.memory_space<semaphore_mem>>)
        %dma_wait3A_207 = tpu.memref_slice %arg7[%mul3A_147] : memref<1310720xf32, #tpu.memory_space<hbm>> -> memref<1024xf32, #tpu.memory_space<hbm>>
        %dma_wait3A_208 = tpu.memref_slice %arg7[%mul3A_147] : memref<1310720xf32, #tpu.memory_space<hbm>> -> memref<1024xf32, #tpu.memory_space<hbm>>
        tpu.wait_dma2 semaphore(%run_scoped3A : memref<!tpu.dma_semaphore, #tpu.memory_space<semaphore_mem>>) src(%arg16 : memref<1024xf32, #tpu.memory_space<vmem>>) dst(%dma_wait3A_208 : memref<1024xf32, #tpu.memory_space<hbm>>)
        tpu.yield
      }) : () -> ()
      %add3A_148 = arith.constant 2 : i32
      %add3A_149 = arith.addi %mul3A_125, %add3A_148 : i32
      %min3A = arith.constant 39 : i32
      %min3A_150 = arith.minsi %add3A_149, %min3A : i32
      %dma_start3A_151 = arith.constant 0 : i32
      %dma_start3A_152 = tpu.memref_slice %arg9[%min3A_150, %dma_start3A_151] : memref<40x128xi32, #tpu.memory_space<vmem>> -> memref<1x128xi32, #tpu.memory_space<vmem>>
      %dma_start3A_153 = tpu.memref_squeeze %dma_start3A_152 : memref<1x128xi32, #tpu.memory_space<vmem>> -> memref<128xi32, #tpu.memory_space<vmem>>
      %dma_start3A_154 = arith.constant 0 : i32
      %dma_start3A_155 = arith.constant 0 : i32
      %dma_start3A_156 = tpu.memref_slice %arg5[%dma_start3A_154, %dma_start3A_155] : memref<10240x16xf32, #tpu.memory_space<hbm>> -> memref<10240x16xf32, #tpu.memory_space<hbm>>
      tpu.enqueue_indirect_dma source(%dma_start3A_156 : memref<10240x16xf32, #tpu.memory_space<hbm>>) target(%arg12 : memref<128x16xf32, #tpu.memory_space<vmem>>) offsets(%dma_start3A_153 : memref<128xi32, #tpu.memory_space<vmem>>) semaphore(%arg21 : memref<!tpu.dma_semaphore, #tpu.memory_space<semaphore_mem>>)
      %dma_start3A_157 = arith.constant 0 : i32
      %dma_start3A_158 = tpu.memref_slice %arg10[%min3A_150, %dma_start3A_157] : memref<40x128xi32, #tpu.memory_space<vmem>> -> memref<1x128xi32, #tpu.memory_space<vmem>>
      %dma_start3A_159 = tpu.memref_squeeze %dma_start3A_158 : memref<1x128xi32, #tpu.memory_space<vmem>> -> memref<128xi32, #tpu.memory_space<vmem>>
      %dma_start3A_160 = arith.constant 0 : i32
      %dma_start3A_161 = arith.constant 0 : i32
      %dma_start3A_162 = tpu.memref_slice %arg5[%dma_start3A_160, %dma_start3A_161] : memref<10240x16xf32, #tpu.memory_space<hbm>> -> memref<10240x16xf32, #tpu.memory_space<hbm>>
      tpu.enqueue_indirect_dma source(%dma_start3A_162 : memref<10240x16xf32, #tpu.memory_space<hbm>>) target(%arg14 : memref<128x16xf32, #tpu.memory_space<vmem>>) offsets(%dma_start3A_159 : memref<128xi32, #tpu.memory_space<vmem>>) semaphore(%arg21 : memref<!tpu.dma_semaphore, #tpu.memory_space<semaphore_mem>>)
      %mul3A_163 = arith.constant 2 : i32
      %mul3A_164 = arith.muli %mul3A_163, %add3A_123 : i32
      %add3A_165 = arith.constant 1 : i32
      %add3A_166 = arith.addi %mul3A_164, %add3A_165 : i32
      %dma_wait3A_167 = arith.constant 0 : i32
      %dma_wait3A_168 = tpu.memref_slice %arg9[%add3A_166, %dma_wait3A_167] : memref<40x128xi32, #tpu.memory_space<vmem>> -> memref<1x128xi32, #tpu.memory_space<vmem>>
      %dma_wait3A_169 = tpu.memref_squeeze %dma_wait3A_168 : memref<1x128xi32, #tpu.memory_space<vmem>> -> memref<128xi32, #tpu.memory_space<vmem>>
      %dma_wait3A_170 = arith.constant 0 : i32
      %dma_wait3A_171 = arith.constant 0 : i32
      %dma_wait3A_172 = tpu.memref_slice %arg5[%dma_wait3A_170, %dma_wait3A_171] : memref<10240x16xf32, #tpu.memory_space<hbm>> -> memref<10240x16xf32, #tpu.memory_space<hbm>>
      tpu.wait_indirect_dma semaphore(%arg22 : memref<!tpu.dma_semaphore, #tpu.memory_space<semaphore_mem>>) src(%dma_wait3A_172 : memref<10240x16xf32, #tpu.memory_space<hbm>>) dst(%arg13 : memref<128x16xf32, #tpu.memory_space<vmem>>)
      %dma_wait3A_173 = arith.constant 0 : i32
      %dma_wait3A_174 = tpu.memref_slice %arg10[%add3A_166, %dma_wait3A_173] : memref<40x128xi32, #tpu.memory_space<vmem>> -> memref<1x128xi32, #tpu.memory_space<vmem>>
      %dma_wait3A_175 = tpu.memref_squeeze %dma_wait3A_174 : memref<1x128xi32, #tpu.memory_space<vmem>> -> memref<128xi32, #tpu.memory_space<vmem>>
      %dma_wait3A_176 = arith.constant 0 : i32
      %dma_wait3A_177 = arith.constant 0 : i32
      %dma_wait3A_178 = tpu.memref_slice %arg5[%dma_wait3A_176, %dma_wait3A_177] : memref<10240x16xf32, #tpu.memory_space<hbm>> -> memref<10240x16xf32, #tpu.memory_space<hbm>>
      tpu.wait_indirect_dma semaphore(%arg22 : memref<!tpu.dma_semaphore, #tpu.memory_space<semaphore_mem>>) src(%dma_wait3A_178 : memref<10240x16xf32, #tpu.memory_space<hbm>>) dst(%arg15 : memref<128x16xf32, #tpu.memory_space<vmem>>)
      %scan3A_179 = arith.constant 0 : i32
      %scan3A_180 = arith.constant 64 : i32
      %scan3A_181 = arith.addi %scan3A_179, %scan3A_180 : i32
      %scan3A_182 = arith.constant 4 : i32
      scf.for %scan3A_205 = %scan3A_179 to %scan3A_181 step %scan3A_182  : i32 {
        %mul3A_206 = arith.constant 1 : i32
        %mul3A_207 = arith.muli %scan3A_205, %mul3A_206 : i32
        %add3A_208 = arith.constant 0 : i32
        %add3A_209 = arith.addi %add3A_208, %mul3A_207 : i32
        %mul3A_210 = arith.constant 2 : i32
        %mul3A_211 = arith.muli %mul3A_210, %add3A_209 : i32
        %add3A_212 = vector.broadcast %mul3A_211 : i32 to vector<16xi32>
        %add3A_213 = arith.addi %add3A_212, %select_n3A : vector<16xi32>
        %gather3A = tpu.vector_load_idx %arg13[%add3A_213, %select_n3A_55] : memref<128x16xf32, #tpu.memory_space<vmem>>[vector<16xi32>, vector<16xi32>], vector<16xf32>,
        %add3A_214 = arith.constant 8 : i32
        %add3A_215 = vector.broadcast %add3A_214 : i32 to vector<16xi32>
        %add3A_216 = arith.addi %select_n3A_55, %add3A_215 : vector<16xi32>
        %gather3A_217 = tpu.vector_load_idx %arg15[%add3A_213, %add3A_216] : memref<128x16xf32, #tpu.memory_space<vmem>>[vector<16xi32>, vector<16xi32>], vector<16xf32>,
        %mul3A_218 = arith.constant 1024 : i32
        %mul3A_219 = arith.muli %mul3A_218, %add3A_166 : i32
        %mul3A_220 = arith.constant 16 : i32
        %mul3A_221 = arith.muli %mul3A_220, %add3A_209 : i32
        %add3A_222 = arith.addi %mul3A_219, %mul3A_221 : i32
        %get3A = arith.index_cast %add3A_222 : i32 to index
        %get3A_223 = tpu.vector_load %arg11[%get3A] {strides = array<i32>} : memref<40960xf32, #tpu.memory_space<vmem>>, vector<16xf32>,
        %add3A_224 = arith.addf %gather3A, %gather3A_217 : vector<16xf32>
        %add3A_225 = arith.addf %add3A_224, %get3A_223 : vector<16xf32>
        %mul3A_226 = arith.constant 0.00999999977 : f32
        %mul3A_227 = vector.broadcast %mul3A_226 : f32 to vector<16xf32>
        %mul3A_228 = arith.mulf %mul3A_227, %add3A_225 : vector<16xf32>
        %max3A = arith.maximumf %add3A_225, %mul3A_228 : vector<16xf32>
        %exp3A = math.exp %max3A : vector<16xf32>
        %mul3A_229 = arith.constant 16 : i32
        %mul3A_230 = arith.muli %mul3A_229, %add3A_209 : i32
        %swap3A = arith.index_cast %mul3A_230 : i32 to index
        %swap3A_231 = tpu.vector_load %arg16[%swap3A] {strides = array<i32>} : memref<1024xf32, #tpu.memory_space<vmem>>, vector<16xf32>,
        tpu.vector_store %arg16[%swap3A], %exp3A {strides = array<i32>} : memref<1024xf32, #tpu.memory_space<vmem>>, vector<16xf32>,
        tpu.vector_store_idx %arg18[%add3A_213, %select_n3A_55], %exp3A : memref<128x8xf32, #tpu.memory_space<vmem>>[vector<16xi32>, vector<16xi32>], vector<16xf32>,
        %scan3A_232 = arith.constant 1 : i32
        %scan3A_233 = arith.addi %scan3A_205, %scan3A_232 : i32
        %mul3A_234 = arith.constant 1 : i32
        %mul3A_235 = arith.muli %scan3A_233, %mul3A_234 : i32
        %add3A_236 = arith.constant 0 : i32
        %add3A_237 = arith.addi %add3A_236, %mul3A_235 : i32
        %mul3A_238 = arith.constant 2 : i32
        %mul3A_239 = arith.muli %mul3A_238, %add3A_237 : i32
        %add3A_240 = vector.broadcast %mul3A_239 : i32 to vector<16xi32>
        %add3A_241 = arith.addi %add3A_240, %select_n3A : vector<16xi32>
        %gather3A_242 = tpu.vector_load_idx %arg13[%add3A_241, %select_n3A_55] : memref<128x16xf32, #tpu.memory_space<vmem>>[vector<16xi32>, vector<16xi32>], vector<16xf32>,
        %add3A_243 = arith.constant 8 : i32
        %add3A_244 = vector.broadcast %add3A_243 : i32 to vector<16xi32>
        %add3A_245 = arith.addi %select_n3A_55, %add3A_244 : vector<16xi32>
        %gather3A_246 = tpu.vector_load_idx %arg15[%add3A_241, %add3A_245] : memref<128x16xf32, #tpu.memory_space<vmem>>[vector<16xi32>, vector<16xi32>], vector<16xf32>,
        %mul3A_247 = arith.constant 1024 : i32
        %mul3A_248 = arith.muli %mul3A_247, %add3A_166 : i32
        %mul3A_249 = arith.constant 16 : i32
        %mul3A_250 = arith.muli %mul3A_249, %add3A_237 : i32
        %add3A_251 = arith.addi %mul3A_248, %mul3A_250 : i32
        %get3A_252 = arith.index_cast %add3A_251 : i32 to index
        %get3A_253 = tpu.vector_load %arg11[%get3A_252] {strides = array<i32>} : memref<40960xf32, #tpu.memory_space<vmem>>, vector<16xf32>,
        %add3A_254 = arith.addf %gather3A_242, %gather3A_246 : vector<16xf32>
        %add3A_255 = arith.addf %add3A_254, %get3A_253 : vector<16xf32>
        %mul3A_256 = arith.constant 0.00999999977 : f32
        %mul3A_257 = vector.broadcast %mul3A_256 : f32 to vector<16xf32>
        %mul3A_258 = arith.mulf %mul3A_257, %add3A_255 : vector<16xf32>
        %max3A_259 = arith.maximumf %add3A_255, %mul3A_258 : vector<16xf32>
        %exp3A_260 = math.exp %max3A_259 : vector<16xf32>
        %mul3A_261 = arith.constant 16 : i32
        %mul3A_262 = arith.muli %mul3A_261, %add3A_237 : i32
        %swap3A_263 = arith.index_cast %mul3A_262 : i32 to index
        %swap3A_264 = tpu.vector_load %arg16[%swap3A_263] {strides = array<i32>} : memref<1024xf32, #tpu.memory_space<vmem>>, vector<16xf32>,
        tpu.vector_store %arg16[%swap3A_263], %exp3A_260 {strides = array<i32>} : memref<1024xf32, #tpu.memory_space<vmem>>, vector<16xf32>,
        tpu.vector_store_idx %arg18[%add3A_241, %select_n3A_55], %exp3A_260 : memref<128x8xf32, #tpu.memory_space<vmem>>[vector<16xi32>, vector<16xi32>], vector<16xf32>,
        %scan3A_265 = arith.constant 2 : i32
        %scan3A_266 = arith.addi %scan3A_205, %scan3A_265 : i32
        %mul3A_267 = arith.constant 1 : i32
        %mul3A_268 = arith.muli %scan3A_266, %mul3A_267 : i32
        %add3A_269 = arith.constant 0 : i32
        %add3A_270 = arith.addi %add3A_269, %mul3A_268 : i32
        %mul3A_271 = arith.constant 2 : i32
        %mul3A_272 = arith.muli %mul3A_271, %add3A_270 : i32
        %add3A_273 = vector.broadcast %mul3A_272 : i32 to vector<16xi32>
        %add3A_274 = arith.addi %add3A_273, %select_n3A : vector<16xi32>
        %gather3A_275 = tpu.vector_load_idx %arg13[%add3A_274, %select_n3A_55] : memref<128x16xf32, #tpu.memory_space<vmem>>[vector<16xi32>, vector<16xi32>], vector<16xf32>,
        %add3A_276 = arith.constant 8 : i32
        %add3A_277 = vector.broadcast %add3A_276 : i32 to vector<16xi32>
        %add3A_278 = arith.addi %select_n3A_55, %add3A_277 : vector<16xi32>
        %gather3A_279 = tpu.vector_load_idx %arg15[%add3A_274, %add3A_278] : memref<128x16xf32, #tpu.memory_space<vmem>>[vector<16xi32>, vector<16xi32>], vector<16xf32>,
        %mul3A_280 = arith.constant 1024 : i32
        %mul3A_281 = arith.muli %mul3A_280, %add3A_166 : i32
        %mul3A_282 = arith.constant 16 : i32
        %mul3A_283 = arith.muli %mul3A_282, %add3A_270 : i32
        %add3A_284 = arith.addi %mul3A_281, %mul3A_283 : i32
        %get3A_285 = arith.index_cast %add3A_284 : i32 to index
        %get3A_286 = tpu.vector_load %arg11[%get3A_285] {strides = array<i32>} : memref<40960xf32, #tpu.memory_space<vmem>>, vector<16xf32>,
        %add3A_287 = arith.addf %gather3A_275, %gather3A_279 : vector<16xf32>
        %add3A_288 = arith.addf %add3A_287, %get3A_286 : vector<16xf32>
        %mul3A_289 = arith.constant 0.00999999977 : f32
        %mul3A_290 = vector.broadcast %mul3A_289 : f32 to vector<16xf32>
        %mul3A_291 = arith.mulf %mul3A_290, %add3A_288 : vector<16xf32>
        %max3A_292 = arith.maximumf %add3A_288, %mul3A_291 : vector<16xf32>
        %exp3A_293 = math.exp %max3A_292 : vector<16xf32>
        %mul3A_294 = arith.constant 16 : i32
        %mul3A_295 = arith.muli %mul3A_294, %add3A_270 : i32
        %swap3A_296 = arith.index_cast %mul3A_295 : i32 to index
        %swap3A_297 = tpu.vector_load %arg16[%swap3A_296] {strides = array<i32>} : memref<1024xf32, #tpu.memory_space<vmem>>, vector<16xf32>,
        tpu.vector_store %arg16[%swap3A_296], %exp3A_293 {strides = array<i32>} : memref<1024xf32, #tpu.memory_space<vmem>>, vector<16xf32>,
        tpu.vector_store_idx %arg18[%add3A_274, %select_n3A_55], %exp3A_293 : memref<128x8xf32, #tpu.memory_space<vmem>>[vector<16xi32>, vector<16xi32>], vector<16xf32>,
        %scan3A_298 = arith.constant 3 : i32
        %scan3A_299 = arith.addi %scan3A_205, %scan3A_298 : i32
        %mul3A_300 = arith.constant 1 : i32
        %mul3A_301 = arith.muli %scan3A_299, %mul3A_300 : i32
        %add3A_302 = arith.constant 0 : i32
        %add3A_303 = arith.addi %add3A_302, %mul3A_301 : i32
        %mul3A_304 = arith.constant 2 : i32
        %mul3A_305 = arith.muli %mul3A_304, %add3A_303 : i32
        %add3A_306 = vector.broadcast %mul3A_305 : i32 to vector<16xi32>
        %add3A_307 = arith.addi %add3A_306, %select_n3A : vector<16xi32>
        %gather3A_308 = tpu.vector_load_idx %arg13[%add3A_307, %select_n3A_55] : memref<128x16xf32, #tpu.memory_space<vmem>>[vector<16xi32>, vector<16xi32>], vector<16xf32>,
        %add3A_309 = arith.constant 8 : i32
        %add3A_310 = vector.broadcast %add3A_309 : i32 to vector<16xi32>
        %add3A_311 = arith.addi %select_n3A_55, %add3A_310 : vector<16xi32>
        %gather3A_312 = tpu.vector_load_idx %arg15[%add3A_307, %add3A_311] : memref<128x16xf32, #tpu.memory_space<vmem>>[vector<16xi32>, vector<16xi32>], vector<16xf32>,
        %mul3A_313 = arith.constant 1024 : i32
        %mul3A_314 = arith.muli %mul3A_313, %add3A_166 : i32
        %mul3A_315 = arith.constant 16 : i32
        %mul3A_316 = arith.muli %mul3A_315, %add3A_303 : i32
        %add3A_317 = arith.addi %mul3A_314, %mul3A_316 : i32
        %get3A_318 = arith.index_cast %add3A_317 : i32 to index
        %get3A_319 = tpu.vector_load %arg11[%get3A_318] {strides = array<i32>} : memref<40960xf32, #tpu.memory_space<vmem>>, vector<16xf32>,
        %add3A_320 = arith.addf %gather3A_308, %gather3A_312 : vector<16xf32>
        %add3A_321 = arith.addf %add3A_320, %get3A_319 : vector<16xf32>
        %mul3A_322 = arith.constant 0.00999999977 : f32
        %mul3A_323 = vector.broadcast %mul3A_322 : f32 to vector<16xf32>
        %mul3A_324 = arith.mulf %mul3A_323, %add3A_321 : vector<16xf32>
        %max3A_325 = arith.maximumf %add3A_321, %mul3A_324 : vector<16xf32>
        %exp3A_326 = math.exp %max3A_325 : vector<16xf32>
        %mul3A_327 = arith.constant 16 : i32
        %mul3A_328 = arith.muli %mul3A_327, %add3A_303 : i32
        %swap3A_329 = arith.index_cast %mul3A_328 : i32 to index
        %swap3A_330 = tpu.vector_load %arg16[%swap3A_329] {strides = array<i32>} : memref<1024xf32, #tpu.memory_space<vmem>>, vector<16xf32>,
        tpu.vector_store %arg16[%swap3A_329], %exp3A_326 {strides = array<i32>} : memref<1024xf32, #tpu.memory_space<vmem>>, vector<16xf32>,
        tpu.vector_store_idx %arg18[%add3A_307, %select_n3A_55], %exp3A_326 : memref<128x8xf32, #tpu.memory_space<vmem>>[vector<16xi32>, vector<16xi32>], vector<16xf32>,
      }
      %scan3A_183 = arith.constant 64 : i32
      "tpu.region"() ({
        %run_scoped3A = tpu.sem_alloc : memref<!tpu.dma_semaphore, #tpu.memory_space<semaphore_mem>>
        %dma_start3A_205 = arith.constant 0 : i32
        %dma_start3A_206 = tpu.memref_slice %arg9[%add3A_166, %dma_start3A_205] : memref<40x128xi32, #tpu.memory_space<vmem>> -> memref<1x128xi32, #tpu.memory_space<vmem>>
        %dma_start3A_207 = tpu.memref_squeeze %dma_start3A_206 : memref<1x128xi32, #tpu.memory_space<vmem>> -> memref<128xi32, #tpu.memory_space<vmem>>
        %dma_start3A_208 = arith.constant 0 : i32
        %dma_start3A_209 = arith.constant 0 : i32
        %dma_start3A_210 = tpu.memref_slice %arg20[%dma_start3A_208, %dma_start3A_209] : memref<10240x8xf32, #tpu.memory_space<vmem_shared>> -> memref<10240x8xf32, #tpu.memory_space<vmem_shared>>
        tpu.enqueue_indirect_dma source(%arg18 : memref<128x8xf32, #tpu.memory_space<vmem>>) target(%dma_start3A_210 : memref<10240x8xf32, #tpu.memory_space<vmem_shared>>) offsets(%dma_start3A_207 : memref<128xi32, #tpu.memory_space<vmem>>) semaphore(%run_scoped3A : memref<!tpu.dma_semaphore, #tpu.memory_space<semaphore_mem>>) {add = true}
        %dma_wait3A_211 = arith.constant 0 : i32
        %dma_wait3A_212 = tpu.memref_slice %arg9[%add3A_166, %dma_wait3A_211] : memref<40x128xi32, #tpu.memory_space<vmem>> -> memref<1x128xi32, #tpu.memory_space<vmem>>
        %dma_wait3A_213 = tpu.memref_squeeze %dma_wait3A_212 : memref<1x128xi32, #tpu.memory_space<vmem>> -> memref<128xi32, #tpu.memory_space<vmem>>
        %dma_wait3A_214 = arith.constant 0 : i32
        %dma_wait3A_215 = arith.constant 0 : i32
        %dma_wait3A_216 = tpu.memref_slice %arg20[%dma_wait3A_214, %dma_wait3A_215] : memref<10240x8xf32, #tpu.memory_space<vmem_shared>> -> memref<10240x8xf32, #tpu.memory_space<vmem_shared>>
        tpu.wait_indirect_dma semaphore(%run_scoped3A : memref<!tpu.dma_semaphore, #tpu.memory_space<semaphore_mem>>) src(%arg18 : memref<128x8xf32, #tpu.memory_space<vmem>>) dst(%dma_wait3A_216 : memref<10240x8xf32, #tpu.memory_space<vmem_shared>>)
        tpu.yield
      }) : () -> ()
      %mul3A_184 = arith.constant 40 : i32
      %mul3A_185 = arith.muli %add3A, %mul3A_184 : i32
      %add3A_186 = arith.addi %mul3A_185, %add3A_166 : i32
      %mul3A_187 = arith.constant 1024 : i32
      %mul3A_188 = arith.muli %add3A_186, %mul3A_187 : i32
      "tpu.region"() ({
        %run_scoped3A = tpu.sem_alloc : memref<!tpu.dma_semaphore, #tpu.memory_space<semaphore_mem>>
        %dma_start3A_205 = tpu.memref_slice %arg7[%mul3A_188] : memref<1310720xf32, #tpu.memory_space<hbm>> -> memref<1024xf32, #tpu.memory_space<hbm>>
        %dma_start3A_206 = tpu.memref_slice %arg7[%mul3A_188] : memref<1310720xf32, #tpu.memory_space<hbm>> -> memref<1024xf32, #tpu.memory_space<hbm>>
        tpu.enqueue_dma source(%arg16 : memref<1024xf32, #tpu.memory_space<vmem>>) target(%dma_start3A_206 : memref<1024xf32, #tpu.memory_space<hbm>>) target_semaphore(%run_scoped3A : memref<!tpu.dma_semaphore, #tpu.memory_space<semaphore_mem>>)
        %dma_wait3A_207 = tpu.memref_slice %arg7[%mul3A_188] : memref<1310720xf32, #tpu.memory_space<hbm>> -> memref<1024xf32, #tpu.memory_space<hbm>>
        %dma_wait3A_208 = tpu.memref_slice %arg7[%mul3A_188] : memref<1310720xf32, #tpu.memory_space<hbm>> -> memref<1024xf32, #tpu.memory_space<hbm>>
        tpu.wait_dma2 semaphore(%run_scoped3A : memref<!tpu.dma_semaphore, #tpu.memory_space<semaphore_mem>>) src(%arg16 : memref<1024xf32, #tpu.memory_space<vmem>>) dst(%dma_wait3A_208 : memref<1024xf32, #tpu.memory_space<hbm>>)
        tpu.yield
      }) : () -> ()
      %add3A_189 = arith.constant 2 : i32
      %add3A_190 = arith.addi %add3A_166, %add3A_189 : i32
      %min3A_191 = arith.constant 39 : i32
      %min3A_192 = arith.minsi %add3A_190, %min3A_191 : i32
      %dma_start3A_193 = arith.constant 0 : i32
      %dma_start3A_194 = tpu.memref_slice %arg9[%min3A_192, %dma_start3A_193] : memref<40x128xi32, #tpu.memory_space<vmem>> -> memref<1x128xi32, #tpu.memory_space<vmem>>
      %dma_start3A_195 = tpu.memref_squeeze %dma_start3A_194 : memref<1x128xi32, #tpu.memory_space<vmem>> -> memref<128xi32, #tpu.memory_space<vmem>>
      %dma_start3A_196 = arith.constant 0 : i32
      %dma_start3A_197 = arith.constant 0 : i32
      %dma_start3A_198 = tpu.memref_slice %arg5[%dma_start3A_196, %dma_start3A_197] : memref<10240x16xf32, #tpu.memory_space<hbm>> -> memref<10240x16xf32, #tpu.memory_space<hbm>>
      tpu.enqueue_indirect_dma source(%dma_start3A_198 : memref<10240x16xf32, #tpu.memory_space<hbm>>) target(%arg13 : memref<128x16xf32, #tpu.memory_space<vmem>>) offsets(%dma_start3A_195 : memref<128xi32, #tpu.memory_space<vmem>>) semaphore(%arg22 : memref<!tpu.dma_semaphore, #tpu.memory_space<semaphore_mem>>)
      %dma_start3A_199 = arith.constant 0 : i32
      %dma_start3A_200 = tpu.memref_slice %arg10[%min3A_192, %dma_start3A_199] : memref<40x128xi32, #tpu.memory_space<vmem>> -> memref<1x128xi32, #tpu.memory_space<vmem>>
      %dma_start3A_201 = tpu.memref_squeeze %dma_start3A_200 : memref<1x128xi32, #tpu.memory_space<vmem>> -> memref<128xi32, #tpu.memory_space<vmem>>
      %dma_start3A_202 = arith.constant 0 : i32
      %dma_start3A_203 = arith.constant 0 : i32
      %dma_start3A_204 = tpu.memref_slice %arg5[%dma_start3A_202, %dma_start3A_203] : memref<10240x16xf32, #tpu.memory_space<hbm>> -> memref<10240x16xf32, #tpu.memory_space<hbm>>
      tpu.enqueue_indirect_dma source(%dma_start3A_204 : memref<10240x16xf32, #tpu.memory_space<hbm>>) target(%arg15 : memref<128x16xf32, #tpu.memory_space<vmem>>) offsets(%dma_start3A_201 : memref<128xi32, #tpu.memory_space<vmem>>) semaphore(%arg22 : memref<!tpu.dma_semaphore, #tpu.memory_space<semaphore_mem>>)
    }
    %scan3A_86 = arith.constant 20 : i32
    %dma_wait3A = arith.constant 39 : i32
    %dma_wait3A_87 = arith.constant 0 : i32
    %dma_wait3A_88 = tpu.memref_slice %arg9[%dma_wait3A, %dma_wait3A_87] : memref<40x128xi32, #tpu.memory_space<vmem>> -> memref<1x128xi32, #tpu.memory_space<vmem>>
    %dma_wait3A_89 = tpu.memref_squeeze %dma_wait3A_88 : memref<1x128xi32, #tpu.memory_space<vmem>> -> memref<128xi32, #tpu.memory_space<vmem>>
    %dma_wait3A_90 = arith.constant 0 : i32
    %dma_wait3A_91 = arith.constant 0 : i32
    %dma_wait3A_92 = tpu.memref_slice %arg5[%dma_wait3A_90, %dma_wait3A_91] : memref<10240x16xf32, #tpu.memory_space<hbm>> -> memref<10240x16xf32, #tpu.memory_space<hbm>>
    tpu.wait_indirect_dma semaphore(%arg21 : memref<!tpu.dma_semaphore, #tpu.memory_space<semaphore_mem>>) src(%dma_wait3A_92 : memref<10240x16xf32, #tpu.memory_space<hbm>>) dst(%arg12 : memref<128x16xf32, #tpu.memory_space<vmem>>)
    %dma_wait3A_93 = arith.constant 39 : i32
    %dma_wait3A_94 = arith.constant 0 : i32
    %dma_wait3A_95 = tpu.memref_slice %arg10[%dma_wait3A_93, %dma_wait3A_94] : memref<40x128xi32, #tpu.memory_space<vmem>> -> memref<1x128xi32, #tpu.memory_space<vmem>>
    %dma_wait3A_96 = tpu.memref_squeeze %dma_wait3A_95 : memref<1x128xi32, #tpu.memory_space<vmem>> -> memref<128xi32, #tpu.memory_space<vmem>>
    %dma_wait3A_97 = arith.constant 0 : i32
    %dma_wait3A_98 = arith.constant 0 : i32
    %dma_wait3A_99 = tpu.memref_slice %arg5[%dma_wait3A_97, %dma_wait3A_98] : memref<10240x16xf32, #tpu.memory_space<hbm>> -> memref<10240x16xf32, #tpu.memory_space<hbm>>
    tpu.wait_indirect_dma semaphore(%arg21 : memref<!tpu.dma_semaphore, #tpu.memory_space<semaphore_mem>>) src(%dma_wait3A_99 : memref<10240x16xf32, #tpu.memory_space<hbm>>) dst(%arg14 : memref<128x16xf32, #tpu.memory_space<vmem>>)
    %dma_wait3A_100 = arith.constant 39 : i32
    %dma_wait3A_101 = arith.constant 0 : i32
    %dma_wait3A_102 = tpu.memref_slice %arg9[%dma_wait3A_100, %dma_wait3A_101] : memref<40x128xi32, #tpu.memory_space<vmem>> -> memref<1x128xi32, #tpu.memory_space<vmem>>
    %dma_wait3A_103 = tpu.memref_squeeze %dma_wait3A_102 : memref<1x128xi32, #tpu.memory_space<vmem>> -> memref<128xi32, #tpu.memory_space<vmem>>
    %dma_wait3A_104 = arith.constant 0 : i32
    %dma_wait3A_105 = arith.constant 0 : i32
    %dma_wait3A_106 = tpu.memref_slice %arg5[%dma_wait3A_104, %dma_wait3A_105] : memref<10240x16xf32, #tpu.memory_space<hbm>> -> memref<10240x16xf32, #tpu.memory_space<hbm>>
    tpu.wait_indirect_dma semaphore(%arg22 : memref<!tpu.dma_semaphore, #tpu.memory_space<semaphore_mem>>) src(%dma_wait3A_106 : memref<10240x16xf32, #tpu.memory_space<hbm>>) dst(%arg13 : memref<128x16xf32, #tpu.memory_space<vmem>>)
    %dma_wait3A_107 = arith.constant 39 : i32
    %dma_wait3A_108 = arith.constant 0 : i32
    %dma_wait3A_109 = tpu.memref_slice %arg10[%dma_wait3A_107, %dma_wait3A_108] : memref<40x128xi32, #tpu.memory_space<vmem>> -> memref<1x128xi32, #tpu.memory_space<vmem>>
    %dma_wait3A_110 = tpu.memref_squeeze %dma_wait3A_109 : memref<1x128xi32, #tpu.memory_space<vmem>> -> memref<128xi32, #tpu.memory_space<vmem>>
    %dma_wait3A_111 = arith.constant 0 : i32
    %dma_wait3A_112 = arith.constant 0 : i32
    %dma_wait3A_113 = tpu.memref_slice %arg5[%dma_wait3A_111, %dma_wait3A_112] : memref<10240x16xf32, #tpu.memory_space<hbm>> -> memref<10240x16xf32, #tpu.memory_space<hbm>>
    tpu.wait_indirect_dma semaphore(%arg22 : memref<!tpu.dma_semaphore, #tpu.memory_space<semaphore_mem>>) src(%dma_wait3A_113 : memref<10240x16xf32, #tpu.memory_space<hbm>>) dst(%arg15 : memref<128x16xf32, #tpu.memory_space<vmem>>)
    %barrier3A_114 = arith.constant 0 : index
    tpu.barrier barrier_id(%barrier3A_114)
    %mul3A_115 = arith.constant 640 : i32
    %mul3A_116 = arith.muli %arg1, %mul3A_115 : i32
    %mul3A_117 = arith.constant 640 : i32
    %mul3A_118 = arith.muli %arg1, %mul3A_117 : i32
    "tpu.region"() ({
      %run_scoped3A = tpu.sem_alloc : memref<!tpu.dma_semaphore, #tpu.memory_space<semaphore_mem>>
      %dma_start3A_119 = arith.constant 0 : i32
      %dma_start3A_120 = arith.constant 0 : i32
      %dma_start3A_121 = tpu.memref_slice %arg8[%arg0, %dma_start3A_119, %dma_start3A_120] : memref<2x10240x8xf32, #tpu.memory_space<hbm>> -> memref<1x10240x8xf32, #tpu.memory_space<hbm>>
      %dma_start3A_122 = tpu.memref_squeeze %dma_start3A_121 : memref<1x10240x8xf32, #tpu.memory_space<hbm>> -> memref<10240x8xf32, #tpu.memory_space<hbm>>
      %dma_start3A_123 = arith.constant 0 : i32
      %dma_start3A_124 = tpu.memref_slice %dma_start3A_122[%mul3A_118, %dma_start3A_123] : memref<10240x8xf32, #tpu.memory_space<hbm>> -> memref<640x8xf32, #tpu.memory_space<hbm>>
      %dma_start3A_125 = arith.constant 0 : i32
      %dma_start3A_126 = tpu.memref_slice %arg20[%mul3A_116, %dma_start3A_125] : memref<10240x8xf32, #tpu.memory_space<vmem_shared>> -> memref<640x8xf32, #tpu.memory_space<vmem_shared>>
      tpu.enqueue_dma source(%dma_start3A_126 : memref<640x8xf32, #tpu.memory_space<vmem_shared>>) target(%dma_start3A_124 : memref<640x8xf32, #tpu.memory_space<hbm>>) target_semaphore(%run_scoped3A : memref<!tpu.dma_semaphore, #tpu.memory_space<semaphore_mem>>)
      %dma_wait3A_127 = arith.constant 0 : i32
      %dma_wait3A_128 = arith.constant 0 : i32
      %dma_wait3A_129 = tpu.memref_slice %arg8[%arg0, %dma_wait3A_127, %dma_wait3A_128] : memref<2x10240x8xf32, #tpu.memory_space<hbm>> -> memref<1x10240x8xf32, #tpu.memory_space<hbm>>
      %dma_wait3A_130 = tpu.memref_squeeze %dma_wait3A_129 : memref<1x10240x8xf32, #tpu.memory_space<hbm>> -> memref<10240x8xf32, #tpu.memory_space<hbm>>
      %dma_wait3A_131 = arith.constant 0 : i32
      %dma_wait3A_132 = tpu.memref_slice %dma_wait3A_130[%mul3A_118, %dma_wait3A_131] : memref<10240x8xf32, #tpu.memory_space<hbm>> -> memref<640x8xf32, #tpu.memory_space<hbm>>
      %dma_wait3A_133 = arith.constant 0 : i32
      %dma_wait3A_134 = tpu.memref_slice %arg20[%mul3A_116, %dma_wait3A_133] : memref<10240x8xf32, #tpu.memory_space<vmem_shared>> -> memref<640x8xf32, #tpu.memory_space<vmem_shared>>
      tpu.wait_dma2 semaphore(%run_scoped3A : memref<!tpu.dma_semaphore, #tpu.memory_space<semaphore_mem>>) src(%dma_wait3A_134 : memref<640x8xf32, #tpu.memory_space<vmem_shared>>) dst(%dma_wait3A_132 : memref<640x8xf32, #tpu.memory_space<hbm>>)
      tpu.yield
    }) : () -> ()
    return
  }
}

#map = affine_map<(d0, d1) -> (0, 0)>
#map1 = affine_map<(d0, d1) -> (0)>
#map2 = affine_map<(d0, d1) -> (0, 0, 0)>
module attributes {stable_mosaic.version = 14 : i64} {
  func.func @_agg_body(%arg0: i32, %arg1: i32, %arg2: memref<1280x128xi32, #tpu.memory_space<hbm>>, %arg3: memref<163840xi32, #tpu.memory_space<hbm>>, %arg4: memref<1310720xf32, #tpu.memory_space<hbm>>, %arg5: memref<40960x64xf32, #tpu.memory_space<hbm>>, %arg6: memref<10240x64xf32, #tpu.memory_space<hbm>>, %arg7: memref<4x10240x64xf32, #tpu.memory_space<hbm>>, %arg8: memref<80x128xi32, #tpu.memory_space<vmem>>, %arg9: memref<10240xi32, #tpu.memory_space<vmem>>, %arg10: memref<256x64xf32, #tpu.memory_space<vmem>>, %arg11: memref<256x64xf32, #tpu.memory_space<vmem>>, %arg12: memref<2048xf32, #tpu.memory_space<vmem>>, %arg13: memref<2048xf32, #tpu.memory_space<vmem>>, %arg14: memref<10240x64xf32, #tpu.memory_space<vmem_shared>>, %arg15: memref<!tpu.dma_semaphore, #tpu.memory_space<semaphore_mem>>, %arg16: memref<!tpu.dma_semaphore, #tpu.memory_space<semaphore_mem>>, %arg17: memref<!tpu.dma_semaphore, #tpu.memory_space<semaphore_mem>>, %arg18: memref<!tpu.dma_semaphore, #tpu.memory_space<semaphore_mem>>) attributes {dimension_semantics = [#tpu.dimension_semantics<core_parallel>, #tpu.dimension_semantics<subcore_parallel>], iteration_bounds = array<i64: 2, 16>, scalar_prefetch = 0 : i64, scratch_operands = 11 : i64, tpu.core_type = #tpu.core_type<sc_vector_subcore>, window_params = [{transform_indices = #map}, {transform_indices = #map1}, {transform_indices = #map1}, {transform_indices = #map}, {transform_indices = #map}, {transform_indices = #map2}]} {
    %mul3A = arith.constant 80 : i32
    %mul3A_0 = arith.muli %arg1, %mul3A : i32
    "tpu.region"() ({
      %run_scoped3A = tpu.sem_alloc : memref<!tpu.dma_semaphore, #tpu.memory_space<semaphore_mem>>
      %dma_start3A_255 = arith.constant 0 : i32
      %dma_start3A_256 = tpu.memref_slice %arg2[%mul3A_0, %dma_start3A_255] : memref<1280x128xi32, #tpu.memory_space<hbm>> -> memref<80x128xi32, #tpu.memory_space<hbm>>
      %dma_start3A_257 = arith.constant 0 : i32
      %dma_start3A_258 = tpu.memref_slice %arg2[%mul3A_0, %dma_start3A_257] : memref<1280x128xi32, #tpu.memory_space<hbm>> -> memref<80x128xi32, #tpu.memory_space<hbm>>
      tpu.enqueue_dma source(%dma_start3A_258 : memref<80x128xi32, #tpu.memory_space<hbm>>) target(%arg8 : memref<80x128xi32, #tpu.memory_space<vmem>>) target_semaphore(%run_scoped3A : memref<!tpu.dma_semaphore, #tpu.memory_space<semaphore_mem>>)
      %dma_wait3A_259 = arith.constant 0 : i32
      %dma_wait3A_260 = tpu.memref_slice %arg2[%mul3A_0, %dma_wait3A_259] : memref<1280x128xi32, #tpu.memory_space<hbm>> -> memref<80x128xi32, #tpu.memory_space<hbm>>
      %dma_wait3A_261 = arith.constant 0 : i32
      %dma_wait3A_262 = tpu.memref_slice %arg2[%mul3A_0, %dma_wait3A_261] : memref<1280x128xi32, #tpu.memory_space<hbm>> -> memref<80x128xi32, #tpu.memory_space<hbm>>
      tpu.wait_dma2 semaphore(%run_scoped3A : memref<!tpu.dma_semaphore, #tpu.memory_space<semaphore_mem>>) src(%dma_wait3A_262 : memref<80x128xi32, #tpu.memory_space<hbm>>) dst(%arg8 : memref<80x128xi32, #tpu.memory_space<vmem>>)
      tpu.yield
    }) : () -> ()
    %mul3A_1 = arith.constant 80 : i32
    %mul3A_2 = arith.muli %arg1, %mul3A_1 : i32
    %mul3A_3 = arith.constant 128 : i32
    %mul3A_4 = arith.muli %mul3A_2, %mul3A_3 : i32
    "tpu.region"() ({
      %run_scoped3A = tpu.sem_alloc : memref<!tpu.dma_semaphore, #tpu.memory_space<semaphore_mem>>
      %dma_start3A_255 = tpu.memref_slice %arg3[%mul3A_4] : memref<163840xi32, #tpu.memory_space<hbm>> -> memref<10240xi32, #tpu.memory_space<hbm>>
      %dma_start3A_256 = tpu.memref_slice %arg3[%mul3A_4] : memref<163840xi32, #tpu.memory_space<hbm>> -> memref<10240xi32, #tpu.memory_space<hbm>>
      tpu.enqueue_dma source(%dma_start3A_256 : memref<10240xi32, #tpu.memory_space<hbm>>) target(%arg9 : memref<10240xi32, #tpu.memory_space<vmem>>) target_semaphore(%run_scoped3A : memref<!tpu.dma_semaphore, #tpu.memory_space<semaphore_mem>>)
      %dma_wait3A_257 = tpu.memref_slice %arg3[%mul3A_4] : memref<163840xi32, #tpu.memory_space<hbm>> -> memref<10240xi32, #tpu.memory_space<hbm>>
      %dma_wait3A_258 = tpu.memref_slice %arg3[%mul3A_4] : memref<163840xi32, #tpu.memory_space<hbm>> -> memref<10240xi32, #tpu.memory_space<hbm>>
      tpu.wait_dma2 semaphore(%run_scoped3A : memref<!tpu.dma_semaphore, #tpu.memory_space<semaphore_mem>>) src(%dma_wait3A_258 : memref<10240xi32, #tpu.memory_space<hbm>>) dst(%arg9 : memref<10240xi32, #tpu.memory_space<vmem>>)
      tpu.yield
    }) : () -> ()
    %iota3A = tpu.iota {dimensions = array<i32: 0>} : vector<16xi32>
    %mul3A_5 = arith.constant 0 : i32
    %mul3A_6 = vector.broadcast %mul3A_5 : i32 to vector<16xi32>
    %mul3A_7 = arith.muli %iota3A, %mul3A_6 : vector<16xi32>
    %mul3A_8 = arith.constant 2 : i32
    %mul3A_9 = arith.muli %mul3A_8, %arg0 : i32
    %mul3A_10 = arith.constant 10240 : i32
    %mul3A_11 = arith.muli %mul3A_9, %mul3A_10 : i32
    %scan3A = arith.constant 0 : i32
    %scan3A_12 = arith.constant 640 : i32
    %scan3A_13 = arith.addi %scan3A, %scan3A_12 : i32
    %scan3A_14 = arith.constant 4 : i32
    scf.for %scan3A_255 = %scan3A to %scan3A_13 step %scan3A_14  : i32 {
      %mul3A_256 = arith.constant 1 : i32
      %mul3A_257 = arith.muli %scan3A_255, %mul3A_256 : i32
      %add3A_258 = arith.constant 0 : i32
      %add3A_259 = arith.addi %add3A_258, %mul3A_257 : i32
      %mul3A_260 = arith.constant 16 : i32
      %mul3A_261 = arith.muli %mul3A_260, %add3A_259 : i32
      %get3A = arith.index_cast %mul3A_261 : i32 to index
      %get3A_262 = tpu.vector_load %arg9[%get3A] {strides = array<i32>} : memref<10240xi32, #tpu.memory_space<vmem>>, vector<16xi32>,
      %add3A_263 = vector.broadcast %mul3A_11 : i32 to vector<16xi32>
      %add3A_264 = arith.addi %get3A_262, %add3A_263 : vector<16xi32>
      %mul3A_265 = arith.constant 16 : i32
      %mul3A_266 = arith.muli %mul3A_265, %add3A_259 : i32
      %swap3A = arith.index_cast %mul3A_266 : i32 to index
      %swap3A_267 = tpu.vector_load %arg9[%swap3A] {strides = array<i32>} : memref<10240xi32, #tpu.memory_space<vmem>>, vector<16xi32>,
      tpu.vector_store %arg9[%swap3A], %add3A_264 {strides = array<i32>} : memref<10240xi32, #tpu.memory_space<vmem>>, vector<16xi32>,
      %scan3A_268 = arith.constant 1 : i32
      %scan3A_269 = arith.addi %scan3A_255, %scan3A_268 : i32
      %mul3A_270 = arith.constant 1 : i32
      %mul3A_271 = arith.muli %scan3A_269, %mul3A_270 : i32
      %add3A_272 = arith.constant 0 : i32
      %add3A_273 = arith.addi %add3A_272, %mul3A_271 : i32
      %mul3A_274 = arith.constant 16 : i32
      %mul3A_275 = arith.muli %mul3A_274, %add3A_273 : i32
      %get3A_276 = arith.index_cast %mul3A_275 : i32 to index
      %get3A_277 = tpu.vector_load %arg9[%get3A_276] {strides = array<i32>} : memref<10240xi32, #tpu.memory_space<vmem>>, vector<16xi32>,
      %add3A_278 = vector.broadcast %mul3A_11 : i32 to vector<16xi32>
      %add3A_279 = arith.addi %get3A_277, %add3A_278 : vector<16xi32>
      %mul3A_280 = arith.constant 16 : i32
      %mul3A_281 = arith.muli %mul3A_280, %add3A_273 : i32
      %swap3A_282 = arith.index_cast %mul3A_281 : i32 to index
      %swap3A_283 = tpu.vector_load %arg9[%swap3A_282] {strides = array<i32>} : memref<10240xi32, #tpu.memory_space<vmem>>, vector<16xi32>,
      tpu.vector_store %arg9[%swap3A_282], %add3A_279 {strides = array<i32>} : memref<10240xi32, #tpu.memory_space<vmem>>, vector<16xi32>,
      %scan3A_284 = arith.constant 2 : i32
      %scan3A_285 = arith.addi %scan3A_255, %scan3A_284 : i32
      %mul3A_286 = arith.constant 1 : i32
      %mul3A_287 = arith.muli %scan3A_285, %mul3A_286 : i32
      %add3A_288 = arith.constant 0 : i32
      %add3A_289 = arith.addi %add3A_288, %mul3A_287 : i32
      %mul3A_290 = arith.constant 16 : i32
      %mul3A_291 = arith.muli %mul3A_290, %add3A_289 : i32
      %get3A_292 = arith.index_cast %mul3A_291 : i32 to index
      %get3A_293 = tpu.vector_load %arg9[%get3A_292] {strides = array<i32>} : memref<10240xi32, #tpu.memory_space<vmem>>, vector<16xi32>,
      %add3A_294 = vector.broadcast %mul3A_11 : i32 to vector<16xi32>
      %add3A_295 = arith.addi %get3A_293, %add3A_294 : vector<16xi32>
      %mul3A_296 = arith.constant 16 : i32
      %mul3A_297 = arith.muli %mul3A_296, %add3A_289 : i32
      %swap3A_298 = arith.index_cast %mul3A_297 : i32 to index
      %swap3A_299 = tpu.vector_load %arg9[%swap3A_298] {strides = array<i32>} : memref<10240xi32, #tpu.memory_space<vmem>>, vector<16xi32>,
      tpu.vector_store %arg9[%swap3A_298], %add3A_295 {strides = array<i32>} : memref<10240xi32, #tpu.memory_space<vmem>>, vector<16xi32>,
      %scan3A_300 = arith.constant 3 : i32
      %scan3A_301 = arith.addi %scan3A_255, %scan3A_300 : i32
      %mul3A_302 = arith.constant 1 : i32
      %mul3A_303 = arith.muli %scan3A_301, %mul3A_302 : i32
      %add3A_304 = arith.constant 0 : i32
      %add3A_305 = arith.addi %add3A_304, %mul3A_303 : i32
      %mul3A_306 = arith.constant 16 : i32
      %mul3A_307 = arith.muli %mul3A_306, %add3A_305 : i32
      %get3A_308 = arith.index_cast %mul3A_307 : i32 to index
      %get3A_309 = tpu.vector_load %arg9[%get3A_308] {strides = array<i32>} : memref<10240xi32, #tpu.memory_space<vmem>>, vector<16xi32>,
      %add3A_310 = vector.broadcast %mul3A_11 : i32 to vector<16xi32>
      %add3A_311 = arith.addi %get3A_309, %add3A_310 : vector<16xi32>
      %mul3A_312 = arith.constant 16 : i32
      %mul3A_313 = arith.muli %mul3A_312, %add3A_305 : i32
      %swap3A_314 = arith.index_cast %mul3A_313 : i32 to index
      %swap3A_315 = tpu.vector_load %arg9[%swap3A_314] {strides = array<i32>} : memref<10240xi32, #tpu.memory_space<vmem>>, vector<16xi32>,
      tpu.vector_store %arg9[%swap3A_314], %add3A_311 {strides = array<i32>} : memref<10240xi32, #tpu.memory_space<vmem>>, vector<16xi32>,
    }
    %scan3A_15 = arith.constant 640 : i32
    %mul3A_16 = arith.constant 640 : i32
    %mul3A_17 = arith.muli %arg1, %mul3A_16 : i32
    %mul3A_18 = arith.constant 640 : i32
    %mul3A_19 = arith.muli %arg1, %mul3A_18 : i32
    "tpu.region"() ({
      %run_scoped3A = tpu.sem_alloc : memref<!tpu.dma_semaphore, #tpu.memory_space<semaphore_mem>>
      %dma_start3A_255 = arith.constant 0 : i32
      %dma_start3A_256 = tpu.memref_slice %arg14[%mul3A_19, %dma_start3A_255] : memref<10240x64xf32, #tpu.memory_space<vmem_shared>> -> memref<640x64xf32, #tpu.memory_space<vmem_shared>>
      %dma_start3A_257 = arith.constant 0 : i32
      %dma_start3A_258 = tpu.memref_slice %arg6[%mul3A_17, %dma_start3A_257] : memref<10240x64xf32, #tpu.memory_space<hbm>> -> memref<640x64xf32, #tpu.memory_space<hbm>>
      tpu.enqueue_dma source(%dma_start3A_258 : memref<640x64xf32, #tpu.memory_space<hbm>>) target(%dma_start3A_256 : memref<640x64xf32, #tpu.memory_space<vmem_shared>>) target_semaphore(%run_scoped3A : memref<!tpu.dma_semaphore, #tpu.memory_space<semaphore_mem>>)
      %dma_wait3A_259 = arith.constant 0 : i32
      %dma_wait3A_260 = tpu.memref_slice %arg14[%mul3A_19, %dma_wait3A_259] : memref<10240x64xf32, #tpu.memory_space<vmem_shared>> -> memref<640x64xf32, #tpu.memory_space<vmem_shared>>
      %dma_wait3A_261 = arith.constant 0 : i32
      %dma_wait3A_262 = tpu.memref_slice %arg6[%mul3A_17, %dma_wait3A_261] : memref<10240x64xf32, #tpu.memory_space<hbm>> -> memref<640x64xf32, #tpu.memory_space<hbm>>
      tpu.wait_dma2 semaphore(%run_scoped3A : memref<!tpu.dma_semaphore, #tpu.memory_space<semaphore_mem>>) src(%dma_wait3A_262 : memref<640x64xf32, #tpu.memory_space<hbm>>) dst(%dma_wait3A_260 : memref<640x64xf32, #tpu.memory_space<vmem_shared>>)
      tpu.yield
    }) : () -> ()
    %barrier3A = arith.constant 0 : index
    tpu.barrier barrier_id(%barrier3A)
    %mul3A_20 = arith.constant 4 : i32
    %mul3A_21 = arith.muli %mul3A_20, %arg0 : i32
    %add3A = arith.constant 0 : i32
    %add3A_22 = arith.addi %mul3A_21, %add3A : i32
    %mul3A_23 = arith.constant 80 : i32
    %mul3A_24 = arith.muli %arg1, %mul3A_23 : i32
    %add3A_25 = arith.constant 0 : i32
    %add3A_26 = arith.addi %mul3A_24, %add3A_25 : i32
    %mul3A_27 = arith.constant 1024 : i32
    %mul3A_28 = arith.muli %add3A_26, %mul3A_27 : i32
    %dma_start3A = arith.constant 0 : i32
    %dma_start3A_29 = arith.constant 0 : i32
    %dma_start3A_30 = tpu.memref_slice %arg10[%dma_start3A, %dma_start3A_29] : memref<256x64xf32, #tpu.memory_space<vmem>> -> memref<128x64xf32, #tpu.memory_space<vmem>>
    %dma_start3A_31 = arith.constant 0 : i32
    %dma_start3A_32 = tpu.memref_slice %arg9[%dma_start3A_31] : memref<10240xi32, #tpu.memory_space<vmem>> -> memref<128xi32, #tpu.memory_space<vmem>>
    %dma_start3A_33 = arith.constant 0 : i32
    %dma_start3A_34 = arith.constant 0 : i32
    %dma_start3A_35 = tpu.memref_slice %arg5[%dma_start3A_33, %dma_start3A_34] : memref<40960x64xf32, #tpu.memory_space<hbm>> -> memref<40960x64xf32, #tpu.memory_space<hbm>>
    tpu.enqueue_indirect_dma source(%dma_start3A_35 : memref<40960x64xf32, #tpu.memory_space<hbm>>) target(%dma_start3A_30 : memref<128x64xf32, #tpu.memory_space<vmem>>) offsets(%dma_start3A_32 : memref<128xi32, #tpu.memory_space<vmem>>) semaphore(%arg15 : memref<!tpu.dma_semaphore, #tpu.memory_space<semaphore_mem>>)
    %dma_start3A_36 = arith.constant 128 : i32
    %dma_start3A_37 = arith.constant 0 : i32
    %dma_start3A_38 = tpu.memref_slice %arg10[%dma_start3A_36, %dma_start3A_37] : memref<256x64xf32, #tpu.memory_space<vmem>> -> memref<128x64xf32, #tpu.memory_space<vmem>>
    %dma_start3A_39 = arith.constant 128 : i32
    %dma_start3A_40 = tpu.memref_slice %arg9[%dma_start3A_39] : memref<10240xi32, #tpu.memory_space<vmem>> -> memref<128xi32, #tpu.memory_space<vmem>>
    %dma_start3A_41 = arith.constant 0 : i32
    %dma_start3A_42 = arith.constant 0 : i32
    %dma_start3A_43 = tpu.memref_slice %arg5[%dma_start3A_41, %dma_start3A_42] : memref<40960x64xf32, #tpu.memory_space<hbm>> -> memref<40960x64xf32, #tpu.memory_space<hbm>>
    tpu.enqueue_indirect_dma source(%dma_start3A_43 : memref<40960x64xf32, #tpu.memory_space<hbm>>) target(%dma_start3A_38 : memref<128x64xf32, #tpu.memory_space<vmem>>) offsets(%dma_start3A_40 : memref<128xi32, #tpu.memory_space<vmem>>) semaphore(%arg15 : memref<!tpu.dma_semaphore, #tpu.memory_space<semaphore_mem>>)
    %dma_start3A_44 = tpu.memref_slice %arg4[%mul3A_28] : memref<1310720xf32, #tpu.memory_space<hbm>> -> memref<2048xf32, #tpu.memory_space<hbm>>
    %dma_start3A_45 = tpu.memref_slice %arg4[%mul3A_28] : memref<1310720xf32, #tpu.memory_space<hbm>> -> memref<2048xf32, #tpu.memory_space<hbm>>
    tpu.enqueue_dma source(%dma_start3A_45 : memref<2048xf32, #tpu.memory_space<hbm>>) target(%arg12 : memref<2048xf32, #tpu.memory_space<vmem>>) target_semaphore(%arg15 : memref<!tpu.dma_semaphore, #tpu.memory_space<semaphore_mem>>)
    %mul3A_46 = arith.constant 80 : i32
    %mul3A_47 = arith.muli %arg1, %mul3A_46 : i32
    %add3A_48 = arith.constant 2 : i32
    %add3A_49 = arith.addi %mul3A_47, %add3A_48 : i32
    %mul3A_50 = arith.constant 1024 : i32
    %mul3A_51 = arith.muli %add3A_49, %mul3A_50 : i32
    %dma_start3A_52 = arith.constant 0 : i32
    %dma_start3A_53 = arith.constant 0 : i32
    %dma_start3A_54 = tpu.memref_slice %arg11[%dma_start3A_52, %dma_start3A_53] : memref<256x64xf32, #tpu.memory_space<vmem>> -> memref<128x64xf32, #tpu.memory_space<vmem>>
    %dma_start3A_55 = arith.constant 256 : i32
    %dma_start3A_56 = tpu.memref_slice %arg9[%dma_start3A_55] : memref<10240xi32, #tpu.memory_space<vmem>> -> memref<128xi32, #tpu.memory_space<vmem>>
    %dma_start3A_57 = arith.constant 0 : i32
    %dma_start3A_58 = arith.constant 0 : i32
    %dma_start3A_59 = tpu.memref_slice %arg5[%dma_start3A_57, %dma_start3A_58] : memref<40960x64xf32, #tpu.memory_space<hbm>> -> memref<40960x64xf32, #tpu.memory_space<hbm>>
    tpu.enqueue_indirect_dma source(%dma_start3A_59 : memref<40960x64xf32, #tpu.memory_space<hbm>>) target(%dma_start3A_54 : memref<128x64xf32, #tpu.memory_space<vmem>>) offsets(%dma_start3A_56 : memref<128xi32, #tpu.memory_space<vmem>>) semaphore(%arg16 : memref<!tpu.dma_semaphore, #tpu.memory_space<semaphore_mem>>)
    %dma_start3A_60 = arith.constant 128 : i32
    %dma_start3A_61 = arith.constant 0 : i32
    %dma_start3A_62 = tpu.memref_slice %arg11[%dma_start3A_60, %dma_start3A_61] : memref<256x64xf32, #tpu.memory_space<vmem>> -> memref<128x64xf32, #tpu.memory_space<vmem>>
    %dma_start3A_63 = arith.constant 384 : i32
    %dma_start3A_64 = tpu.memref_slice %arg9[%dma_start3A_63] : memref<10240xi32, #tpu.memory_space<vmem>> -> memref<128xi32, #tpu.memory_space<vmem>>
    %dma_start3A_65 = arith.constant 0 : i32
    %dma_start3A_66 = arith.constant 0 : i32
    %dma_start3A_67 = tpu.memref_slice %arg5[%dma_start3A_65, %dma_start3A_66] : memref<40960x64xf32, #tpu.memory_space<hbm>> -> memref<40960x64xf32, #tpu.memory_space<hbm>>
    tpu.enqueue_indirect_dma source(%dma_start3A_67 : memref<40960x64xf32, #tpu.memory_space<hbm>>) target(%dma_start3A_62 : memref<128x64xf32, #tpu.memory_space<vmem>>) offsets(%dma_start3A_64 : memref<128xi32, #tpu.memory_space<vmem>>) semaphore(%arg16 : memref<!tpu.dma_semaphore, #tpu.memory_space<semaphore_mem>>)
    %dma_start3A_68 = tpu.memref_slice %arg4[%mul3A_51] : memref<1310720xf32, #tpu.memory_space<hbm>> -> memref<2048xf32, #tpu.memory_space<hbm>>
    %dma_start3A_69 = tpu.memref_slice %arg4[%mul3A_51] : memref<1310720xf32, #tpu.memory_space<hbm>> -> memref<2048xf32, #tpu.memory_space<hbm>>
    tpu.enqueue_dma source(%dma_start3A_69 : memref<2048xf32, #tpu.memory_space<hbm>>) target(%arg13 : memref<2048xf32, #tpu.memory_space<vmem>>) target_semaphore(%arg16 : memref<!tpu.dma_semaphore, #tpu.memory_space<semaphore_mem>>)
    %scan3A_70 = arith.constant 0 : i32
    %scan3A_71 = arith.constant 20 : i32
    %scan3A_72 = arith.addi %scan3A_70, %scan3A_71 : i32
    %scan3A_73 = arith.constant 1 : i32
    scf.for %scan3A_255 = %scan3A_70 to %scan3A_72 step %scan3A_73  : i32 {
      %mul3A_256 = arith.constant 1 : i32
      %mul3A_257 = arith.muli %scan3A_255, %mul3A_256 : i32
      %add3A_258 = arith.constant 0 : i32
      %add3A_259 = arith.addi %add3A_258, %mul3A_257 : i32
      %mul3A_260 = arith.constant 2 : i32
      %mul3A_261 = arith.muli %mul3A_260, %add3A_259 : i32
      %mul3A_262 = arith.constant 256 : i32
      %mul3A_263 = arith.muli %mul3A_262, %mul3A_261 : i32
      %mul3A_264 = arith.constant 256 : i32
      %mul3A_265 = arith.muli %mul3A_264, %mul3A_261 : i32
      %add3A_266 = arith.constant 128 : i32
      %add3A_267 = arith.addi %mul3A_265, %add3A_266 : i32
      %mul3A_268 = arith.constant 80 : i32
      %mul3A_269 = arith.muli %arg1, %mul3A_268 : i32
      %mul3A_270 = arith.constant 2 : i32
      %mul3A_271 = arith.muli %mul3A_270, %mul3A_261 : i32
      %add3A_272 = arith.addi %mul3A_269, %mul3A_271 : i32
      %mul3A_273 = arith.constant 1024 : i32
      %mul3A_274 = arith.muli %add3A_272, %mul3A_273 : i32
      %dma_wait3A_275 = arith.constant 0 : i32
      %dma_wait3A_276 = arith.constant 0 : i32
      %dma_wait3A_277 = tpu.memref_slice %arg10[%dma_wait3A_275, %dma_wait3A_276] : memref<256x64xf32, #tpu.memory_space<vmem>> -> memref<128x64xf32, #tpu.memory_space<vmem>>
      %dma_wait3A_278 = tpu.memref_slice %arg9[%mul3A_263] : memref<10240xi32, #tpu.memory_space<vmem>> -> memref<128xi32, #tpu.memory_space<vmem>>
      %dma_wait3A_279 = arith.constant 0 : i32
      %dma_wait3A_280 = arith.constant 0 : i32
      %dma_wait3A_281 = tpu.memref_slice %arg5[%dma_wait3A_279, %dma_wait3A_280] : memref<40960x64xf32, #tpu.memory_space<hbm>> -> memref<40960x64xf32, #tpu.memory_space<hbm>>
      tpu.wait_indirect_dma semaphore(%arg15 : memref<!tpu.dma_semaphore, #tpu.memory_space<semaphore_mem>>) src(%dma_wait3A_281 : memref<40960x64xf32, #tpu.memory_space<hbm>>) dst(%dma_wait3A_277 : memref<128x64xf32, #tpu.memory_space<vmem>>)
      %dma_wait3A_282 = arith.constant 128 : i32
      %dma_wait3A_283 = arith.constant 0 : i32
      %dma_wait3A_284 = tpu.memref_slice %arg10[%dma_wait3A_282, %dma_wait3A_283] : memref<256x64xf32, #tpu.memory_space<vmem>> -> memref<128x64xf32, #tpu.memory_space<vmem>>
      %dma_wait3A_285 = tpu.memref_slice %arg9[%add3A_267] : memref<10240xi32, #tpu.memory_space<vmem>> -> memref<128xi32, #tpu.memory_space<vmem>>
      %dma_wait3A_286 = arith.constant 0 : i32
      %dma_wait3A_287 = arith.constant 0 : i32
      %dma_wait3A_288 = tpu.memref_slice %arg5[%dma_wait3A_286, %dma_wait3A_287] : memref<40960x64xf32, #tpu.memory_space<hbm>> -> memref<40960x64xf32, #tpu.memory_space<hbm>>
      tpu.wait_indirect_dma semaphore(%arg15 : memref<!tpu.dma_semaphore, #tpu.memory_space<semaphore_mem>>) src(%dma_wait3A_288 : memref<40960x64xf32, #tpu.memory_space<hbm>>) dst(%dma_wait3A_284 : memref<128x64xf32, #tpu.memory_space<vmem>>)
      %dma_wait3A_289 = tpu.memref_slice %arg4[%mul3A_274] : memref<1310720xf32, #tpu.memory_space<hbm>> -> memref<2048xf32, #tpu.memory_space<hbm>>
      %dma_wait3A_290 = tpu.memref_slice %arg4[%mul3A_274] : memref<1310720xf32, #tpu.memory_space<hbm>> -> memref<2048xf32, #tpu.memory_space<hbm>>
      tpu.wait_dma2 semaphore(%arg15 : memref<!tpu.dma_semaphore, #tpu.memory_space<semaphore_mem>>) src(%dma_wait3A_290 : memref<2048xf32, #tpu.memory_space<hbm>>) dst(%arg12 : memref<2048xf32, #tpu.memory_space<vmem>>)
      %scan3A_291 = arith.constant 0 : i32
      %scan3A_292 = arith.constant 256 : i32
      %scan3A_293 = arith.addi %scan3A_291, %scan3A_292 : i32
      %scan3A_294 = arith.constant 8 : i32
      scf.for %scan3A_411 = %scan3A_291 to %scan3A_293 step %scan3A_294  : i32 {
        %mul3A_412 = arith.constant 1 : i32
        %mul3A_413 = arith.muli %scan3A_411, %mul3A_412 : i32
        %add3A_414 = arith.constant 0 : i32
        %add3A_415 = arith.addi %add3A_414, %mul3A_413 : i32
        %mul3A_416 = arith.constant 8 : i32
        %mul3A_417 = arith.muli %mul3A_416, %add3A_415 : i32
        %add3A_418 = arith.addi %mul3A_417, %add3A_22 : i32
        %add3A_419 = arith.constant 0 : i32
        %add3A_420 = arith.addi %add3A_418, %add3A_419 : i32
        %add3A_421 = vector.broadcast %add3A_420 : i32 to vector<16xi32>
        %add3A_422 = arith.addi %add3A_421, %mul3A_7 : vector<16xi32>
        %gather3A = tpu.vector_load_idx %arg12[%add3A_422] : memref<2048xf32, #tpu.memory_space<vmem>>[vector<16xi32>], vector<16xf32>,
        %get3A = arith.index_cast %add3A_415 : i32 to index
        %get3A_423 = arith.constant 0 : index
        %get3A_424 = tpu.vector_load %arg10[%get3A, %get3A_423] {strides = array<i32>} : memref<256x64xf32, #tpu.memory_space<vmem>>, vector<16xf32>,
        %mul3A_425 = arith.mulf %get3A_424, %gather3A : vector<16xf32>
        %swap3A = arith.index_cast %add3A_415 : i32 to index
        %swap3A_426 = arith.constant 0 : index
        %swap3A_427 = tpu.vector_load %arg10[%swap3A, %swap3A_426] {strides = array<i32>} : memref<256x64xf32, #tpu.memory_space<vmem>>, vector<16xf32>,
        tpu.vector_store %arg10[%swap3A, %swap3A_426], %mul3A_425 {strides = array<i32>} : memref<256x64xf32, #tpu.memory_space<vmem>>, vector<16xf32>,
        %get3A_428 = arith.index_cast %add3A_415 : i32 to index
        %get3A_429 = arith.constant 16 : index
        %get3A_430 = tpu.vector_load %arg10[%get3A_428, %get3A_429] {strides = array<i32>} : memref<256x64xf32, #tpu.memory_space<vmem>>, vector<16xf32>,
        %mul3A_431 = arith.mulf %get3A_430, %gather3A : vector<16xf32>
        %swap3A_432 = arith.index_cast %add3A_415 : i32 to index
        %swap3A_433 = arith.constant 16 : index
        %swap3A_434 = tpu.vector_load %arg10[%swap3A_432, %swap3A_433] {strides = array<i32>} : memref<256x64xf32, #tpu.memory_space<vmem>>, vector<16xf32>,
        tpu.vector_store %arg10[%swap3A_432, %swap3A_433], %mul3A_431 {strides = array<i32>} : memref<256x64xf32, #tpu.memory_space<vmem>>, vector<16xf32>,
        %add3A_435 = arith.constant 1 : i32
        %add3A_436 = arith.addi %add3A_418, %add3A_435 : i32
        %add3A_437 = vector.broadcast %add3A_436 : i32 to vector<16xi32>
        %add3A_438 = arith.addi %add3A_437, %mul3A_7 : vector<16xi32>
        %gather3A_439 = tpu.vector_load_idx %arg12[%add3A_438] : memref<2048xf32, #tpu.memory_space<vmem>>[vector<16xi32>], vector<16xf32>,
        %get3A_440 = arith.index_cast %add3A_415 : i32 to index
        %get3A_441 = arith.constant 32 : index
        %get3A_442 = tpu.vector_load %arg10[%get3A_440, %get3A_441] {strides = array<i32>} : memref<256x64xf32, #tpu.memory_space<vmem>>, vector<16xf32>,
        %mul3A_443 = arith.mulf %get3A_442, %gather3A_439 : vector<16xf32>
        %swap3A_444 = arith.index_cast %add3A_415 : i32 to index
        %swap3A_445 = arith.constant 32 : index
        %swap3A_446 = tpu.vector_load %arg10[%swap3A_444, %swap3A_445] {strides = array<i32>} : memref<256x64xf32, #tpu.memory_space<vmem>>, vector<16xf32>,
        tpu.vector_store %arg10[%swap3A_444, %swap3A_445], %mul3A_443 {strides = array<i32>} : memref<256x64xf32, #tpu.memory_space<vmem>>, vector<16xf32>,
        %get3A_447 = arith.index_cast %add3A_415 : i32 to index
        %get3A_448 = arith.constant 48 : index
        %get3A_449 = tpu.vector_load %arg10[%get3A_447, %get3A_448] {strides = array<i32>} : memref<256x64xf32, #tpu.memory_space<vmem>>, vector<16xf32>,
        %mul3A_450 = arith.mulf %get3A_449, %gather3A_439 : vector<16xf32>
        %swap3A_451 = arith.index_cast %add3A_415 : i32 to index
        %swap3A_452 = arith.constant 48 : index
        %swap3A_453 = tpu.vector_load %arg10[%swap3A_451, %swap3A_452] {strides = array<i32>} : memref<256x64xf32, #tpu.memory_space<vmem>>, vector<16xf32>,
        tpu.vector_store %arg10[%swap3A_451, %swap3A_452], %mul3A_450 {strides = array<i32>} : memref<256x64xf32, #tpu.memory_space<vmem>>, vector<16xf32>,
        %scan3A_454 = arith.constant 1 : i32
        %scan3A_455 = arith.addi %scan3A_411, %scan3A_454 : i32
        %mul3A_456 = arith.constant 1 : i32
        %mul3A_457 = arith.muli %scan3A_455, %mul3A_456 : i32
        %add3A_458 = arith.constant 0 : i32
        %add3A_459 = arith.addi %add3A_458, %mul3A_457 : i32
        %mul3A_460 = arith.constant 8 : i32
        %mul3A_461 = arith.muli %mul3A_460, %add3A_459 : i32
        %add3A_462 = arith.addi %mul3A_461, %add3A_22 : i32
        %add3A_463 = arith.constant 0 : i32
        %add3A_464 = arith.addi %add3A_462, %add3A_463 : i32
        %add3A_465 = vector.broadcast %add3A_464 : i32 to vector<16xi32>
        %add3A_466 = arith.addi %add3A_465, %mul3A_7 : vector<16xi32>
        %gather3A_467 = tpu.vector_load_idx %arg12[%add3A_466] : memref<2048xf32, #tpu.memory_space<vmem>>[vector<16xi32>], vector<16xf32>,
        %get3A_468 = arith.index_cast %add3A_459 : i32 to index
        %get3A_469 = arith.constant 0 : index
        %get3A_470 = tpu.vector_load %arg10[%get3A_468, %get3A_469] {strides = array<i32>} : memref<256x64xf32, #tpu.memory_space<vmem>>, vector<16xf32>,
        %mul3A_471 = arith.mulf %get3A_470, %gather3A_467 : vector<16xf32>
        %swap3A_472 = arith.index_cast %add3A_459 : i32 to index
        %swap3A_473 = arith.constant 0 : index
        %swap3A_474 = tpu.vector_load %arg10[%swap3A_472, %swap3A_473] {strides = array<i32>} : memref<256x64xf32, #tpu.memory_space<vmem>>, vector<16xf32>,
        tpu.vector_store %arg10[%swap3A_472, %swap3A_473], %mul3A_471 {strides = array<i32>} : memref<256x64xf32, #tpu.memory_space<vmem>>, vector<16xf32>,
        %get3A_475 = arith.index_cast %add3A_459 : i32 to index
        %get3A_476 = arith.constant 16 : index
        %get3A_477 = tpu.vector_load %arg10[%get3A_475, %get3A_476] {strides = array<i32>} : memref<256x64xf32, #tpu.memory_space<vmem>>, vector<16xf32>,
        %mul3A_478 = arith.mulf %get3A_477, %gather3A_467 : vector<16xf32>
        %swap3A_479 = arith.index_cast %add3A_459 : i32 to index
        %swap3A_480 = arith.constant 16 : index
        %swap3A_481 = tpu.vector_load %arg10[%swap3A_479, %swap3A_480] {strides = array<i32>} : memref<256x64xf32, #tpu.memory_space<vmem>>, vector<16xf32>,
        tpu.vector_store %arg10[%swap3A_479, %swap3A_480], %mul3A_478 {strides = array<i32>} : memref<256x64xf32, #tpu.memory_space<vmem>>, vector<16xf32>,
        %add3A_482 = arith.constant 1 : i32
        %add3A_483 = arith.addi %add3A_462, %add3A_482 : i32
        %add3A_484 = vector.broadcast %add3A_483 : i32 to vector<16xi32>
        %add3A_485 = arith.addi %add3A_484, %mul3A_7 : vector<16xi32>
        %gather3A_486 = tpu.vector_load_idx %arg12[%add3A_485] : memref<2048xf32, #tpu.memory_space<vmem>>[vector<16xi32>], vector<16xf32>,
        %get3A_487 = arith.index_cast %add3A_459 : i32 to index
        %get3A_488 = arith.constant 32 : index
        %get3A_489 = tpu.vector_load %arg10[%get3A_487, %get3A_488] {strides = array<i32>} : memref<256x64xf32, #tpu.memory_space<vmem>>, vector<16xf32>,
        %mul3A_490 = arith.mulf %get3A_489, %gather3A_486 : vector<16xf32>
        %swap3A_491 = arith.index_cast %add3A_459 : i32 to index
        %swap3A_492 = arith.constant 32 : index
        %swap3A_493 = tpu.vector_load %arg10[%swap3A_491, %swap3A_492] {strides = array<i32>} : memref<256x64xf32, #tpu.memory_space<vmem>>, vector<16xf32>,
        tpu.vector_store %arg10[%swap3A_491, %swap3A_492], %mul3A_490 {strides = array<i32>} : memref<256x64xf32, #tpu.memory_space<vmem>>, vector<16xf32>,
        %get3A_494 = arith.index_cast %add3A_459 : i32 to index
        %get3A_495 = arith.constant 48 : index
        %get3A_496 = tpu.vector_load %arg10[%get3A_494, %get3A_495] {strides = array<i32>} : memref<256x64xf32, #tpu.memory_space<vmem>>, vector<16xf32>,
        %mul3A_497 = arith.mulf %get3A_496, %gather3A_486 : vector<16xf32>
        %swap3A_498 = arith.index_cast %add3A_459 : i32 to index
        %swap3A_499 = arith.constant 48 : index
        %swap3A_500 = tpu.vector_load %arg10[%swap3A_498, %swap3A_499] {strides = array<i32>} : memref<256x64xf32, #tpu.memory_space<vmem>>, vector<16xf32>,
        tpu.vector_store %arg10[%swap3A_498, %swap3A_499], %mul3A_497 {strides = array<i32>} : memref<256x64xf32, #tpu.memory_space<vmem>>, vector<16xf32>,
        %scan3A_501 = arith.constant 2 : i32
        %scan3A_502 = arith.addi %scan3A_411, %scan3A_501 : i32
        %mul3A_503 = arith.constant 1 : i32
        %mul3A_504 = arith.muli %scan3A_502, %mul3A_503 : i32
        %add3A_505 = arith.constant 0 : i32
        %add3A_506 = arith.addi %add3A_505, %mul3A_504 : i32
        %mul3A_507 = arith.constant 8 : i32
        %mul3A_508 = arith.muli %mul3A_507, %add3A_506 : i32
        %add3A_509 = arith.addi %mul3A_508, %add3A_22 : i32
        %add3A_510 = arith.constant 0 : i32
        %add3A_511 = arith.addi %add3A_509, %add3A_510 : i32
        %add3A_512 = vector.broadcast %add3A_511 : i32 to vector<16xi32>
        %add3A_513 = arith.addi %add3A_512, %mul3A_7 : vector<16xi32>
        %gather3A_514 = tpu.vector_load_idx %arg12[%add3A_513] : memref<2048xf32, #tpu.memory_space<vmem>>[vector<16xi32>], vector<16xf32>,
        %get3A_515 = arith.index_cast %add3A_506 : i32 to index
        %get3A_516 = arith.constant 0 : index
        %get3A_517 = tpu.vector_load %arg10[%get3A_515, %get3A_516] {strides = array<i32>} : memref<256x64xf32, #tpu.memory_space<vmem>>, vector<16xf32>,
        %mul3A_518 = arith.mulf %get3A_517, %gather3A_514 : vector<16xf32>
        %swap3A_519 = arith.index_cast %add3A_506 : i32 to index
        %swap3A_520 = arith.constant 0 : index
        %swap3A_521 = tpu.vector_load %arg10[%swap3A_519, %swap3A_520] {strides = array<i32>} : memref<256x64xf32, #tpu.memory_space<vmem>>, vector<16xf32>,
        tpu.vector_store %arg10[%swap3A_519, %swap3A_520], %mul3A_518 {strides = array<i32>} : memref<256x64xf32, #tpu.memory_space<vmem>>, vector<16xf32>,
        %get3A_522 = arith.index_cast %add3A_506 : i32 to index
        %get3A_523 = arith.constant 16 : index
        %get3A_524 = tpu.vector_load %arg10[%get3A_522, %get3A_523] {strides = array<i32>} : memref<256x64xf32, #tpu.memory_space<vmem>>, vector<16xf32>,
        %mul3A_525 = arith.mulf %get3A_524, %gather3A_514 : vector<16xf32>
        %swap3A_526 = arith.index_cast %add3A_506 : i32 to index
        %swap3A_527 = arith.constant 16 : index
        %swap3A_528 = tpu.vector_load %arg10[%swap3A_526, %swap3A_527] {strides = array<i32>} : memref<256x64xf32, #tpu.memory_space<vmem>>, vector<16xf32>,
        tpu.vector_store %arg10[%swap3A_526, %swap3A_527], %mul3A_525 {strides = array<i32>} : memref<256x64xf32, #tpu.memory_space<vmem>>, vector<16xf32>,
        %add3A_529 = arith.constant 1 : i32
        %add3A_530 = arith.addi %add3A_509, %add3A_529 : i32
        %add3A_531 = vector.broadcast %add3A_530 : i32 to vector<16xi32>
        %add3A_532 = arith.addi %add3A_531, %mul3A_7 : vector<16xi32>
        %gather3A_533 = tpu.vector_load_idx %arg12[%add3A_532] : memref<2048xf32, #tpu.memory_space<vmem>>[vector<16xi32>], vector<16xf32>,
        %get3A_534 = arith.index_cast %add3A_506 : i32 to index
        %get3A_535 = arith.constant 32 : index
        %get3A_536 = tpu.vector_load %arg10[%get3A_534, %get3A_535] {strides = array<i32>} : memref<256x64xf32, #tpu.memory_space<vmem>>, vector<16xf32>,
        %mul3A_537 = arith.mulf %get3A_536, %gather3A_533 : vector<16xf32>
        %swap3A_538 = arith.index_cast %add3A_506 : i32 to index
        %swap3A_539 = arith.constant 32 : index
        %swap3A_540 = tpu.vector_load %arg10[%swap3A_538, %swap3A_539] {strides = array<i32>} : memref<256x64xf32, #tpu.memory_space<vmem>>, vector<16xf32>,
        tpu.vector_store %arg10[%swap3A_538, %swap3A_539], %mul3A_537 {strides = array<i32>} : memref<256x64xf32, #tpu.memory_space<vmem>>, vector<16xf32>,
        %get3A_541 = arith.index_cast %add3A_506 : i32 to index
        %get3A_542 = arith.constant 48 : index
        %get3A_543 = tpu.vector_load %arg10[%get3A_541, %get3A_542] {strides = array<i32>} : memref<256x64xf32, #tpu.memory_space<vmem>>, vector<16xf32>,
        %mul3A_544 = arith.mulf %get3A_543, %gather3A_533 : vector<16xf32>
        %swap3A_545 = arith.index_cast %add3A_506 : i32 to index
        %swap3A_546 = arith.constant 48 : index
        %swap3A_547 = tpu.vector_load %arg10[%swap3A_545, %swap3A_546] {strides = array<i32>} : memref<256x64xf32, #tpu.memory_space<vmem>>, vector<16xf32>,
        tpu.vector_store %arg10[%swap3A_545, %swap3A_546], %mul3A_544 {strides = array<i32>} : memref<256x64xf32, #tpu.memory_space<vmem>>, vector<16xf32>,
        %scan3A_548 = arith.constant 3 : i32
        %scan3A_549 = arith.addi %scan3A_411, %scan3A_548 : i32
        %mul3A_550 = arith.constant 1 : i32
        %mul3A_551 = arith.muli %scan3A_549, %mul3A_550 : i32
        %add3A_552 = arith.constant 0 : i32
        %add3A_553 = arith.addi %add3A_552, %mul3A_551 : i32
        %mul3A_554 = arith.constant 8 : i32
        %mul3A_555 = arith.muli %mul3A_554, %add3A_553 : i32
        %add3A_556 = arith.addi %mul3A_555, %add3A_22 : i32
        %add3A_557 = arith.constant 0 : i32
        %add3A_558 = arith.addi %add3A_556, %add3A_557 : i32
        %add3A_559 = vector.broadcast %add3A_558 : i32 to vector<16xi32>
        %add3A_560 = arith.addi %add3A_559, %mul3A_7 : vector<16xi32>
        %gather3A_561 = tpu.vector_load_idx %arg12[%add3A_560] : memref<2048xf32, #tpu.memory_space<vmem>>[vector<16xi32>], vector<16xf32>,
        %get3A_562 = arith.index_cast %add3A_553 : i32 to index
        %get3A_563 = arith.constant 0 : index
        %get3A_564 = tpu.vector_load %arg10[%get3A_562, %get3A_563] {strides = array<i32>} : memref<256x64xf32, #tpu.memory_space<vmem>>, vector<16xf32>,
        %mul3A_565 = arith.mulf %get3A_564, %gather3A_561 : vector<16xf32>
        %swap3A_566 = arith.index_cast %add3A_553 : i32 to index
        %swap3A_567 = arith.constant 0 : index
        %swap3A_568 = tpu.vector_load %arg10[%swap3A_566, %swap3A_567] {strides = array<i32>} : memref<256x64xf32, #tpu.memory_space<vmem>>, vector<16xf32>,
        tpu.vector_store %arg10[%swap3A_566, %swap3A_567], %mul3A_565 {strides = array<i32>} : memref<256x64xf32, #tpu.memory_space<vmem>>, vector<16xf32>,
        %get3A_569 = arith.index_cast %add3A_553 : i32 to index
        %get3A_570 = arith.constant 16 : index
        %get3A_571 = tpu.vector_load %arg10[%get3A_569, %get3A_570] {strides = array<i32>} : memref<256x64xf32, #tpu.memory_space<vmem>>, vector<16xf32>,
        %mul3A_572 = arith.mulf %get3A_571, %gather3A_561 : vector<16xf32>
        %swap3A_573 = arith.index_cast %add3A_553 : i32 to index
        %swap3A_574 = arith.constant 16 : index
        %swap3A_575 = tpu.vector_load %arg10[%swap3A_573, %swap3A_574] {strides = array<i32>} : memref<256x64xf32, #tpu.memory_space<vmem>>, vector<16xf32>,
        tpu.vector_store %arg10[%swap3A_573, %swap3A_574], %mul3A_572 {strides = array<i32>} : memref<256x64xf32, #tpu.memory_space<vmem>>, vector<16xf32>,
        %add3A_576 = arith.constant 1 : i32
        %add3A_577 = arith.addi %add3A_556, %add3A_576 : i32
        %add3A_578 = vector.broadcast %add3A_577 : i32 to vector<16xi32>
        %add3A_579 = arith.addi %add3A_578, %mul3A_7 : vector<16xi32>
        %gather3A_580 = tpu.vector_load_idx %arg12[%add3A_579] : memref<2048xf32, #tpu.memory_space<vmem>>[vector<16xi32>], vector<16xf32>,
        %get3A_581 = arith.index_cast %add3A_553 : i32 to index
        %get3A_582 = arith.constant 32 : index
        %get3A_583 = tpu.vector_load %arg10[%get3A_581, %get3A_582] {strides = array<i32>} : memref<256x64xf32, #tpu.memory_space<vmem>>, vector<16xf32>,
        %mul3A_584 = arith.mulf %get3A_583, %gather3A_580 : vector<16xf32>
        %swap3A_585 = arith.index_cast %add3A_553 : i32 to index
        %swap3A_586 = arith.constant 32 : index
        %swap3A_587 = tpu.vector_load %arg10[%swap3A_585, %swap3A_586] {strides = array<i32>} : memref<256x64xf32, #tpu.memory_space<vmem>>, vector<16xf32>,
        tpu.vector_store %arg10[%swap3A_585, %swap3A_586], %mul3A_584 {strides = array<i32>} : memref<256x64xf32, #tpu.memory_space<vmem>>, vector<16xf32>,
        %get3A_588 = arith.index_cast %add3A_553 : i32 to index
        %get3A_589 = arith.constant 48 : index
        %get3A_590 = tpu.vector_load %arg10[%get3A_588, %get3A_589] {strides = array<i32>} : memref<256x64xf32, #tpu.memory_space<vmem>>, vector<16xf32>,
        %mul3A_591 = arith.mulf %get3A_590, %gather3A_580 : vector<16xf32>
        %swap3A_592 = arith.index_cast %add3A_553 : i32 to index
        %swap3A_593 = arith.constant 48 : index
        %swap3A_594 = tpu.vector_load %arg10[%swap3A_592, %swap3A_593] {strides = array<i32>} : memref<256x64xf32, #tpu.memory_space<vmem>>, vector<16xf32>,
        tpu.vector_store %arg10[%swap3A_592, %swap3A_593], %mul3A_591 {strides = array<i32>} : memref<256x64xf32, #tpu.memory_space<vmem>>, vector<16xf32>,
        %scan3A_595 = arith.constant 4 : i32
        %scan3A_596 = arith.addi %scan3A_411, %scan3A_595 : i32
        %mul3A_597 = arith.constant 1 : i32
        %mul3A_598 = arith.muli %scan3A_596, %mul3A_597 : i32
        %add3A_599 = arith.constant 0 : i32
        %add3A_600 = arith.addi %add3A_599, %mul3A_598 : i32
        %mul3A_601 = arith.constant 8 : i32
        %mul3A_602 = arith.muli %mul3A_601, %add3A_600 : i32
        %add3A_603 = arith.addi %mul3A_602, %add3A_22 : i32
        %add3A_604 = arith.constant 0 : i32
        %add3A_605 = arith.addi %add3A_603, %add3A_604 : i32
        %add3A_606 = vector.broadcast %add3A_605 : i32 to vector<16xi32>
        %add3A_607 = arith.addi %add3A_606, %mul3A_7 : vector<16xi32>
        %gather3A_608 = tpu.vector_load_idx %arg12[%add3A_607] : memref<2048xf32, #tpu.memory_space<vmem>>[vector<16xi32>], vector<16xf32>,
        %get3A_609 = arith.index_cast %add3A_600 : i32 to index
        %get3A_610 = arith.constant 0 : index
        %get3A_611 = tpu.vector_load %arg10[%get3A_609, %get3A_610] {strides = array<i32>} : memref<256x64xf32, #tpu.memory_space<vmem>>, vector<16xf32>,
        %mul3A_612 = arith.mulf %get3A_611, %gather3A_608 : vector<16xf32>
        %swap3A_613 = arith.index_cast %add3A_600 : i32 to index
        %swap3A_614 = arith.constant 0 : index
        %swap3A_615 = tpu.vector_load %arg10[%swap3A_613, %swap3A_614] {strides = array<i32>} : memref<256x64xf32, #tpu.memory_space<vmem>>, vector<16xf32>,
        tpu.vector_store %arg10[%swap3A_613, %swap3A_614], %mul3A_612 {strides = array<i32>} : memref<256x64xf32, #tpu.memory_space<vmem>>, vector<16xf32>,
        %get3A_616 = arith.index_cast %add3A_600 : i32 to index
        %get3A_617 = arith.constant 16 : index
        %get3A_618 = tpu.vector_load %arg10[%get3A_616, %get3A_617] {strides = array<i32>} : memref<256x64xf32, #tpu.memory_space<vmem>>, vector<16xf32>,
        %mul3A_619 = arith.mulf %get3A_618, %gather3A_608 : vector<16xf32>
        %swap3A_620 = arith.index_cast %add3A_600 : i32 to index
        %swap3A_621 = arith.constant 16 : index
        %swap3A_622 = tpu.vector_load %arg10[%swap3A_620, %swap3A_621] {strides = array<i32>} : memref<256x64xf32, #tpu.memory_space<vmem>>, vector<16xf32>,
        tpu.vector_store %arg10[%swap3A_620, %swap3A_621], %mul3A_619 {strides = array<i32>} : memref<256x64xf32, #tpu.memory_space<vmem>>, vector<16xf32>,
        %add3A_623 = arith.constant 1 : i32
        %add3A_624 = arith.addi %add3A_603, %add3A_623 : i32
        %add3A_625 = vector.broadcast %add3A_624 : i32 to vector<16xi32>
        %add3A_626 = arith.addi %add3A_625, %mul3A_7 : vector<16xi32>
        %gather3A_627 = tpu.vector_load_idx %arg12[%add3A_626] : memref<2048xf32, #tpu.memory_space<vmem>>[vector<16xi32>], vector<16xf32>,
        %get3A_628 = arith.index_cast %add3A_600 : i32 to index
        %get3A_629 = arith.constant 32 : index
        %get3A_630 = tpu.vector_load %arg10[%get3A_628, %get3A_629] {strides = array<i32>} : memref<256x64xf32, #tpu.memory_space<vmem>>, vector<16xf32>,
        %mul3A_631 = arith.mulf %get3A_630, %gather3A_627 : vector<16xf32>
        %swap3A_632 = arith.index_cast %add3A_600 : i32 to index
        %swap3A_633 = arith.constant 32 : index
        %swap3A_634 = tpu.vector_load %arg10[%swap3A_632, %swap3A_633] {strides = array<i32>} : memref<256x64xf32, #tpu.memory_space<vmem>>, vector<16xf32>,
        tpu.vector_store %arg10[%swap3A_632, %swap3A_633], %mul3A_631 {strides = array<i32>} : memref<256x64xf32, #tpu.memory_space<vmem>>, vector<16xf32>,
        %get3A_635 = arith.index_cast %add3A_600 : i32 to index
        %get3A_636 = arith.constant 48 : index
        %get3A_637 = tpu.vector_load %arg10[%get3A_635, %get3A_636] {strides = array<i32>} : memref<256x64xf32, #tpu.memory_space<vmem>>, vector<16xf32>,
        %mul3A_638 = arith.mulf %get3A_637, %gather3A_627 : vector<16xf32>
        %swap3A_639 = arith.index_cast %add3A_600 : i32 to index
        %swap3A_640 = arith.constant 48 : index
        %swap3A_641 = tpu.vector_load %arg10[%swap3A_639, %swap3A_640] {strides = array<i32>} : memref<256x64xf32, #tpu.memory_space<vmem>>, vector<16xf32>,
        tpu.vector_store %arg10[%swap3A_639, %swap3A_640], %mul3A_638 {strides = array<i32>} : memref<256x64xf32, #tpu.memory_space<vmem>>, vector<16xf32>,
        %scan3A_642 = arith.constant 5 : i32
        %scan3A_643 = arith.addi %scan3A_411, %scan3A_642 : i32
        %mul3A_644 = arith.constant 1 : i32
        %mul3A_645 = arith.muli %scan3A_643, %mul3A_644 : i32
        %add3A_646 = arith.constant 0 : i32
        %add3A_647 = arith.addi %add3A_646, %mul3A_645 : i32
        %mul3A_648 = arith.constant 8 : i32
        %mul3A_649 = arith.muli %mul3A_648, %add3A_647 : i32
        %add3A_650 = arith.addi %mul3A_649, %add3A_22 : i32
        %add3A_651 = arith.constant 0 : i32
        %add3A_652 = arith.addi %add3A_650, %add3A_651 : i32
        %add3A_653 = vector.broadcast %add3A_652 : i32 to vector<16xi32>
        %add3A_654 = arith.addi %add3A_653, %mul3A_7 : vector<16xi32>
        %gather3A_655 = tpu.vector_load_idx %arg12[%add3A_654] : memref<2048xf32, #tpu.memory_space<vmem>>[vector<16xi32>], vector<16xf32>,
        %get3A_656 = arith.index_cast %add3A_647 : i32 to index
        %get3A_657 = arith.constant 0 : index
        %get3A_658 = tpu.vector_load %arg10[%get3A_656, %get3A_657] {strides = array<i32>} : memref<256x64xf32, #tpu.memory_space<vmem>>, vector<16xf32>,
        %mul3A_659 = arith.mulf %get3A_658, %gather3A_655 : vector<16xf32>
        %swap3A_660 = arith.index_cast %add3A_647 : i32 to index
        %swap3A_661 = arith.constant 0 : index
        %swap3A_662 = tpu.vector_load %arg10[%swap3A_660, %swap3A_661] {strides = array<i32>} : memref<256x64xf32, #tpu.memory_space<vmem>>, vector<16xf32>,
        tpu.vector_store %arg10[%swap3A_660, %swap3A_661], %mul3A_659 {strides = array<i32>} : memref<256x64xf32, #tpu.memory_space<vmem>>, vector<16xf32>,
        %get3A_663 = arith.index_cast %add3A_647 : i32 to index
        %get3A_664 = arith.constant 16 : index
        %get3A_665 = tpu.vector_load %arg10[%get3A_663, %get3A_664] {strides = array<i32>} : memref<256x64xf32, #tpu.memory_space<vmem>>, vector<16xf32>,
        %mul3A_666 = arith.mulf %get3A_665, %gather3A_655 : vector<16xf32>
        %swap3A_667 = arith.index_cast %add3A_647 : i32 to index
        %swap3A_668 = arith.constant 16 : index
        %swap3A_669 = tpu.vector_load %arg10[%swap3A_667, %swap3A_668] {strides = array<i32>} : memref<256x64xf32, #tpu.memory_space<vmem>>, vector<16xf32>,
        tpu.vector_store %arg10[%swap3A_667, %swap3A_668], %mul3A_666 {strides = array<i32>} : memref<256x64xf32, #tpu.memory_space<vmem>>, vector<16xf32>,
        %add3A_670 = arith.constant 1 : i32
        %add3A_671 = arith.addi %add3A_650, %add3A_670 : i32
        %add3A_672 = vector.broadcast %add3A_671 : i32 to vector<16xi32>
        %add3A_673 = arith.addi %add3A_672, %mul3A_7 : vector<16xi32>
        %gather3A_674 = tpu.vector_load_idx %arg12[%add3A_673] : memref<2048xf32, #tpu.memory_space<vmem>>[vector<16xi32>], vector<16xf32>,
        %get3A_675 = arith.index_cast %add3A_647 : i32 to index
        %get3A_676 = arith.constant 32 : index
        %get3A_677 = tpu.vector_load %arg10[%get3A_675, %get3A_676] {strides = array<i32>} : memref<256x64xf32, #tpu.memory_space<vmem>>, vector<16xf32>,
        %mul3A_678 = arith.mulf %get3A_677, %gather3A_674 : vector<16xf32>
        %swap3A_679 = arith.index_cast %add3A_647 : i32 to index
        %swap3A_680 = arith.constant 32 : index
        %swap3A_681 = tpu.vector_load %arg10[%swap3A_679, %swap3A_680] {strides = array<i32>} : memref<256x64xf32, #tpu.memory_space<vmem>>, vector<16xf32>,
        tpu.vector_store %arg10[%swap3A_679, %swap3A_680], %mul3A_678 {strides = array<i32>} : memref<256x64xf32, #tpu.memory_space<vmem>>, vector<16xf32>,
        %get3A_682 = arith.index_cast %add3A_647 : i32 to index
        %get3A_683 = arith.constant 48 : index
        %get3A_684 = tpu.vector_load %arg10[%get3A_682, %get3A_683] {strides = array<i32>} : memref<256x64xf32, #tpu.memory_space<vmem>>, vector<16xf32>,
        %mul3A_685 = arith.mulf %get3A_684, %gather3A_674 : vector<16xf32>
        %swap3A_686 = arith.index_cast %add3A_647 : i32 to index
        %swap3A_687 = arith.constant 48 : index
        %swap3A_688 = tpu.vector_load %arg10[%swap3A_686, %swap3A_687] {strides = array<i32>} : memref<256x64xf32, #tpu.memory_space<vmem>>, vector<16xf32>,
        tpu.vector_store %arg10[%swap3A_686, %swap3A_687], %mul3A_685 {strides = array<i32>} : memref<256x64xf32, #tpu.memory_space<vmem>>, vector<16xf32>,
        %scan3A_689 = arith.constant 6 : i32
        %scan3A_690 = arith.addi %scan3A_411, %scan3A_689 : i32
        %mul3A_691 = arith.constant 1 : i32
        %mul3A_692 = arith.muli %scan3A_690, %mul3A_691 : i32
        %add3A_693 = arith.constant 0 : i32
        %add3A_694 = arith.addi %add3A_693, %mul3A_692 : i32
        %mul3A_695 = arith.constant 8 : i32
        %mul3A_696 = arith.muli %mul3A_695, %add3A_694 : i32
        %add3A_697 = arith.addi %mul3A_696, %add3A_22 : i32
        %add3A_698 = arith.constant 0 : i32
        %add3A_699 = arith.addi %add3A_697, %add3A_698 : i32
        %add3A_700 = vector.broadcast %add3A_699 : i32 to vector<16xi32>
        %add3A_701 = arith.addi %add3A_700, %mul3A_7 : vector<16xi32>
        %gather3A_702 = tpu.vector_load_idx %arg12[%add3A_701] : memref<2048xf32, #tpu.memory_space<vmem>>[vector<16xi32>], vector<16xf32>,
        %get3A_703 = arith.index_cast %add3A_694 : i32 to index
        %get3A_704 = arith.constant 0 : index
        %get3A_705 = tpu.vector_load %arg10[%get3A_703, %get3A_704] {strides = array<i32>} : memref<256x64xf32, #tpu.memory_space<vmem>>, vector<16xf32>,
        %mul3A_706 = arith.mulf %get3A_705, %gather3A_702 : vector<16xf32>
        %swap3A_707 = arith.index_cast %add3A_694 : i32 to index
        %swap3A_708 = arith.constant 0 : index
        %swap3A_709 = tpu.vector_load %arg10[%swap3A_707, %swap3A_708] {strides = array<i32>} : memref<256x64xf32, #tpu.memory_space<vmem>>, vector<16xf32>,
        tpu.vector_store %arg10[%swap3A_707, %swap3A_708], %mul3A_706 {strides = array<i32>} : memref<256x64xf32, #tpu.memory_space<vmem>>, vector<16xf32>,
        %get3A_710 = arith.index_cast %add3A_694 : i32 to index
        %get3A_711 = arith.constant 16 : index
        %get3A_712 = tpu.vector_load %arg10[%get3A_710, %get3A_711] {strides = array<i32>} : memref<256x64xf32, #tpu.memory_space<vmem>>, vector<16xf32>,
        %mul3A_713 = arith.mulf %get3A_712, %gather3A_702 : vector<16xf32>
        %swap3A_714 = arith.index_cast %add3A_694 : i32 to index
        %swap3A_715 = arith.constant 16 : index
        %swap3A_716 = tpu.vector_load %arg10[%swap3A_714, %swap3A_715] {strides = array<i32>} : memref<256x64xf32, #tpu.memory_space<vmem>>, vector<16xf32>,
        tpu.vector_store %arg10[%swap3A_714, %swap3A_715], %mul3A_713 {strides = array<i32>} : memref<256x64xf32, #tpu.memory_space<vmem>>, vector<16xf32>,
        %add3A_717 = arith.constant 1 : i32
        %add3A_718 = arith.addi %add3A_697, %add3A_717 : i32
        %add3A_719 = vector.broadcast %add3A_718 : i32 to vector<16xi32>
        %add3A_720 = arith.addi %add3A_719, %mul3A_7 : vector<16xi32>
        %gather3A_721 = tpu.vector_load_idx %arg12[%add3A_720] : memref<2048xf32, #tpu.memory_space<vmem>>[vector<16xi32>], vector<16xf32>,
        %get3A_722 = arith.index_cast %add3A_694 : i32 to index
        %get3A_723 = arith.constant 32 : index
        %get3A_724 = tpu.vector_load %arg10[%get3A_722, %get3A_723] {strides = array<i32>} : memref<256x64xf32, #tpu.memory_space<vmem>>, vector<16xf32>,
        %mul3A_725 = arith.mulf %get3A_724, %gather3A_721 : vector<16xf32>
        %swap3A_726 = arith.index_cast %add3A_694 : i32 to index
        %swap3A_727 = arith.constant 32 : index
        %swap3A_728 = tpu.vector_load %arg10[%swap3A_726, %swap3A_727] {strides = array<i32>} : memref<256x64xf32, #tpu.memory_space<vmem>>, vector<16xf32>,
        tpu.vector_store %arg10[%swap3A_726, %swap3A_727], %mul3A_725 {strides = array<i32>} : memref<256x64xf32, #tpu.memory_space<vmem>>, vector<16xf32>,
        %get3A_729 = arith.index_cast %add3A_694 : i32 to index
        %get3A_730 = arith.constant 48 : index
        %get3A_731 = tpu.vector_load %arg10[%get3A_729, %get3A_730] {strides = array<i32>} : memref<256x64xf32, #tpu.memory_space<vmem>>, vector<16xf32>,
        %mul3A_732 = arith.mulf %get3A_731, %gather3A_721 : vector<16xf32>
        %swap3A_733 = arith.index_cast %add3A_694 : i32 to index
        %swap3A_734 = arith.constant 48 : index
        %swap3A_735 = tpu.vector_load %arg10[%swap3A_733, %swap3A_734] {strides = array<i32>} : memref<256x64xf32, #tpu.memory_space<vmem>>, vector<16xf32>,
        tpu.vector_store %arg10[%swap3A_733, %swap3A_734], %mul3A_732 {strides = array<i32>} : memref<256x64xf32, #tpu.memory_space<vmem>>, vector<16xf32>,
        %scan3A_736 = arith.constant 7 : i32
        %scan3A_737 = arith.addi %scan3A_411, %scan3A_736 : i32
        %mul3A_738 = arith.constant 1 : i32
        %mul3A_739 = arith.muli %scan3A_737, %mul3A_738 : i32
        %add3A_740 = arith.constant 0 : i32
        %add3A_741 = arith.addi %add3A_740, %mul3A_739 : i32
        %mul3A_742 = arith.constant 8 : i32
        %mul3A_743 = arith.muli %mul3A_742, %add3A_741 : i32
        %add3A_744 = arith.addi %mul3A_743, %add3A_22 : i32
        %add3A_745 = arith.constant 0 : i32
        %add3A_746 = arith.addi %add3A_744, %add3A_745 : i32
        %add3A_747 = vector.broadcast %add3A_746 : i32 to vector<16xi32>
        %add3A_748 = arith.addi %add3A_747, %mul3A_7 : vector<16xi32>
        %gather3A_749 = tpu.vector_load_idx %arg12[%add3A_748] : memref<2048xf32, #tpu.memory_space<vmem>>[vector<16xi32>], vector<16xf32>,
        %get3A_750 = arith.index_cast %add3A_741 : i32 to index
        %get3A_751 = arith.constant 0 : index
        %get3A_752 = tpu.vector_load %arg10[%get3A_750, %get3A_751] {strides = array<i32>} : memref<256x64xf32, #tpu.memory_space<vmem>>, vector<16xf32>,
        %mul3A_753 = arith.mulf %get3A_752, %gather3A_749 : vector<16xf32>
        %swap3A_754 = arith.index_cast %add3A_741 : i32 to index
        %swap3A_755 = arith.constant 0 : index
        %swap3A_756 = tpu.vector_load %arg10[%swap3A_754, %swap3A_755] {strides = array<i32>} : memref<256x64xf32, #tpu.memory_space<vmem>>, vector<16xf32>,
        tpu.vector_store %arg10[%swap3A_754, %swap3A_755], %mul3A_753 {strides = array<i32>} : memref<256x64xf32, #tpu.memory_space<vmem>>, vector<16xf32>,
        %get3A_757 = arith.index_cast %add3A_741 : i32 to index
        %get3A_758 = arith.constant 16 : index
        %get3A_759 = tpu.vector_load %arg10[%get3A_757, %get3A_758] {strides = array<i32>} : memref<256x64xf32, #tpu.memory_space<vmem>>, vector<16xf32>,
        %mul3A_760 = arith.mulf %get3A_759, %gather3A_749 : vector<16xf32>
        %swap3A_761 = arith.index_cast %add3A_741 : i32 to index
        %swap3A_762 = arith.constant 16 : index
        %swap3A_763 = tpu.vector_load %arg10[%swap3A_761, %swap3A_762] {strides = array<i32>} : memref<256x64xf32, #tpu.memory_space<vmem>>, vector<16xf32>,
        tpu.vector_store %arg10[%swap3A_761, %swap3A_762], %mul3A_760 {strides = array<i32>} : memref<256x64xf32, #tpu.memory_space<vmem>>, vector<16xf32>,
        %add3A_764 = arith.constant 1 : i32
        %add3A_765 = arith.addi %add3A_744, %add3A_764 : i32
        %add3A_766 = vector.broadcast %add3A_765 : i32 to vector<16xi32>
        %add3A_767 = arith.addi %add3A_766, %mul3A_7 : vector<16xi32>
        %gather3A_768 = tpu.vector_load_idx %arg12[%add3A_767] : memref<2048xf32, #tpu.memory_space<vmem>>[vector<16xi32>], vector<16xf32>,
        %get3A_769 = arith.index_cast %add3A_741 : i32 to index
        %get3A_770 = arith.constant 32 : index
        %get3A_771 = tpu.vector_load %arg10[%get3A_769, %get3A_770] {strides = array<i32>} : memref<256x64xf32, #tpu.memory_space<vmem>>, vector<16xf32>,
        %mul3A_772 = arith.mulf %get3A_771, %gather3A_768 : vector<16xf32>
        %swap3A_773 = arith.index_cast %add3A_741 : i32 to index
        %swap3A_774 = arith.constant 32 : index
        %swap3A_775 = tpu.vector_load %arg10[%swap3A_773, %swap3A_774] {strides = array<i32>} : memref<256x64xf32, #tpu.memory_space<vmem>>, vector<16xf32>,
        tpu.vector_store %arg10[%swap3A_773, %swap3A_774], %mul3A_772 {strides = array<i32>} : memref<256x64xf32, #tpu.memory_space<vmem>>, vector<16xf32>,
        %get3A_776 = arith.index_cast %add3A_741 : i32 to index
        %get3A_777 = arith.constant 48 : index
        %get3A_778 = tpu.vector_load %arg10[%get3A_776, %get3A_777] {strides = array<i32>} : memref<256x64xf32, #tpu.memory_space<vmem>>, vector<16xf32>,
        %mul3A_779 = arith.mulf %get3A_778, %gather3A_768 : vector<16xf32>
        %swap3A_780 = arith.index_cast %add3A_741 : i32 to index
        %swap3A_781 = arith.constant 48 : index
        %swap3A_782 = tpu.vector_load %arg10[%swap3A_780, %swap3A_781] {strides = array<i32>} : memref<256x64xf32, #tpu.memory_space<vmem>>, vector<16xf32>,
        tpu.vector_store %arg10[%swap3A_780, %swap3A_781], %mul3A_779 {strides = array<i32>} : memref<256x64xf32, #tpu.memory_space<vmem>>, vector<16xf32>,
      }
      %scan3A_295 = arith.constant 256 : i32
      %mul3A_296 = arith.constant 2 : i32
      %mul3A_297 = arith.muli %mul3A_296, %mul3A_261 : i32
      "tpu.region"() ({
        %run_scoped3A = tpu.sem_alloc : memref<!tpu.dma_semaphore, #tpu.memory_space<semaphore_mem>>
        %dma_start3A_411 = arith.constant 0 : i32
        %dma_start3A_412 = arith.constant 0 : i32
        %dma_start3A_413 = tpu.memref_slice %arg10[%dma_start3A_411, %dma_start3A_412] : memref<256x64xf32, #tpu.memory_space<vmem>> -> memref<128x64xf32, #tpu.memory_space<vmem>>
        %dma_start3A_414 = arith.constant 0 : i32
        %dma_start3A_415 = tpu.memref_slice %arg8[%mul3A_297, %dma_start3A_414] : memref<80x128xi32, #tpu.memory_space<vmem>> -> memref<1x128xi32, #tpu.memory_space<vmem>>
        %dma_start3A_416 = tpu.memref_squeeze %dma_start3A_415 : memref<1x128xi32, #tpu.memory_space<vmem>> -> memref<128xi32, #tpu.memory_space<vmem>>
        %dma_start3A_417 = arith.constant 0 : i32
        %dma_start3A_418 = arith.constant 0 : i32
        %dma_start3A_419 = tpu.memref_slice %arg14[%dma_start3A_417, %dma_start3A_418] : memref<10240x64xf32, #tpu.memory_space<vmem_shared>> -> memref<10240x64xf32, #tpu.memory_space<vmem_shared>>
        tpu.enqueue_indirect_dma source(%dma_start3A_413 : memref<128x64xf32, #tpu.memory_space<vmem>>) target(%dma_start3A_419 : memref<10240x64xf32, #tpu.memory_space<vmem_shared>>) offsets(%dma_start3A_416 : memref<128xi32, #tpu.memory_space<vmem>>) semaphore(%run_scoped3A : memref<!tpu.dma_semaphore, #tpu.memory_space<semaphore_mem>>) {add = true}
        %dma_wait3A_420 = arith.constant 0 : i32
        %dma_wait3A_421 = arith.constant 0 : i32
        %dma_wait3A_422 = tpu.memref_slice %arg10[%dma_wait3A_420, %dma_wait3A_421] : memref<256x64xf32, #tpu.memory_space<vmem>> -> memref<128x64xf32, #tpu.memory_space<vmem>>
        %dma_wait3A_423 = arith.constant 0 : i32
        %dma_wait3A_424 = tpu.memref_slice %arg8[%mul3A_297, %dma_wait3A_423] : memref<80x128xi32, #tpu.memory_space<vmem>> -> memref<1x128xi32, #tpu.memory_space<vmem>>
        %dma_wait3A_425 = tpu.memref_squeeze %dma_wait3A_424 : memref<1x128xi32, #tpu.memory_space<vmem>> -> memref<128xi32, #tpu.memory_space<vmem>>
        %dma_wait3A_426 = arith.constant 0 : i32
        %dma_wait3A_427 = arith.constant 0 : i32
        %dma_wait3A_428 = tpu.memref_slice %arg14[%dma_wait3A_426, %dma_wait3A_427] : memref<10240x64xf32, #tpu.memory_space<vmem_shared>> -> memref<10240x64xf32, #tpu.memory_space<vmem_shared>>
        tpu.wait_indirect_dma semaphore(%run_scoped3A : memref<!tpu.dma_semaphore, #tpu.memory_space<semaphore_mem>>) src(%dma_wait3A_422 : memref<128x64xf32, #tpu.memory_space<vmem>>) dst(%dma_wait3A_428 : memref<10240x64xf32, #tpu.memory_space<vmem_shared>>)
        tpu.yield
      }) : () -> ()
      %mul3A_298 = arith.constant 2 : i32
      %mul3A_299 = arith.muli %mul3A_298, %mul3A_261 : i32
      %add3A_300 = arith.constant 1 : i32
      %add3A_301 = arith.addi %mul3A_299, %add3A_300 : i32
      "tpu.region"() ({
        %run_scoped3A = tpu.sem_alloc : memref<!tpu.dma_semaphore, #tpu.memory_space<semaphore_mem>>
        %dma_start3A_411 = arith.constant 128 : i32
        %dma_start3A_412 = arith.constant 0 : i32
        %dma_start3A_413 = tpu.memref_slice %arg10[%dma_start3A_411, %dma_start3A_412] : memref<256x64xf32, #tpu.memory_space<vmem>> -> memref<128x64xf32, #tpu.memory_space<vmem>>
        %dma_start3A_414 = arith.constant 0 : i32
        %dma_start3A_415 = tpu.memref_slice %arg8[%add3A_301, %dma_start3A_414] : memref<80x128xi32, #tpu.memory_space<vmem>> -> memref<1x128xi32, #tpu.memory_space<vmem>>
        %dma_start3A_416 = tpu.memref_squeeze %dma_start3A_415 : memref<1x128xi32, #tpu.memory_space<vmem>> -> memref<128xi32, #tpu.memory_space<vmem>>
        %dma_start3A_417 = arith.constant 0 : i32
        %dma_start3A_418 = arith.constant 0 : i32
        %dma_start3A_419 = tpu.memref_slice %arg14[%dma_start3A_417, %dma_start3A_418] : memref<10240x64xf32, #tpu.memory_space<vmem_shared>> -> memref<10240x64xf32, #tpu.memory_space<vmem_shared>>
        tpu.enqueue_indirect_dma source(%dma_start3A_413 : memref<128x64xf32, #tpu.memory_space<vmem>>) target(%dma_start3A_419 : memref<10240x64xf32, #tpu.memory_space<vmem_shared>>) offsets(%dma_start3A_416 : memref<128xi32, #tpu.memory_space<vmem>>) semaphore(%run_scoped3A : memref<!tpu.dma_semaphore, #tpu.memory_space<semaphore_mem>>) {add = true}
        %dma_wait3A_420 = arith.constant 128 : i32
        %dma_wait3A_421 = arith.constant 0 : i32
        %dma_wait3A_422 = tpu.memref_slice %arg10[%dma_wait3A_420, %dma_wait3A_421] : memref<256x64xf32, #tpu.memory_space<vmem>> -> memref<128x64xf32, #tpu.memory_space<vmem>>
        %dma_wait3A_423 = arith.constant 0 : i32
        %dma_wait3A_424 = tpu.memref_slice %arg8[%add3A_301, %dma_wait3A_423] : memref<80x128xi32, #tpu.memory_space<vmem>> -> memref<1x128xi32, #tpu.memory_space<vmem>>
        %dma_wait3A_425 = tpu.memref_squeeze %dma_wait3A_424 : memref<1x128xi32, #tpu.memory_space<vmem>> -> memref<128xi32, #tpu.memory_space<vmem>>
        %dma_wait3A_426 = arith.constant 0 : i32
        %dma_wait3A_427 = arith.constant 0 : i32
        %dma_wait3A_428 = tpu.memref_slice %arg14[%dma_wait3A_426, %dma_wait3A_427] : memref<10240x64xf32, #tpu.memory_space<vmem_shared>> -> memref<10240x64xf32, #tpu.memory_space<vmem_shared>>
        tpu.wait_indirect_dma semaphore(%run_scoped3A : memref<!tpu.dma_semaphore, #tpu.memory_space<semaphore_mem>>) src(%dma_wait3A_422 : memref<128x64xf32, #tpu.memory_space<vmem>>) dst(%dma_wait3A_428 : memref<10240x64xf32, #tpu.memory_space<vmem_shared>>)
        tpu.yield
      }) : () -> ()
      %add3A_302 = arith.constant 2 : i32
      %add3A_303 = arith.addi %mul3A_261, %add3A_302 : i32
      %min3A = arith.constant 39 : i32
      %min3A_304 = arith.minsi %add3A_303, %min3A : i32
      %mul3A_305 = arith.constant 256 : i32
      %mul3A_306 = arith.muli %mul3A_305, %min3A_304 : i32
      %mul3A_307 = arith.constant 256 : i32
      %mul3A_308 = arith.muli %mul3A_307, %min3A_304 : i32
      %add3A_309 = arith.constant 128 : i32
      %add3A_310 = arith.addi %mul3A_308, %add3A_309 : i32
      %mul3A_311 = arith.constant 80 : i32
      %mul3A_312 = arith.muli %arg1, %mul3A_311 : i32
      %mul3A_313 = arith.constant 2 : i32
      %mul3A_314 = arith.muli %mul3A_313, %min3A_304 : i32
      %add3A_315 = arith.addi %mul3A_312, %mul3A_314 : i32
      %mul3A_316 = arith.constant 1024 : i32
      %mul3A_317 = arith.muli %add3A_315, %mul3A_316 : i32
      %dma_start3A_318 = arith.constant 0 : i32
      %dma_start3A_319 = arith.constant 0 : i32
      %dma_start3A_320 = tpu.memref_slice %arg10[%dma_start3A_318, %dma_start3A_319] : memref<256x64xf32, #tpu.memory_space<vmem>> -> memref<128x64xf32, #tpu.memory_space<vmem>>
      %dma_start3A_321 = tpu.memref_slice %arg9[%mul3A_306] : memref<10240xi32, #tpu.memory_space<vmem>> -> memref<128xi32, #tpu.memory_space<vmem>>
      %dma_start3A_322 = arith.constant 0 : i32
      %dma_start3A_323 = arith.constant 0 : i32
      %dma_start3A_324 = tpu.memref_slice %arg5[%dma_start3A_322, %dma_start3A_323] : memref<40960x64xf32, #tpu.memory_space<hbm>> -> memref<40960x64xf32, #tpu.memory_space<hbm>>
      tpu.enqueue_indirect_dma source(%dma_start3A_324 : memref<40960x64xf32, #tpu.memory_space<hbm>>) target(%dma_start3A_320 : memref<128x64xf32, #tpu.memory_space<vmem>>) offsets(%dma_start3A_321 : memref<128xi32, #tpu.memory_space<vmem>>) semaphore(%arg15 : memref<!tpu.dma_semaphore, #tpu.memory_space<semaphore_mem>>)
      %dma_start3A_325 = arith.constant 128 : i32
      %dma_start3A_326 = arith.constant 0 : i32
      %dma_start3A_327 = tpu.memref_slice %arg10[%dma_start3A_325, %dma_start3A_326] : memref<256x64xf32, #tpu.memory_space<vmem>> -> memref<128x64xf32, #tpu.memory_space<vmem>>
      %dma_start3A_328 = tpu.memref_slice %arg9[%add3A_310] : memref<10240xi32, #tpu.memory_space<vmem>> -> memref<128xi32, #tpu.memory_space<vmem>>
      %dma_start3A_329 = arith.constant 0 : i32
      %dma_start3A_330 = arith.constant 0 : i32
      %dma_start3A_331 = tpu.memref_slice %arg5[%dma_start3A_329, %dma_start3A_330] : memref<40960x64xf32, #tpu.memory_space<hbm>> -> memref<40960x64xf32, #tpu.memory_space<hbm>>
      tpu.enqueue_indirect_dma source(%dma_start3A_331 : memref<40960x64xf32, #tpu.memory_space<hbm>>) target(%dma_start3A_327 : memref<128x64xf32, #tpu.memory_space<vmem>>) offsets(%dma_start3A_328 : memref<128xi32, #tpu.memory_space<vmem>>) semaphore(%arg15 : memref<!tpu.dma_semaphore, #tpu.memory_space<semaphore_mem>>)
      %dma_start3A_332 = tpu.memref_slice %arg4[%mul3A_317] : memref<1310720xf32, #tpu.memory_space<hbm>> -> memref<2048xf32, #tpu.memory_space<hbm>>
      %dma_start3A_333 = tpu.memref_slice %arg4[%mul3A_317] : memref<1310720xf32, #tpu.memory_space<hbm>> -> memref<2048xf32, #tpu.memory_space<hbm>>
      tpu.enqueue_dma source(%dma_start3A_333 : memref<2048xf32, #tpu.memory_space<hbm>>) target(%arg12 : memref<2048xf32, #tpu.memory_space<vmem>>) target_semaphore(%arg15 : memref<!tpu.dma_semaphore, #tpu.memory_space<semaphore_mem>>)
      %mul3A_334 = arith.constant 2 : i32
      %mul3A_335 = arith.muli %mul3A_334, %add3A_259 : i32
      %add3A_336 = arith.constant 1 : i32
      %add3A_337 = arith.addi %mul3A_335, %add3A_336 : i32
      %mul3A_338 = arith.constant 256 : i32
      %mul3A_339 = arith.muli %mul3A_338, %add3A_337 : i32
      %mul3A_340 = arith.constant 256 : i32
      %mul3A_341 = arith.muli %mul3A_340, %add3A_337 : i32
      %add3A_342 = arith.constant 128 : i32
      %add3A_343 = arith.addi %mul3A_341, %add3A_342 : i32
      %mul3A_344 = arith.constant 80 : i32
      %mul3A_345 = arith.muli %arg1, %mul3A_344 : i32
      %mul3A_346 = arith.constant 2 : i32
      %mul3A_347 = arith.muli %mul3A_346, %add3A_337 : i32
      %add3A_348 = arith.addi %mul3A_345, %mul3A_347 : i32
      %mul3A_349 = arith.constant 1024 : i32
      %mul3A_350 = arith.muli %add3A_348, %mul3A_349 : i32
      %dma_wait3A_351 = arith.constant 0 : i32
      %dma_wait3A_352 = arith.constant 0 : i32
      %dma_wait3A_353 = tpu.memref_slice %arg11[%dma_wait3A_351, %dma_wait3A_352] : memref<256x64xf32, #tpu.memory_space<vmem>> -> memref<128x64xf32, #tpu.memory_space<vmem>>
      %dma_wait3A_354 = tpu.memref_slice %arg9[%mul3A_339] : memref<10240xi32, #tpu.memory_space<vmem>> -> memref<128xi32, #tpu.memory_space<vmem>>
      %dma_wait3A_355 = arith.constant 0 : i32
      %dma_wait3A_356 = arith.constant 0 : i32
      %dma_wait3A_357 = tpu.memref_slice %arg5[%dma_wait3A_355, %dma_wait3A_356] : memref<40960x64xf32, #tpu.memory_space<hbm>> -> memref<40960x64xf32, #tpu.memory_space<hbm>>
      tpu.wait_indirect_dma semaphore(%arg16 : memref<!tpu.dma_semaphore, #tpu.memory_space<semaphore_mem>>) src(%dma_wait3A_357 : memref<40960x64xf32, #tpu.memory_space<hbm>>) dst(%dma_wait3A_353 : memref<128x64xf32, #tpu.memory_space<vmem>>)
      %dma_wait3A_358 = arith.constant 128 : i32
      %dma_wait3A_359 = arith.constant 0 : i32
      %dma_wait3A_360 = tpu.memref_slice %arg11[%dma_wait3A_358, %dma_wait3A_359] : memref<256x64xf32, #tpu.memory_space<vmem>> -> memref<128x64xf32, #tpu.memory_space<vmem>>
      %dma_wait3A_361 = tpu.memref_slice %arg9[%add3A_343] : memref<10240xi32, #tpu.memory_space<vmem>> -> memref<128xi32, #tpu.memory_space<vmem>>
      %dma_wait3A_362 = arith.constant 0 : i32
      %dma_wait3A_363 = arith.constant 0 : i32
      %dma_wait3A_364 = tpu.memref_slice %arg5[%dma_wait3A_362, %dma_wait3A_363] : memref<40960x64xf32, #tpu.memory_space<hbm>> -> memref<40960x64xf32, #tpu.memory_space<hbm>>
      tpu.wait_indirect_dma semaphore(%arg16 : memref<!tpu.dma_semaphore, #tpu.memory_space<semaphore_mem>>) src(%dma_wait3A_364 : memref<40960x64xf32, #tpu.memory_space<hbm>>) dst(%dma_wait3A_360 : memref<128x64xf32, #tpu.memory_space<vmem>>)
      %dma_wait3A_365 = tpu.memref_slice %arg4[%mul3A_350] : memref<1310720xf32, #tpu.memory_space<hbm>> -> memref<2048xf32, #tpu.memory_space<hbm>>
      %dma_wait3A_366 = tpu.memref_slice %arg4[%mul3A_350] : memref<1310720xf32, #tpu.memory_space<hbm>> -> memref<2048xf32, #tpu.memory_space<hbm>>
      tpu.wait_dma2 semaphore(%arg16 : memref<!tpu.dma_semaphore, #tpu.memory_space<semaphore_mem>>) src(%dma_wait3A_366 : memref<2048xf32, #tpu.memory_space<hbm>>) dst(%arg13 : memref<2048xf32, #tpu.memory_space<vmem>>)
      %scan3A_367 = arith.constant 0 : i32
      %scan3A_368 = arith.constant 256 : i32
      %scan3A_369 = arith.addi %scan3A_367, %scan3A_368 : i32
      %scan3A_370 = arith.constant 8 : i32
      scf.for %scan3A_411 = %scan3A_367 to %scan3A_369 step %scan3A_370  : i32 {
        %mul3A_412 = arith.constant 1 : i32
        %mul3A_413 = arith.muli %scan3A_411, %mul3A_412 : i32
        %add3A_414 = arith.constant 0 : i32
        %add3A_415 = arith.addi %add3A_414, %mul3A_413 : i32
        %mul3A_416 = arith.constant 8 : i32
        %mul3A_417 = arith.muli %mul3A_416, %add3A_415 : i32
        %add3A_418 = arith.addi %mul3A_417, %add3A_22 : i32
        %add3A_419 = arith.constant 0 : i32
        %add3A_420 = arith.addi %add3A_418, %add3A_419 : i32
        %add3A_421 = vector.broadcast %add3A_420 : i32 to vector<16xi32>
        %add3A_422 = arith.addi %add3A_421, %mul3A_7 : vector<16xi32>
        %gather3A = tpu.vector_load_idx %arg13[%add3A_422] : memref<2048xf32, #tpu.memory_space<vmem>>[vector<16xi32>], vector<16xf32>,
        %get3A = arith.index_cast %add3A_415 : i32 to index
        %get3A_423 = arith.constant 0 : index
        %get3A_424 = tpu.vector_load %arg11[%get3A, %get3A_423] {strides = array<i32>} : memref<256x64xf32, #tpu.memory_space<vmem>>, vector<16xf32>,
        %mul3A_425 = arith.mulf %get3A_424, %gather3A : vector<16xf32>
        %swap3A = arith.index_cast %add3A_415 : i32 to index
        %swap3A_426 = arith.constant 0 : index
        %swap3A_427 = tpu.vector_load %arg11[%swap3A, %swap3A_426] {strides = array<i32>} : memref<256x64xf32, #tpu.memory_space<vmem>>, vector<16xf32>,
        tpu.vector_store %arg11[%swap3A, %swap3A_426], %mul3A_425 {strides = array<i32>} : memref<256x64xf32, #tpu.memory_space<vmem>>, vector<16xf32>,
        %get3A_428 = arith.index_cast %add3A_415 : i32 to index
        %get3A_429 = arith.constant 16 : index
        %get3A_430 = tpu.vector_load %arg11[%get3A_428, %get3A_429] {strides = array<i32>} : memref<256x64xf32, #tpu.memory_space<vmem>>, vector<16xf32>,
        %mul3A_431 = arith.mulf %get3A_430, %gather3A : vector<16xf32>
        %swap3A_432 = arith.index_cast %add3A_415 : i32 to index
        %swap3A_433 = arith.constant 16 : index
        %swap3A_434 = tpu.vector_load %arg11[%swap3A_432, %swap3A_433] {strides = array<i32>} : memref<256x64xf32, #tpu.memory_space<vmem>>, vector<16xf32>,
        tpu.vector_store %arg11[%swap3A_432, %swap3A_433], %mul3A_431 {strides = array<i32>} : memref<256x64xf32, #tpu.memory_space<vmem>>, vector<16xf32>,
        %add3A_435 = arith.constant 1 : i32
        %add3A_436 = arith.addi %add3A_418, %add3A_435 : i32
        %add3A_437 = vector.broadcast %add3A_436 : i32 to vector<16xi32>
        %add3A_438 = arith.addi %add3A_437, %mul3A_7 : vector<16xi32>
        %gather3A_439 = tpu.vector_load_idx %arg13[%add3A_438] : memref<2048xf32, #tpu.memory_space<vmem>>[vector<16xi32>], vector<16xf32>,
        %get3A_440 = arith.index_cast %add3A_415 : i32 to index
        %get3A_441 = arith.constant 32 : index
        %get3A_442 = tpu.vector_load %arg11[%get3A_440, %get3A_441] {strides = array<i32>} : memref<256x64xf32, #tpu.memory_space<vmem>>, vector<16xf32>,
        %mul3A_443 = arith.mulf %get3A_442, %gather3A_439 : vector<16xf32>
        %swap3A_444 = arith.index_cast %add3A_415 : i32 to index
        %swap3A_445 = arith.constant 32 : index
        %swap3A_446 = tpu.vector_load %arg11[%swap3A_444, %swap3A_445] {strides = array<i32>} : memref<256x64xf32, #tpu.memory_space<vmem>>, vector<16xf32>,
        tpu.vector_store %arg11[%swap3A_444, %swap3A_445], %mul3A_443 {strides = array<i32>} : memref<256x64xf32, #tpu.memory_space<vmem>>, vector<16xf32>,
        %get3A_447 = arith.index_cast %add3A_415 : i32 to index
        %get3A_448 = arith.constant 48 : index
        %get3A_449 = tpu.vector_load %arg11[%get3A_447, %get3A_448] {strides = array<i32>} : memref<256x64xf32, #tpu.memory_space<vmem>>, vector<16xf32>,
        %mul3A_450 = arith.mulf %get3A_449, %gather3A_439 : vector<16xf32>
        %swap3A_451 = arith.index_cast %add3A_415 : i32 to index
        %swap3A_452 = arith.constant 48 : index
        %swap3A_453 = tpu.vector_load %arg11[%swap3A_451, %swap3A_452] {strides = array<i32>} : memref<256x64xf32, #tpu.memory_space<vmem>>, vector<16xf32>,
        tpu.vector_store %arg11[%swap3A_451, %swap3A_452], %mul3A_450 {strides = array<i32>} : memref<256x64xf32, #tpu.memory_space<vmem>>, vector<16xf32>,
        %scan3A_454 = arith.constant 1 : i32
        %scan3A_455 = arith.addi %scan3A_411, %scan3A_454 : i32
        %mul3A_456 = arith.constant 1 : i32
        %mul3A_457 = arith.muli %scan3A_455, %mul3A_456 : i32
        %add3A_458 = arith.constant 0 : i32
        %add3A_459 = arith.addi %add3A_458, %mul3A_457 : i32
        %mul3A_460 = arith.constant 8 : i32
        %mul3A_461 = arith.muli %mul3A_460, %add3A_459 : i32
        %add3A_462 = arith.addi %mul3A_461, %add3A_22 : i32
        %add3A_463 = arith.constant 0 : i32
        %add3A_464 = arith.addi %add3A_462, %add3A_463 : i32
        %add3A_465 = vector.broadcast %add3A_464 : i32 to vector<16xi32>
        %add3A_466 = arith.addi %add3A_465, %mul3A_7 : vector<16xi32>
        %gather3A_467 = tpu.vector_load_idx %arg13[%add3A_466] : memref<2048xf32, #tpu.memory_space<vmem>>[vector<16xi32>], vector<16xf32>,
        %get3A_468 = arith.index_cast %add3A_459 : i32 to index
        %get3A_469 = arith.constant 0 : index
        %get3A_470 = tpu.vector_load %arg11[%get3A_468, %get3A_469] {strides = array<i32>} : memref<256x64xf32, #tpu.memory_space<vmem>>, vector<16xf32>,
        %mul3A_471 = arith.mulf %get3A_470, %gather3A_467 : vector<16xf32>
        %swap3A_472 = arith.index_cast %add3A_459 : i32 to index
        %swap3A_473 = arith.constant 0 : index
        %swap3A_474 = tpu.vector_load %arg11[%swap3A_472, %swap3A_473] {strides = array<i32>} : memref<256x64xf32, #tpu.memory_space<vmem>>, vector<16xf32>,
        tpu.vector_store %arg11[%swap3A_472, %swap3A_473], %mul3A_471 {strides = array<i32>} : memref<256x64xf32, #tpu.memory_space<vmem>>, vector<16xf32>,
        %get3A_475 = arith.index_cast %add3A_459 : i32 to index
        %get3A_476 = arith.constant 16 : index
        %get3A_477 = tpu.vector_load %arg11[%get3A_475, %get3A_476] {strides = array<i32>} : memref<256x64xf32, #tpu.memory_space<vmem>>, vector<16xf32>,
        %mul3A_478 = arith.mulf %get3A_477, %gather3A_467 : vector<16xf32>
        %swap3A_479 = arith.index_cast %add3A_459 : i32 to index
        %swap3A_480 = arith.constant 16 : index
        %swap3A_481 = tpu.vector_load %arg11[%swap3A_479, %swap3A_480] {strides = array<i32>} : memref<256x64xf32, #tpu.memory_space<vmem>>, vector<16xf32>,
        tpu.vector_store %arg11[%swap3A_479, %swap3A_480], %mul3A_478 {strides = array<i32>} : memref<256x64xf32, #tpu.memory_space<vmem>>, vector<16xf32>,
        %add3A_482 = arith.constant 1 : i32
        %add3A_483 = arith.addi %add3A_462, %add3A_482 : i32
        %add3A_484 = vector.broadcast %add3A_483 : i32 to vector<16xi32>
        %add3A_485 = arith.addi %add3A_484, %mul3A_7 : vector<16xi32>
        %gather3A_486 = tpu.vector_load_idx %arg13[%add3A_485] : memref<2048xf32, #tpu.memory_space<vmem>>[vector<16xi32>], vector<16xf32>,
        %get3A_487 = arith.index_cast %add3A_459 : i32 to index
        %get3A_488 = arith.constant 32 : index
        %get3A_489 = tpu.vector_load %arg11[%get3A_487, %get3A_488] {strides = array<i32>} : memref<256x64xf32, #tpu.memory_space<vmem>>, vector<16xf32>,
        %mul3A_490 = arith.mulf %get3A_489, %gather3A_486 : vector<16xf32>
        %swap3A_491 = arith.index_cast %add3A_459 : i32 to index
        %swap3A_492 = arith.constant 32 : index
        %swap3A_493 = tpu.vector_load %arg11[%swap3A_491, %swap3A_492] {strides = array<i32>} : memref<256x64xf32, #tpu.memory_space<vmem>>, vector<16xf32>,
        tpu.vector_store %arg11[%swap3A_491, %swap3A_492], %mul3A_490 {strides = array<i32>} : memref<256x64xf32, #tpu.memory_space<vmem>>, vector<16xf32>,
        %get3A_494 = arith.index_cast %add3A_459 : i32 to index
        %get3A_495 = arith.constant 48 : index
        %get3A_496 = tpu.vector_load %arg11[%get3A_494, %get3A_495] {strides = array<i32>} : memref<256x64xf32, #tpu.memory_space<vmem>>, vector<16xf32>,
        %mul3A_497 = arith.mulf %get3A_496, %gather3A_486 : vector<16xf32>
        %swap3A_498 = arith.index_cast %add3A_459 : i32 to index
        %swap3A_499 = arith.constant 48 : index
        %swap3A_500 = tpu.vector_load %arg11[%swap3A_498, %swap3A_499] {strides = array<i32>} : memref<256x64xf32, #tpu.memory_space<vmem>>, vector<16xf32>,
        tpu.vector_store %arg11[%swap3A_498, %swap3A_499], %mul3A_497 {strides = array<i32>} : memref<256x64xf32, #tpu.memory_space<vmem>>, vector<16xf32>,
        %scan3A_501 = arith.constant 2 : i32
        %scan3A_502 = arith.addi %scan3A_411, %scan3A_501 : i32
        %mul3A_503 = arith.constant 1 : i32
        %mul3A_504 = arith.muli %scan3A_502, %mul3A_503 : i32
        %add3A_505 = arith.constant 0 : i32
        %add3A_506 = arith.addi %add3A_505, %mul3A_504 : i32
        %mul3A_507 = arith.constant 8 : i32
        %mul3A_508 = arith.muli %mul3A_507, %add3A_506 : i32
        %add3A_509 = arith.addi %mul3A_508, %add3A_22 : i32
        %add3A_510 = arith.constant 0 : i32
        %add3A_511 = arith.addi %add3A_509, %add3A_510 : i32
        %add3A_512 = vector.broadcast %add3A_511 : i32 to vector<16xi32>
        %add3A_513 = arith.addi %add3A_512, %mul3A_7 : vector<16xi32>
        %gather3A_514 = tpu.vector_load_idx %arg13[%add3A_513] : memref<2048xf32, #tpu.memory_space<vmem>>[vector<16xi32>], vector<16xf32>,
        %get3A_515 = arith.index_cast %add3A_506 : i32 to index
        %get3A_516 = arith.constant 0 : index
        %get3A_517 = tpu.vector_load %arg11[%get3A_515, %get3A_516] {strides = array<i32>} : memref<256x64xf32, #tpu.memory_space<vmem>>, vector<16xf32>,
        %mul3A_518 = arith.mulf %get3A_517, %gather3A_514 : vector<16xf32>
        %swap3A_519 = arith.index_cast %add3A_506 : i32 to index
        %swap3A_520 = arith.constant 0 : index
        %swap3A_521 = tpu.vector_load %arg11[%swap3A_519, %swap3A_520] {strides = array<i32>} : memref<256x64xf32, #tpu.memory_space<vmem>>, vector<16xf32>,
        tpu.vector_store %arg11[%swap3A_519, %swap3A_520], %mul3A_518 {strides = array<i32>} : memref<256x64xf32, #tpu.memory_space<vmem>>, vector<16xf32>,
        %get3A_522 = arith.index_cast %add3A_506 : i32 to index
        %get3A_523 = arith.constant 16 : index
        %get3A_524 = tpu.vector_load %arg11[%get3A_522, %get3A_523] {strides = array<i32>} : memref<256x64xf32, #tpu.memory_space<vmem>>, vector<16xf32>,
        %mul3A_525 = arith.mulf %get3A_524, %gather3A_514 : vector<16xf32>
        %swap3A_526 = arith.index_cast %add3A_506 : i32 to index
        %swap3A_527 = arith.constant 16 : index
        %swap3A_528 = tpu.vector_load %arg11[%swap3A_526, %swap3A_527] {strides = array<i32>} : memref<256x64xf32, #tpu.memory_space<vmem>>, vector<16xf32>,
        tpu.vector_store %arg11[%swap3A_526, %swap3A_527], %mul3A_525 {strides = array<i32>} : memref<256x64xf32, #tpu.memory_space<vmem>>, vector<16xf32>,
        %add3A_529 = arith.constant 1 : i32
        %add3A_530 = arith.addi %add3A_509, %add3A_529 : i32
        %add3A_531 = vector.broadcast %add3A_530 : i32 to vector<16xi32>
        %add3A_532 = arith.addi %add3A_531, %mul3A_7 : vector<16xi32>
        %gather3A_533 = tpu.vector_load_idx %arg13[%add3A_532] : memref<2048xf32, #tpu.memory_space<vmem>>[vector<16xi32>], vector<16xf32>,
        %get3A_534 = arith.index_cast %add3A_506 : i32 to index
        %get3A_535 = arith.constant 32 : index
        %get3A_536 = tpu.vector_load %arg11[%get3A_534, %get3A_535] {strides = array<i32>} : memref<256x64xf32, #tpu.memory_space<vmem>>, vector<16xf32>,
        %mul3A_537 = arith.mulf %get3A_536, %gather3A_533 : vector<16xf32>
        %swap3A_538 = arith.index_cast %add3A_506 : i32 to index
        %swap3A_539 = arith.constant 32 : index
        %swap3A_540 = tpu.vector_load %arg11[%swap3A_538, %swap3A_539] {strides = array<i32>} : memref<256x64xf32, #tpu.memory_space<vmem>>, vector<16xf32>,
        tpu.vector_store %arg11[%swap3A_538, %swap3A_539], %mul3A_537 {strides = array<i32>} : memref<256x64xf32, #tpu.memory_space<vmem>>, vector<16xf32>,
        %get3A_541 = arith.index_cast %add3A_506 : i32 to index
        %get3A_542 = arith.constant 48 : index
        %get3A_543 = tpu.vector_load %arg11[%get3A_541, %get3A_542] {strides = array<i32>} : memref<256x64xf32, #tpu.memory_space<vmem>>, vector<16xf32>,
        %mul3A_544 = arith.mulf %get3A_543, %gather3A_533 : vector<16xf32>
        %swap3A_545 = arith.index_cast %add3A_506 : i32 to index
        %swap3A_546 = arith.constant 48 : index
        %swap3A_547 = tpu.vector_load %arg11[%swap3A_545, %swap3A_546] {strides = array<i32>} : memref<256x64xf32, #tpu.memory_space<vmem>>, vector<16xf32>,
        tpu.vector_store %arg11[%swap3A_545, %swap3A_546], %mul3A_544 {strides = array<i32>} : memref<256x64xf32, #tpu.memory_space<vmem>>, vector<16xf32>,
        %scan3A_548 = arith.constant 3 : i32
        %scan3A_549 = arith.addi %scan3A_411, %scan3A_548 : i32
        %mul3A_550 = arith.constant 1 : i32
        %mul3A_551 = arith.muli %scan3A_549, %mul3A_550 : i32
        %add3A_552 = arith.constant 0 : i32
        %add3A_553 = arith.addi %add3A_552, %mul3A_551 : i32
        %mul3A_554 = arith.constant 8 : i32
        %mul3A_555 = arith.muli %mul3A_554, %add3A_553 : i32
        %add3A_556 = arith.addi %mul3A_555, %add3A_22 : i32
        %add3A_557 = arith.constant 0 : i32
        %add3A_558 = arith.addi %add3A_556, %add3A_557 : i32
        %add3A_559 = vector.broadcast %add3A_558 : i32 to vector<16xi32>
        %add3A_560 = arith.addi %add3A_559, %mul3A_7 : vector<16xi32>
        %gather3A_561 = tpu.vector_load_idx %arg13[%add3A_560] : memref<2048xf32, #tpu.memory_space<vmem>>[vector<16xi32>], vector<16xf32>,
        %get3A_562 = arith.index_cast %add3A_553 : i32 to index
        %get3A_563 = arith.constant 0 : index
        %get3A_564 = tpu.vector_load %arg11[%get3A_562, %get3A_563] {strides = array<i32>} : memref<256x64xf32, #tpu.memory_space<vmem>>, vector<16xf32>,
        %mul3A_565 = arith.mulf %get3A_564, %gather3A_561 : vector<16xf32>
        %swap3A_566 = arith.index_cast %add3A_553 : i32 to index
        %swap3A_567 = arith.constant 0 : index
        %swap3A_568 = tpu.vector_load %arg11[%swap3A_566, %swap3A_567] {strides = array<i32>} : memref<256x64xf32, #tpu.memory_space<vmem>>, vector<16xf32>,
        tpu.vector_store %arg11[%swap3A_566, %swap3A_567], %mul3A_565 {strides = array<i32>} : memref<256x64xf32, #tpu.memory_space<vmem>>, vector<16xf32>,
        %get3A_569 = arith.index_cast %add3A_553 : i32 to index
        %get3A_570 = arith.constant 16 : index
        %get3A_571 = tpu.vector_load %arg11[%get3A_569, %get3A_570] {strides = array<i32>} : memref<256x64xf32, #tpu.memory_space<vmem>>, vector<16xf32>,
        %mul3A_572 = arith.mulf %get3A_571, %gather3A_561 : vector<16xf32>
        %swap3A_573 = arith.index_cast %add3A_553 : i32 to index
        %swap3A_574 = arith.constant 16 : index
        %swap3A_575 = tpu.vector_load %arg11[%swap3A_573, %swap3A_574] {strides = array<i32>} : memref<256x64xf32, #tpu.memory_space<vmem>>, vector<16xf32>,
        tpu.vector_store %arg11[%swap3A_573, %swap3A_574], %mul3A_572 {strides = array<i32>} : memref<256x64xf32, #tpu.memory_space<vmem>>, vector<16xf32>,
        %add3A_576 = arith.constant 1 : i32
        %add3A_577 = arith.addi %add3A_556, %add3A_576 : i32
        %add3A_578 = vector.broadcast %add3A_577 : i32 to vector<16xi32>
        %add3A_579 = arith.addi %add3A_578, %mul3A_7 : vector<16xi32>
        %gather3A_580 = tpu.vector_load_idx %arg13[%add3A_579] : memref<2048xf32, #tpu.memory_space<vmem>>[vector<16xi32>], vector<16xf32>,
        %get3A_581 = arith.index_cast %add3A_553 : i32 to index
        %get3A_582 = arith.constant 32 : index
        %get3A_583 = tpu.vector_load %arg11[%get3A_581, %get3A_582] {strides = array<i32>} : memref<256x64xf32, #tpu.memory_space<vmem>>, vector<16xf32>,
        %mul3A_584 = arith.mulf %get3A_583, %gather3A_580 : vector<16xf32>
        %swap3A_585 = arith.index_cast %add3A_553 : i32 to index
        %swap3A_586 = arith.constant 32 : index
        %swap3A_587 = tpu.vector_load %arg11[%swap3A_585, %swap3A_586] {strides = array<i32>} : memref<256x64xf32, #tpu.memory_space<vmem>>, vector<16xf32>,
        tpu.vector_store %arg11[%swap3A_585, %swap3A_586], %mul3A_584 {strides = array<i32>} : memref<256x64xf32, #tpu.memory_space<vmem>>, vector<16xf32>,
        %get3A_588 = arith.index_cast %add3A_553 : i32 to index
        %get3A_589 = arith.constant 48 : index
        %get3A_590 = tpu.vector_load %arg11[%get3A_588, %get3A_589] {strides = array<i32>} : memref<256x64xf32, #tpu.memory_space<vmem>>, vector<16xf32>,
        %mul3A_591 = arith.mulf %get3A_590, %gather3A_580 : vector<16xf32>
        %swap3A_592 = arith.index_cast %add3A_553 : i32 to index
        %swap3A_593 = arith.constant 48 : index
        %swap3A_594 = tpu.vector_load %arg11[%swap3A_592, %swap3A_593] {strides = array<i32>} : memref<256x64xf32, #tpu.memory_space<vmem>>, vector<16xf32>,
        tpu.vector_store %arg11[%swap3A_592, %swap3A_593], %mul3A_591 {strides = array<i32>} : memref<256x64xf32, #tpu.memory_space<vmem>>, vector<16xf32>,
        %scan3A_595 = arith.constant 4 : i32
        %scan3A_596 = arith.addi %scan3A_411, %scan3A_595 : i32
        %mul3A_597 = arith.constant 1 : i32
        %mul3A_598 = arith.muli %scan3A_596, %mul3A_597 : i32
        %add3A_599 = arith.constant 0 : i32
        %add3A_600 = arith.addi %add3A_599, %mul3A_598 : i32
        %mul3A_601 = arith.constant 8 : i32
        %mul3A_602 = arith.muli %mul3A_601, %add3A_600 : i32
        %add3A_603 = arith.addi %mul3A_602, %add3A_22 : i32
        %add3A_604 = arith.constant 0 : i32
        %add3A_605 = arith.addi %add3A_603, %add3A_604 : i32
        %add3A_606 = vector.broadcast %add3A_605 : i32 to vector<16xi32>
        %add3A_607 = arith.addi %add3A_606, %mul3A_7 : vector<16xi32>
        %gather3A_608 = tpu.vector_load_idx %arg13[%add3A_607] : memref<2048xf32, #tpu.memory_space<vmem>>[vector<16xi32>], vector<16xf32>,
        %get3A_609 = arith.index_cast %add3A_600 : i32 to index
        %get3A_610 = arith.constant 0 : index
        %get3A_611 = tpu.vector_load %arg11[%get3A_609, %get3A_610] {strides = array<i32>} : memref<256x64xf32, #tpu.memory_space<vmem>>, vector<16xf32>,
        %mul3A_612 = arith.mulf %get3A_611, %gather3A_608 : vector<16xf32>
        %swap3A_613 = arith.index_cast %add3A_600 : i32 to index
        %swap3A_614 = arith.constant 0 : index
        %swap3A_615 = tpu.vector_load %arg11[%swap3A_613, %swap3A_614] {strides = array<i32>} : memref<256x64xf32, #tpu.memory_space<vmem>>, vector<16xf32>,
        tpu.vector_store %arg11[%swap3A_613, %swap3A_614], %mul3A_612 {strides = array<i32>} : memref<256x64xf32, #tpu.memory_space<vmem>>, vector<16xf32>,
        %get3A_616 = arith.index_cast %add3A_600 : i32 to index
        %get3A_617 = arith.constant 16 : index
        %get3A_618 = tpu.vector_load %arg11[%get3A_616, %get3A_617] {strides = array<i32>} : memref<256x64xf32, #tpu.memory_space<vmem>>, vector<16xf32>,
        %mul3A_619 = arith.mulf %get3A_618, %gather3A_608 : vector<16xf32>
        %swap3A_620 = arith.index_cast %add3A_600 : i32 to index
        %swap3A_621 = arith.constant 16 : index
        %swap3A_622 = tpu.vector_load %arg11[%swap3A_620, %swap3A_621] {strides = array<i32>} : memref<256x64xf32, #tpu.memory_space<vmem>>, vector<16xf32>,
        tpu.vector_store %arg11[%swap3A_620, %swap3A_621], %mul3A_619 {strides = array<i32>} : memref<256x64xf32, #tpu.memory_space<vmem>>, vector<16xf32>,
        %add3A_623 = arith.constant 1 : i32
        %add3A_624 = arith.addi %add3A_603, %add3A_623 : i32
        %add3A_625 = vector.broadcast %add3A_624 : i32 to vector<16xi32>
        %add3A_626 = arith.addi %add3A_625, %mul3A_7 : vector<16xi32>
        %gather3A_627 = tpu.vector_load_idx %arg13[%add3A_626] : memref<2048xf32, #tpu.memory_space<vmem>>[vector<16xi32>], vector<16xf32>,
        %get3A_628 = arith.index_cast %add3A_600 : i32 to index
        %get3A_629 = arith.constant 32 : index
        %get3A_630 = tpu.vector_load %arg11[%get3A_628, %get3A_629] {strides = array<i32>} : memref<256x64xf32, #tpu.memory_space<vmem>>, vector<16xf32>,
        %mul3A_631 = arith.mulf %get3A_630, %gather3A_627 : vector<16xf32>
        %swap3A_632 = arith.index_cast %add3A_600 : i32 to index
        %swap3A_633 = arith.constant 32 : index
        %swap3A_634 = tpu.vector_load %arg11[%swap3A_632, %swap3A_633] {strides = array<i32>} : memref<256x64xf32, #tpu.memory_space<vmem>>, vector<16xf32>,
        tpu.vector_store %arg11[%swap3A_632, %swap3A_633], %mul3A_631 {strides = array<i32>} : memref<256x64xf32, #tpu.memory_space<vmem>>, vector<16xf32>,
        %get3A_635 = arith.index_cast %add3A_600 : i32 to index
        %get3A_636 = arith.constant 48 : index
        %get3A_637 = tpu.vector_load %arg11[%get3A_635, %get3A_636] {strides = array<i32>} : memref<256x64xf32, #tpu.memory_space<vmem>>, vector<16xf32>,
        %mul3A_638 = arith.mulf %get3A_637, %gather3A_627 : vector<16xf32>
        %swap3A_639 = arith.index_cast %add3A_600 : i32 to index
        %swap3A_640 = arith.constant 48 : index
        %swap3A_641 = tpu.vector_load %arg11[%swap3A_639, %swap3A_640] {strides = array<i32>} : memref<256x64xf32, #tpu.memory_space<vmem>>, vector<16xf32>,
        tpu.vector_store %arg11[%swap3A_639, %swap3A_640], %mul3A_638 {strides = array<i32>} : memref<256x64xf32, #tpu.memory_space<vmem>>, vector<16xf32>,
        %scan3A_642 = arith.constant 5 : i32
        %scan3A_643 = arith.addi %scan3A_411, %scan3A_642 : i32
        %mul3A_644 = arith.constant 1 : i32
        %mul3A_645 = arith.muli %scan3A_643, %mul3A_644 : i32
        %add3A_646 = arith.constant 0 : i32
        %add3A_647 = arith.addi %add3A_646, %mul3A_645 : i32
        %mul3A_648 = arith.constant 8 : i32
        %mul3A_649 = arith.muli %mul3A_648, %add3A_647 : i32
        %add3A_650 = arith.addi %mul3A_649, %add3A_22 : i32
        %add3A_651 = arith.constant 0 : i32
        %add3A_652 = arith.addi %add3A_650, %add3A_651 : i32
        %add3A_653 = vector.broadcast %add3A_652 : i32 to vector<16xi32>
        %add3A_654 = arith.addi %add3A_653, %mul3A_7 : vector<16xi32>
        %gather3A_655 = tpu.vector_load_idx %arg13[%add3A_654] : memref<2048xf32, #tpu.memory_space<vmem>>[vector<16xi32>], vector<16xf32>,
        %get3A_656 = arith.index_cast %add3A_647 : i32 to index
        %get3A_657 = arith.constant 0 : index
        %get3A_658 = tpu.vector_load %arg11[%get3A_656, %get3A_657] {strides = array<i32>} : memref<256x64xf32, #tpu.memory_space<vmem>>, vector<16xf32>,
        %mul3A_659 = arith.mulf %get3A_658, %gather3A_655 : vector<16xf32>
        %swap3A_660 = arith.index_cast %add3A_647 : i32 to index
        %swap3A_661 = arith.constant 0 : index
        %swap3A_662 = tpu.vector_load %arg11[%swap3A_660, %swap3A_661] {strides = array<i32>} : memref<256x64xf32, #tpu.memory_space<vmem>>, vector<16xf32>,
        tpu.vector_store %arg11[%swap3A_660, %swap3A_661], %mul3A_659 {strides = array<i32>} : memref<256x64xf32, #tpu.memory_space<vmem>>, vector<16xf32>,
        %get3A_663 = arith.index_cast %add3A_647 : i32 to index
        %get3A_664 = arith.constant 16 : index
        %get3A_665 = tpu.vector_load %arg11[%get3A_663, %get3A_664] {strides = array<i32>} : memref<256x64xf32, #tpu.memory_space<vmem>>, vector<16xf32>,
        %mul3A_666 = arith.mulf %get3A_665, %gather3A_655 : vector<16xf32>
        %swap3A_667 = arith.index_cast %add3A_647 : i32 to index
        %swap3A_668 = arith.constant 16 : index
        %swap3A_669 = tpu.vector_load %arg11[%swap3A_667, %swap3A_668] {strides = array<i32>} : memref<256x64xf32, #tpu.memory_space<vmem>>, vector<16xf32>,
        tpu.vector_store %arg11[%swap3A_667, %swap3A_668], %mul3A_666 {strides = array<i32>} : memref<256x64xf32, #tpu.memory_space<vmem>>, vector<16xf32>,
        %add3A_670 = arith.constant 1 : i32
        %add3A_671 = arith.addi %add3A_650, %add3A_670 : i32
        %add3A_672 = vector.broadcast %add3A_671 : i32 to vector<16xi32>
        %add3A_673 = arith.addi %add3A_672, %mul3A_7 : vector<16xi32>
        %gather3A_674 = tpu.vector_load_idx %arg13[%add3A_673] : memref<2048xf32, #tpu.memory_space<vmem>>[vector<16xi32>], vector<16xf32>,
        %get3A_675 = arith.index_cast %add3A_647 : i32 to index
        %get3A_676 = arith.constant 32 : index
        %get3A_677 = tpu.vector_load %arg11[%get3A_675, %get3A_676] {strides = array<i32>} : memref<256x64xf32, #tpu.memory_space<vmem>>, vector<16xf32>,
        %mul3A_678 = arith.mulf %get3A_677, %gather3A_674 : vector<16xf32>
        %swap3A_679 = arith.index_cast %add3A_647 : i32 to index
        %swap3A_680 = arith.constant 32 : index
        %swap3A_681 = tpu.vector_load %arg11[%swap3A_679, %swap3A_680] {strides = array<i32>} : memref<256x64xf32, #tpu.memory_space<vmem>>, vector<16xf32>,
        tpu.vector_store %arg11[%swap3A_679, %swap3A_680], %mul3A_678 {strides = array<i32>} : memref<256x64xf32, #tpu.memory_space<vmem>>, vector<16xf32>,
        %get3A_682 = arith.index_cast %add3A_647 : i32 to index
        %get3A_683 = arith.constant 48 : index
        %get3A_684 = tpu.vector_load %arg11[%get3A_682, %get3A_683] {strides = array<i32>} : memref<256x64xf32, #tpu.memory_space<vmem>>, vector<16xf32>,
        %mul3A_685 = arith.mulf %get3A_684, %gather3A_674 : vector<16xf32>
        %swap3A_686 = arith.index_cast %add3A_647 : i32 to index
        %swap3A_687 = arith.constant 48 : index
        %swap3A_688 = tpu.vector_load %arg11[%swap3A_686, %swap3A_687] {strides = array<i32>} : memref<256x64xf32, #tpu.memory_space<vmem>>, vector<16xf32>,
        tpu.vector_store %arg11[%swap3A_686, %swap3A_687], %mul3A_685 {strides = array<i32>} : memref<256x64xf32, #tpu.memory_space<vmem>>, vector<16xf32>,
        %scan3A_689 = arith.constant 6 : i32
        %scan3A_690 = arith.addi %scan3A_411, %scan3A_689 : i32
        %mul3A_691 = arith.constant 1 : i32
        %mul3A_692 = arith.muli %scan3A_690, %mul3A_691 : i32
        %add3A_693 = arith.constant 0 : i32
        %add3A_694 = arith.addi %add3A_693, %mul3A_692 : i32
        %mul3A_695 = arith.constant 8 : i32
        %mul3A_696 = arith.muli %mul3A_695, %add3A_694 : i32
        %add3A_697 = arith.addi %mul3A_696, %add3A_22 : i32
        %add3A_698 = arith.constant 0 : i32
        %add3A_699 = arith.addi %add3A_697, %add3A_698 : i32
        %add3A_700 = vector.broadcast %add3A_699 : i32 to vector<16xi32>
        %add3A_701 = arith.addi %add3A_700, %mul3A_7 : vector<16xi32>
        %gather3A_702 = tpu.vector_load_idx %arg13[%add3A_701] : memref<2048xf32, #tpu.memory_space<vmem>>[vector<16xi32>], vector<16xf32>,
        %get3A_703 = arith.index_cast %add3A_694 : i32 to index
        %get3A_704 = arith.constant 0 : index
        %get3A_705 = tpu.vector_load %arg11[%get3A_703, %get3A_704] {strides = array<i32>} : memref<256x64xf32, #tpu.memory_space<vmem>>, vector<16xf32>,
        %mul3A_706 = arith.mulf %get3A_705, %gather3A_702 : vector<16xf32>
        %swap3A_707 = arith.index_cast %add3A_694 : i32 to index
        %swap3A_708 = arith.constant 0 : index
        %swap3A_709 = tpu.vector_load %arg11[%swap3A_707, %swap3A_708] {strides = array<i32>} : memref<256x64xf32, #tpu.memory_space<vmem>>, vector<16xf32>,
        tpu.vector_store %arg11[%swap3A_707, %swap3A_708], %mul3A_706 {strides = array<i32>} : memref<256x64xf32, #tpu.memory_space<vmem>>, vector<16xf32>,
        %get3A_710 = arith.index_cast %add3A_694 : i32 to index
        %get3A_711 = arith.constant 16 : index
        %get3A_712 = tpu.vector_load %arg11[%get3A_710, %get3A_711] {strides = array<i32>} : memref<256x64xf32, #tpu.memory_space<vmem>>, vector<16xf32>,
        %mul3A_713 = arith.mulf %get3A_712, %gather3A_702 : vector<16xf32>
        %swap3A_714 = arith.index_cast %add3A_694 : i32 to index
        %swap3A_715 = arith.constant 16 : index
        %swap3A_716 = tpu.vector_load %arg11[%swap3A_714, %swap3A_715] {strides = array<i32>} : memref<256x64xf32, #tpu.memory_space<vmem>>, vector<16xf32>,
        tpu.vector_store %arg11[%swap3A_714, %swap3A_715], %mul3A_713 {strides = array<i32>} : memref<256x64xf32, #tpu.memory_space<vmem>>, vector<16xf32>,
        %add3A_717 = arith.constant 1 : i32
        %add3A_718 = arith.addi %add3A_697, %add3A_717 : i32
        %add3A_719 = vector.broadcast %add3A_718 : i32 to vector<16xi32>
        %add3A_720 = arith.addi %add3A_719, %mul3A_7 : vector<16xi32>
        %gather3A_721 = tpu.vector_load_idx %arg13[%add3A_720] : memref<2048xf32, #tpu.memory_space<vmem>>[vector<16xi32>], vector<16xf32>,
        %get3A_722 = arith.index_cast %add3A_694 : i32 to index
        %get3A_723 = arith.constant 32 : index
        %get3A_724 = tpu.vector_load %arg11[%get3A_722, %get3A_723] {strides = array<i32>} : memref<256x64xf32, #tpu.memory_space<vmem>>, vector<16xf32>,
        %mul3A_725 = arith.mulf %get3A_724, %gather3A_721 : vector<16xf32>
        %swap3A_726 = arith.index_cast %add3A_694 : i32 to index
        %swap3A_727 = arith.constant 32 : index
        %swap3A_728 = tpu.vector_load %arg11[%swap3A_726, %swap3A_727] {strides = array<i32>} : memref<256x64xf32, #tpu.memory_space<vmem>>, vector<16xf32>,
        tpu.vector_store %arg11[%swap3A_726, %swap3A_727], %mul3A_725 {strides = array<i32>} : memref<256x64xf32, #tpu.memory_space<vmem>>, vector<16xf32>,
        %get3A_729 = arith.index_cast %add3A_694 : i32 to index
        %get3A_730 = arith.constant 48 : index
        %get3A_731 = tpu.vector_load %arg11[%get3A_729, %get3A_730] {strides = array<i32>} : memref<256x64xf32, #tpu.memory_space<vmem>>, vector<16xf32>,
        %mul3A_732 = arith.mulf %get3A_731, %gather3A_721 : vector<16xf32>
        %swap3A_733 = arith.index_cast %add3A_694 : i32 to index
        %swap3A_734 = arith.constant 48 : index
        %swap3A_735 = tpu.vector_load %arg11[%swap3A_733, %swap3A_734] {strides = array<i32>} : memref<256x64xf32, #tpu.memory_space<vmem>>, vector<16xf32>,
        tpu.vector_store %arg11[%swap3A_733, %swap3A_734], %mul3A_732 {strides = array<i32>} : memref<256x64xf32, #tpu.memory_space<vmem>>, vector<16xf32>,
        %scan3A_736 = arith.constant 7 : i32
        %scan3A_737 = arith.addi %scan3A_411, %scan3A_736 : i32
        %mul3A_738 = arith.constant 1 : i32
        %mul3A_739 = arith.muli %scan3A_737, %mul3A_738 : i32
        %add3A_740 = arith.constant 0 : i32
        %add3A_741 = arith.addi %add3A_740, %mul3A_739 : i32
        %mul3A_742 = arith.constant 8 : i32
        %mul3A_743 = arith.muli %mul3A_742, %add3A_741 : i32
        %add3A_744 = arith.addi %mul3A_743, %add3A_22 : i32
        %add3A_745 = arith.constant 0 : i32
        %add3A_746 = arith.addi %add3A_744, %add3A_745 : i32
        %add3A_747 = vector.broadcast %add3A_746 : i32 to vector<16xi32>
        %add3A_748 = arith.addi %add3A_747, %mul3A_7 : vector<16xi32>
        %gather3A_749 = tpu.vector_load_idx %arg13[%add3A_748] : memref<2048xf32, #tpu.memory_space<vmem>>[vector<16xi32>], vector<16xf32>,
        %get3A_750 = arith.index_cast %add3A_741 : i32 to index
        %get3A_751 = arith.constant 0 : index
        %get3A_752 = tpu.vector_load %arg11[%get3A_750, %get3A_751] {strides = array<i32>} : memref<256x64xf32, #tpu.memory_space<vmem>>, vector<16xf32>,
        %mul3A_753 = arith.mulf %get3A_752, %gather3A_749 : vector<16xf32>
        %swap3A_754 = arith.index_cast %add3A_741 : i32 to index
        %swap3A_755 = arith.constant 0 : index
        %swap3A_756 = tpu.vector_load %arg11[%swap3A_754, %swap3A_755] {strides = array<i32>} : memref<256x64xf32, #tpu.memory_space<vmem>>, vector<16xf32>,
        tpu.vector_store %arg11[%swap3A_754, %swap3A_755], %mul3A_753 {strides = array<i32>} : memref<256x64xf32, #tpu.memory_space<vmem>>, vector<16xf32>,
        %get3A_757 = arith.index_cast %add3A_741 : i32 to index
        %get3A_758 = arith.constant 16 : index
        %get3A_759 = tpu.vector_load %arg11[%get3A_757, %get3A_758] {strides = array<i32>} : memref<256x64xf32, #tpu.memory_space<vmem>>, vector<16xf32>,
        %mul3A_760 = arith.mulf %get3A_759, %gather3A_749 : vector<16xf32>
        %swap3A_761 = arith.index_cast %add3A_741 : i32 to index
        %swap3A_762 = arith.constant 16 : index
        %swap3A_763 = tpu.vector_load %arg11[%swap3A_761, %swap3A_762] {strides = array<i32>} : memref<256x64xf32, #tpu.memory_space<vmem>>, vector<16xf32>,
        tpu.vector_store %arg11[%swap3A_761, %swap3A_762], %mul3A_760 {strides = array<i32>} : memref<256x64xf32, #tpu.memory_space<vmem>>, vector<16xf32>,
        %add3A_764 = arith.constant 1 : i32
        %add3A_765 = arith.addi %add3A_744, %add3A_764 : i32
        %add3A_766 = vector.broadcast %add3A_765 : i32 to vector<16xi32>
        %add3A_767 = arith.addi %add3A_766, %mul3A_7 : vector<16xi32>
        %gather3A_768 = tpu.vector_load_idx %arg13[%add3A_767] : memref<2048xf32, #tpu.memory_space<vmem>>[vector<16xi32>], vector<16xf32>,
        %get3A_769 = arith.index_cast %add3A_741 : i32 to index
        %get3A_770 = arith.constant 32 : index
        %get3A_771 = tpu.vector_load %arg11[%get3A_769, %get3A_770] {strides = array<i32>} : memref<256x64xf32, #tpu.memory_space<vmem>>, vector<16xf32>,
        %mul3A_772 = arith.mulf %get3A_771, %gather3A_768 : vector<16xf32>
        %swap3A_773 = arith.index_cast %add3A_741 : i32 to index
        %swap3A_774 = arith.constant 32 : index
        %swap3A_775 = tpu.vector_load %arg11[%swap3A_773, %swap3A_774] {strides = array<i32>} : memref<256x64xf32, #tpu.memory_space<vmem>>, vector<16xf32>,
        tpu.vector_store %arg11[%swap3A_773, %swap3A_774], %mul3A_772 {strides = array<i32>} : memref<256x64xf32, #tpu.memory_space<vmem>>, vector<16xf32>,
        %get3A_776 = arith.index_cast %add3A_741 : i32 to index
        %get3A_777 = arith.constant 48 : index
        %get3A_778 = tpu.vector_load %arg11[%get3A_776, %get3A_777] {strides = array<i32>} : memref<256x64xf32, #tpu.memory_space<vmem>>, vector<16xf32>,
        %mul3A_779 = arith.mulf %get3A_778, %gather3A_768 : vector<16xf32>
        %swap3A_780 = arith.index_cast %add3A_741 : i32 to index
        %swap3A_781 = arith.constant 48 : index
        %swap3A_782 = tpu.vector_load %arg11[%swap3A_780, %swap3A_781] {strides = array<i32>} : memref<256x64xf32, #tpu.memory_space<vmem>>, vector<16xf32>,
        tpu.vector_store %arg11[%swap3A_780, %swap3A_781], %mul3A_779 {strides = array<i32>} : memref<256x64xf32, #tpu.memory_space<vmem>>, vector<16xf32>,
      }
      %scan3A_371 = arith.constant 256 : i32
      %mul3A_372 = arith.constant 2 : i32
      %mul3A_373 = arith.muli %mul3A_372, %add3A_337 : i32
      "tpu.region"() ({
        %run_scoped3A = tpu.sem_alloc : memref<!tpu.dma_semaphore, #tpu.memory_space<semaphore_mem>>
        %dma_start3A_411 = arith.constant 0 : i32
        %dma_start3A_412 = arith.constant 0 : i32
        %dma_start3A_413 = tpu.memref_slice %arg11[%dma_start3A_411, %dma_start3A_412] : memref<256x64xf32, #tpu.memory_space<vmem>> -> memref<128x64xf32, #tpu.memory_space<vmem>>
        %dma_start3A_414 = arith.constant 0 : i32
        %dma_start3A_415 = tpu.memref_slice %arg8[%mul3A_373, %dma_start3A_414] : memref<80x128xi32, #tpu.memory_space<vmem>> -> memref<1x128xi32, #tpu.memory_space<vmem>>
        %dma_start3A_416 = tpu.memref_squeeze %dma_start3A_415 : memref<1x128xi32, #tpu.memory_space<vmem>> -> memref<128xi32, #tpu.memory_space<vmem>>
        %dma_start3A_417 = arith.constant 0 : i32
        %dma_start3A_418 = arith.constant 0 : i32
        %dma_start3A_419 = tpu.memref_slice %arg14[%dma_start3A_417, %dma_start3A_418] : memref<10240x64xf32, #tpu.memory_space<vmem_shared>> -> memref<10240x64xf32, #tpu.memory_space<vmem_shared>>
        tpu.enqueue_indirect_dma source(%dma_start3A_413 : memref<128x64xf32, #tpu.memory_space<vmem>>) target(%dma_start3A_419 : memref<10240x64xf32, #tpu.memory_space<vmem_shared>>) offsets(%dma_start3A_416 : memref<128xi32, #tpu.memory_space<vmem>>) semaphore(%run_scoped3A : memref<!tpu.dma_semaphore, #tpu.memory_space<semaphore_mem>>) {add = true}
        %dma_wait3A_420 = arith.constant 0 : i32
        %dma_wait3A_421 = arith.constant 0 : i32
        %dma_wait3A_422 = tpu.memref_slice %arg11[%dma_wait3A_420, %dma_wait3A_421] : memref<256x64xf32, #tpu.memory_space<vmem>> -> memref<128x64xf32, #tpu.memory_space<vmem>>
        %dma_wait3A_423 = arith.constant 0 : i32
        %dma_wait3A_424 = tpu.memref_slice %arg8[%mul3A_373, %dma_wait3A_423] : memref<80x128xi32, #tpu.memory_space<vmem>> -> memref<1x128xi32, #tpu.memory_space<vmem>>
        %dma_wait3A_425 = tpu.memref_squeeze %dma_wait3A_424 : memref<1x128xi32, #tpu.memory_space<vmem>> -> memref<128xi32, #tpu.memory_space<vmem>>
        %dma_wait3A_426 = arith.constant 0 : i32
        %dma_wait3A_427 = arith.constant 0 : i32
        %dma_wait3A_428 = tpu.memref_slice %arg14[%dma_wait3A_426, %dma_wait3A_427] : memref<10240x64xf32, #tpu.memory_space<vmem_shared>> -> memref<10240x64xf32, #tpu.memory_space<vmem_shared>>
        tpu.wait_indirect_dma semaphore(%run_scoped3A : memref<!tpu.dma_semaphore, #tpu.memory_space<semaphore_mem>>) src(%dma_wait3A_422 : memref<128x64xf32, #tpu.memory_space<vmem>>) dst(%dma_wait3A_428 : memref<10240x64xf32, #tpu.memory_space<vmem_shared>>)
        tpu.yield
      }) : () -> ()
      %mul3A_374 = arith.constant 2 : i32
      %mul3A_375 = arith.muli %mul3A_374, %add3A_337 : i32
      %add3A_376 = arith.constant 1 : i32
      %add3A_377 = arith.addi %mul3A_375, %add3A_376 : i32
      "tpu.region"() ({
        %run_scoped3A = tpu.sem_alloc : memref<!tpu.dma_semaphore, #tpu.memory_space<semaphore_mem>>
        %dma_start3A_411 = arith.constant 128 : i32
        %dma_start3A_412 = arith.constant 0 : i32
        %dma_start3A_413 = tpu.memref_slice %arg11[%dma_start3A_411, %dma_start3A_412] : memref<256x64xf32, #tpu.memory_space<vmem>> -> memref<128x64xf32, #tpu.memory_space<vmem>>
        %dma_start3A_414 = arith.constant 0 : i32
        %dma_start3A_415 = tpu.memref_slice %arg8[%add3A_377, %dma_start3A_414] : memref<80x128xi32, #tpu.memory_space<vmem>> -> memref<1x128xi32, #tpu.memory_space<vmem>>
        %dma_start3A_416 = tpu.memref_squeeze %dma_start3A_415 : memref<1x128xi32, #tpu.memory_space<vmem>> -> memref<128xi32, #tpu.memory_space<vmem>>
        %dma_start3A_417 = arith.constant 0 : i32
        %dma_start3A_418 = arith.constant 0 : i32
        %dma_start3A_419 = tpu.memref_slice %arg14[%dma_start3A_417, %dma_start3A_418] : memref<10240x64xf32, #tpu.memory_space<vmem_shared>> -> memref<10240x64xf32, #tpu.memory_space<vmem_shared>>
        tpu.enqueue_indirect_dma source(%dma_start3A_413 : memref<128x64xf32, #tpu.memory_space<vmem>>) target(%dma_start3A_419 : memref<10240x64xf32, #tpu.memory_space<vmem_shared>>) offsets(%dma_start3A_416 : memref<128xi32, #tpu.memory_space<vmem>>) semaphore(%run_scoped3A : memref<!tpu.dma_semaphore, #tpu.memory_space<semaphore_mem>>) {add = true}
        %dma_wait3A_420 = arith.constant 128 : i32
        %dma_wait3A_421 = arith.constant 0 : i32
        %dma_wait3A_422 = tpu.memref_slice %arg11[%dma_wait3A_420, %dma_wait3A_421] : memref<256x64xf32, #tpu.memory_space<vmem>> -> memref<128x64xf32, #tpu.memory_space<vmem>>
        %dma_wait3A_423 = arith.constant 0 : i32
        %dma_wait3A_424 = tpu.memref_slice %arg8[%add3A_377, %dma_wait3A_423] : memref<80x128xi32, #tpu.memory_space<vmem>> -> memref<1x128xi32, #tpu.memory_space<vmem>>
        %dma_wait3A_425 = tpu.memref_squeeze %dma_wait3A_424 : memref<1x128xi32, #tpu.memory_space<vmem>> -> memref<128xi32, #tpu.memory_space<vmem>>
        %dma_wait3A_426 = arith.constant 0 : i32
        %dma_wait3A_427 = arith.constant 0 : i32
        %dma_wait3A_428 = tpu.memref_slice %arg14[%dma_wait3A_426, %dma_wait3A_427] : memref<10240x64xf32, #tpu.memory_space<vmem_shared>> -> memref<10240x64xf32, #tpu.memory_space<vmem_shared>>
        tpu.wait_indirect_dma semaphore(%run_scoped3A : memref<!tpu.dma_semaphore, #tpu.memory_space<semaphore_mem>>) src(%dma_wait3A_422 : memref<128x64xf32, #tpu.memory_space<vmem>>) dst(%dma_wait3A_428 : memref<10240x64xf32, #tpu.memory_space<vmem_shared>>)
        tpu.yield
      }) : () -> ()
      %add3A_378 = arith.constant 2 : i32
      %add3A_379 = arith.addi %add3A_337, %add3A_378 : i32
      %min3A_380 = arith.constant 39 : i32
      %min3A_381 = arith.minsi %add3A_379, %min3A_380 : i32
      %mul3A_382 = arith.constant 256 : i32
      %mul3A_383 = arith.muli %mul3A_382, %min3A_381 : i32
      %mul3A_384 = arith.constant 256 : i32
      %mul3A_385 = arith.muli %mul3A_384, %min3A_381 : i32
      %add3A_386 = arith.constant 128 : i32
      %add3A_387 = arith.addi %mul3A_385, %add3A_386 : i32
      %mul3A_388 = arith.constant 80 : i32
      %mul3A_389 = arith.muli %arg1, %mul3A_388 : i32
      %mul3A_390 = arith.constant 2 : i32
      %mul3A_391 = arith.muli %mul3A_390, %min3A_381 : i32
      %add3A_392 = arith.addi %mul3A_389, %mul3A_391 : i32
      %mul3A_393 = arith.constant 1024 : i32
      %mul3A_394 = arith.muli %add3A_392, %mul3A_393 : i32
      %dma_start3A_395 = arith.constant 0 : i32
      %dma_start3A_396 = arith.constant 0 : i32
      %dma_start3A_397 = tpu.memref_slice %arg11[%dma_start3A_395, %dma_start3A_396] : memref<256x64xf32, #tpu.memory_space<vmem>> -> memref<128x64xf32, #tpu.memory_space<vmem>>
      %dma_start3A_398 = tpu.memref_slice %arg9[%mul3A_383] : memref<10240xi32, #tpu.memory_space<vmem>> -> memref<128xi32, #tpu.memory_space<vmem>>
      %dma_start3A_399 = arith.constant 0 : i32
      %dma_start3A_400 = arith.constant 0 : i32
      %dma_start3A_401 = tpu.memref_slice %arg5[%dma_start3A_399, %dma_start3A_400] : memref<40960x64xf32, #tpu.memory_space<hbm>> -> memref<40960x64xf32, #tpu.memory_space<hbm>>
      tpu.enqueue_indirect_dma source(%dma_start3A_401 : memref<40960x64xf32, #tpu.memory_space<hbm>>) target(%dma_start3A_397 : memref<128x64xf32, #tpu.memory_space<vmem>>) offsets(%dma_start3A_398 : memref<128xi32, #tpu.memory_space<vmem>>) semaphore(%arg16 : memref<!tpu.dma_semaphore, #tpu.memory_space<semaphore_mem>>)
      %dma_start3A_402 = arith.constant 128 : i32
      %dma_start3A_403 = arith.constant 0 : i32
      %dma_start3A_404 = tpu.memref_slice %arg11[%dma_start3A_402, %dma_start3A_403] : memref<256x64xf32, #tpu.memory_space<vmem>> -> memref<128x64xf32, #tpu.memory_space<vmem>>
      %dma_start3A_405 = tpu.memref_slice %arg9[%add3A_387] : memref<10240xi32, #tpu.memory_space<vmem>> -> memref<128xi32, #tpu.memory_space<vmem>>
      %dma_start3A_406 = arith.constant 0 : i32
      %dma_start3A_407 = arith.constant 0 : i32
      %dma_start3A_408 = tpu.memref_slice %arg5[%dma_start3A_406, %dma_start3A_407] : memref<40960x64xf32, #tpu.memory_space<hbm>> -> memref<40960x64xf32, #tpu.memory_space<hbm>>
      tpu.enqueue_indirect_dma source(%dma_start3A_408 : memref<40960x64xf32, #tpu.memory_space<hbm>>) target(%dma_start3A_404 : memref<128x64xf32, #tpu.memory_space<vmem>>) offsets(%dma_start3A_405 : memref<128xi32, #tpu.memory_space<vmem>>) semaphore(%arg16 : memref<!tpu.dma_semaphore, #tpu.memory_space<semaphore_mem>>)
      %dma_start3A_409 = tpu.memref_slice %arg4[%mul3A_394] : memref<1310720xf32, #tpu.memory_space<hbm>> -> memref<2048xf32, #tpu.memory_space<hbm>>
      %dma_start3A_410 = tpu.memref_slice %arg4[%mul3A_394] : memref<1310720xf32, #tpu.memory_space<hbm>> -> memref<2048xf32, #tpu.memory_space<hbm>>
      tpu.enqueue_dma source(%dma_start3A_410 : memref<2048xf32, #tpu.memory_space<hbm>>) target(%arg13 : memref<2048xf32, #tpu.memory_space<vmem>>) target_semaphore(%arg16 : memref<!tpu.dma_semaphore, #tpu.memory_space<semaphore_mem>>)
    }
    %scan3A_74 = arith.constant 20 : i32
    %mul3A_75 = arith.constant 80 : i32
    %mul3A_76 = arith.muli %arg1, %mul3A_75 : i32
    %add3A_77 = arith.constant 78 : i32
    %add3A_78 = arith.addi %mul3A_76, %add3A_77 : i32
    %mul3A_79 = arith.constant 1024 : i32
    %mul3A_80 = arith.muli %add3A_78, %mul3A_79 : i32
    %dma_wait3A = arith.constant 0 : i32
    %dma_wait3A_81 = arith.constant 0 : i32
    %dma_wait3A_82 = tpu.memref_slice %arg10[%dma_wait3A, %dma_wait3A_81] : memref<256x64xf32, #tpu.memory_space<vmem>> -> memref<128x64xf32, #tpu.memory_space<vmem>>
    %dma_wait3A_83 = arith.constant 9984 : i32
    %dma_wait3A_84 = tpu.memref_slice %arg9[%dma_wait3A_83] : memref<10240xi32, #tpu.memory_space<vmem>> -> memref<128xi32, #tpu.memory_space<vmem>>
    %dma_wait3A_85 = arith.constant 0 : i32
    %dma_wait3A_86 = arith.constant 0 : i32
    %dma_wait3A_87 = tpu.memref_slice %arg5[%dma_wait3A_85, %dma_wait3A_86] : memref<40960x64xf32, #tpu.memory_space<hbm>> -> memref<40960x64xf32, #tpu.memory_space<hbm>>
    tpu.wait_indirect_dma semaphore(%arg15 : memref<!tpu.dma_semaphore, #tpu.memory_space<semaphore_mem>>) src(%dma_wait3A_87 : memref<40960x64xf32, #tpu.memory_space<hbm>>) dst(%dma_wait3A_82 : memref<128x64xf32, #tpu.memory_space<vmem>>)
    %dma_wait3A_88 = arith.constant 128 : i32
    %dma_wait3A_89 = arith.constant 0 : i32
    %dma_wait3A_90 = tpu.memref_slice %arg10[%dma_wait3A_88, %dma_wait3A_89] : memref<256x64xf32, #tpu.memory_space<vmem>> -> memref<128x64xf32, #tpu.memory_space<vmem>>
    %dma_wait3A_91 = arith.constant 10112 : i32
    %dma_wait3A_92 = tpu.memref_slice %arg9[%dma_wait3A_91] : memref<10240xi32, #tpu.memory_space<vmem>> -> memref<128xi32, #tpu.memory_space<vmem>>
    %dma_wait3A_93 = arith.constant 0 : i32
    %dma_wait3A_94 = arith.constant 0 : i32
    %dma_wait3A_95 = tpu.memref_slice %arg5[%dma_wait3A_93, %dma_wait3A_94] : memref<40960x64xf32, #tpu.memory_space<hbm>> -> memref<40960x64xf32, #tpu.memory_space<hbm>>
    tpu.wait_indirect_dma semaphore(%arg15 : memref<!tpu.dma_semaphore, #tpu.memory_space<semaphore_mem>>) src(%dma_wait3A_95 : memref<40960x64xf32, #tpu.memory_space<hbm>>) dst(%dma_wait3A_90 : memref<128x64xf32, #tpu.memory_space<vmem>>)
    %dma_wait3A_96 = tpu.memref_slice %arg4[%mul3A_80] : memref<1310720xf32, #tpu.memory_space<hbm>> -> memref<2048xf32, #tpu.memory_space<hbm>>
    %dma_wait3A_97 = tpu.memref_slice %arg4[%mul3A_80] : memref<1310720xf32, #tpu.memory_space<hbm>> -> memref<2048xf32, #tpu.memory_space<hbm>>
    tpu.wait_dma2 semaphore(%arg15 : memref<!tpu.dma_semaphore, #tpu.memory_space<semaphore_mem>>) src(%dma_wait3A_97 : memref<2048xf32, #tpu.memory_space<hbm>>) dst(%arg12 : memref<2048xf32, #tpu.memory_space<vmem>>)
    %mul3A_98 = arith.constant 80 : i32
    %mul3A_99 = arith.muli %arg1, %mul3A_98 : i32
    %add3A_100 = arith.constant 78 : i32
    %add3A_101 = arith.addi %mul3A_99, %add3A_100 : i32
    %mul3A_102 = arith.constant 1024 : i32
    %mul3A_103 = arith.muli %add3A_101, %mul3A_102 : i32
    %dma_wait3A_104 = arith.constant 0 : i32
    %dma_wait3A_105 = arith.constant 0 : i32
    %dma_wait3A_106 = tpu.memref_slice %arg11[%dma_wait3A_104, %dma_wait3A_105] : memref<256x64xf32, #tpu.memory_space<vmem>> -> memref<128x64xf32, #tpu.memory_space<vmem>>
    %dma_wait3A_107 = arith.constant 9984 : i32
    %dma_wait3A_108 = tpu.memref_slice %arg9[%dma_wait3A_107] : memref<10240xi32, #tpu.memory_space<vmem>> -> memref<128xi32, #tpu.memory_space<vmem>>
    %dma_wait3A_109 = arith.constant 0 : i32
    %dma_wait3A_110 = arith.constant 0 : i32
    %dma_wait3A_111 = tpu.memref_slice %arg5[%dma_wait3A_109, %dma_wait3A_110] : memref<40960x64xf32, #tpu.memory_space<hbm>> -> memref<40960x64xf32, #tpu.memory_space<hbm>>
    tpu.wait_indirect_dma semaphore(%arg16 : memref<!tpu.dma_semaphore, #tpu.memory_space<semaphore_mem>>) src(%dma_wait3A_111 : memref<40960x64xf32, #tpu.memory_space<hbm>>) dst(%dma_wait3A_106 : memref<128x64xf32, #tpu.memory_space<vmem>>)
    %dma_wait3A_112 = arith.constant 128 : i32
    %dma_wait3A_113 = arith.constant 0 : i32
    %dma_wait3A_114 = tpu.memref_slice %arg11[%dma_wait3A_112, %dma_wait3A_113] : memref<256x64xf32, #tpu.memory_space<vmem>> -> memref<128x64xf32, #tpu.memory_space<vmem>>
    %dma_wait3A_115 = arith.constant 10112 : i32
    %dma_wait3A_116 = tpu.memref_slice %arg9[%dma_wait3A_115] : memref<10240xi32, #tpu.memory_space<vmem>> -> memref<128xi32, #tpu.memory_space<vmem>>
    %dma_wait3A_117 = arith.constant 0 : i32
    %dma_wait3A_118 = arith.constant 0 : i32
    %dma_wait3A_119 = tpu.memref_slice %arg5[%dma_wait3A_117, %dma_wait3A_118] : memref<40960x64xf32, #tpu.memory_space<hbm>> -> memref<40960x64xf32, #tpu.memory_space<hbm>>
    tpu.wait_indirect_dma semaphore(%arg16 : memref<!tpu.dma_semaphore, #tpu.memory_space<semaphore_mem>>) src(%dma_wait3A_119 : memref<40960x64xf32, #tpu.memory_space<hbm>>) dst(%dma_wait3A_114 : memref<128x64xf32, #tpu.memory_space<vmem>>)
    %dma_wait3A_120 = tpu.memref_slice %arg4[%mul3A_103] : memref<1310720xf32, #tpu.memory_space<hbm>> -> memref<2048xf32, #tpu.memory_space<hbm>>
    %dma_wait3A_121 = tpu.memref_slice %arg4[%mul3A_103] : memref<1310720xf32, #tpu.memory_space<hbm>> -> memref<2048xf32, #tpu.memory_space<hbm>>
    tpu.wait_dma2 semaphore(%arg16 : memref<!tpu.dma_semaphore, #tpu.memory_space<semaphore_mem>>) src(%dma_wait3A_121 : memref<2048xf32, #tpu.memory_space<hbm>>) dst(%arg13 : memref<2048xf32, #tpu.memory_space<vmem>>)
    %barrier3A_122 = arith.constant 0 : index
    tpu.barrier barrier_id(%barrier3A_122)
    %mul3A_123 = arith.constant 640 : i32
    %mul3A_124 = arith.muli %arg1, %mul3A_123 : i32
    %mul3A_125 = arith.constant 2 : i32
    %mul3A_126 = arith.muli %mul3A_125, %arg0 : i32
    %add3A_127 = arith.constant 0 : i32
    %add3A_128 = arith.addi %mul3A_126, %add3A_127 : i32
    %mul3A_129 = arith.constant 640 : i32
    %mul3A_130 = arith.muli %arg1, %mul3A_129 : i32
    "tpu.region"() ({
      %run_scoped3A = tpu.sem_alloc : memref<!tpu.dma_semaphore, #tpu.memory_space<semaphore_mem>>
      %dma_start3A_255 = arith.constant 0 : i32
      %dma_start3A_256 = arith.constant 0 : i32
      %dma_start3A_257 = tpu.memref_slice %arg7[%add3A_128, %dma_start3A_255, %dma_start3A_256] : memref<4x10240x64xf32, #tpu.memory_space<hbm>> -> memref<1x10240x64xf32, #tpu.memory_space<hbm>>
      %dma_start3A_258 = tpu.memref_squeeze %dma_start3A_257 : memref<1x10240x64xf32, #tpu.memory_space<hbm>> -> memref<10240x64xf32, #tpu.memory_space<hbm>>
      %dma_start3A_259 = arith.constant 0 : i32
      %dma_start3A_260 = tpu.memref_slice %dma_start3A_258[%mul3A_130, %dma_start3A_259] : memref<10240x64xf32, #tpu.memory_space<hbm>> -> memref<640x64xf32, #tpu.memory_space<hbm>>
      %dma_start3A_261 = arith.constant 0 : i32
      %dma_start3A_262 = tpu.memref_slice %arg14[%mul3A_124, %dma_start3A_261] : memref<10240x64xf32, #tpu.memory_space<vmem_shared>> -> memref<640x64xf32, #tpu.memory_space<vmem_shared>>
      tpu.enqueue_dma source(%dma_start3A_262 : memref<640x64xf32, #tpu.memory_space<vmem_shared>>) target(%dma_start3A_260 : memref<640x64xf32, #tpu.memory_space<hbm>>) target_semaphore(%run_scoped3A : memref<!tpu.dma_semaphore, #tpu.memory_space<semaphore_mem>>)
      %dma_wait3A_263 = arith.constant 0 : i32
      %dma_wait3A_264 = arith.constant 0 : i32
      %dma_wait3A_265 = tpu.memref_slice %arg7[%add3A_128, %dma_wait3A_263, %dma_wait3A_264] : memref<4x10240x64xf32, #tpu.memory_space<hbm>> -> memref<1x10240x64xf32, #tpu.memory_space<hbm>>
      %dma_wait3A_266 = tpu.memref_squeeze %dma_wait3A_265 : memref<1x10240x64xf32, #tpu.memory_space<hbm>> -> memref<10240x64xf32, #tpu.memory_space<hbm>>
      %dma_wait3A_267 = arith.constant 0 : i32
      %dma_wait3A_268 = tpu.memref_slice %dma_wait3A_266[%mul3A_130, %dma_wait3A_267] : memref<10240x64xf32, #tpu.memory_space<hbm>> -> memref<640x64xf32, #tpu.memory_space<hbm>>
      %dma_wait3A_269 = arith.constant 0 : i32
      %dma_wait3A_270 = tpu.memref_slice %arg14[%mul3A_124, %dma_wait3A_269] : memref<10240x64xf32, #tpu.memory_space<vmem_shared>> -> memref<640x64xf32, #tpu.memory_space<vmem_shared>>
      tpu.wait_dma2 semaphore(%run_scoped3A : memref<!tpu.dma_semaphore, #tpu.memory_space<semaphore_mem>>) src(%dma_wait3A_270 : memref<640x64xf32, #tpu.memory_space<vmem_shared>>) dst(%dma_wait3A_268 : memref<640x64xf32, #tpu.memory_space<hbm>>)
      tpu.yield
    }) : () -> ()
    %scan3A_131 = arith.constant 0 : i32
    %scan3A_132 = arith.constant 640 : i32
    %scan3A_133 = arith.addi %scan3A_131, %scan3A_132 : i32
    %scan3A_134 = arith.constant 4 : i32
    scf.for %scan3A_255 = %scan3A_131 to %scan3A_133 step %scan3A_134  : i32 {
      %mul3A_256 = arith.constant 1 : i32
      %mul3A_257 = arith.muli %scan3A_255, %mul3A_256 : i32
      %add3A_258 = arith.constant 0 : i32
      %add3A_259 = arith.addi %add3A_258, %mul3A_257 : i32
      %mul3A_260 = arith.constant 16 : i32
      %mul3A_261 = arith.muli %mul3A_260, %add3A_259 : i32
      %get3A = arith.index_cast %mul3A_261 : i32 to index
      %get3A_262 = tpu.vector_load %arg9[%get3A] {strides = array<i32>} : memref<10240xi32, #tpu.memory_space<vmem>>, vector<16xi32>,
      %add3A_263 = arith.constant 10240 : i32
      %add3A_264 = vector.broadcast %add3A_263 : i32 to vector<16xi32>
      %add3A_265 = arith.addi %get3A_262, %add3A_264 : vector<16xi32>
      %mul3A_266 = arith.constant 16 : i32
      %mul3A_267 = arith.muli %mul3A_266, %add3A_259 : i32
      %swap3A = arith.index_cast %mul3A_267 : i32 to index
      %swap3A_268 = tpu.vector_load %arg9[%swap3A] {strides = array<i32>} : memref<10240xi32, #tpu.memory_space<vmem>>, vector<16xi32>,
      tpu.vector_store %arg9[%swap3A], %add3A_265 {strides = array<i32>} : memref<10240xi32, #tpu.memory_space<vmem>>, vector<16xi32>,
      %scan3A_269 = arith.constant 1 : i32
      %scan3A_270 = arith.addi %scan3A_255, %scan3A_269 : i32
      %mul3A_271 = arith.constant 1 : i32
      %mul3A_272 = arith.muli %scan3A_270, %mul3A_271 : i32
      %add3A_273 = arith.constant 0 : i32
      %add3A_274 = arith.addi %add3A_273, %mul3A_272 : i32
      %mul3A_275 = arith.constant 16 : i32
      %mul3A_276 = arith.muli %mul3A_275, %add3A_274 : i32
      %get3A_277 = arith.index_cast %mul3A_276 : i32 to index
      %get3A_278 = tpu.vector_load %arg9[%get3A_277] {strides = array<i32>} : memref<10240xi32, #tpu.memory_space<vmem>>, vector<16xi32>,
      %add3A_279 = arith.constant 10240 : i32
      %add3A_280 = vector.broadcast %add3A_279 : i32 to vector<16xi32>
      %add3A_281 = arith.addi %get3A_278, %add3A_280 : vector<16xi32>
      %mul3A_282 = arith.constant 16 : i32
      %mul3A_283 = arith.muli %mul3A_282, %add3A_274 : i32
      %swap3A_284 = arith.index_cast %mul3A_283 : i32 to index
      %swap3A_285 = tpu.vector_load %arg9[%swap3A_284] {strides = array<i32>} : memref<10240xi32, #tpu.memory_space<vmem>>, vector<16xi32>,
      tpu.vector_store %arg9[%swap3A_284], %add3A_281 {strides = array<i32>} : memref<10240xi32, #tpu.memory_space<vmem>>, vector<16xi32>,
      %scan3A_286 = arith.constant 2 : i32
      %scan3A_287 = arith.addi %scan3A_255, %scan3A_286 : i32
      %mul3A_288 = arith.constant 1 : i32
      %mul3A_289 = arith.muli %scan3A_287, %mul3A_288 : i32
      %add3A_290 = arith.constant 0 : i32
      %add3A_291 = arith.addi %add3A_290, %mul3A_289 : i32
      %mul3A_292 = arith.constant 16 : i32
      %mul3A_293 = arith.muli %mul3A_292, %add3A_291 : i32
      %get3A_294 = arith.index_cast %mul3A_293 : i32 to index
      %get3A_295 = tpu.vector_load %arg9[%get3A_294] {strides = array<i32>} : memref<10240xi32, #tpu.memory_space<vmem>>, vector<16xi32>,
      %add3A_296 = arith.constant 10240 : i32
      %add3A_297 = vector.broadcast %add3A_296 : i32 to vector<16xi32>
      %add3A_298 = arith.addi %get3A_295, %add3A_297 : vector<16xi32>
      %mul3A_299 = arith.constant 16 : i32
      %mul3A_300 = arith.muli %mul3A_299, %add3A_291 : i32
      %swap3A_301 = arith.index_cast %mul3A_300 : i32 to index
      %swap3A_302 = tpu.vector_load %arg9[%swap3A_301] {strides = array<i32>} : memref<10240xi32, #tpu.memory_space<vmem>>, vector<16xi32>,
      tpu.vector_store %arg9[%swap3A_301], %add3A_298 {strides = array<i32>} : memref<10240xi32, #tpu.memory_space<vmem>>, vector<16xi32>,
      %scan3A_303 = arith.constant 3 : i32
      %scan3A_304 = arith.addi %scan3A_255, %scan3A_303 : i32
      %mul3A_305 = arith.constant 1 : i32
      %mul3A_306 = arith.muli %scan3A_304, %mul3A_305 : i32
      %add3A_307 = arith.constant 0 : i32
      %add3A_308 = arith.addi %add3A_307, %mul3A_306 : i32
      %mul3A_309 = arith.constant 16 : i32
      %mul3A_310 = arith.muli %mul3A_309, %add3A_308 : i32
      %get3A_311 = arith.index_cast %mul3A_310 : i32 to index
      %get3A_312 = tpu.vector_load %arg9[%get3A_311] {strides = array<i32>} : memref<10240xi32, #tpu.memory_space<vmem>>, vector<16xi32>,
      %add3A_313 = arith.constant 10240 : i32
      %add3A_314 = vector.broadcast %add3A_313 : i32 to vector<16xi32>
      %add3A_315 = arith.addi %get3A_312, %add3A_314 : vector<16xi32>
      %mul3A_316 = arith.constant 16 : i32
      %mul3A_317 = arith.muli %mul3A_316, %add3A_308 : i32
      %swap3A_318 = arith.index_cast %mul3A_317 : i32 to index
      %swap3A_319 = tpu.vector_load %arg9[%swap3A_318] {strides = array<i32>} : memref<10240xi32, #tpu.memory_space<vmem>>, vector<16xi32>,
      tpu.vector_store %arg9[%swap3A_318], %add3A_315 {strides = array<i32>} : memref<10240xi32, #tpu.memory_space<vmem>>, vector<16xi32>,
    }
    %scan3A_135 = arith.constant 640 : i32
    %mul3A_136 = arith.constant 640 : i32
    %mul3A_137 = arith.muli %arg1, %mul3A_136 : i32
    %mul3A_138 = arith.constant 640 : i32
    %mul3A_139 = arith.muli %arg1, %mul3A_138 : i32
    "tpu.region"() ({
      %run_scoped3A = tpu.sem_alloc : memref<!tpu.dma_semaphore, #tpu.memory_space<semaphore_mem>>
      %dma_start3A_255 = arith.constant 0 : i32
      %dma_start3A_256 = tpu.memref_slice %arg14[%mul3A_139, %dma_start3A_255] : memref<10240x64xf32, #tpu.memory_space<vmem_shared>> -> memref<640x64xf32, #tpu.memory_space<vmem_shared>>
      %dma_start3A_257 = arith.constant 0 : i32
      %dma_start3A_258 = tpu.memref_slice %arg6[%mul3A_137, %dma_start3A_257] : memref<10240x64xf32, #tpu.memory_space<hbm>> -> memref<640x64xf32, #tpu.memory_space<hbm>>
      tpu.enqueue_dma source(%dma_start3A_258 : memref<640x64xf32, #tpu.memory_space<hbm>>) target(%dma_start3A_256 : memref<640x64xf32, #tpu.memory_space<vmem_shared>>) target_semaphore(%run_scoped3A : memref<!tpu.dma_semaphore, #tpu.memory_space<semaphore_mem>>)
      %dma_wait3A_259 = arith.constant 0 : i32
      %dma_wait3A_260 = tpu.memref_slice %arg14[%mul3A_139, %dma_wait3A_259] : memref<10240x64xf32, #tpu.memory_space<vmem_shared>> -> memref<640x64xf32, #tpu.memory_space<vmem_shared>>
      %dma_wait3A_261 = arith.constant 0 : i32
      %dma_wait3A_262 = tpu.memref_slice %arg6[%mul3A_137, %dma_wait3A_261] : memref<10240x64xf32, #tpu.memory_space<hbm>> -> memref<640x64xf32, #tpu.memory_space<hbm>>
      tpu.wait_dma2 semaphore(%run_scoped3A : memref<!tpu.dma_semaphore, #tpu.memory_space<semaphore_mem>>) src(%dma_wait3A_262 : memref<640x64xf32, #tpu.memory_space<hbm>>) dst(%dma_wait3A_260 : memref<640x64xf32, #tpu.memory_space<vmem_shared>>)
      tpu.yield
    }) : () -> ()
    %barrier3A_140 = arith.constant 0 : index
    tpu.barrier barrier_id(%barrier3A_140)
    %mul3A_141 = arith.constant 4 : i32
    %mul3A_142 = arith.muli %mul3A_141, %arg0 : i32
    %add3A_143 = arith.constant 2 : i32
    %add3A_144 = arith.addi %mul3A_142, %add3A_143 : i32
    %mul3A_145 = arith.constant 80 : i32
    %mul3A_146 = arith.muli %arg1, %mul3A_145 : i32
    %add3A_147 = arith.constant 0 : i32
    %add3A_148 = arith.addi %mul3A_146, %add3A_147 : i32
    %mul3A_149 = arith.constant 1024 : i32
    %mul3A_150 = arith.muli %add3A_148, %mul3A_149 : i32
    %dma_start3A_151 = arith.constant 0 : i32
    %dma_start3A_152 = arith.constant 0 : i32
    %dma_start3A_153 = tpu.memref_slice %arg10[%dma_start3A_151, %dma_start3A_152] : memref<256x64xf32, #tpu.memory_space<vmem>> -> memref<128x64xf32, #tpu.memory_space<vmem>>
    %dma_start3A_154 = arith.constant 0 : i32
    %dma_start3A_155 = tpu.memref_slice %arg9[%dma_start3A_154] : memref<10240xi32, #tpu.memory_space<vmem>> -> memref<128xi32, #tpu.memory_space<vmem>>
    %dma_start3A_156 = arith.constant 0 : i32
    %dma_start3A_157 = arith.constant 0 : i32
    %dma_start3A_158 = tpu.memref_slice %arg5[%dma_start3A_156, %dma_start3A_157] : memref<40960x64xf32, #tpu.memory_space<hbm>> -> memref<40960x64xf32, #tpu.memory_space<hbm>>
    tpu.enqueue_indirect_dma source(%dma_start3A_158 : memref<40960x64xf32, #tpu.memory_space<hbm>>) target(%dma_start3A_153 : memref<128x64xf32, #tpu.memory_space<vmem>>) offsets(%dma_start3A_155 : memref<128xi32, #tpu.memory_space<vmem>>) semaphore(%arg15 : memref<!tpu.dma_semaphore, #tpu.memory_space<semaphore_mem>>)
    %dma_start3A_159 = arith.constant 128 : i32
    %dma_start3A_160 = arith.constant 0 : i32
    %dma_start3A_161 = tpu.memref_slice %arg10[%dma_start3A_159, %dma_start3A_160] : memref<256x64xf32, #tpu.memory_space<vmem>> -> memref<128x64xf32, #tpu.memory_space<vmem>>
    %dma_start3A_162 = arith.constant 128 : i32
    %dma_start3A_163 = tpu.memref_slice %arg9[%dma_start3A_162] : memref<10240xi32, #tpu.memory_space<vmem>> -> memref<128xi32, #tpu.memory_space<vmem>>
    %dma_start3A_164 = arith.constant 0 : i32
    %dma_start3A_165 = arith.constant 0 : i32
    %dma_start3A_166 = tpu.memref_slice %arg5[%dma_start3A_164, %dma_start3A_165] : memref<40960x64xf32, #tpu.memory_space<hbm>> -> memref<40960x64xf32, #tpu.memory_space<hbm>>
    tpu.enqueue_indirect_dma source(%dma_start3A_166 : memref<40960x64xf32, #tpu.memory_space<hbm>>) target(%dma_start3A_161 : memref<128x64xf32, #tpu.memory_space<vmem>>) offsets(%dma_start3A_163 : memref<128xi32, #tpu.memory_space<vmem>>) semaphore(%arg15 : memref<!tpu.dma_semaphore, #tpu.memory_space<semaphore_mem>>)
    %dma_start3A_167 = tpu.memref_slice %arg4[%mul3A_150] : memref<1310720xf32, #tpu.memory_space<hbm>> -> memref<2048xf32, #tpu.memory_space<hbm>>
    %dma_start3A_168 = tpu.memref_slice %arg4[%mul3A_150] : memref<1310720xf32, #tpu.memory_space<hbm>> -> memref<2048xf32, #tpu.memory_space<hbm>>
    tpu.enqueue_dma source(%dma_start3A_168 : memref<2048xf32, #tpu.memory_space<hbm>>) target(%arg12 : memref<2048xf32, #tpu.memory_space<vmem>>) target_semaphore(%arg15 : memref<!tpu.dma_semaphore, #tpu.memory_space<semaphore_mem>>)
    %mul3A_169 = arith.constant 80 : i32
    %mul3A_170 = arith.muli %arg1, %mul3A_169 : i32
    %add3A_171 = arith.constant 2 : i32
    %add3A_172 = arith.addi %mul3A_170, %add3A_171 : i32
    %mul3A_173 = arith.constant 1024 : i32
    %mul3A_174 = arith.muli %add3A_172, %mul3A_173 : i32
    %dma_start3A_175 = arith.constant 0 : i32
    %dma_start3A_176 = arith.constant 0 : i32
    %dma_start3A_177 = tpu.memref_slice %arg11[%dma_start3A_175, %dma_start3A_176] : memref<256x64xf32, #tpu.memory_space<vmem>> -> memref<128x64xf32, #tpu.memory_space<vmem>>
    %dma_start3A_178 = arith.constant 256 : i32
    %dma_start3A_179 = tpu.memref_slice %arg9[%dma_start3A_178] : memref<10240xi32, #tpu.memory_space<vmem>> -> memref<128xi32, #tpu.memory_space<vmem>>
    %dma_start3A_180 = arith.constant 0 : i32
    %dma_start3A_181 = arith.constant 0 : i32
    %dma_start3A_182 = tpu.memref_slice %arg5[%dma_start3A_180, %dma_start3A_181] : memref<40960x64xf32, #tpu.memory_space<hbm>> -> memref<40960x64xf32, #tpu.memory_space<hbm>>
    tpu.enqueue_indirect_dma source(%dma_start3A_182 : memref<40960x64xf32, #tpu.memory_space<hbm>>) target(%dma_start3A_177 : memref<128x64xf32, #tpu.memory_space<vmem>>) offsets(%dma_start3A_179 : memref<128xi32, #tpu.memory_space<vmem>>) semaphore(%arg16 : memref<!tpu.dma_semaphore, #tpu.memory_space<semaphore_mem>>)
    %dma_start3A_183 = arith.constant 128 : i32
    %dma_start3A_184 = arith.constant 0 : i32
    %dma_start3A_185 = tpu.memref_slice %arg11[%dma_start3A_183, %dma_start3A_184] : memref<256x64xf32, #tpu.memory_space<vmem>> -> memref<128x64xf32, #tpu.memory_space<vmem>>
    %dma_start3A_186 = arith.constant 384 : i32
    %dma_start3A_187 = tpu.memref_slice %arg9[%dma_start3A_186] : memref<10240xi32, #tpu.memory_space<vmem>> -> memref<128xi32, #tpu.memory_space<vmem>>
    %dma_start3A_188 = arith.constant 0 : i32
    %dma_start3A_189 = arith.constant 0 : i32
    %dma_start3A_190 = tpu.memref_slice %arg5[%dma_start3A_188, %dma_start3A_189] : memref<40960x64xf32, #tpu.memory_space<hbm>> -> memref<40960x64xf32, #tpu.memory_space<hbm>>
    tpu.enqueue_indirect_dma source(%dma_start3A_190 : memref<40960x64xf32, #tpu.memory_space<hbm>>) target(%dma_start3A_185 : memref<128x64xf32, #tpu.memory_space<vmem>>) offsets(%dma_start3A_187 : memref<128xi32, #tpu.memory_space<vmem>>) semaphore(%arg16 : memref<!tpu.dma_semaphore, #tpu.memory_space<semaphore_mem>>)
    %dma_start3A_191 = tpu.memref_slice %arg4[%mul3A_174] : memref<1310720xf32, #tpu.memory_space<hbm>> -> memref<2048xf32, #tpu.memory_space<hbm>>
    %dma_start3A_192 = tpu.memref_slice %arg4[%mul3A_174] : memref<1310720xf32, #tpu.memory_space<hbm>> -> memref<2048xf32, #tpu.memory_space<hbm>>
    tpu.enqueue_dma source(%dma_start3A_192 : memref<2048xf32, #tpu.memory_space<hbm>>) target(%arg13 : memref<2048xf32, #tpu.memory_space<vmem>>) target_semaphore(%arg16 : memref<!tpu.dma_semaphore, #tpu.memory_space<semaphore_mem>>)
    %scan3A_193 = arith.constant 0 : i32
    %scan3A_194 = arith.constant 20 : i32
    %scan3A_195 = arith.addi %scan3A_193, %scan3A_194 : i32
    %scan3A_196 = arith.constant 1 : i32
    scf.for %scan3A_255 = %scan3A_193 to %scan3A_195 step %scan3A_196  : i32 {
      %mul3A_256 = arith.constant 1 : i32
      %mul3A_257 = arith.muli %scan3A_255, %mul3A_256 : i32
      %add3A_258 = arith.constant 0 : i32
      %add3A_259 = arith.addi %add3A_258, %mul3A_257 : i32
      %mul3A_260 = arith.constant 2 : i32
      %mul3A_261 = arith.muli %mul3A_260, %add3A_259 : i32
      %mul3A_262 = arith.constant 256 : i32
      %mul3A_263 = arith.muli %mul3A_262, %mul3A_261 : i32
      %mul3A_264 = arith.constant 256 : i32
      %mul3A_265 = arith.muli %mul3A_264, %mul3A_261 : i32
      %add3A_266 = arith.constant 128 : i32
      %add3A_267 = arith.addi %mul3A_265, %add3A_266 : i32
      %mul3A_268 = arith.constant 80 : i32
      %mul3A_269 = arith.muli %arg1, %mul3A_268 : i32
      %mul3A_270 = arith.constant 2 : i32
      %mul3A_271 = arith.muli %mul3A_270, %mul3A_261 : i32
      %add3A_272 = arith.addi %mul3A_269, %mul3A_271 : i32
      %mul3A_273 = arith.constant 1024 : i32
      %mul3A_274 = arith.muli %add3A_272, %mul3A_273 : i32
      %dma_wait3A_275 = arith.constant 0 : i32
      %dma_wait3A_276 = arith.constant 0 : i32
      %dma_wait3A_277 = tpu.memref_slice %arg10[%dma_wait3A_275, %dma_wait3A_276] : memref<256x64xf32, #tpu.memory_space<vmem>> -> memref<128x64xf32, #tpu.memory_space<vmem>>
      %dma_wait3A_278 = tpu.memref_slice %arg9[%mul3A_263] : memref<10240xi32, #tpu.memory_space<vmem>> -> memref<128xi32, #tpu.memory_space<vmem>>
      %dma_wait3A_279 = arith.constant 0 : i32
      %dma_wait3A_280 = arith.constant 0 : i32
      %dma_wait3A_281 = tpu.memref_slice %arg5[%dma_wait3A_279, %dma_wait3A_280] : memref<40960x64xf32, #tpu.memory_space<hbm>> -> memref<40960x64xf32, #tpu.memory_space<hbm>>
      tpu.wait_indirect_dma semaphore(%arg15 : memref<!tpu.dma_semaphore, #tpu.memory_space<semaphore_mem>>) src(%dma_wait3A_281 : memref<40960x64xf32, #tpu.memory_space<hbm>>) dst(%dma_wait3A_277 : memref<128x64xf32, #tpu.memory_space<vmem>>)
      %dma_wait3A_282 = arith.constant 128 : i32
      %dma_wait3A_283 = arith.constant 0 : i32
      %dma_wait3A_284 = tpu.memref_slice %arg10[%dma_wait3A_282, %dma_wait3A_283] : memref<256x64xf32, #tpu.memory_space<vmem>> -> memref<128x64xf32, #tpu.memory_space<vmem>>
      %dma_wait3A_285 = tpu.memref_slice %arg9[%add3A_267] : memref<10240xi32, #tpu.memory_space<vmem>> -> memref<128xi32, #tpu.memory_space<vmem>>
      %dma_wait3A_286 = arith.constant 0 : i32
      %dma_wait3A_287 = arith.constant 0 : i32
      %dma_wait3A_288 = tpu.memref_slice %arg5[%dma_wait3A_286, %dma_wait3A_287] : memref<40960x64xf32, #tpu.memory_space<hbm>> -> memref<40960x64xf32, #tpu.memory_space<hbm>>
      tpu.wait_indirect_dma semaphore(%arg15 : memref<!tpu.dma_semaphore, #tpu.memory_space<semaphore_mem>>) src(%dma_wait3A_288 : memref<40960x64xf32, #tpu.memory_space<hbm>>) dst(%dma_wait3A_284 : memref<128x64xf32, #tpu.memory_space<vmem>>)
      %dma_wait3A_289 = tpu.memref_slice %arg4[%mul3A_274] : memref<1310720xf32, #tpu.memory_space<hbm>> -> memref<2048xf32, #tpu.memory_space<hbm>>
      %dma_wait3A_290 = tpu.memref_slice %arg4[%mul3A_274] : memref<1310720xf32, #tpu.memory_space<hbm>> -> memref<2048xf32, #tpu.memory_space<hbm>>
      tpu.wait_dma2 semaphore(%arg15 : memref<!tpu.dma_semaphore, #tpu.memory_space<semaphore_mem>>) src(%dma_wait3A_290 : memref<2048xf32, #tpu.memory_space<hbm>>) dst(%arg12 : memref<2048xf32, #tpu.memory_space<vmem>>)
      %scan3A_291 = arith.constant 0 : i32
      %scan3A_292 = arith.constant 256 : i32
      %scan3A_293 = arith.addi %scan3A_291, %scan3A_292 : i32
      %scan3A_294 = arith.constant 8 : i32
      scf.for %scan3A_411 = %scan3A_291 to %scan3A_293 step %scan3A_294  : i32 {
        %mul3A_412 = arith.constant 1 : i32
        %mul3A_413 = arith.muli %scan3A_411, %mul3A_412 : i32
        %add3A_414 = arith.constant 0 : i32
        %add3A_415 = arith.addi %add3A_414, %mul3A_413 : i32
        %mul3A_416 = arith.constant 8 : i32
        %mul3A_417 = arith.muli %mul3A_416, %add3A_415 : i32
        %add3A_418 = arith.addi %mul3A_417, %add3A_144 : i32
        %add3A_419 = arith.constant 0 : i32
        %add3A_420 = arith.addi %add3A_418, %add3A_419 : i32
        %add3A_421 = vector.broadcast %add3A_420 : i32 to vector<16xi32>
        %add3A_422 = arith.addi %add3A_421, %mul3A_7 : vector<16xi32>
        %gather3A = tpu.vector_load_idx %arg12[%add3A_422] : memref<2048xf32, #tpu.memory_space<vmem>>[vector<16xi32>], vector<16xf32>,
        %get3A = arith.index_cast %add3A_415 : i32 to index
        %get3A_423 = arith.constant 0 : index
        %get3A_424 = tpu.vector_load %arg10[%get3A, %get3A_423] {strides = array<i32>} : memref<256x64xf32, #tpu.memory_space<vmem>>, vector<16xf32>,
        %mul3A_425 = arith.mulf %get3A_424, %gather3A : vector<16xf32>
        %swap3A = arith.index_cast %add3A_415 : i32 to index
        %swap3A_426 = arith.constant 0 : index
        %swap3A_427 = tpu.vector_load %arg10[%swap3A, %swap3A_426] {strides = array<i32>} : memref<256x64xf32, #tpu.memory_space<vmem>>, vector<16xf32>,
        tpu.vector_store %arg10[%swap3A, %swap3A_426], %mul3A_425 {strides = array<i32>} : memref<256x64xf32, #tpu.memory_space<vmem>>, vector<16xf32>,
        %get3A_428 = arith.index_cast %add3A_415 : i32 to index
        %get3A_429 = arith.constant 16 : index
        %get3A_430 = tpu.vector_load %arg10[%get3A_428, %get3A_429] {strides = array<i32>} : memref<256x64xf32, #tpu.memory_space<vmem>>, vector<16xf32>,
        %mul3A_431 = arith.mulf %get3A_430, %gather3A : vector<16xf32>
        %swap3A_432 = arith.index_cast %add3A_415 : i32 to index
        %swap3A_433 = arith.constant 16 : index
        %swap3A_434 = tpu.vector_load %arg10[%swap3A_432, %swap3A_433] {strides = array<i32>} : memref<256x64xf32, #tpu.memory_space<vmem>>, vector<16xf32>,
        tpu.vector_store %arg10[%swap3A_432, %swap3A_433], %mul3A_431 {strides = array<i32>} : memref<256x64xf32, #tpu.memory_space<vmem>>, vector<16xf32>,
        %add3A_435 = arith.constant 1 : i32
        %add3A_436 = arith.addi %add3A_418, %add3A_435 : i32
        %add3A_437 = vector.broadcast %add3A_436 : i32 to vector<16xi32>
        %add3A_438 = arith.addi %add3A_437, %mul3A_7 : vector<16xi32>
        %gather3A_439 = tpu.vector_load_idx %arg12[%add3A_438] : memref<2048xf32, #tpu.memory_space<vmem>>[vector<16xi32>], vector<16xf32>,
        %get3A_440 = arith.index_cast %add3A_415 : i32 to index
        %get3A_441 = arith.constant 32 : index
        %get3A_442 = tpu.vector_load %arg10[%get3A_440, %get3A_441] {strides = array<i32>} : memref<256x64xf32, #tpu.memory_space<vmem>>, vector<16xf32>,
        %mul3A_443 = arith.mulf %get3A_442, %gather3A_439 : vector<16xf32>
        %swap3A_444 = arith.index_cast %add3A_415 : i32 to index
        %swap3A_445 = arith.constant 32 : index
        %swap3A_446 = tpu.vector_load %arg10[%swap3A_444, %swap3A_445] {strides = array<i32>} : memref<256x64xf32, #tpu.memory_space<vmem>>, vector<16xf32>,
        tpu.vector_store %arg10[%swap3A_444, %swap3A_445], %mul3A_443 {strides = array<i32>} : memref<256x64xf32, #tpu.memory_space<vmem>>, vector<16xf32>,
        %get3A_447 = arith.index_cast %add3A_415 : i32 to index
        %get3A_448 = arith.constant 48 : index
        %get3A_449 = tpu.vector_load %arg10[%get3A_447, %get3A_448] {strides = array<i32>} : memref<256x64xf32, #tpu.memory_space<vmem>>, vector<16xf32>,
        %mul3A_450 = arith.mulf %get3A_449, %gather3A_439 : vector<16xf32>
        %swap3A_451 = arith.index_cast %add3A_415 : i32 to index
        %swap3A_452 = arith.constant 48 : index
        %swap3A_453 = tpu.vector_load %arg10[%swap3A_451, %swap3A_452] {strides = array<i32>} : memref<256x64xf32, #tpu.memory_space<vmem>>, vector<16xf32>,
        tpu.vector_store %arg10[%swap3A_451, %swap3A_452], %mul3A_450 {strides = array<i32>} : memref<256x64xf32, #tpu.memory_space<vmem>>, vector<16xf32>,
        %scan3A_454 = arith.constant 1 : i32
        %scan3A_455 = arith.addi %scan3A_411, %scan3A_454 : i32
        %mul3A_456 = arith.constant 1 : i32
        %mul3A_457 = arith.muli %scan3A_455, %mul3A_456 : i32
        %add3A_458 = arith.constant 0 : i32
        %add3A_459 = arith.addi %add3A_458, %mul3A_457 : i32
        %mul3A_460 = arith.constant 8 : i32
        %mul3A_461 = arith.muli %mul3A_460, %add3A_459 : i32
        %add3A_462 = arith.addi %mul3A_461, %add3A_144 : i32
        %add3A_463 = arith.constant 0 : i32
        %add3A_464 = arith.addi %add3A_462, %add3A_463 : i32
        %add3A_465 = vector.broadcast %add3A_464 : i32 to vector<16xi32>
        %add3A_466 = arith.addi %add3A_465, %mul3A_7 : vector<16xi32>
        %gather3A_467 = tpu.vector_load_idx %arg12[%add3A_466] : memref<2048xf32, #tpu.memory_space<vmem>>[vector<16xi32>], vector<16xf32>,
        %get3A_468 = arith.index_cast %add3A_459 : i32 to index
        %get3A_469 = arith.constant 0 : index
        %get3A_470 = tpu.vector_load %arg10[%get3A_468, %get3A_469] {strides = array<i32>} : memref<256x64xf32, #tpu.memory_space<vmem>>, vector<16xf32>,
        %mul3A_471 = arith.mulf %get3A_470, %gather3A_467 : vector<16xf32>
        %swap3A_472 = arith.index_cast %add3A_459 : i32 to index
        %swap3A_473 = arith.constant 0 : index
        %swap3A_474 = tpu.vector_load %arg10[%swap3A_472, %swap3A_473] {strides = array<i32>} : memref<256x64xf32, #tpu.memory_space<vmem>>, vector<16xf32>,
        tpu.vector_store %arg10[%swap3A_472, %swap3A_473], %mul3A_471 {strides = array<i32>} : memref<256x64xf32, #tpu.memory_space<vmem>>, vector<16xf32>,
        %get3A_475 = arith.index_cast %add3A_459 : i32 to index
        %get3A_476 = arith.constant 16 : index
        %get3A_477 = tpu.vector_load %arg10[%get3A_475, %get3A_476] {strides = array<i32>} : memref<256x64xf32, #tpu.memory_space<vmem>>, vector<16xf32>,
        %mul3A_478 = arith.mulf %get3A_477, %gather3A_467 : vector<16xf32>
        %swap3A_479 = arith.index_cast %add3A_459 : i32 to index
        %swap3A_480 = arith.constant 16 : index
        %swap3A_481 = tpu.vector_load %arg10[%swap3A_479, %swap3A_480] {strides = array<i32>} : memref<256x64xf32, #tpu.memory_space<vmem>>, vector<16xf32>,
        tpu.vector_store %arg10[%swap3A_479, %swap3A_480], %mul3A_478 {strides = array<i32>} : memref<256x64xf32, #tpu.memory_space<vmem>>, vector<16xf32>,
        %add3A_482 = arith.constant 1 : i32
        %add3A_483 = arith.addi %add3A_462, %add3A_482 : i32
        %add3A_484 = vector.broadcast %add3A_483 : i32 to vector<16xi32>
        %add3A_485 = arith.addi %add3A_484, %mul3A_7 : vector<16xi32>
        %gather3A_486 = tpu.vector_load_idx %arg12[%add3A_485] : memref<2048xf32, #tpu.memory_space<vmem>>[vector<16xi32>], vector<16xf32>,
        %get3A_487 = arith.index_cast %add3A_459 : i32 to index
        %get3A_488 = arith.constant 32 : index
        %get3A_489 = tpu.vector_load %arg10[%get3A_487, %get3A_488] {strides = array<i32>} : memref<256x64xf32, #tpu.memory_space<vmem>>, vector<16xf32>,
        %mul3A_490 = arith.mulf %get3A_489, %gather3A_486 : vector<16xf32>
        %swap3A_491 = arith.index_cast %add3A_459 : i32 to index
        %swap3A_492 = arith.constant 32 : index
        %swap3A_493 = tpu.vector_load %arg10[%swap3A_491, %swap3A_492] {strides = array<i32>} : memref<256x64xf32, #tpu.memory_space<vmem>>, vector<16xf32>,
        tpu.vector_store %arg10[%swap3A_491, %swap3A_492], %mul3A_490 {strides = array<i32>} : memref<256x64xf32, #tpu.memory_space<vmem>>, vector<16xf32>,
        %get3A_494 = arith.index_cast %add3A_459 : i32 to index
        %get3A_495 = arith.constant 48 : index
        %get3A_496 = tpu.vector_load %arg10[%get3A_494, %get3A_495] {strides = array<i32>} : memref<256x64xf32, #tpu.memory_space<vmem>>, vector<16xf32>,
        %mul3A_497 = arith.mulf %get3A_496, %gather3A_486 : vector<16xf32>
        %swap3A_498 = arith.index_cast %add3A_459 : i32 to index
        %swap3A_499 = arith.constant 48 : index
        %swap3A_500 = tpu.vector_load %arg10[%swap3A_498, %swap3A_499] {strides = array<i32>} : memref<256x64xf32, #tpu.memory_space<vmem>>, vector<16xf32>,
        tpu.vector_store %arg10[%swap3A_498, %swap3A_499], %mul3A_497 {strides = array<i32>} : memref<256x64xf32, #tpu.memory_space<vmem>>, vector<16xf32>,
        %scan3A_501 = arith.constant 2 : i32
        %scan3A_502 = arith.addi %scan3A_411, %scan3A_501 : i32
        %mul3A_503 = arith.constant 1 : i32
        %mul3A_504 = arith.muli %scan3A_502, %mul3A_503 : i32
        %add3A_505 = arith.constant 0 : i32
        %add3A_506 = arith.addi %add3A_505, %mul3A_504 : i32
        %mul3A_507 = arith.constant 8 : i32
        %mul3A_508 = arith.muli %mul3A_507, %add3A_506 : i32
        %add3A_509 = arith.addi %mul3A_508, %add3A_144 : i32
        %add3A_510 = arith.constant 0 : i32
        %add3A_511 = arith.addi %add3A_509, %add3A_510 : i32
        %add3A_512 = vector.broadcast %add3A_511 : i32 to vector<16xi32>
        %add3A_513 = arith.addi %add3A_512, %mul3A_7 : vector<16xi32>
        %gather3A_514 = tpu.vector_load_idx %arg12[%add3A_513] : memref<2048xf32, #tpu.memory_space<vmem>>[vector<16xi32>], vector<16xf32>,
        %get3A_515 = arith.index_cast %add3A_506 : i32 to index
        %get3A_516 = arith.constant 0 : index
        %get3A_517 = tpu.vector_load %arg10[%get3A_515, %get3A_516] {strides = array<i32>} : memref<256x64xf32, #tpu.memory_space<vmem>>, vector<16xf32>,
        %mul3A_518 = arith.mulf %get3A_517, %gather3A_514 : vector<16xf32>
        %swap3A_519 = arith.index_cast %add3A_506 : i32 to index
        %swap3A_520 = arith.constant 0 : index
        %swap3A_521 = tpu.vector_load %arg10[%swap3A_519, %swap3A_520] {strides = array<i32>} : memref<256x64xf32, #tpu.memory_space<vmem>>, vector<16xf32>,
        tpu.vector_store %arg10[%swap3A_519, %swap3A_520], %mul3A_518 {strides = array<i32>} : memref<256x64xf32, #tpu.memory_space<vmem>>, vector<16xf32>,
        %get3A_522 = arith.index_cast %add3A_506 : i32 to index
        %get3A_523 = arith.constant 16 : index
        %get3A_524 = tpu.vector_load %arg10[%get3A_522, %get3A_523] {strides = array<i32>} : memref<256x64xf32, #tpu.memory_space<vmem>>, vector<16xf32>,
        %mul3A_525 = arith.mulf %get3A_524, %gather3A_514 : vector<16xf32>
        %swap3A_526 = arith.index_cast %add3A_506 : i32 to index
        %swap3A_527 = arith.constant 16 : index
        %swap3A_528 = tpu.vector_load %arg10[%swap3A_526, %swap3A_527] {strides = array<i32>} : memref<256x64xf32, #tpu.memory_space<vmem>>, vector<16xf32>,
        tpu.vector_store %arg10[%swap3A_526, %swap3A_527], %mul3A_525 {strides = array<i32>} : memref<256x64xf32, #tpu.memory_space<vmem>>, vector<16xf32>,
        %add3A_529 = arith.constant 1 : i32
        %add3A_530 = arith.addi %add3A_509, %add3A_529 : i32
        %add3A_531 = vector.broadcast %add3A_530 : i32 to vector<16xi32>
        %add3A_532 = arith.addi %add3A_531, %mul3A_7 : vector<16xi32>
        %gather3A_533 = tpu.vector_load_idx %arg12[%add3A_532] : memref<2048xf32, #tpu.memory_space<vmem>>[vector<16xi32>], vector<16xf32>,
        %get3A_534 = arith.index_cast %add3A_506 : i32 to index
        %get3A_535 = arith.constant 32 : index
        %get3A_536 = tpu.vector_load %arg10[%get3A_534, %get3A_535] {strides = array<i32>} : memref<256x64xf32, #tpu.memory_space<vmem>>, vector<16xf32>,
        %mul3A_537 = arith.mulf %get3A_536, %gather3A_533 : vector<16xf32>
        %swap3A_538 = arith.index_cast %add3A_506 : i32 to index
        %swap3A_539 = arith.constant 32 : index
        %swap3A_540 = tpu.vector_load %arg10[%swap3A_538, %swap3A_539] {strides = array<i32>} : memref<256x64xf32, #tpu.memory_space<vmem>>, vector<16xf32>,
        tpu.vector_store %arg10[%swap3A_538, %swap3A_539], %mul3A_537 {strides = array<i32>} : memref<256x64xf32, #tpu.memory_space<vmem>>, vector<16xf32>,
        %get3A_541 = arith.index_cast %add3A_506 : i32 to index
        %get3A_542 = arith.constant 48 : index
        %get3A_543 = tpu.vector_load %arg10[%get3A_541, %get3A_542] {strides = array<i32>} : memref<256x64xf32, #tpu.memory_space<vmem>>, vector<16xf32>,
        %mul3A_544 = arith.mulf %get3A_543, %gather3A_533 : vector<16xf32>
        %swap3A_545 = arith.index_cast %add3A_506 : i32 to index
        %swap3A_546 = arith.constant 48 : index
        %swap3A_547 = tpu.vector_load %arg10[%swap3A_545, %swap3A_546] {strides = array<i32>} : memref<256x64xf32, #tpu.memory_space<vmem>>, vector<16xf32>,
        tpu.vector_store %arg10[%swap3A_545, %swap3A_546], %mul3A_544 {strides = array<i32>} : memref<256x64xf32, #tpu.memory_space<vmem>>, vector<16xf32>,
        %scan3A_548 = arith.constant 3 : i32
        %scan3A_549 = arith.addi %scan3A_411, %scan3A_548 : i32
        %mul3A_550 = arith.constant 1 : i32
        %mul3A_551 = arith.muli %scan3A_549, %mul3A_550 : i32
        %add3A_552 = arith.constant 0 : i32
        %add3A_553 = arith.addi %add3A_552, %mul3A_551 : i32
        %mul3A_554 = arith.constant 8 : i32
        %mul3A_555 = arith.muli %mul3A_554, %add3A_553 : i32
        %add3A_556 = arith.addi %mul3A_555, %add3A_144 : i32
        %add3A_557 = arith.constant 0 : i32
        %add3A_558 = arith.addi %add3A_556, %add3A_557 : i32
        %add3A_559 = vector.broadcast %add3A_558 : i32 to vector<16xi32>
        %add3A_560 = arith.addi %add3A_559, %mul3A_7 : vector<16xi32>
        %gather3A_561 = tpu.vector_load_idx %arg12[%add3A_560] : memref<2048xf32, #tpu.memory_space<vmem>>[vector<16xi32>], vector<16xf32>,
        %get3A_562 = arith.index_cast %add3A_553 : i32 to index
        %get3A_563 = arith.constant 0 : index
        %get3A_564 = tpu.vector_load %arg10[%get3A_562, %get3A_563] {strides = array<i32>} : memref<256x64xf32, #tpu.memory_space<vmem>>, vector<16xf32>,
        %mul3A_565 = arith.mulf %get3A_564, %gather3A_561 : vector<16xf32>
        %swap3A_566 = arith.index_cast %add3A_553 : i32 to index
        %swap3A_567 = arith.constant 0 : index
        %swap3A_568 = tpu.vector_load %arg10[%swap3A_566, %swap3A_567] {strides = array<i32>} : memref<256x64xf32, #tpu.memory_space<vmem>>, vector<16xf32>,
        tpu.vector_store %arg10[%swap3A_566, %swap3A_567], %mul3A_565 {strides = array<i32>} : memref<256x64xf32, #tpu.memory_space<vmem>>, vector<16xf32>,
        %get3A_569 = arith.index_cast %add3A_553 : i32 to index
        %get3A_570 = arith.constant 16 : index
        %get3A_571 = tpu.vector_load %arg10[%get3A_569, %get3A_570] {strides = array<i32>} : memref<256x64xf32, #tpu.memory_space<vmem>>, vector<16xf32>,
        %mul3A_572 = arith.mulf %get3A_571, %gather3A_561 : vector<16xf32>
        %swap3A_573 = arith.index_cast %add3A_553 : i32 to index
        %swap3A_574 = arith.constant 16 : index
        %swap3A_575 = tpu.vector_load %arg10[%swap3A_573, %swap3A_574] {strides = array<i32>} : memref<256x64xf32, #tpu.memory_space<vmem>>, vector<16xf32>,
        tpu.vector_store %arg10[%swap3A_573, %swap3A_574], %mul3A_572 {strides = array<i32>} : memref<256x64xf32, #tpu.memory_space<vmem>>, vector<16xf32>,
        %add3A_576 = arith.constant 1 : i32
        %add3A_577 = arith.addi %add3A_556, %add3A_576 : i32
        %add3A_578 = vector.broadcast %add3A_577 : i32 to vector<16xi32>
        %add3A_579 = arith.addi %add3A_578, %mul3A_7 : vector<16xi32>
        %gather3A_580 = tpu.vector_load_idx %arg12[%add3A_579] : memref<2048xf32, #tpu.memory_space<vmem>>[vector<16xi32>], vector<16xf32>,
        %get3A_581 = arith.index_cast %add3A_553 : i32 to index
        %get3A_582 = arith.constant 32 : index
        %get3A_583 = tpu.vector_load %arg10[%get3A_581, %get3A_582] {strides = array<i32>} : memref<256x64xf32, #tpu.memory_space<vmem>>, vector<16xf32>,
        %mul3A_584 = arith.mulf %get3A_583, %gather3A_580 : vector<16xf32>
        %swap3A_585 = arith.index_cast %add3A_553 : i32 to index
        %swap3A_586 = arith.constant 32 : index
        %swap3A_587 = tpu.vector_load %arg10[%swap3A_585, %swap3A_586] {strides = array<i32>} : memref<256x64xf32, #tpu.memory_space<vmem>>, vector<16xf32>,
        tpu.vector_store %arg10[%swap3A_585, %swap3A_586], %mul3A_584 {strides = array<i32>} : memref<256x64xf32, #tpu.memory_space<vmem>>, vector<16xf32>,
        %get3A_588 = arith.index_cast %add3A_553 : i32 to index
        %get3A_589 = arith.constant 48 : index
        %get3A_590 = tpu.vector_load %arg10[%get3A_588, %get3A_589] {strides = array<i32>} : memref<256x64xf32, #tpu.memory_space<vmem>>, vector<16xf32>,
        %mul3A_591 = arith.mulf %get3A_590, %gather3A_580 : vector<16xf32>
        %swap3A_592 = arith.index_cast %add3A_553 : i32 to index
        %swap3A_593 = arith.constant 48 : index
        %swap3A_594 = tpu.vector_load %arg10[%swap3A_592, %swap3A_593] {strides = array<i32>} : memref<256x64xf32, #tpu.memory_space<vmem>>, vector<16xf32>,
        tpu.vector_store %arg10[%swap3A_592, %swap3A_593], %mul3A_591 {strides = array<i32>} : memref<256x64xf32, #tpu.memory_space<vmem>>, vector<16xf32>,
        %scan3A_595 = arith.constant 4 : i32
        %scan3A_596 = arith.addi %scan3A_411, %scan3A_595 : i32
        %mul3A_597 = arith.constant 1 : i32
        %mul3A_598 = arith.muli %scan3A_596, %mul3A_597 : i32
        %add3A_599 = arith.constant 0 : i32
        %add3A_600 = arith.addi %add3A_599, %mul3A_598 : i32
        %mul3A_601 = arith.constant 8 : i32
        %mul3A_602 = arith.muli %mul3A_601, %add3A_600 : i32
        %add3A_603 = arith.addi %mul3A_602, %add3A_144 : i32
        %add3A_604 = arith.constant 0 : i32
        %add3A_605 = arith.addi %add3A_603, %add3A_604 : i32
        %add3A_606 = vector.broadcast %add3A_605 : i32 to vector<16xi32>
        %add3A_607 = arith.addi %add3A_606, %mul3A_7 : vector<16xi32>
        %gather3A_608 = tpu.vector_load_idx %arg12[%add3A_607] : memref<2048xf32, #tpu.memory_space<vmem>>[vector<16xi32>], vector<16xf32>,
        %get3A_609 = arith.index_cast %add3A_600 : i32 to index
        %get3A_610 = arith.constant 0 : index
        %get3A_611 = tpu.vector_load %arg10[%get3A_609, %get3A_610] {strides = array<i32>} : memref<256x64xf32, #tpu.memory_space<vmem>>, vector<16xf32>,
        %mul3A_612 = arith.mulf %get3A_611, %gather3A_608 : vector<16xf32>
        %swap3A_613 = arith.index_cast %add3A_600 : i32 to index
        %swap3A_614 = arith.constant 0 : index
        %swap3A_615 = tpu.vector_load %arg10[%swap3A_613, %swap3A_614] {strides = array<i32>} : memref<256x64xf32, #tpu.memory_space<vmem>>, vector<16xf32>,
        tpu.vector_store %arg10[%swap3A_613, %swap3A_614], %mul3A_612 {strides = array<i32>} : memref<256x64xf32, #tpu.memory_space<vmem>>, vector<16xf32>,
        %get3A_616 = arith.index_cast %add3A_600 : i32 to index
        %get3A_617 = arith.constant 16 : index
        %get3A_618 = tpu.vector_load %arg10[%get3A_616, %get3A_617] {strides = array<i32>} : memref<256x64xf32, #tpu.memory_space<vmem>>, vector<16xf32>,
        %mul3A_619 = arith.mulf %get3A_618, %gather3A_608 : vector<16xf32>
        %swap3A_620 = arith.index_cast %add3A_600 : i32 to index
        %swap3A_621 = arith.constant 16 : index
        %swap3A_622 = tpu.vector_load %arg10[%swap3A_620, %swap3A_621] {strides = array<i32>} : memref<256x64xf32, #tpu.memory_space<vmem>>, vector<16xf32>,
        tpu.vector_store %arg10[%swap3A_620, %swap3A_621], %mul3A_619 {strides = array<i32>} : memref<256x64xf32, #tpu.memory_space<vmem>>, vector<16xf32>,
        %add3A_623 = arith.constant 1 : i32
        %add3A_624 = arith.addi %add3A_603, %add3A_623 : i32
        %add3A_625 = vector.broadcast %add3A_624 : i32 to vector<16xi32>
        %add3A_626 = arith.addi %add3A_625, %mul3A_7 : vector<16xi32>
        %gather3A_627 = tpu.vector_load_idx %arg12[%add3A_626] : memref<2048xf32, #tpu.memory_space<vmem>>[vector<16xi32>], vector<16xf32>,
        %get3A_628 = arith.index_cast %add3A_600 : i32 to index
        %get3A_629 = arith.constant 32 : index
        %get3A_630 = tpu.vector_load %arg10[%get3A_628, %get3A_629] {strides = array<i32>} : memref<256x64xf32, #tpu.memory_space<vmem>>, vector<16xf32>,
        %mul3A_631 = arith.mulf %get3A_630, %gather3A_627 : vector<16xf32>
        %swap3A_632 = arith.index_cast %add3A_600 : i32 to index
        %swap3A_633 = arith.constant 32 : index
        %swap3A_634 = tpu.vector_load %arg10[%swap3A_632, %swap3A_633] {strides = array<i32>} : memref<256x64xf32, #tpu.memory_space<vmem>>, vector<16xf32>,
        tpu.vector_store %arg10[%swap3A_632, %swap3A_633], %mul3A_631 {strides = array<i32>} : memref<256x64xf32, #tpu.memory_space<vmem>>, vector<16xf32>,
        %get3A_635 = arith.index_cast %add3A_600 : i32 to index
        %get3A_636 = arith.constant 48 : index
        %get3A_637 = tpu.vector_load %arg10[%get3A_635, %get3A_636] {strides = array<i32>} : memref<256x64xf32, #tpu.memory_space<vmem>>, vector<16xf32>,
        %mul3A_638 = arith.mulf %get3A_637, %gather3A_627 : vector<16xf32>
        %swap3A_639 = arith.index_cast %add3A_600 : i32 to index
        %swap3A_640 = arith.constant 48 : index
        %swap3A_641 = tpu.vector_load %arg10[%swap3A_639, %swap3A_640] {strides = array<i32>} : memref<256x64xf32, #tpu.memory_space<vmem>>, vector<16xf32>,
        tpu.vector_store %arg10[%swap3A_639, %swap3A_640], %mul3A_638 {strides = array<i32>} : memref<256x64xf32, #tpu.memory_space<vmem>>, vector<16xf32>,
        %scan3A_642 = arith.constant 5 : i32
        %scan3A_643 = arith.addi %scan3A_411, %scan3A_642 : i32
        %mul3A_644 = arith.constant 1 : i32
        %mul3A_645 = arith.muli %scan3A_643, %mul3A_644 : i32
        %add3A_646 = arith.constant 0 : i32
        %add3A_647 = arith.addi %add3A_646, %mul3A_645 : i32
        %mul3A_648 = arith.constant 8 : i32
        %mul3A_649 = arith.muli %mul3A_648, %add3A_647 : i32
        %add3A_650 = arith.addi %mul3A_649, %add3A_144 : i32
        %add3A_651 = arith.constant 0 : i32
        %add3A_652 = arith.addi %add3A_650, %add3A_651 : i32
        %add3A_653 = vector.broadcast %add3A_652 : i32 to vector<16xi32>
        %add3A_654 = arith.addi %add3A_653, %mul3A_7 : vector<16xi32>
        %gather3A_655 = tpu.vector_load_idx %arg12[%add3A_654] : memref<2048xf32, #tpu.memory_space<vmem>>[vector<16xi32>], vector<16xf32>,
        %get3A_656 = arith.index_cast %add3A_647 : i32 to index
        %get3A_657 = arith.constant 0 : index
        %get3A_658 = tpu.vector_load %arg10[%get3A_656, %get3A_657] {strides = array<i32>} : memref<256x64xf32, #tpu.memory_space<vmem>>, vector<16xf32>,
        %mul3A_659 = arith.mulf %get3A_658, %gather3A_655 : vector<16xf32>
        %swap3A_660 = arith.index_cast %add3A_647 : i32 to index
        %swap3A_661 = arith.constant 0 : index
        %swap3A_662 = tpu.vector_load %arg10[%swap3A_660, %swap3A_661] {strides = array<i32>} : memref<256x64xf32, #tpu.memory_space<vmem>>, vector<16xf32>,
        tpu.vector_store %arg10[%swap3A_660, %swap3A_661], %mul3A_659 {strides = array<i32>} : memref<256x64xf32, #tpu.memory_space<vmem>>, vector<16xf32>,
        %get3A_663 = arith.index_cast %add3A_647 : i32 to index
        %get3A_664 = arith.constant 16 : index
        %get3A_665 = tpu.vector_load %arg10[%get3A_663, %get3A_664] {strides = array<i32>} : memref<256x64xf32, #tpu.memory_space<vmem>>, vector<16xf32>,
        %mul3A_666 = arith.mulf %get3A_665, %gather3A_655 : vector<16xf32>
        %swap3A_667 = arith.index_cast %add3A_647 : i32 to index
        %swap3A_668 = arith.constant 16 : index
        %swap3A_669 = tpu.vector_load %arg10[%swap3A_667, %swap3A_668] {strides = array<i32>} : memref<256x64xf32, #tpu.memory_space<vmem>>, vector<16xf32>,
        tpu.vector_store %arg10[%swap3A_667, %swap3A_668], %mul3A_666 {strides = array<i32>} : memref<256x64xf32, #tpu.memory_space<vmem>>, vector<16xf32>,
        %add3A_670 = arith.constant 1 : i32
        %add3A_671 = arith.addi %add3A_650, %add3A_670 : i32
        %add3A_672 = vector.broadcast %add3A_671 : i32 to vector<16xi32>
        %add3A_673 = arith.addi %add3A_672, %mul3A_7 : vector<16xi32>
        %gather3A_674 = tpu.vector_load_idx %arg12[%add3A_673] : memref<2048xf32, #tpu.memory_space<vmem>>[vector<16xi32>], vector<16xf32>,
        %get3A_675 = arith.index_cast %add3A_647 : i32 to index
        %get3A_676 = arith.constant 32 : index
        %get3A_677 = tpu.vector_load %arg10[%get3A_675, %get3A_676] {strides = array<i32>} : memref<256x64xf32, #tpu.memory_space<vmem>>, vector<16xf32>,
        %mul3A_678 = arith.mulf %get3A_677, %gather3A_674 : vector<16xf32>
        %swap3A_679 = arith.index_cast %add3A_647 : i32 to index
        %swap3A_680 = arith.constant 32 : index
        %swap3A_681 = tpu.vector_load %arg10[%swap3A_679, %swap3A_680] {strides = array<i32>} : memref<256x64xf32, #tpu.memory_space<vmem>>, vector<16xf32>,
        tpu.vector_store %arg10[%swap3A_679, %swap3A_680], %mul3A_678 {strides = array<i32>} : memref<256x64xf32, #tpu.memory_space<vmem>>, vector<16xf32>,
        %get3A_682 = arith.index_cast %add3A_647 : i32 to index
        %get3A_683 = arith.constant 48 : index
        %get3A_684 = tpu.vector_load %arg10[%get3A_682, %get3A_683] {strides = array<i32>} : memref<256x64xf32, #tpu.memory_space<vmem>>, vector<16xf32>,
        %mul3A_685 = arith.mulf %get3A_684, %gather3A_674 : vector<16xf32>
        %swap3A_686 = arith.index_cast %add3A_647 : i32 to index
        %swap3A_687 = arith.constant 48 : index
        %swap3A_688 = tpu.vector_load %arg10[%swap3A_686, %swap3A_687] {strides = array<i32>} : memref<256x64xf32, #tpu.memory_space<vmem>>, vector<16xf32>,
        tpu.vector_store %arg10[%swap3A_686, %swap3A_687], %mul3A_685 {strides = array<i32>} : memref<256x64xf32, #tpu.memory_space<vmem>>, vector<16xf32>,
        %scan3A_689 = arith.constant 6 : i32
        %scan3A_690 = arith.addi %scan3A_411, %scan3A_689 : i32
        %mul3A_691 = arith.constant 1 : i32
        %mul3A_692 = arith.muli %scan3A_690, %mul3A_691 : i32
        %add3A_693 = arith.constant 0 : i32
        %add3A_694 = arith.addi %add3A_693, %mul3A_692 : i32
        %mul3A_695 = arith.constant 8 : i32
        %mul3A_696 = arith.muli %mul3A_695, %add3A_694 : i32
        %add3A_697 = arith.addi %mul3A_696, %add3A_144 : i32
        %add3A_698 = arith.constant 0 : i32
        %add3A_699 = arith.addi %add3A_697, %add3A_698 : i32
        %add3A_700 = vector.broadcast %add3A_699 : i32 to vector<16xi32>
        %add3A_701 = arith.addi %add3A_700, %mul3A_7 : vector<16xi32>
        %gather3A_702 = tpu.vector_load_idx %arg12[%add3A_701] : memref<2048xf32, #tpu.memory_space<vmem>>[vector<16xi32>], vector<16xf32>,
        %get3A_703 = arith.index_cast %add3A_694 : i32 to index
        %get3A_704 = arith.constant 0 : index
        %get3A_705 = tpu.vector_load %arg10[%get3A_703, %get3A_704] {strides = array<i32>} : memref<256x64xf32, #tpu.memory_space<vmem>>, vector<16xf32>,
        %mul3A_706 = arith.mulf %get3A_705, %gather3A_702 : vector<16xf32>
        %swap3A_707 = arith.index_cast %add3A_694 : i32 to index
        %swap3A_708 = arith.constant 0 : index
        %swap3A_709 = tpu.vector_load %arg10[%swap3A_707, %swap3A_708] {strides = array<i32>} : memref<256x64xf32, #tpu.memory_space<vmem>>, vector<16xf32>,
        tpu.vector_store %arg10[%swap3A_707, %swap3A_708], %mul3A_706 {strides = array<i32>} : memref<256x64xf32, #tpu.memory_space<vmem>>, vector<16xf32>,
        %get3A_710 = arith.index_cast %add3A_694 : i32 to index
        %get3A_711 = arith.constant 16 : index
        %get3A_712 = tpu.vector_load %arg10[%get3A_710, %get3A_711] {strides = array<i32>} : memref<256x64xf32, #tpu.memory_space<vmem>>, vector<16xf32>,
        %mul3A_713 = arith.mulf %get3A_712, %gather3A_702 : vector<16xf32>
        %swap3A_714 = arith.index_cast %add3A_694 : i32 to index
        %swap3A_715 = arith.constant 16 : index
        %swap3A_716 = tpu.vector_load %arg10[%swap3A_714, %swap3A_715] {strides = array<i32>} : memref<256x64xf32, #tpu.memory_space<vmem>>, vector<16xf32>,
        tpu.vector_store %arg10[%swap3A_714, %swap3A_715], %mul3A_713 {strides = array<i32>} : memref<256x64xf32, #tpu.memory_space<vmem>>, vector<16xf32>,
        %add3A_717 = arith.constant 1 : i32
        %add3A_718 = arith.addi %add3A_697, %add3A_717 : i32
        %add3A_719 = vector.broadcast %add3A_718 : i32 to vector<16xi32>
        %add3A_720 = arith.addi %add3A_719, %mul3A_7 : vector<16xi32>
        %gather3A_721 = tpu.vector_load_idx %arg12[%add3A_720] : memref<2048xf32, #tpu.memory_space<vmem>>[vector<16xi32>], vector<16xf32>,
        %get3A_722 = arith.index_cast %add3A_694 : i32 to index
        %get3A_723 = arith.constant 32 : index
        %get3A_724 = tpu.vector_load %arg10[%get3A_722, %get3A_723] {strides = array<i32>} : memref<256x64xf32, #tpu.memory_space<vmem>>, vector<16xf32>,
        %mul3A_725 = arith.mulf %get3A_724, %gather3A_721 : vector<16xf32>
        %swap3A_726 = arith.index_cast %add3A_694 : i32 to index
        %swap3A_727 = arith.constant 32 : index
        %swap3A_728 = tpu.vector_load %arg10[%swap3A_726, %swap3A_727] {strides = array<i32>} : memref<256x64xf32, #tpu.memory_space<vmem>>, vector<16xf32>,
        tpu.vector_store %arg10[%swap3A_726, %swap3A_727], %mul3A_725 {strides = array<i32>} : memref<256x64xf32, #tpu.memory_space<vmem>>, vector<16xf32>,
        %get3A_729 = arith.index_cast %add3A_694 : i32 to index
        %get3A_730 = arith.constant 48 : index
        %get3A_731 = tpu.vector_load %arg10[%get3A_729, %get3A_730] {strides = array<i32>} : memref<256x64xf32, #tpu.memory_space<vmem>>, vector<16xf32>,
        %mul3A_732 = arith.mulf %get3A_731, %gather3A_721 : vector<16xf32>
        %swap3A_733 = arith.index_cast %add3A_694 : i32 to index
        %swap3A_734 = arith.constant 48 : index
        %swap3A_735 = tpu.vector_load %arg10[%swap3A_733, %swap3A_734] {strides = array<i32>} : memref<256x64xf32, #tpu.memory_space<vmem>>, vector<16xf32>,
        tpu.vector_store %arg10[%swap3A_733, %swap3A_734], %mul3A_732 {strides = array<i32>} : memref<256x64xf32, #tpu.memory_space<vmem>>, vector<16xf32>,
        %scan3A_736 = arith.constant 7 : i32
        %scan3A_737 = arith.addi %scan3A_411, %scan3A_736 : i32
        %mul3A_738 = arith.constant 1 : i32
        %mul3A_739 = arith.muli %scan3A_737, %mul3A_738 : i32
        %add3A_740 = arith.constant 0 : i32
        %add3A_741 = arith.addi %add3A_740, %mul3A_739 : i32
        %mul3A_742 = arith.constant 8 : i32
        %mul3A_743 = arith.muli %mul3A_742, %add3A_741 : i32
        %add3A_744 = arith.addi %mul3A_743, %add3A_144 : i32
        %add3A_745 = arith.constant 0 : i32
        %add3A_746 = arith.addi %add3A_744, %add3A_745 : i32
        %add3A_747 = vector.broadcast %add3A_746 : i32 to vector<16xi32>
        %add3A_748 = arith.addi %add3A_747, %mul3A_7 : vector<16xi32>
        %gather3A_749 = tpu.vector_load_idx %arg12[%add3A_748] : memref<2048xf32, #tpu.memory_space<vmem>>[vector<16xi32>], vector<16xf32>,
        %get3A_750 = arith.index_cast %add3A_741 : i32 to index
        %get3A_751 = arith.constant 0 : index
        %get3A_752 = tpu.vector_load %arg10[%get3A_750, %get3A_751] {strides = array<i32>} : memref<256x64xf32, #tpu.memory_space<vmem>>, vector<16xf32>,
        %mul3A_753 = arith.mulf %get3A_752, %gather3A_749 : vector<16xf32>
        %swap3A_754 = arith.index_cast %add3A_741 : i32 to index
        %swap3A_755 = arith.constant 0 : index
        %swap3A_756 = tpu.vector_load %arg10[%swap3A_754, %swap3A_755] {strides = array<i32>} : memref<256x64xf32, #tpu.memory_space<vmem>>, vector<16xf32>,
        tpu.vector_store %arg10[%swap3A_754, %swap3A_755], %mul3A_753 {strides = array<i32>} : memref<256x64xf32, #tpu.memory_space<vmem>>, vector<16xf32>,
        %get3A_757 = arith.index_cast %add3A_741 : i32 to index
        %get3A_758 = arith.constant 16 : index
        %get3A_759 = tpu.vector_load %arg10[%get3A_757, %get3A_758] {strides = array<i32>} : memref<256x64xf32, #tpu.memory_space<vmem>>, vector<16xf32>,
        %mul3A_760 = arith.mulf %get3A_759, %gather3A_749 : vector<16xf32>
        %swap3A_761 = arith.index_cast %add3A_741 : i32 to index
        %swap3A_762 = arith.constant 16 : index
        %swap3A_763 = tpu.vector_load %arg10[%swap3A_761, %swap3A_762] {strides = array<i32>} : memref<256x64xf32, #tpu.memory_space<vmem>>, vector<16xf32>,
        tpu.vector_store %arg10[%swap3A_761, %swap3A_762], %mul3A_760 {strides = array<i32>} : memref<256x64xf32, #tpu.memory_space<vmem>>, vector<16xf32>,
        %add3A_764 = arith.constant 1 : i32
        %add3A_765 = arith.addi %add3A_744, %add3A_764 : i32
        %add3A_766 = vector.broadcast %add3A_765 : i32 to vector<16xi32>
        %add3A_767 = arith.addi %add3A_766, %mul3A_7 : vector<16xi32>
        %gather3A_768 = tpu.vector_load_idx %arg12[%add3A_767] : memref<2048xf32, #tpu.memory_space<vmem>>[vector<16xi32>], vector<16xf32>,
        %get3A_769 = arith.index_cast %add3A_741 : i32 to index
        %get3A_770 = arith.constant 32 : index
        %get3A_771 = tpu.vector_load %arg10[%get3A_769, %get3A_770] {strides = array<i32>} : memref<256x64xf32, #tpu.memory_space<vmem>>, vector<16xf32>,
        %mul3A_772 = arith.mulf %get3A_771, %gather3A_768 : vector<16xf32>
        %swap3A_773 = arith.index_cast %add3A_741 : i32 to index
        %swap3A_774 = arith.constant 32 : index
        %swap3A_775 = tpu.vector_load %arg10[%swap3A_773, %swap3A_774] {strides = array<i32>} : memref<256x64xf32, #tpu.memory_space<vmem>>, vector<16xf32>,
        tpu.vector_store %arg10[%swap3A_773, %swap3A_774], %mul3A_772 {strides = array<i32>} : memref<256x64xf32, #tpu.memory_space<vmem>>, vector<16xf32>,
        %get3A_776 = arith.index_cast %add3A_741 : i32 to index
        %get3A_777 = arith.constant 48 : index
        %get3A_778 = tpu.vector_load %arg10[%get3A_776, %get3A_777] {strides = array<i32>} : memref<256x64xf32, #tpu.memory_space<vmem>>, vector<16xf32>,
        %mul3A_779 = arith.mulf %get3A_778, %gather3A_768 : vector<16xf32>
        %swap3A_780 = arith.index_cast %add3A_741 : i32 to index
        %swap3A_781 = arith.constant 48 : index
        %swap3A_782 = tpu.vector_load %arg10[%swap3A_780, %swap3A_781] {strides = array<i32>} : memref<256x64xf32, #tpu.memory_space<vmem>>, vector<16xf32>,
        tpu.vector_store %arg10[%swap3A_780, %swap3A_781], %mul3A_779 {strides = array<i32>} : memref<256x64xf32, #tpu.memory_space<vmem>>, vector<16xf32>,
      }
      %scan3A_295 = arith.constant 256 : i32
      %mul3A_296 = arith.constant 2 : i32
      %mul3A_297 = arith.muli %mul3A_296, %mul3A_261 : i32
      "tpu.region"() ({
        %run_scoped3A = tpu.sem_alloc : memref<!tpu.dma_semaphore, #tpu.memory_space<semaphore_mem>>
        %dma_start3A_411 = arith.constant 0 : i32
        %dma_start3A_412 = arith.constant 0 : i32
        %dma_start3A_413 = tpu.memref_slice %arg10[%dma_start3A_411, %dma_start3A_412] : memref<256x64xf32, #tpu.memory_space<vmem>> -> memref<128x64xf32, #tpu.memory_space<vmem>>
        %dma_start3A_414 = arith.constant 0 : i32
        %dma_start3A_415 = tpu.memref_slice %arg8[%mul3A_297, %dma_start3A_414] : memref<80x128xi32, #tpu.memory_space<vmem>> -> memref<1x128xi32, #tpu.memory_space<vmem>>
        %dma_start3A_416 = tpu.memref_squeeze %dma_start3A_415 : memref<1x128xi32, #tpu.memory_space<vmem>> -> memref<128xi32, #tpu.memory_space<vmem>>
        %dma_start3A_417 = arith.constant 0 : i32
        %dma_start3A_418 = arith.constant 0 : i32
        %dma_start3A_419 = tpu.memref_slice %arg14[%dma_start3A_417, %dma_start3A_418] : memref<10240x64xf32, #tpu.memory_space<vmem_shared>> -> memref<10240x64xf32, #tpu.memory_space<vmem_shared>>
        tpu.enqueue_indirect_dma source(%dma_start3A_413 : memref<128x64xf32, #tpu.memory_space<vmem>>) target(%dma_start3A_419 : memref<10240x64xf32, #tpu.memory_space<vmem_shared>>) offsets(%dma_start3A_416 : memref<128xi32, #tpu.memory_space<vmem>>) semaphore(%run_scoped3A : memref<!tpu.dma_semaphore, #tpu.memory_space<semaphore_mem>>) {add = true}
        %dma_wait3A_420 = arith.constant 0 : i32
        %dma_wait3A_421 = arith.constant 0 : i32
        %dma_wait3A_422 = tpu.memref_slice %arg10[%dma_wait3A_420, %dma_wait3A_421] : memref<256x64xf32, #tpu.memory_space<vmem>> -> memref<128x64xf32, #tpu.memory_space<vmem>>
        %dma_wait3A_423 = arith.constant 0 : i32
        %dma_wait3A_424 = tpu.memref_slice %arg8[%mul3A_297, %dma_wait3A_423] : memref<80x128xi32, #tpu.memory_space<vmem>> -> memref<1x128xi32, #tpu.memory_space<vmem>>
        %dma_wait3A_425 = tpu.memref_squeeze %dma_wait3A_424 : memref<1x128xi32, #tpu.memory_space<vmem>> -> memref<128xi32, #tpu.memory_space<vmem>>
        %dma_wait3A_426 = arith.constant 0 : i32
        %dma_wait3A_427 = arith.constant 0 : i32
        %dma_wait3A_428 = tpu.memref_slice %arg14[%dma_wait3A_426, %dma_wait3A_427] : memref<10240x64xf32, #tpu.memory_space<vmem_shared>> -> memref<10240x64xf32, #tpu.memory_space<vmem_shared>>
        tpu.wait_indirect_dma semaphore(%run_scoped3A : memref<!tpu.dma_semaphore, #tpu.memory_space<semaphore_mem>>) src(%dma_wait3A_422 : memref<128x64xf32, #tpu.memory_space<vmem>>) dst(%dma_wait3A_428 : memref<10240x64xf32, #tpu.memory_space<vmem_shared>>)
        tpu.yield
      }) : () -> ()
      %mul3A_298 = arith.constant 2 : i32
      %mul3A_299 = arith.muli %mul3A_298, %mul3A_261 : i32
      %add3A_300 = arith.constant 1 : i32
      %add3A_301 = arith.addi %mul3A_299, %add3A_300 : i32
      "tpu.region"() ({
        %run_scoped3A = tpu.sem_alloc : memref<!tpu.dma_semaphore, #tpu.memory_space<semaphore_mem>>
        %dma_start3A_411 = arith.constant 128 : i32
        %dma_start3A_412 = arith.constant 0 : i32
        %dma_start3A_413 = tpu.memref_slice %arg10[%dma_start3A_411, %dma_start3A_412] : memref<256x64xf32, #tpu.memory_space<vmem>> -> memref<128x64xf32, #tpu.memory_space<vmem>>
        %dma_start3A_414 = arith.constant 0 : i32
        %dma_start3A_415 = tpu.memref_slice %arg8[%add3A_301, %dma_start3A_414] : memref<80x128xi32, #tpu.memory_space<vmem>> -> memref<1x128xi32, #tpu.memory_space<vmem>>
        %dma_start3A_416 = tpu.memref_squeeze %dma_start3A_415 : memref<1x128xi32, #tpu.memory_space<vmem>> -> memref<128xi32, #tpu.memory_space<vmem>>
        %dma_start3A_417 = arith.constant 0 : i32
        %dma_start3A_418 = arith.constant 0 : i32
        %dma_start3A_419 = tpu.memref_slice %arg14[%dma_start3A_417, %dma_start3A_418] : memref<10240x64xf32, #tpu.memory_space<vmem_shared>> -> memref<10240x64xf32, #tpu.memory_space<vmem_shared>>
        tpu.enqueue_indirect_dma source(%dma_start3A_413 : memref<128x64xf32, #tpu.memory_space<vmem>>) target(%dma_start3A_419 : memref<10240x64xf32, #tpu.memory_space<vmem_shared>>) offsets(%dma_start3A_416 : memref<128xi32, #tpu.memory_space<vmem>>) semaphore(%run_scoped3A : memref<!tpu.dma_semaphore, #tpu.memory_space<semaphore_mem>>) {add = true}
        %dma_wait3A_420 = arith.constant 128 : i32
        %dma_wait3A_421 = arith.constant 0 : i32
        %dma_wait3A_422 = tpu.memref_slice %arg10[%dma_wait3A_420, %dma_wait3A_421] : memref<256x64xf32, #tpu.memory_space<vmem>> -> memref<128x64xf32, #tpu.memory_space<vmem>>
        %dma_wait3A_423 = arith.constant 0 : i32
        %dma_wait3A_424 = tpu.memref_slice %arg8[%add3A_301, %dma_wait3A_423] : memref<80x128xi32, #tpu.memory_space<vmem>> -> memref<1x128xi32, #tpu.memory_space<vmem>>
        %dma_wait3A_425 = tpu.memref_squeeze %dma_wait3A_424 : memref<1x128xi32, #tpu.memory_space<vmem>> -> memref<128xi32, #tpu.memory_space<vmem>>
        %dma_wait3A_426 = arith.constant 0 : i32
        %dma_wait3A_427 = arith.constant 0 : i32
        %dma_wait3A_428 = tpu.memref_slice %arg14[%dma_wait3A_426, %dma_wait3A_427] : memref<10240x64xf32, #tpu.memory_space<vmem_shared>> -> memref<10240x64xf32, #tpu.memory_space<vmem_shared>>
        tpu.wait_indirect_dma semaphore(%run_scoped3A : memref<!tpu.dma_semaphore, #tpu.memory_space<semaphore_mem>>) src(%dma_wait3A_422 : memref<128x64xf32, #tpu.memory_space<vmem>>) dst(%dma_wait3A_428 : memref<10240x64xf32, #tpu.memory_space<vmem_shared>>)
        tpu.yield
      }) : () -> ()
      %add3A_302 = arith.constant 2 : i32
      %add3A_303 = arith.addi %mul3A_261, %add3A_302 : i32
      %min3A = arith.constant 39 : i32
      %min3A_304 = arith.minsi %add3A_303, %min3A : i32
      %mul3A_305 = arith.constant 256 : i32
      %mul3A_306 = arith.muli %mul3A_305, %min3A_304 : i32
      %mul3A_307 = arith.constant 256 : i32
      %mul3A_308 = arith.muli %mul3A_307, %min3A_304 : i32
      %add3A_309 = arith.constant 128 : i32
      %add3A_310 = arith.addi %mul3A_308, %add3A_309 : i32
      %mul3A_311 = arith.constant 80 : i32
      %mul3A_312 = arith.muli %arg1, %mul3A_311 : i32
      %mul3A_313 = arith.constant 2 : i32
      %mul3A_314 = arith.muli %mul3A_313, %min3A_304 : i32
      %add3A_315 = arith.addi %mul3A_312, %mul3A_314 : i32
      %mul3A_316 = arith.constant 1024 : i32
      %mul3A_317 = arith.muli %add3A_315, %mul3A_316 : i32
      %dma_start3A_318 = arith.constant 0 : i32
      %dma_start3A_319 = arith.constant 0 : i32
      %dma_start3A_320 = tpu.memref_slice %arg10[%dma_start3A_318, %dma_start3A_319] : memref<256x64xf32, #tpu.memory_space<vmem>> -> memref<128x64xf32, #tpu.memory_space<vmem>>
      %dma_start3A_321 = tpu.memref_slice %arg9[%mul3A_306] : memref<10240xi32, #tpu.memory_space<vmem>> -> memref<128xi32, #tpu.memory_space<vmem>>
      %dma_start3A_322 = arith.constant 0 : i32
      %dma_start3A_323 = arith.constant 0 : i32
      %dma_start3A_324 = tpu.memref_slice %arg5[%dma_start3A_322, %dma_start3A_323] : memref<40960x64xf32, #tpu.memory_space<hbm>> -> memref<40960x64xf32, #tpu.memory_space<hbm>>
      tpu.enqueue_indirect_dma source(%dma_start3A_324 : memref<40960x64xf32, #tpu.memory_space<hbm>>) target(%dma_start3A_320 : memref<128x64xf32, #tpu.memory_space<vmem>>) offsets(%dma_start3A_321 : memref<128xi32, #tpu.memory_space<vmem>>) semaphore(%arg15 : memref<!tpu.dma_semaphore, #tpu.memory_space<semaphore_mem>>)
      %dma_start3A_325 = arith.constant 128 : i32
      %dma_start3A_326 = arith.constant 0 : i32
      %dma_start3A_327 = tpu.memref_slice %arg10[%dma_start3A_325, %dma_start3A_326] : memref<256x64xf32, #tpu.memory_space<vmem>> -> memref<128x64xf32, #tpu.memory_space<vmem>>
      %dma_start3A_328 = tpu.memref_slice %arg9[%add3A_310] : memref<10240xi32, #tpu.memory_space<vmem>> -> memref<128xi32, #tpu.memory_space<vmem>>
      %dma_start3A_329 = arith.constant 0 : i32
      %dma_start3A_330 = arith.constant 0 : i32
      %dma_start3A_331 = tpu.memref_slice %arg5[%dma_start3A_329, %dma_start3A_330] : memref<40960x64xf32, #tpu.memory_space<hbm>> -> memref<40960x64xf32, #tpu.memory_space<hbm>>
      tpu.enqueue_indirect_dma source(%dma_start3A_331 : memref<40960x64xf32, #tpu.memory_space<hbm>>) target(%dma_start3A_327 : memref<128x64xf32, #tpu.memory_space<vmem>>) offsets(%dma_start3A_328 : memref<128xi32, #tpu.memory_space<vmem>>) semaphore(%arg15 : memref<!tpu.dma_semaphore, #tpu.memory_space<semaphore_mem>>)
      %dma_start3A_332 = tpu.memref_slice %arg4[%mul3A_317] : memref<1310720xf32, #tpu.memory_space<hbm>> -> memref<2048xf32, #tpu.memory_space<hbm>>
      %dma_start3A_333 = tpu.memref_slice %arg4[%mul3A_317] : memref<1310720xf32, #tpu.memory_space<hbm>> -> memref<2048xf32, #tpu.memory_space<hbm>>
      tpu.enqueue_dma source(%dma_start3A_333 : memref<2048xf32, #tpu.memory_space<hbm>>) target(%arg12 : memref<2048xf32, #tpu.memory_space<vmem>>) target_semaphore(%arg15 : memref<!tpu.dma_semaphore, #tpu.memory_space<semaphore_mem>>)
      %mul3A_334 = arith.constant 2 : i32
      %mul3A_335 = arith.muli %mul3A_334, %add3A_259 : i32
      %add3A_336 = arith.constant 1 : i32
      %add3A_337 = arith.addi %mul3A_335, %add3A_336 : i32
      %mul3A_338 = arith.constant 256 : i32
      %mul3A_339 = arith.muli %mul3A_338, %add3A_337 : i32
      %mul3A_340 = arith.constant 256 : i32
      %mul3A_341 = arith.muli %mul3A_340, %add3A_337 : i32
      %add3A_342 = arith.constant 128 : i32
      %add3A_343 = arith.addi %mul3A_341, %add3A_342 : i32
      %mul3A_344 = arith.constant 80 : i32
      %mul3A_345 = arith.muli %arg1, %mul3A_344 : i32
      %mul3A_346 = arith.constant 2 : i32
      %mul3A_347 = arith.muli %mul3A_346, %add3A_337 : i32
      %add3A_348 = arith.addi %mul3A_345, %mul3A_347 : i32
      %mul3A_349 = arith.constant 1024 : i32
      %mul3A_350 = arith.muli %add3A_348, %mul3A_349 : i32
      %dma_wait3A_351 = arith.constant 0 : i32
      %dma_wait3A_352 = arith.constant 0 : i32
      %dma_wait3A_353 = tpu.memref_slice %arg11[%dma_wait3A_351, %dma_wait3A_352] : memref<256x64xf32, #tpu.memory_space<vmem>> -> memref<128x64xf32, #tpu.memory_space<vmem>>
      %dma_wait3A_354 = tpu.memref_slice %arg9[%mul3A_339] : memref<10240xi32, #tpu.memory_space<vmem>> -> memref<128xi32, #tpu.memory_space<vmem>>
      %dma_wait3A_355 = arith.constant 0 : i32
      %dma_wait3A_356 = arith.constant 0 : i32
      %dma_wait3A_357 = tpu.memref_slice %arg5[%dma_wait3A_355, %dma_wait3A_356] : memref<40960x64xf32, #tpu.memory_space<hbm>> -> memref<40960x64xf32, #tpu.memory_space<hbm>>
      tpu.wait_indirect_dma semaphore(%arg16 : memref<!tpu.dma_semaphore, #tpu.memory_space<semaphore_mem>>) src(%dma_wait3A_357 : memref<40960x64xf32, #tpu.memory_space<hbm>>) dst(%dma_wait3A_353 : memref<128x64xf32, #tpu.memory_space<vmem>>)
      %dma_wait3A_358 = arith.constant 128 : i32
      %dma_wait3A_359 = arith.constant 0 : i32
      %dma_wait3A_360 = tpu.memref_slice %arg11[%dma_wait3A_358, %dma_wait3A_359] : memref<256x64xf32, #tpu.memory_space<vmem>> -> memref<128x64xf32, #tpu.memory_space<vmem>>
      %dma_wait3A_361 = tpu.memref_slice %arg9[%add3A_343] : memref<10240xi32, #tpu.memory_space<vmem>> -> memref<128xi32, #tpu.memory_space<vmem>>
      %dma_wait3A_362 = arith.constant 0 : i32
      %dma_wait3A_363 = arith.constant 0 : i32
      %dma_wait3A_364 = tpu.memref_slice %arg5[%dma_wait3A_362, %dma_wait3A_363] : memref<40960x64xf32, #tpu.memory_space<hbm>> -> memref<40960x64xf32, #tpu.memory_space<hbm>>
      tpu.wait_indirect_dma semaphore(%arg16 : memref<!tpu.dma_semaphore, #tpu.memory_space<semaphore_mem>>) src(%dma_wait3A_364 : memref<40960x64xf32, #tpu.memory_space<hbm>>) dst(%dma_wait3A_360 : memref<128x64xf32, #tpu.memory_space<vmem>>)
      %dma_wait3A_365 = tpu.memref_slice %arg4[%mul3A_350] : memref<1310720xf32, #tpu.memory_space<hbm>> -> memref<2048xf32, #tpu.memory_space<hbm>>
      %dma_wait3A_366 = tpu.memref_slice %arg4[%mul3A_350] : memref<1310720xf32, #tpu.memory_space<hbm>> -> memref<2048xf32, #tpu.memory_space<hbm>>
      tpu.wait_dma2 semaphore(%arg16 : memref<!tpu.dma_semaphore, #tpu.memory_space<semaphore_mem>>) src(%dma_wait3A_366 : memref<2048xf32, #tpu.memory_space<hbm>>) dst(%arg13 : memref<2048xf32, #tpu.memory_space<vmem>>)
      %scan3A_367 = arith.constant 0 : i32
      %scan3A_368 = arith.constant 256 : i32
      %scan3A_369 = arith.addi %scan3A_367, %scan3A_368 : i32
      %scan3A_370 = arith.constant 8 : i32
      scf.for %scan3A_411 = %scan3A_367 to %scan3A_369 step %scan3A_370  : i32 {
        %mul3A_412 = arith.constant 1 : i32
        %mul3A_413 = arith.muli %scan3A_411, %mul3A_412 : i32
        %add3A_414 = arith.constant 0 : i32
        %add3A_415 = arith.addi %add3A_414, %mul3A_413 : i32
        %mul3A_416 = arith.constant 8 : i32
        %mul3A_417 = arith.muli %mul3A_416, %add3A_415 : i32
        %add3A_418 = arith.addi %mul3A_417, %add3A_144 : i32
        %add3A_419 = arith.constant 0 : i32
        %add3A_420 = arith.addi %add3A_418, %add3A_419 : i32
        %add3A_421 = vector.broadcast %add3A_420 : i32 to vector<16xi32>
        %add3A_422 = arith.addi %add3A_421, %mul3A_7 : vector<16xi32>
        %gather3A = tpu.vector_load_idx %arg13[%add3A_422] : memref<2048xf32, #tpu.memory_space<vmem>>[vector<16xi32>], vector<16xf32>,
        %get3A = arith.index_cast %add3A_415 : i32 to index
        %get3A_423 = arith.constant 0 : index
        %get3A_424 = tpu.vector_load %arg11[%get3A, %get3A_423] {strides = array<i32>} : memref<256x64xf32, #tpu.memory_space<vmem>>, vector<16xf32>,
        %mul3A_425 = arith.mulf %get3A_424, %gather3A : vector<16xf32>
        %swap3A = arith.index_cast %add3A_415 : i32 to index
        %swap3A_426 = arith.constant 0 : index
        %swap3A_427 = tpu.vector_load %arg11[%swap3A, %swap3A_426] {strides = array<i32>} : memref<256x64xf32, #tpu.memory_space<vmem>>, vector<16xf32>,
        tpu.vector_store %arg11[%swap3A, %swap3A_426], %mul3A_425 {strides = array<i32>} : memref<256x64xf32, #tpu.memory_space<vmem>>, vector<16xf32>,
        %get3A_428 = arith.index_cast %add3A_415 : i32 to index
        %get3A_429 = arith.constant 16 : index
        %get3A_430 = tpu.vector_load %arg11[%get3A_428, %get3A_429] {strides = array<i32>} : memref<256x64xf32, #tpu.memory_space<vmem>>, vector<16xf32>,
        %mul3A_431 = arith.mulf %get3A_430, %gather3A : vector<16xf32>
        %swap3A_432 = arith.index_cast %add3A_415 : i32 to index
        %swap3A_433 = arith.constant 16 : index
        %swap3A_434 = tpu.vector_load %arg11[%swap3A_432, %swap3A_433] {strides = array<i32>} : memref<256x64xf32, #tpu.memory_space<vmem>>, vector<16xf32>,
        tpu.vector_store %arg11[%swap3A_432, %swap3A_433], %mul3A_431 {strides = array<i32>} : memref<256x64xf32, #tpu.memory_space<vmem>>, vector<16xf32>,
        %add3A_435 = arith.constant 1 : i32
        %add3A_436 = arith.addi %add3A_418, %add3A_435 : i32
        %add3A_437 = vector.broadcast %add3A_436 : i32 to vector<16xi32>
        %add3A_438 = arith.addi %add3A_437, %mul3A_7 : vector<16xi32>
        %gather3A_439 = tpu.vector_load_idx %arg13[%add3A_438] : memref<2048xf32, #tpu.memory_space<vmem>>[vector<16xi32>], vector<16xf32>,
        %get3A_440 = arith.index_cast %add3A_415 : i32 to index
        %get3A_441 = arith.constant 32 : index
        %get3A_442 = tpu.vector_load %arg11[%get3A_440, %get3A_441] {strides = array<i32>} : memref<256x64xf32, #tpu.memory_space<vmem>>, vector<16xf32>,
        %mul3A_443 = arith.mulf %get3A_442, %gather3A_439 : vector<16xf32>
        %swap3A_444 = arith.index_cast %add3A_415 : i32 to index
        %swap3A_445 = arith.constant 32 : index
        %swap3A_446 = tpu.vector_load %arg11[%swap3A_444, %swap3A_445] {strides = array<i32>} : memref<256x64xf32, #tpu.memory_space<vmem>>, vector<16xf32>,
        tpu.vector_store %arg11[%swap3A_444, %swap3A_445], %mul3A_443 {strides = array<i32>} : memref<256x64xf32, #tpu.memory_space<vmem>>, vector<16xf32>,
        %get3A_447 = arith.index_cast %add3A_415 : i32 to index
        %get3A_448 = arith.constant 48 : index
        %get3A_449 = tpu.vector_load %arg11[%get3A_447, %get3A_448] {strides = array<i32>} : memref<256x64xf32, #tpu.memory_space<vmem>>, vector<16xf32>,
        %mul3A_450 = arith.mulf %get3A_449, %gather3A_439 : vector<16xf32>
        %swap3A_451 = arith.index_cast %add3A_415 : i32 to index
        %swap3A_452 = arith.constant 48 : index
        %swap3A_453 = tpu.vector_load %arg11[%swap3A_451, %swap3A_452] {strides = array<i32>} : memref<256x64xf32, #tpu.memory_space<vmem>>, vector<16xf32>,
        tpu.vector_store %arg11[%swap3A_451, %swap3A_452], %mul3A_450 {strides = array<i32>} : memref<256x64xf32, #tpu.memory_space<vmem>>, vector<16xf32>,
        %scan3A_454 = arith.constant 1 : i32
        %scan3A_455 = arith.addi %scan3A_411, %scan3A_454 : i32
        %mul3A_456 = arith.constant 1 : i32
        %mul3A_457 = arith.muli %scan3A_455, %mul3A_456 : i32
        %add3A_458 = arith.constant 0 : i32
        %add3A_459 = arith.addi %add3A_458, %mul3A_457 : i32
        %mul3A_460 = arith.constant 8 : i32
        %mul3A_461 = arith.muli %mul3A_460, %add3A_459 : i32
        %add3A_462 = arith.addi %mul3A_461, %add3A_144 : i32
        %add3A_463 = arith.constant 0 : i32
        %add3A_464 = arith.addi %add3A_462, %add3A_463 : i32
        %add3A_465 = vector.broadcast %add3A_464 : i32 to vector<16xi32>
        %add3A_466 = arith.addi %add3A_465, %mul3A_7 : vector<16xi32>
        %gather3A_467 = tpu.vector_load_idx %arg13[%add3A_466] : memref<2048xf32, #tpu.memory_space<vmem>>[vector<16xi32>], vector<16xf32>,
        %get3A_468 = arith.index_cast %add3A_459 : i32 to index
        %get3A_469 = arith.constant 0 : index
        %get3A_470 = tpu.vector_load %arg11[%get3A_468, %get3A_469] {strides = array<i32>} : memref<256x64xf32, #tpu.memory_space<vmem>>, vector<16xf32>,
        %mul3A_471 = arith.mulf %get3A_470, %gather3A_467 : vector<16xf32>
        %swap3A_472 = arith.index_cast %add3A_459 : i32 to index
        %swap3A_473 = arith.constant 0 : index
        %swap3A_474 = tpu.vector_load %arg11[%swap3A_472, %swap3A_473] {strides = array<i32>} : memref<256x64xf32, #tpu.memory_space<vmem>>, vector<16xf32>,
        tpu.vector_store %arg11[%swap3A_472, %swap3A_473], %mul3A_471 {strides = array<i32>} : memref<256x64xf32, #tpu.memory_space<vmem>>, vector<16xf32>,
        %get3A_475 = arith.index_cast %add3A_459 : i32 to index
        %get3A_476 = arith.constant 16 : index
        %get3A_477 = tpu.vector_load %arg11[%get3A_475, %get3A_476] {strides = array<i32>} : memref<256x64xf32, #tpu.memory_space<vmem>>, vector<16xf32>,
        %mul3A_478 = arith.mulf %get3A_477, %gather3A_467 : vector<16xf32>
        %swap3A_479 = arith.index_cast %add3A_459 : i32 to index
        %swap3A_480 = arith.constant 16 : index
        %swap3A_481 = tpu.vector_load %arg11[%swap3A_479, %swap3A_480] {strides = array<i32>} : memref<256x64xf32, #tpu.memory_space<vmem>>, vector<16xf32>,
        tpu.vector_store %arg11[%swap3A_479, %swap3A_480], %mul3A_478 {strides = array<i32>} : memref<256x64xf32, #tpu.memory_space<vmem>>, vector<16xf32>,
        %add3A_482 = arith.constant 1 : i32
        %add3A_483 = arith.addi %add3A_462, %add3A_482 : i32
        %add3A_484 = vector.broadcast %add3A_483 : i32 to vector<16xi32>
        %add3A_485 = arith.addi %add3A_484, %mul3A_7 : vector<16xi32>
        %gather3A_486 = tpu.vector_load_idx %arg13[%add3A_485] : memref<2048xf32, #tpu.memory_space<vmem>>[vector<16xi32>], vector<16xf32>,
        %get3A_487 = arith.index_cast %add3A_459 : i32 to index
        %get3A_488 = arith.constant 32 : index
        %get3A_489 = tpu.vector_load %arg11[%get3A_487, %get3A_488] {strides = array<i32>} : memref<256x64xf32, #tpu.memory_space<vmem>>, vector<16xf32>,
        %mul3A_490 = arith.mulf %get3A_489, %gather3A_486 : vector<16xf32>
        %swap3A_491 = arith.index_cast %add3A_459 : i32 to index
        %swap3A_492 = arith.constant 32 : index
        %swap3A_493 = tpu.vector_load %arg11[%swap3A_491, %swap3A_492] {strides = array<i32>} : memref<256x64xf32, #tpu.memory_space<vmem>>, vector<16xf32>,
        tpu.vector_store %arg11[%swap3A_491, %swap3A_492], %mul3A_490 {strides = array<i32>} : memref<256x64xf32, #tpu.memory_space<vmem>>, vector<16xf32>,
        %get3A_494 = arith.index_cast %add3A_459 : i32 to index
        %get3A_495 = arith.constant 48 : index
        %get3A_496 = tpu.vector_load %arg11[%get3A_494, %get3A_495] {strides = array<i32>} : memref<256x64xf32, #tpu.memory_space<vmem>>, vector<16xf32>,
        %mul3A_497 = arith.mulf %get3A_496, %gather3A_486 : vector<16xf32>
        %swap3A_498 = arith.index_cast %add3A_459 : i32 to index
        %swap3A_499 = arith.constant 48 : index
        %swap3A_500 = tpu.vector_load %arg11[%swap3A_498, %swap3A_499] {strides = array<i32>} : memref<256x64xf32, #tpu.memory_space<vmem>>, vector<16xf32>,
        tpu.vector_store %arg11[%swap3A_498, %swap3A_499], %mul3A_497 {strides = array<i32>} : memref<256x64xf32, #tpu.memory_space<vmem>>, vector<16xf32>,
        %scan3A_501 = arith.constant 2 : i32
        %scan3A_502 = arith.addi %scan3A_411, %scan3A_501 : i32
        %mul3A_503 = arith.constant 1 : i32
        %mul3A_504 = arith.muli %scan3A_502, %mul3A_503 : i32
        %add3A_505 = arith.constant 0 : i32
        %add3A_506 = arith.addi %add3A_505, %mul3A_504 : i32
        %mul3A_507 = arith.constant 8 : i32
        %mul3A_508 = arith.muli %mul3A_507, %add3A_506 : i32
        %add3A_509 = arith.addi %mul3A_508, %add3A_144 : i32
        %add3A_510 = arith.constant 0 : i32
        %add3A_511 = arith.addi %add3A_509, %add3A_510 : i32
        %add3A_512 = vector.broadcast %add3A_511 : i32 to vector<16xi32>
        %add3A_513 = arith.addi %add3A_512, %mul3A_7 : vector<16xi32>
        %gather3A_514 = tpu.vector_load_idx %arg13[%add3A_513] : memref<2048xf32, #tpu.memory_space<vmem>>[vector<16xi32>], vector<16xf32>,
        %get3A_515 = arith.index_cast %add3A_506 : i32 to index
        %get3A_516 = arith.constant 0 : index
        %get3A_517 = tpu.vector_load %arg11[%get3A_515, %get3A_516] {strides = array<i32>} : memref<256x64xf32, #tpu.memory_space<vmem>>, vector<16xf32>,
        %mul3A_518 = arith.mulf %get3A_517, %gather3A_514 : vector<16xf32>
        %swap3A_519 = arith.index_cast %add3A_506 : i32 to index
        %swap3A_520 = arith.constant 0 : index
        %swap3A_521 = tpu.vector_load %arg11[%swap3A_519, %swap3A_520] {strides = array<i32>} : memref<256x64xf32, #tpu.memory_space<vmem>>, vector<16xf32>,
        tpu.vector_store %arg11[%swap3A_519, %swap3A_520], %mul3A_518 {strides = array<i32>} : memref<256x64xf32, #tpu.memory_space<vmem>>, vector<16xf32>,
        %get3A_522 = arith.index_cast %add3A_506 : i32 to index
        %get3A_523 = arith.constant 16 : index
        %get3A_524 = tpu.vector_load %arg11[%get3A_522, %get3A_523] {strides = array<i32>} : memref<256x64xf32, #tpu.memory_space<vmem>>, vector<16xf32>,
        %mul3A_525 = arith.mulf %get3A_524, %gather3A_514 : vector<16xf32>
        %swap3A_526 = arith.index_cast %add3A_506 : i32 to index
        %swap3A_527 = arith.constant 16 : index
        %swap3A_528 = tpu.vector_load %arg11[%swap3A_526, %swap3A_527] {strides = array<i32>} : memref<256x64xf32, #tpu.memory_space<vmem>>, vector<16xf32>,
        tpu.vector_store %arg11[%swap3A_526, %swap3A_527], %mul3A_525 {strides = array<i32>} : memref<256x64xf32, #tpu.memory_space<vmem>>, vector<16xf32>,
        %add3A_529 = arith.constant 1 : i32
        %add3A_530 = arith.addi %add3A_509, %add3A_529 : i32
        %add3A_531 = vector.broadcast %add3A_530 : i32 to vector<16xi32>
        %add3A_532 = arith.addi %add3A_531, %mul3A_7 : vector<16xi32>
        %gather3A_533 = tpu.vector_load_idx %arg13[%add3A_532] : memref<2048xf32, #tpu.memory_space<vmem>>[vector<16xi32>], vector<16xf32>,
        %get3A_534 = arith.index_cast %add3A_506 : i32 to index
        %get3A_535 = arith.constant 32 : index
        %get3A_536 = tpu.vector_load %arg11[%get3A_534, %get3A_535] {strides = array<i32>} : memref<256x64xf32, #tpu.memory_space<vmem>>, vector<16xf32>,
        %mul3A_537 = arith.mulf %get3A_536, %gather3A_533 : vector<16xf32>
        %swap3A_538 = arith.index_cast %add3A_506 : i32 to index
        %swap3A_539 = arith.constant 32 : index
        %swap3A_540 = tpu.vector_load %arg11[%swap3A_538, %swap3A_539] {strides = array<i32>} : memref<256x64xf32, #tpu.memory_space<vmem>>, vector<16xf32>,
        tpu.vector_store %arg11[%swap3A_538, %swap3A_539], %mul3A_537 {strides = array<i32>} : memref<256x64xf32, #tpu.memory_space<vmem>>, vector<16xf32>,
        %get3A_541 = arith.index_cast %add3A_506 : i32 to index
        %get3A_542 = arith.constant 48 : index
        %get3A_543 = tpu.vector_load %arg11[%get3A_541, %get3A_542] {strides = array<i32>} : memref<256x64xf32, #tpu.memory_space<vmem>>, vector<16xf32>,
        %mul3A_544 = arith.mulf %get3A_543, %gather3A_533 : vector<16xf32>
        %swap3A_545 = arith.index_cast %add3A_506 : i32 to index
        %swap3A_546 = arith.constant 48 : index
        %swap3A_547 = tpu.vector_load %arg11[%swap3A_545, %swap3A_546] {strides = array<i32>} : memref<256x64xf32, #tpu.memory_space<vmem>>, vector<16xf32>,
        tpu.vector_store %arg11[%swap3A_545, %swap3A_546], %mul3A_544 {strides = array<i32>} : memref<256x64xf32, #tpu.memory_space<vmem>>, vector<16xf32>,
        %scan3A_548 = arith.constant 3 : i32
        %scan3A_549 = arith.addi %scan3A_411, %scan3A_548 : i32
        %mul3A_550 = arith.constant 1 : i32
        %mul3A_551 = arith.muli %scan3A_549, %mul3A_550 : i32
        %add3A_552 = arith.constant 0 : i32
        %add3A_553 = arith.addi %add3A_552, %mul3A_551 : i32
        %mul3A_554 = arith.constant 8 : i32
        %mul3A_555 = arith.muli %mul3A_554, %add3A_553 : i32
        %add3A_556 = arith.addi %mul3A_555, %add3A_144 : i32
        %add3A_557 = arith.constant 0 : i32
        %add3A_558 = arith.addi %add3A_556, %add3A_557 : i32
        %add3A_559 = vector.broadcast %add3A_558 : i32 to vector<16xi32>
        %add3A_560 = arith.addi %add3A_559, %mul3A_7 : vector<16xi32>
        %gather3A_561 = tpu.vector_load_idx %arg13[%add3A_560] : memref<2048xf32, #tpu.memory_space<vmem>>[vector<16xi32>], vector<16xf32>,
        %get3A_562 = arith.index_cast %add3A_553 : i32 to index
        %get3A_563 = arith.constant 0 : index
        %get3A_564 = tpu.vector_load %arg11[%get3A_562, %get3A_563] {strides = array<i32>} : memref<256x64xf32, #tpu.memory_space<vmem>>, vector<16xf32>,
        %mul3A_565 = arith.mulf %get3A_564, %gather3A_561 : vector<16xf32>
        %swap3A_566 = arith.index_cast %add3A_553 : i32 to index
        %swap3A_567 = arith.constant 0 : index
        %swap3A_568 = tpu.vector_load %arg11[%swap3A_566, %swap3A_567] {strides = array<i32>} : memref<256x64xf32, #tpu.memory_space<vmem>>, vector<16xf32>,
        tpu.vector_store %arg11[%swap3A_566, %swap3A_567], %mul3A_565 {strides = array<i32>} : memref<256x64xf32, #tpu.memory_space<vmem>>, vector<16xf32>,
        %get3A_569 = arith.index_cast %add3A_553 : i32 to index
        %get3A_570 = arith.constant 16 : index
        %get3A_571 = tpu.vector_load %arg11[%get3A_569, %get3A_570] {strides = array<i32>} : memref<256x64xf32, #tpu.memory_space<vmem>>, vector<16xf32>,
        %mul3A_572 = arith.mulf %get3A_571, %gather3A_561 : vector<16xf32>
        %swap3A_573 = arith.index_cast %add3A_553 : i32 to index
        %swap3A_574 = arith.constant 16 : index
        %swap3A_575 = tpu.vector_load %arg11[%swap3A_573, %swap3A_574] {strides = array<i32>} : memref<256x64xf32, #tpu.memory_space<vmem>>, vector<16xf32>,
        tpu.vector_store %arg11[%swap3A_573, %swap3A_574], %mul3A_572 {strides = array<i32>} : memref<256x64xf32, #tpu.memory_space<vmem>>, vector<16xf32>,
        %add3A_576 = arith.constant 1 : i32
        %add3A_577 = arith.addi %add3A_556, %add3A_576 : i32
        %add3A_578 = vector.broadcast %add3A_577 : i32 to vector<16xi32>
        %add3A_579 = arith.addi %add3A_578, %mul3A_7 : vector<16xi32>
        %gather3A_580 = tpu.vector_load_idx %arg13[%add3A_579] : memref<2048xf32, #tpu.memory_space<vmem>>[vector<16xi32>], vector<16xf32>,
        %get3A_581 = arith.index_cast %add3A_553 : i32 to index
        %get3A_582 = arith.constant 32 : index
        %get3A_583 = tpu.vector_load %arg11[%get3A_581, %get3A_582] {strides = array<i32>} : memref<256x64xf32, #tpu.memory_space<vmem>>, vector<16xf32>,
        %mul3A_584 = arith.mulf %get3A_583, %gather3A_580 : vector<16xf32>
        %swap3A_585 = arith.index_cast %add3A_553 : i32 to index
        %swap3A_586 = arith.constant 32 : index
        %swap3A_587 = tpu.vector_load %arg11[%swap3A_585, %swap3A_586] {strides = array<i32>} : memref<256x64xf32, #tpu.memory_space<vmem>>, vector<16xf32>,
        tpu.vector_store %arg11[%swap3A_585, %swap3A_586], %mul3A_584 {strides = array<i32>} : memref<256x64xf32, #tpu.memory_space<vmem>>, vector<16xf32>,
        %get3A_588 = arith.index_cast %add3A_553 : i32 to index
        %get3A_589 = arith.constant 48 : index
        %get3A_590 = tpu.vector_load %arg11[%get3A_588, %get3A_589] {strides = array<i32>} : memref<256x64xf32, #tpu.memory_space<vmem>>, vector<16xf32>,
        %mul3A_591 = arith.mulf %get3A_590, %gather3A_580 : vector<16xf32>
        %swap3A_592 = arith.index_cast %add3A_553 : i32 to index
        %swap3A_593 = arith.constant 48 : index
        %swap3A_594 = tpu.vector_load %arg11[%swap3A_592, %swap3A_593] {strides = array<i32>} : memref<256x64xf32, #tpu.memory_space<vmem>>, vector<16xf32>,
        tpu.vector_store %arg11[%swap3A_592, %swap3A_593], %mul3A_591 {strides = array<i32>} : memref<256x64xf32, #tpu.memory_space<vmem>>, vector<16xf32>,
        %scan3A_595 = arith.constant 4 : i32
        %scan3A_596 = arith.addi %scan3A_411, %scan3A_595 : i32
        %mul3A_597 = arith.constant 1 : i32
        %mul3A_598 = arith.muli %scan3A_596, %mul3A_597 : i32
        %add3A_599 = arith.constant 0 : i32
        %add3A_600 = arith.addi %add3A_599, %mul3A_598 : i32
        %mul3A_601 = arith.constant 8 : i32
        %mul3A_602 = arith.muli %mul3A_601, %add3A_600 : i32
        %add3A_603 = arith.addi %mul3A_602, %add3A_144 : i32
        %add3A_604 = arith.constant 0 : i32
        %add3A_605 = arith.addi %add3A_603, %add3A_604 : i32
        %add3A_606 = vector.broadcast %add3A_605 : i32 to vector<16xi32>
        %add3A_607 = arith.addi %add3A_606, %mul3A_7 : vector<16xi32>
        %gather3A_608 = tpu.vector_load_idx %arg13[%add3A_607] : memref<2048xf32, #tpu.memory_space<vmem>>[vector<16xi32>], vector<16xf32>,
        %get3A_609 = arith.index_cast %add3A_600 : i32 to index
        %get3A_610 = arith.constant 0 : index
        %get3A_611 = tpu.vector_load %arg11[%get3A_609, %get3A_610] {strides = array<i32>} : memref<256x64xf32, #tpu.memory_space<vmem>>, vector<16xf32>,
        %mul3A_612 = arith.mulf %get3A_611, %gather3A_608 : vector<16xf32>
        %swap3A_613 = arith.index_cast %add3A_600 : i32 to index
        %swap3A_614 = arith.constant 0 : index
        %swap3A_615 = tpu.vector_load %arg11[%swap3A_613, %swap3A_614] {strides = array<i32>} : memref<256x64xf32, #tpu.memory_space<vmem>>, vector<16xf32>,
        tpu.vector_store %arg11[%swap3A_613, %swap3A_614], %mul3A_612 {strides = array<i32>} : memref<256x64xf32, #tpu.memory_space<vmem>>, vector<16xf32>,
        %get3A_616 = arith.index_cast %add3A_600 : i32 to index
        %get3A_617 = arith.constant 16 : index
        %get3A_618 = tpu.vector_load %arg11[%get3A_616, %get3A_617] {strides = array<i32>} : memref<256x64xf32, #tpu.memory_space<vmem>>, vector<16xf32>,
        %mul3A_619 = arith.mulf %get3A_618, %gather3A_608 : vector<16xf32>
        %swap3A_620 = arith.index_cast %add3A_600 : i32 to index
        %swap3A_621 = arith.constant 16 : index
        %swap3A_622 = tpu.vector_load %arg11[%swap3A_620, %swap3A_621] {strides = array<i32>} : memref<256x64xf32, #tpu.memory_space<vmem>>, vector<16xf32>,
        tpu.vector_store %arg11[%swap3A_620, %swap3A_621], %mul3A_619 {strides = array<i32>} : memref<256x64xf32, #tpu.memory_space<vmem>>, vector<16xf32>,
        %add3A_623 = arith.constant 1 : i32
        %add3A_624 = arith.addi %add3A_603, %add3A_623 : i32
        %add3A_625 = vector.broadcast %add3A_624 : i32 to vector<16xi32>
        %add3A_626 = arith.addi %add3A_625, %mul3A_7 : vector<16xi32>
        %gather3A_627 = tpu.vector_load_idx %arg13[%add3A_626] : memref<2048xf32, #tpu.memory_space<vmem>>[vector<16xi32>], vector<16xf32>,
        %get3A_628 = arith.index_cast %add3A_600 : i32 to index
        %get3A_629 = arith.constant 32 : index
        %get3A_630 = tpu.vector_load %arg11[%get3A_628, %get3A_629] {strides = array<i32>} : memref<256x64xf32, #tpu.memory_space<vmem>>, vector<16xf32>,
        %mul3A_631 = arith.mulf %get3A_630, %gather3A_627 : vector<16xf32>
        %swap3A_632 = arith.index_cast %add3A_600 : i32 to index
        %swap3A_633 = arith.constant 32 : index
        %swap3A_634 = tpu.vector_load %arg11[%swap3A_632, %swap3A_633] {strides = array<i32>} : memref<256x64xf32, #tpu.memory_space<vmem>>, vector<16xf32>,
        tpu.vector_store %arg11[%swap3A_632, %swap3A_633], %mul3A_631 {strides = array<i32>} : memref<256x64xf32, #tpu.memory_space<vmem>>, vector<16xf32>,
        %get3A_635 = arith.index_cast %add3A_600 : i32 to index
        %get3A_636 = arith.constant 48 : index
        %get3A_637 = tpu.vector_load %arg11[%get3A_635, %get3A_636] {strides = array<i32>} : memref<256x64xf32, #tpu.memory_space<vmem>>, vector<16xf32>,
        %mul3A_638 = arith.mulf %get3A_637, %gather3A_627 : vector<16xf32>
        %swap3A_639 = arith.index_cast %add3A_600 : i32 to index
        %swap3A_640 = arith.constant 48 : index
        %swap3A_641 = tpu.vector_load %arg11[%swap3A_639, %swap3A_640] {strides = array<i32>} : memref<256x64xf32, #tpu.memory_space<vmem>>, vector<16xf32>,
        tpu.vector_store %arg11[%swap3A_639, %swap3A_640], %mul3A_638 {strides = array<i32>} : memref<256x64xf32, #tpu.memory_space<vmem>>, vector<16xf32>,
        %scan3A_642 = arith.constant 5 : i32
        %scan3A_643 = arith.addi %scan3A_411, %scan3A_642 : i32
        %mul3A_644 = arith.constant 1 : i32
        %mul3A_645 = arith.muli %scan3A_643, %mul3A_644 : i32
        %add3A_646 = arith.constant 0 : i32
        %add3A_647 = arith.addi %add3A_646, %mul3A_645 : i32
        %mul3A_648 = arith.constant 8 : i32
        %mul3A_649 = arith.muli %mul3A_648, %add3A_647 : i32
        %add3A_650 = arith.addi %mul3A_649, %add3A_144 : i32
        %add3A_651 = arith.constant 0 : i32
        %add3A_652 = arith.addi %add3A_650, %add3A_651 : i32
        %add3A_653 = vector.broadcast %add3A_652 : i32 to vector<16xi32>
        %add3A_654 = arith.addi %add3A_653, %mul3A_7 : vector<16xi32>
        %gather3A_655 = tpu.vector_load_idx %arg13[%add3A_654] : memref<2048xf32, #tpu.memory_space<vmem>>[vector<16xi32>], vector<16xf32>,
        %get3A_656 = arith.index_cast %add3A_647 : i32 to index
        %get3A_657 = arith.constant 0 : index
        %get3A_658 = tpu.vector_load %arg11[%get3A_656, %get3A_657] {strides = array<i32>} : memref<256x64xf32, #tpu.memory_space<vmem>>, vector<16xf32>,
        %mul3A_659 = arith.mulf %get3A_658, %gather3A_655 : vector<16xf32>
        %swap3A_660 = arith.index_cast %add3A_647 : i32 to index
        %swap3A_661 = arith.constant 0 : index
        %swap3A_662 = tpu.vector_load %arg11[%swap3A_660, %swap3A_661] {strides = array<i32>} : memref<256x64xf32, #tpu.memory_space<vmem>>, vector<16xf32>,
        tpu.vector_store %arg11[%swap3A_660, %swap3A_661], %mul3A_659 {strides = array<i32>} : memref<256x64xf32, #tpu.memory_space<vmem>>, vector<16xf32>,
        %get3A_663 = arith.index_cast %add3A_647 : i32 to index
        %get3A_664 = arith.constant 16 : index
        %get3A_665 = tpu.vector_load %arg11[%get3A_663, %get3A_664] {strides = array<i32>} : memref<256x64xf32, #tpu.memory_space<vmem>>, vector<16xf32>,
        %mul3A_666 = arith.mulf %get3A_665, %gather3A_655 : vector<16xf32>
        %swap3A_667 = arith.index_cast %add3A_647 : i32 to index
        %swap3A_668 = arith.constant 16 : index
        %swap3A_669 = tpu.vector_load %arg11[%swap3A_667, %swap3A_668] {strides = array<i32>} : memref<256x64xf32, #tpu.memory_space<vmem>>, vector<16xf32>,
        tpu.vector_store %arg11[%swap3A_667, %swap3A_668], %mul3A_666 {strides = array<i32>} : memref<256x64xf32, #tpu.memory_space<vmem>>, vector<16xf32>,
        %add3A_670 = arith.constant 1 : i32
        %add3A_671 = arith.addi %add3A_650, %add3A_670 : i32
        %add3A_672 = vector.broadcast %add3A_671 : i32 to vector<16xi32>
        %add3A_673 = arith.addi %add3A_672, %mul3A_7 : vector<16xi32>
        %gather3A_674 = tpu.vector_load_idx %arg13[%add3A_673] : memref<2048xf32, #tpu.memory_space<vmem>>[vector<16xi32>], vector<16xf32>,
        %get3A_675 = arith.index_cast %add3A_647 : i32 to index
        %get3A_676 = arith.constant 32 : index
        %get3A_677 = tpu.vector_load %arg11[%get3A_675, %get3A_676] {strides = array<i32>} : memref<256x64xf32, #tpu.memory_space<vmem>>, vector<16xf32>,
        %mul3A_678 = arith.mulf %get3A_677, %gather3A_674 : vector<16xf32>
        %swap3A_679 = arith.index_cast %add3A_647 : i32 to index
        %swap3A_680 = arith.constant 32 : index
        %swap3A_681 = tpu.vector_load %arg11[%swap3A_679, %swap3A_680] {strides = array<i32>} : memref<256x64xf32, #tpu.memory_space<vmem>>, vector<16xf32>,
        tpu.vector_store %arg11[%swap3A_679, %swap3A_680], %mul3A_678 {strides = array<i32>} : memref<256x64xf32, #tpu.memory_space<vmem>>, vector<16xf32>,
        %get3A_682 = arith.index_cast %add3A_647 : i32 to index
        %get3A_683 = arith.constant 48 : index
        %get3A_684 = tpu.vector_load %arg11[%get3A_682, %get3A_683] {strides = array<i32>} : memref<256x64xf32, #tpu.memory_space<vmem>>, vector<16xf32>,
        %mul3A_685 = arith.mulf %get3A_684, %gather3A_674 : vector<16xf32>
        %swap3A_686 = arith.index_cast %add3A_647 : i32 to index
        %swap3A_687 = arith.constant 48 : index
        %swap3A_688 = tpu.vector_load %arg11[%swap3A_686, %swap3A_687] {strides = array<i32>} : memref<256x64xf32, #tpu.memory_space<vmem>>, vector<16xf32>,
        tpu.vector_store %arg11[%swap3A_686, %swap3A_687], %mul3A_685 {strides = array<i32>} : memref<256x64xf32, #tpu.memory_space<vmem>>, vector<16xf32>,
        %scan3A_689 = arith.constant 6 : i32
        %scan3A_690 = arith.addi %scan3A_411, %scan3A_689 : i32
        %mul3A_691 = arith.constant 1 : i32
        %mul3A_692 = arith.muli %scan3A_690, %mul3A_691 : i32
        %add3A_693 = arith.constant 0 : i32
        %add3A_694 = arith.addi %add3A_693, %mul3A_692 : i32
        %mul3A_695 = arith.constant 8 : i32
        %mul3A_696 = arith.muli %mul3A_695, %add3A_694 : i32
        %add3A_697 = arith.addi %mul3A_696, %add3A_144 : i32
        %add3A_698 = arith.constant 0 : i32
        %add3A_699 = arith.addi %add3A_697, %add3A_698 : i32
        %add3A_700 = vector.broadcast %add3A_699 : i32 to vector<16xi32>
        %add3A_701 = arith.addi %add3A_700, %mul3A_7 : vector<16xi32>
        %gather3A_702 = tpu.vector_load_idx %arg13[%add3A_701] : memref<2048xf32, #tpu.memory_space<vmem>>[vector<16xi32>], vector<16xf32>,
        %get3A_703 = arith.index_cast %add3A_694 : i32 to index
        %get3A_704 = arith.constant 0 : index
        %get3A_705 = tpu.vector_load %arg11[%get3A_703, %get3A_704] {strides = array<i32>} : memref<256x64xf32, #tpu.memory_space<vmem>>, vector<16xf32>,
        %mul3A_706 = arith.mulf %get3A_705, %gather3A_702 : vector<16xf32>
        %swap3A_707 = arith.index_cast %add3A_694 : i32 to index
        %swap3A_708 = arith.constant 0 : index
        %swap3A_709 = tpu.vector_load %arg11[%swap3A_707, %swap3A_708] {strides = array<i32>} : memref<256x64xf32, #tpu.memory_space<vmem>>, vector<16xf32>,
        tpu.vector_store %arg11[%swap3A_707, %swap3A_708], %mul3A_706 {strides = array<i32>} : memref<256x64xf32, #tpu.memory_space<vmem>>, vector<16xf32>,
        %get3A_710 = arith.index_cast %add3A_694 : i32 to index
        %get3A_711 = arith.constant 16 : index
        %get3A_712 = tpu.vector_load %arg11[%get3A_710, %get3A_711] {strides = array<i32>} : memref<256x64xf32, #tpu.memory_space<vmem>>, vector<16xf32>,
        %mul3A_713 = arith.mulf %get3A_712, %gather3A_702 : vector<16xf32>
        %swap3A_714 = arith.index_cast %add3A_694 : i32 to index
        %swap3A_715 = arith.constant 16 : index
        %swap3A_716 = tpu.vector_load %arg11[%swap3A_714, %swap3A_715] {strides = array<i32>} : memref<256x64xf32, #tpu.memory_space<vmem>>, vector<16xf32>,
        tpu.vector_store %arg11[%swap3A_714, %swap3A_715], %mul3A_713 {strides = array<i32>} : memref<256x64xf32, #tpu.memory_space<vmem>>, vector<16xf32>,
        %add3A_717 = arith.constant 1 : i32
        %add3A_718 = arith.addi %add3A_697, %add3A_717 : i32
        %add3A_719 = vector.broadcast %add3A_718 : i32 to vector<16xi32>
        %add3A_720 = arith.addi %add3A_719, %mul3A_7 : vector<16xi32>
        %gather3A_721 = tpu.vector_load_idx %arg13[%add3A_720] : memref<2048xf32, #tpu.memory_space<vmem>>[vector<16xi32>], vector<16xf32>,
        %get3A_722 = arith.index_cast %add3A_694 : i32 to index
        %get3A_723 = arith.constant 32 : index
        %get3A_724 = tpu.vector_load %arg11[%get3A_722, %get3A_723] {strides = array<i32>} : memref<256x64xf32, #tpu.memory_space<vmem>>, vector<16xf32>,
        %mul3A_725 = arith.mulf %get3A_724, %gather3A_721 : vector<16xf32>
        %swap3A_726 = arith.index_cast %add3A_694 : i32 to index
        %swap3A_727 = arith.constant 32 : index
        %swap3A_728 = tpu.vector_load %arg11[%swap3A_726, %swap3A_727] {strides = array<i32>} : memref<256x64xf32, #tpu.memory_space<vmem>>, vector<16xf32>,
        tpu.vector_store %arg11[%swap3A_726, %swap3A_727], %mul3A_725 {strides = array<i32>} : memref<256x64xf32, #tpu.memory_space<vmem>>, vector<16xf32>,
        %get3A_729 = arith.index_cast %add3A_694 : i32 to index
        %get3A_730 = arith.constant 48 : index
        %get3A_731 = tpu.vector_load %arg11[%get3A_729, %get3A_730] {strides = array<i32>} : memref<256x64xf32, #tpu.memory_space<vmem>>, vector<16xf32>,
        %mul3A_732 = arith.mulf %get3A_731, %gather3A_721 : vector<16xf32>
        %swap3A_733 = arith.index_cast %add3A_694 : i32 to index
        %swap3A_734 = arith.constant 48 : index
        %swap3A_735 = tpu.vector_load %arg11[%swap3A_733, %swap3A_734] {strides = array<i32>} : memref<256x64xf32, #tpu.memory_space<vmem>>, vector<16xf32>,
        tpu.vector_store %arg11[%swap3A_733, %swap3A_734], %mul3A_732 {strides = array<i32>} : memref<256x64xf32, #tpu.memory_space<vmem>>, vector<16xf32>,
        %scan3A_736 = arith.constant 7 : i32
        %scan3A_737 = arith.addi %scan3A_411, %scan3A_736 : i32
        %mul3A_738 = arith.constant 1 : i32
        %mul3A_739 = arith.muli %scan3A_737, %mul3A_738 : i32
        %add3A_740 = arith.constant 0 : i32
        %add3A_741 = arith.addi %add3A_740, %mul3A_739 : i32
        %mul3A_742 = arith.constant 8 : i32
        %mul3A_743 = arith.muli %mul3A_742, %add3A_741 : i32
        %add3A_744 = arith.addi %mul3A_743, %add3A_144 : i32
        %add3A_745 = arith.constant 0 : i32
        %add3A_746 = arith.addi %add3A_744, %add3A_745 : i32
        %add3A_747 = vector.broadcast %add3A_746 : i32 to vector<16xi32>
        %add3A_748 = arith.addi %add3A_747, %mul3A_7 : vector<16xi32>
        %gather3A_749 = tpu.vector_load_idx %arg13[%add3A_748] : memref<2048xf32, #tpu.memory_space<vmem>>[vector<16xi32>], vector<16xf32>,
        %get3A_750 = arith.index_cast %add3A_741 : i32 to index
        %get3A_751 = arith.constant 0 : index
        %get3A_752 = tpu.vector_load %arg11[%get3A_750, %get3A_751] {strides = array<i32>} : memref<256x64xf32, #tpu.memory_space<vmem>>, vector<16xf32>,
        %mul3A_753 = arith.mulf %get3A_752, %gather3A_749 : vector<16xf32>
        %swap3A_754 = arith.index_cast %add3A_741 : i32 to index
        %swap3A_755 = arith.constant 0 : index
        %swap3A_756 = tpu.vector_load %arg11[%swap3A_754, %swap3A_755] {strides = array<i32>} : memref<256x64xf32, #tpu.memory_space<vmem>>, vector<16xf32>,
        tpu.vector_store %arg11[%swap3A_754, %swap3A_755], %mul3A_753 {strides = array<i32>} : memref<256x64xf32, #tpu.memory_space<vmem>>, vector<16xf32>,
        %get3A_757 = arith.index_cast %add3A_741 : i32 to index
        %get3A_758 = arith.constant 16 : index
        %get3A_759 = tpu.vector_load %arg11[%get3A_757, %get3A_758] {strides = array<i32>} : memref<256x64xf32, #tpu.memory_space<vmem>>, vector<16xf32>,
        %mul3A_760 = arith.mulf %get3A_759, %gather3A_749 : vector<16xf32>
        %swap3A_761 = arith.index_cast %add3A_741 : i32 to index
        %swap3A_762 = arith.constant 16 : index
        %swap3A_763 = tpu.vector_load %arg11[%swap3A_761, %swap3A_762] {strides = array<i32>} : memref<256x64xf32, #tpu.memory_space<vmem>>, vector<16xf32>,
        tpu.vector_store %arg11[%swap3A_761, %swap3A_762], %mul3A_760 {strides = array<i32>} : memref<256x64xf32, #tpu.memory_space<vmem>>, vector<16xf32>,
        %add3A_764 = arith.constant 1 : i32
        %add3A_765 = arith.addi %add3A_744, %add3A_764 : i32
        %add3A_766 = vector.broadcast %add3A_765 : i32 to vector<16xi32>
        %add3A_767 = arith.addi %add3A_766, %mul3A_7 : vector<16xi32>
        %gather3A_768 = tpu.vector_load_idx %arg13[%add3A_767] : memref<2048xf32, #tpu.memory_space<vmem>>[vector<16xi32>], vector<16xf32>,
        %get3A_769 = arith.index_cast %add3A_741 : i32 to index
        %get3A_770 = arith.constant 32 : index
        %get3A_771 = tpu.vector_load %arg11[%get3A_769, %get3A_770] {strides = array<i32>} : memref<256x64xf32, #tpu.memory_space<vmem>>, vector<16xf32>,
        %mul3A_772 = arith.mulf %get3A_771, %gather3A_768 : vector<16xf32>
        %swap3A_773 = arith.index_cast %add3A_741 : i32 to index
        %swap3A_774 = arith.constant 32 : index
        %swap3A_775 = tpu.vector_load %arg11[%swap3A_773, %swap3A_774] {strides = array<i32>} : memref<256x64xf32, #tpu.memory_space<vmem>>, vector<16xf32>,
        tpu.vector_store %arg11[%swap3A_773, %swap3A_774], %mul3A_772 {strides = array<i32>} : memref<256x64xf32, #tpu.memory_space<vmem>>, vector<16xf32>,
        %get3A_776 = arith.index_cast %add3A_741 : i32 to index
        %get3A_777 = arith.constant 48 : index
        %get3A_778 = tpu.vector_load %arg11[%get3A_776, %get3A_777] {strides = array<i32>} : memref<256x64xf32, #tpu.memory_space<vmem>>, vector<16xf32>,
        %mul3A_779 = arith.mulf %get3A_778, %gather3A_768 : vector<16xf32>
        %swap3A_780 = arith.index_cast %add3A_741 : i32 to index
        %swap3A_781 = arith.constant 48 : index
        %swap3A_782 = tpu.vector_load %arg11[%swap3A_780, %swap3A_781] {strides = array<i32>} : memref<256x64xf32, #tpu.memory_space<vmem>>, vector<16xf32>,
        tpu.vector_store %arg11[%swap3A_780, %swap3A_781], %mul3A_779 {strides = array<i32>} : memref<256x64xf32, #tpu.memory_space<vmem>>, vector<16xf32>,
      }
      %scan3A_371 = arith.constant 256 : i32
      %mul3A_372 = arith.constant 2 : i32
      %mul3A_373 = arith.muli %mul3A_372, %add3A_337 : i32
      "tpu.region"() ({
        %run_scoped3A = tpu.sem_alloc : memref<!tpu.dma_semaphore, #tpu.memory_space<semaphore_mem>>
        %dma_start3A_411 = arith.constant 0 : i32
        %dma_start3A_412 = arith.constant 0 : i32
        %dma_start3A_413 = tpu.memref_slice %arg11[%dma_start3A_411, %dma_start3A_412] : memref<256x64xf32, #tpu.memory_space<vmem>> -> memref<128x64xf32, #tpu.memory_space<vmem>>
        %dma_start3A_414 = arith.constant 0 : i32
        %dma_start3A_415 = tpu.memref_slice %arg8[%mul3A_373, %dma_start3A_414] : memref<80x128xi32, #tpu.memory_space<vmem>> -> memref<1x128xi32, #tpu.memory_space<vmem>>
        %dma_start3A_416 = tpu.memref_squeeze %dma_start3A_415 : memref<1x128xi32, #tpu.memory_space<vmem>> -> memref<128xi32, #tpu.memory_space<vmem>>
        %dma_start3A_417 = arith.constant 0 : i32
        %dma_start3A_418 = arith.constant 0 : i32
        %dma_start3A_419 = tpu.memref_slice %arg14[%dma_start3A_417, %dma_start3A_418] : memref<10240x64xf32, #tpu.memory_space<vmem_shared>> -> memref<10240x64xf32, #tpu.memory_space<vmem_shared>>
        tpu.enqueue_indirect_dma source(%dma_start3A_413 : memref<128x64xf32, #tpu.memory_space<vmem>>) target(%dma_start3A_419 : memref<10240x64xf32, #tpu.memory_space<vmem_shared>>) offsets(%dma_start3A_416 : memref<128xi32, #tpu.memory_space<vmem>>) semaphore(%run_scoped3A : memref<!tpu.dma_semaphore, #tpu.memory_space<semaphore_mem>>) {add = true}
        %dma_wait3A_420 = arith.constant 0 : i32
        %dma_wait3A_421 = arith.constant 0 : i32
        %dma_wait3A_422 = tpu.memref_slice %arg11[%dma_wait3A_420, %dma_wait3A_421] : memref<256x64xf32, #tpu.memory_space<vmem>> -> memref<128x64xf32, #tpu.memory_space<vmem>>
        %dma_wait3A_423 = arith.constant 0 : i32
        %dma_wait3A_424 = tpu.memref_slice %arg8[%mul3A_373, %dma_wait3A_423] : memref<80x128xi32, #tpu.memory_space<vmem>> -> memref<1x128xi32, #tpu.memory_space<vmem>>
        %dma_wait3A_425 = tpu.memref_squeeze %dma_wait3A_424 : memref<1x128xi32, #tpu.memory_space<vmem>> -> memref<128xi32, #tpu.memory_space<vmem>>
        %dma_wait3A_426 = arith.constant 0 : i32
        %dma_wait3A_427 = arith.constant 0 : i32
        %dma_wait3A_428 = tpu.memref_slice %arg14[%dma_wait3A_426, %dma_wait3A_427] : memref<10240x64xf32, #tpu.memory_space<vmem_shared>> -> memref<10240x64xf32, #tpu.memory_space<vmem_shared>>
        tpu.wait_indirect_dma semaphore(%run_scoped3A : memref<!tpu.dma_semaphore, #tpu.memory_space<semaphore_mem>>) src(%dma_wait3A_422 : memref<128x64xf32, #tpu.memory_space<vmem>>) dst(%dma_wait3A_428 : memref<10240x64xf32, #tpu.memory_space<vmem_shared>>)
        tpu.yield
      }) : () -> ()
      %mul3A_374 = arith.constant 2 : i32
      %mul3A_375 = arith.muli %mul3A_374, %add3A_337 : i32
      %add3A_376 = arith.constant 1 : i32
      %add3A_377 = arith.addi %mul3A_375, %add3A_376 : i32
      "tpu.region"() ({
        %run_scoped3A = tpu.sem_alloc : memref<!tpu.dma_semaphore, #tpu.memory_space<semaphore_mem>>
        %dma_start3A_411 = arith.constant 128 : i32
        %dma_start3A_412 = arith.constant 0 : i32
        %dma_start3A_413 = tpu.memref_slice %arg11[%dma_start3A_411, %dma_start3A_412] : memref<256x64xf32, #tpu.memory_space<vmem>> -> memref<128x64xf32, #tpu.memory_space<vmem>>
        %dma_start3A_414 = arith.constant 0 : i32
        %dma_start3A_415 = tpu.memref_slice %arg8[%add3A_377, %dma_start3A_414] : memref<80x128xi32, #tpu.memory_space<vmem>> -> memref<1x128xi32, #tpu.memory_space<vmem>>
        %dma_start3A_416 = tpu.memref_squeeze %dma_start3A_415 : memref<1x128xi32, #tpu.memory_space<vmem>> -> memref<128xi32, #tpu.memory_space<vmem>>
        %dma_start3A_417 = arith.constant 0 : i32
        %dma_start3A_418 = arith.constant 0 : i32
        %dma_start3A_419 = tpu.memref_slice %arg14[%dma_start3A_417, %dma_start3A_418] : memref<10240x64xf32, #tpu.memory_space<vmem_shared>> -> memref<10240x64xf32, #tpu.memory_space<vmem_shared>>
        tpu.enqueue_indirect_dma source(%dma_start3A_413 : memref<128x64xf32, #tpu.memory_space<vmem>>) target(%dma_start3A_419 : memref<10240x64xf32, #tpu.memory_space<vmem_shared>>) offsets(%dma_start3A_416 : memref<128xi32, #tpu.memory_space<vmem>>) semaphore(%run_scoped3A : memref<!tpu.dma_semaphore, #tpu.memory_space<semaphore_mem>>) {add = true}
        %dma_wait3A_420 = arith.constant 128 : i32
        %dma_wait3A_421 = arith.constant 0 : i32
        %dma_wait3A_422 = tpu.memref_slice %arg11[%dma_wait3A_420, %dma_wait3A_421] : memref<256x64xf32, #tpu.memory_space<vmem>> -> memref<128x64xf32, #tpu.memory_space<vmem>>
        %dma_wait3A_423 = arith.constant 0 : i32
        %dma_wait3A_424 = tpu.memref_slice %arg8[%add3A_377, %dma_wait3A_423] : memref<80x128xi32, #tpu.memory_space<vmem>> -> memref<1x128xi32, #tpu.memory_space<vmem>>
        %dma_wait3A_425 = tpu.memref_squeeze %dma_wait3A_424 : memref<1x128xi32, #tpu.memory_space<vmem>> -> memref<128xi32, #tpu.memory_space<vmem>>
        %dma_wait3A_426 = arith.constant 0 : i32
        %dma_wait3A_427 = arith.constant 0 : i32
        %dma_wait3A_428 = tpu.memref_slice %arg14[%dma_wait3A_426, %dma_wait3A_427] : memref<10240x64xf32, #tpu.memory_space<vmem_shared>> -> memref<10240x64xf32, #tpu.memory_space<vmem_shared>>
        tpu.wait_indirect_dma semaphore(%run_scoped3A : memref<!tpu.dma_semaphore, #tpu.memory_space<semaphore_mem>>) src(%dma_wait3A_422 : memref<128x64xf32, #tpu.memory_space<vmem>>) dst(%dma_wait3A_428 : memref<10240x64xf32, #tpu.memory_space<vmem_shared>>)
        tpu.yield
      }) : () -> ()
      %add3A_378 = arith.constant 2 : i32
      %add3A_379 = arith.addi %add3A_337, %add3A_378 : i32
      %min3A_380 = arith.constant 39 : i32
      %min3A_381 = arith.minsi %add3A_379, %min3A_380 : i32
      %mul3A_382 = arith.constant 256 : i32
      %mul3A_383 = arith.muli %mul3A_382, %min3A_381 : i32
      %mul3A_384 = arith.constant 256 : i32
      %mul3A_385 = arith.muli %mul3A_384, %min3A_381 : i32
      %add3A_386 = arith.constant 128 : i32
      %add3A_387 = arith.addi %mul3A_385, %add3A_386 : i32
      %mul3A_388 = arith.constant 80 : i32
      %mul3A_389 = arith.muli %arg1, %mul3A_388 : i32
      %mul3A_390 = arith.constant 2 : i32
      %mul3A_391 = arith.muli %mul3A_390, %min3A_381 : i32
      %add3A_392 = arith.addi %mul3A_389, %mul3A_391 : i32
      %mul3A_393 = arith.constant 1024 : i32
      %mul3A_394 = arith.muli %add3A_392, %mul3A_393 : i32
      %dma_start3A_395 = arith.constant 0 : i32
      %dma_start3A_396 = arith.constant 0 : i32
      %dma_start3A_397 = tpu.memref_slice %arg11[%dma_start3A_395, %dma_start3A_396] : memref<256x64xf32, #tpu.memory_space<vmem>> -> memref<128x64xf32, #tpu.memory_space<vmem>>
      %dma_start3A_398 = tpu.memref_slice %arg9[%mul3A_383] : memref<10240xi32, #tpu.memory_space<vmem>> -> memref<128xi32, #tpu.memory_space<vmem>>
      %dma_start3A_399 = arith.constant 0 : i32
      %dma_start3A_400 = arith.constant 0 : i32
      %dma_start3A_401 = tpu.memref_slice %arg5[%dma_start3A_399, %dma_start3A_400] : memref<40960x64xf32, #tpu.memory_space<hbm>> -> memref<40960x64xf32, #tpu.memory_space<hbm>>
      tpu.enqueue_indirect_dma source(%dma_start3A_401 : memref<40960x64xf32, #tpu.memory_space<hbm>>) target(%dma_start3A_397 : memref<128x64xf32, #tpu.memory_space<vmem>>) offsets(%dma_start3A_398 : memref<128xi32, #tpu.memory_space<vmem>>) semaphore(%arg16 : memref<!tpu.dma_semaphore, #tpu.memory_space<semaphore_mem>>)
      %dma_start3A_402 = arith.constant 128 : i32
      %dma_start3A_403 = arith.constant 0 : i32
      %dma_start3A_404 = tpu.memref_slice %arg11[%dma_start3A_402, %dma_start3A_403] : memref<256x64xf32, #tpu.memory_space<vmem>> -> memref<128x64xf32, #tpu.memory_space<vmem>>
      %dma_start3A_405 = tpu.memref_slice %arg9[%add3A_387] : memref<10240xi32, #tpu.memory_space<vmem>> -> memref<128xi32, #tpu.memory_space<vmem>>
      %dma_start3A_406 = arith.constant 0 : i32
      %dma_start3A_407 = arith.constant 0 : i32
      %dma_start3A_408 = tpu.memref_slice %arg5[%dma_start3A_406, %dma_start3A_407] : memref<40960x64xf32, #tpu.memory_space<hbm>> -> memref<40960x64xf32, #tpu.memory_space<hbm>>
      tpu.enqueue_indirect_dma source(%dma_start3A_408 : memref<40960x64xf32, #tpu.memory_space<hbm>>) target(%dma_start3A_404 : memref<128x64xf32, #tpu.memory_space<vmem>>) offsets(%dma_start3A_405 : memref<128xi32, #tpu.memory_space<vmem>>) semaphore(%arg16 : memref<!tpu.dma_semaphore, #tpu.memory_space<semaphore_mem>>)
      %dma_start3A_409 = tpu.memref_slice %arg4[%mul3A_394] : memref<1310720xf32, #tpu.memory_space<hbm>> -> memref<2048xf32, #tpu.memory_space<hbm>>
      %dma_start3A_410 = tpu.memref_slice %arg4[%mul3A_394] : memref<1310720xf32, #tpu.memory_space<hbm>> -> memref<2048xf32, #tpu.memory_space<hbm>>
      tpu.enqueue_dma source(%dma_start3A_410 : memref<2048xf32, #tpu.memory_space<hbm>>) target(%arg13 : memref<2048xf32, #tpu.memory_space<vmem>>) target_semaphore(%arg16 : memref<!tpu.dma_semaphore, #tpu.memory_space<semaphore_mem>>)
    }
    %scan3A_197 = arith.constant 20 : i32
    %mul3A_198 = arith.constant 80 : i32
    %mul3A_199 = arith.muli %arg1, %mul3A_198 : i32
    %add3A_200 = arith.constant 78 : i32
    %add3A_201 = arith.addi %mul3A_199, %add3A_200 : i32
    %mul3A_202 = arith.constant 1024 : i32
    %mul3A_203 = arith.muli %add3A_201, %mul3A_202 : i32
    %dma_wait3A_204 = arith.constant 0 : i32
    %dma_wait3A_205 = arith.constant 0 : i32
    %dma_wait3A_206 = tpu.memref_slice %arg10[%dma_wait3A_204, %dma_wait3A_205] : memref<256x64xf32, #tpu.memory_space<vmem>> -> memref<128x64xf32, #tpu.memory_space<vmem>>
    %dma_wait3A_207 = arith.constant 9984 : i32
    %dma_wait3A_208 = tpu.memref_slice %arg9[%dma_wait3A_207] : memref<10240xi32, #tpu.memory_space<vmem>> -> memref<128xi32, #tpu.memory_space<vmem>>
    %dma_wait3A_209 = arith.constant 0 : i32
    %dma_wait3A_210 = arith.constant 0 : i32
    %dma_wait3A_211 = tpu.memref_slice %arg5[%dma_wait3A_209, %dma_wait3A_210] : memref<40960x64xf32, #tpu.memory_space<hbm>> -> memref<40960x64xf32, #tpu.memory_space<hbm>>
    tpu.wait_indirect_dma semaphore(%arg15 : memref<!tpu.dma_semaphore, #tpu.memory_space<semaphore_mem>>) src(%dma_wait3A_211 : memref<40960x64xf32, #tpu.memory_space<hbm>>) dst(%dma_wait3A_206 : memref<128x64xf32, #tpu.memory_space<vmem>>)
    %dma_wait3A_212 = arith.constant 128 : i32
    %dma_wait3A_213 = arith.constant 0 : i32
    %dma_wait3A_214 = tpu.memref_slice %arg10[%dma_wait3A_212, %dma_wait3A_213] : memref<256x64xf32, #tpu.memory_space<vmem>> -> memref<128x64xf32, #tpu.memory_space<vmem>>
    %dma_wait3A_215 = arith.constant 10112 : i32
    %dma_wait3A_216 = tpu.memref_slice %arg9[%dma_wait3A_215] : memref<10240xi32, #tpu.memory_space<vmem>> -> memref<128xi32, #tpu.memory_space<vmem>>
    %dma_wait3A_217 = arith.constant 0 : i32
    %dma_wait3A_218 = arith.constant 0 : i32
    %dma_wait3A_219 = tpu.memref_slice %arg5[%dma_wait3A_217, %dma_wait3A_218] : memref<40960x64xf32, #tpu.memory_space<hbm>> -> memref<40960x64xf32, #tpu.memory_space<hbm>>
    tpu.wait_indirect_dma semaphore(%arg15 : memref<!tpu.dma_semaphore, #tpu.memory_space<semaphore_mem>>) src(%dma_wait3A_219 : memref<40960x64xf32, #tpu.memory_space<hbm>>) dst(%dma_wait3A_214 : memref<128x64xf32, #tpu.memory_space<vmem>>)
    %dma_wait3A_220 = tpu.memref_slice %arg4[%mul3A_203] : memref<1310720xf32, #tpu.memory_space<hbm>> -> memref<2048xf32, #tpu.memory_space<hbm>>
    %dma_wait3A_221 = tpu.memref_slice %arg4[%mul3A_203] : memref<1310720xf32, #tpu.memory_space<hbm>> -> memref<2048xf32, #tpu.memory_space<hbm>>
    tpu.wait_dma2 semaphore(%arg15 : memref<!tpu.dma_semaphore, #tpu.memory_space<semaphore_mem>>) src(%dma_wait3A_221 : memref<2048xf32, #tpu.memory_space<hbm>>) dst(%arg12 : memref<2048xf32, #tpu.memory_space<vmem>>)
    %mul3A_222 = arith.constant 80 : i32
    %mul3A_223 = arith.muli %arg1, %mul3A_222 : i32
    %add3A_224 = arith.constant 78 : i32
    %add3A_225 = arith.addi %mul3A_223, %add3A_224 : i32
    %mul3A_226 = arith.constant 1024 : i32
    %mul3A_227 = arith.muli %add3A_225, %mul3A_226 : i32
    %dma_wait3A_228 = arith.constant 0 : i32
    %dma_wait3A_229 = arith.constant 0 : i32
    %dma_wait3A_230 = tpu.memref_slice %arg11[%dma_wait3A_228, %dma_wait3A_229] : memref<256x64xf32, #tpu.memory_space<vmem>> -> memref<128x64xf32, #tpu.memory_space<vmem>>
    %dma_wait3A_231 = arith.constant 9984 : i32
    %dma_wait3A_232 = tpu.memref_slice %arg9[%dma_wait3A_231] : memref<10240xi32, #tpu.memory_space<vmem>> -> memref<128xi32, #tpu.memory_space<vmem>>
    %dma_wait3A_233 = arith.constant 0 : i32
    %dma_wait3A_234 = arith.constant 0 : i32
    %dma_wait3A_235 = tpu.memref_slice %arg5[%dma_wait3A_233, %dma_wait3A_234] : memref<40960x64xf32, #tpu.memory_space<hbm>> -> memref<40960x64xf32, #tpu.memory_space<hbm>>
    tpu.wait_indirect_dma semaphore(%arg16 : memref<!tpu.dma_semaphore, #tpu.memory_space<semaphore_mem>>) src(%dma_wait3A_235 : memref<40960x64xf32, #tpu.memory_space<hbm>>) dst(%dma_wait3A_230 : memref<128x64xf32, #tpu.memory_space<vmem>>)
    %dma_wait3A_236 = arith.constant 128 : i32
    %dma_wait3A_237 = arith.constant 0 : i32
    %dma_wait3A_238 = tpu.memref_slice %arg11[%dma_wait3A_236, %dma_wait3A_237] : memref<256x64xf32, #tpu.memory_space<vmem>> -> memref<128x64xf32, #tpu.memory_space<vmem>>
    %dma_wait3A_239 = arith.constant 10112 : i32
    %dma_wait3A_240 = tpu.memref_slice %arg9[%dma_wait3A_239] : memref<10240xi32, #tpu.memory_space<vmem>> -> memref<128xi32, #tpu.memory_space<vmem>>
    %dma_wait3A_241 = arith.constant 0 : i32
    %dma_wait3A_242 = arith.constant 0 : i32
    %dma_wait3A_243 = tpu.memref_slice %arg5[%dma_wait3A_241, %dma_wait3A_242] : memref<40960x64xf32, #tpu.memory_space<hbm>> -> memref<40960x64xf32, #tpu.memory_space<hbm>>
    tpu.wait_indirect_dma semaphore(%arg16 : memref<!tpu.dma_semaphore, #tpu.memory_space<semaphore_mem>>) src(%dma_wait3A_243 : memref<40960x64xf32, #tpu.memory_space<hbm>>) dst(%dma_wait3A_238 : memref<128x64xf32, #tpu.memory_space<vmem>>)
    %dma_wait3A_244 = tpu.memref_slice %arg4[%mul3A_227] : memref<1310720xf32, #tpu.memory_space<hbm>> -> memref<2048xf32, #tpu.memory_space<hbm>>
    %dma_wait3A_245 = tpu.memref_slice %arg4[%mul3A_227] : memref<1310720xf32, #tpu.memory_space<hbm>> -> memref<2048xf32, #tpu.memory_space<hbm>>
    tpu.wait_dma2 semaphore(%arg16 : memref<!tpu.dma_semaphore, #tpu.memory_space<semaphore_mem>>) src(%dma_wait3A_245 : memref<2048xf32, #tpu.memory_space<hbm>>) dst(%arg13 : memref<2048xf32, #tpu.memory_space<vmem>>)
    %barrier3A_246 = arith.constant 0 : index
    tpu.barrier barrier_id(%barrier3A_246)
    %mul3A_247 = arith.constant 640 : i32
    %mul3A_248 = arith.muli %arg1, %mul3A_247 : i32
    %mul3A_249 = arith.constant 2 : i32
    %mul3A_250 = arith.muli %mul3A_249, %arg0 : i32
    %add3A_251 = arith.constant 1 : i32
    %add3A_252 = arith.addi %mul3A_250, %add3A_251 : i32
    %mul3A_253 = arith.constant 640 : i32
    %mul3A_254 = arith.muli %arg1, %mul3A_253 : i32
    "tpu.region"() ({
      %run_scoped3A = tpu.sem_alloc : memref<!tpu.dma_semaphore, #tpu.memory_space<semaphore_mem>>
      %dma_start3A_255 = arith.constant 0 : i32
      %dma_start3A_256 = arith.constant 0 : i32
      %dma_start3A_257 = tpu.memref_slice %arg7[%add3A_252, %dma_start3A_255, %dma_start3A_256] : memref<4x10240x64xf32, #tpu.memory_space<hbm>> -> memref<1x10240x64xf32, #tpu.memory_space<hbm>>
      %dma_start3A_258 = tpu.memref_squeeze %dma_start3A_257 : memref<1x10240x64xf32, #tpu.memory_space<hbm>> -> memref<10240x64xf32, #tpu.memory_space<hbm>>
      %dma_start3A_259 = arith.constant 0 : i32
      %dma_start3A_260 = tpu.memref_slice %dma_start3A_258[%mul3A_254, %dma_start3A_259] : memref<10240x64xf32, #tpu.memory_space<hbm>> -> memref<640x64xf32, #tpu.memory_space<hbm>>
      %dma_start3A_261 = arith.constant 0 : i32
      %dma_start3A_262 = tpu.memref_slice %arg14[%mul3A_248, %dma_start3A_261] : memref<10240x64xf32, #tpu.memory_space<vmem_shared>> -> memref<640x64xf32, #tpu.memory_space<vmem_shared>>
      tpu.enqueue_dma source(%dma_start3A_262 : memref<640x64xf32, #tpu.memory_space<vmem_shared>>) target(%dma_start3A_260 : memref<640x64xf32, #tpu.memory_space<hbm>>) target_semaphore(%run_scoped3A : memref<!tpu.dma_semaphore, #tpu.memory_space<semaphore_mem>>)
      %dma_wait3A_263 = arith.constant 0 : i32
      %dma_wait3A_264 = arith.constant 0 : i32
      %dma_wait3A_265 = tpu.memref_slice %arg7[%add3A_252, %dma_wait3A_263, %dma_wait3A_264] : memref<4x10240x64xf32, #tpu.memory_space<hbm>> -> memref<1x10240x64xf32, #tpu.memory_space<hbm>>
      %dma_wait3A_266 = tpu.memref_squeeze %dma_wait3A_265 : memref<1x10240x64xf32, #tpu.memory_space<hbm>> -> memref<10240x64xf32, #tpu.memory_space<hbm>>
      %dma_wait3A_267 = arith.constant 0 : i32
      %dma_wait3A_268 = tpu.memref_slice %dma_wait3A_266[%mul3A_254, %dma_wait3A_267] : memref<10240x64xf32, #tpu.memory_space<hbm>> -> memref<640x64xf32, #tpu.memory_space<hbm>>
      %dma_wait3A_269 = arith.constant 0 : i32
      %dma_wait3A_270 = tpu.memref_slice %arg14[%mul3A_248, %dma_wait3A_269] : memref<10240x64xf32, #tpu.memory_space<vmem_shared>> -> memref<640x64xf32, #tpu.memory_space<vmem_shared>>
      tpu.wait_dma2 semaphore(%run_scoped3A : memref<!tpu.dma_semaphore, #tpu.memory_space<semaphore_mem>>) src(%dma_wait3A_270 : memref<640x64xf32, #tpu.memory_space<vmem_shared>>) dst(%dma_wait3A_268 : memref<640x64xf32, #tpu.memory_space<hbm>>)
      tpu.yield
    }) : () -> ()
    return
  }
}

module attributes {stable_mosaic.version = 14 : i64} {
  func.func @_edge_body(%arg0: i32, %arg1: memref<2000x16xf32, #tpu.memory_space<vmem>>, %arg2: memref<16x16xf32, #tpu.memory_space<vmem>>, %arg3: memref<16x8xf32, #tpu.memory_space<vmem>>, %arg4: memref<2000x16xf32, #tpu.memory_space<vmem>>, %arg5: memref<2000x8xf32, #tpu.memory_space<vmem>>) attributes {dimension_semantics = [#tpu.dimension_semantics<arbitrary>], iteration_bounds = array<i64: 80>, scalar_prefetch = 0 : i64, scratch_operands = 0 : i64, tpu.core_type = #tpu.core_type<tc>, window_params = [{transform_indices = @transform_0, window_bounds = array<i64: 2000, 16>}, {pipeline_mode = #tpu.pipeline_mode<synchronous>, transform_indices = @transform_1, window_bounds = array<i64: 16, 16>}, {pipeline_mode = #tpu.pipeline_mode<synchronous>, transform_indices = @transform_2, window_bounds = array<i64: 16, 8>}, {transform_indices = @transform_3, window_bounds = array<i64: 2000, 16>}, {transform_indices = @transform_4, window_bounds = array<i64: 2000, 8>}]} {
    %get3A = arith.constant 0 : index
    %get3A_0 = arith.constant 0 : index
    %get3A_1 = vector.load %arg1[%get3A, %get3A_0] : memref<2000x16xf32, #tpu.memory_space<vmem>>, vector<2000x16xf32>
    %get3A_2 = arith.constant 0 : index
    %get3A_3 = arith.constant 0 : index
    %get3A_4 = vector.load %arg2[%get3A_2, %get3A_3] : memref<16x16xf32, #tpu.memory_space<vmem>>, vector<16x16xf32>
    %dot_general3A = arith.constant dense<0.000000e+00> : vector<2000x16xf32>
    %dot_general3A_5 = tpu.matmul %get3A_1, %get3A_4, %dot_general3A {dimension_numbers = #tpu.dot_dimension_numbers<[1], [0], [0], [1], [0, 0, 1, 1], [], []>, transpose_lhs_hint = false} : vector<2000x16xf32>, vector<16x16xf32>, vector<2000x16xf32> -> vector<2000x16xf32>
    %swap3A = arith.constant 0 : index
    %swap3A_6 = arith.constant 0 : index
    %swap3A_7 = vector.load %arg4[%swap3A, %swap3A_6] : memref<2000x16xf32, #tpu.memory_space<vmem>>, vector<2000x16xf32>
    tpu.vector_store %arg4[%swap3A, %swap3A_6], %dot_general3A_5 {strides = array<i32>} : memref<2000x16xf32, #tpu.memory_space<vmem>>, vector<2000x16xf32>,
    %get3A_8 = arith.constant 0 : index
    %get3A_9 = arith.constant 0 : index
    %get3A_10 = vector.load %arg3[%get3A_8, %get3A_9] : memref<16x8xf32, #tpu.memory_space<vmem>>, vector<16x8xf32>
    %dot_general3A_11 = arith.constant dense<0.000000e+00> : vector<2000x8xf32>
    %dot_general3A_12 = tpu.matmul %dot_general3A_5, %get3A_10, %dot_general3A_11 {dimension_numbers = #tpu.dot_dimension_numbers<[1], [0], [0], [1], [0, 0, 1, 1], [], []>, transpose_lhs_hint = false} : vector<2000x16xf32>, vector<16x8xf32>, vector<2000x8xf32> -> vector<2000x8xf32>
    %swap3A_13 = arith.constant 0 : index
    %swap3A_14 = arith.constant 0 : index
    %swap3A_15 = vector.load %arg5[%swap3A_13, %swap3A_14] : memref<2000x8xf32, #tpu.memory_space<vmem>>, vector<2000x8xf32>
    tpu.vector_store %arg5[%swap3A_13, %swap3A_14], %dot_general3A_12 {strides = array<i32>} : memref<2000x8xf32, #tpu.memory_space<vmem>>, vector<2000x8xf32>,
    return
  }
  func.func @transform_0(%arg0: i32) -> (i32, i32) {
    %c0_i32 = arith.constant 0 : i32
    %c0_i32_0 = arith.constant 0 : i32
    return %arg0, %c0_i32 : i32, i32
  }
  func.func @transform_1(%arg0: i32) -> (i32, i32) {
    %c0_i32 = arith.constant 0 : i32
    %c0_i32_0 = arith.constant 0 : i32
    %c0_i32_1 = arith.constant 0 : i32
    return %c0_i32, %c0_i32_0 : i32, i32
  }
  func.func @transform_2(%arg0: i32) -> (i32, i32) {
    %c0_i32 = arith.constant 0 : i32
    %c0_i32_0 = arith.constant 0 : i32
    %c0_i32_1 = arith.constant 0 : i32
    return %c0_i32, %c0_i32_0 : i32, i32
  }
  func.func @transform_3(%arg0: i32) -> (i32, i32) {
    %c0_i32 = arith.constant 0 : i32
    %c0_i32_0 = arith.constant 0 : i32
    return %arg0, %c0_i32 : i32, i32
  }
  func.func @transform_4(%arg0: i32) -> (i32, i32) {
    %c0_i32 = arith.constant 0 : i32
    %c0_i32_0 = arith.constant 0 : i32
    return %arg0, %c0_i32 : i32, i32
  }
}

module attributes {stable_mosaic.version = 14 : i64} {
  func.func @_node_body(%arg0: i32, %arg1: memref<1024x256xf32, #tpu.memory_space<vmem>>, %arg2: memref<256x256xf32, #tpu.memory_space<vmem>>, %arg3: memref<256x16xf32, #tpu.memory_space<vmem>>, %arg4: memref<4x1024x64xf32, #tpu.memory_space<vmem>>, %arg5: memref<1024x16xf32, #tpu.memory_space<vmem>>) attributes {dimension_semantics = [#tpu.dimension_semantics<arbitrary>], iteration_bounds = array<i64: 10>, scalar_prefetch = 0 : i64, scratch_operands = 0 : i64, tpu.core_type = #tpu.core_type<tc>, window_params = [{transform_indices = @transform_0, window_bounds = array<i64: 1024, 256>}, {pipeline_mode = #tpu.pipeline_mode<synchronous>, transform_indices = @transform_1, window_bounds = array<i64: 256, 256>}, {pipeline_mode = #tpu.pipeline_mode<synchronous>, transform_indices = @transform_2, window_bounds = array<i64: 256, 16>}, {transform_indices = @transform_3, window_bounds = array<i64: 4, 1024, 64>}, {transform_indices = @transform_4, window_bounds = array<i64: 1024, 16>}]} {
    %get3A = arith.constant 0 : index
    %get3A_0 = arith.constant 0 : index
    %get3A_1 = vector.load %arg1[%get3A, %get3A_0] : memref<1024x256xf32, #tpu.memory_space<vmem>>, vector<1024x256xf32>
    %convert_element_type3A = arith.truncf %get3A_1 : vector<1024x256xf32> to vector<1024x256xbf16>
    %get3A_2 = arith.constant 0 : index
    %get3A_3 = arith.constant 0 : index
    %get3A_4 = vector.load %arg2[%get3A_2, %get3A_3] : memref<256x256xf32, #tpu.memory_space<vmem>>, vector<256x256xf32>
    %convert_element_type3A_5 = arith.truncf %get3A_4 : vector<256x256xf32> to vector<256x256xbf16>
    %dot_general3A = arith.constant dense<0.000000e+00> : vector<1024x256xf32>
    %dot_general3A_6 = tpu.matmul %convert_element_type3A, %convert_element_type3A_5, %dot_general3A {dimension_numbers = #tpu.dot_dimension_numbers<[1], [0], [0], [1], [0, 0, 1, 1], [], []>, transpose_lhs_hint = false} : vector<1024x256xbf16>, vector<256x256xbf16>, vector<1024x256xf32> -> vector<1024x256xf32>
    %mul3A = arith.constant 1024 : i32
    %mul3A_7 = arith.muli %arg0, %mul3A : i32
    %iota3A = tpu.iota {dimensions = array<i32: 0>} : vector<1024x1xi32>
    %add3A = vector.broadcast %mul3A_7 : i32 to vector<1024x1xi32>
    %add3A_8 = arith.addi %add3A, %iota3A : vector<1024x1xi32>
    %lt3A = arith.constant 10000 : i32
    %lt3A_9 = vector.broadcast %lt3A : i32 to vector<1024x1xi32>
    %lt3A_10 = arith.cmpi slt, %add3A_8, %lt3A_9 : vector<1024x1xi32>
    %jit3A = arith.constant 0.000000e+00 : f32
    %broadcast_in_dim3A = vector.shape_cast %lt3A_10 : vector<1024x1xi1> to vector<1024x1xi1>
    %broadcast_in_dim3A_11 = vector.broadcast %broadcast_in_dim3A : vector<1024x1xi1> to vector<1024x256xi1>
    %broadcast_in_dim3A_12 = vector.broadcast %jit3A : f32 to vector<1024x256xf32>
    %select_n3A = arith.select %broadcast_in_dim3A_11, %dot_general3A_6, %broadcast_in_dim3A_12 : vector<1024x256xi1>, vector<1024x256xf32>
    %slice3A = vector.extract_strided_slice %select_n3A {offsets = [0, 0], sizes = [1024, 64], strides = [1, 1]} : vector<1024x256xf32> to vector<1024x64xf32>
    %swap3A = arith.constant 0 : index
    %swap3A_13 = arith.constant 0 : index
    %swap3A_14 = arith.constant 0 : index
    %swap3A_15 = vector.load %arg4[%swap3A, %swap3A_13, %swap3A_14] : memref<4x1024x64xf32, #tpu.memory_space<vmem>>, vector<1x1024x64xf32>
    %swap3A_16 = vector.shape_cast %swap3A_15 : vector<1x1024x64xf32> to vector<1024x64xf32>
    %swap3A_17 = vector.shape_cast %slice3A : vector<1024x64xf32> to vector<1x1024x64xf32>
    tpu.vector_store %arg4[%swap3A, %swap3A_13, %swap3A_14], %swap3A_17 {strides = array<i32>} : memref<4x1024x64xf32, #tpu.memory_space<vmem>>, vector<1x1024x64xf32>,
    %slice3A_18 = vector.extract_strided_slice %select_n3A {offsets = [0, 64], sizes = [1024, 64], strides = [1, 1]} : vector<1024x256xf32> to vector<1024x64xf32>
    %swap3A_19 = arith.constant 1 : index
    %swap3A_20 = arith.constant 0 : index
    %swap3A_21 = arith.constant 0 : index
    %swap3A_22 = vector.load %arg4[%swap3A_19, %swap3A_20, %swap3A_21] : memref<4x1024x64xf32, #tpu.memory_space<vmem>>, vector<1x1024x64xf32>
    %swap3A_23 = vector.shape_cast %swap3A_22 : vector<1x1024x64xf32> to vector<1024x64xf32>
    %swap3A_24 = vector.shape_cast %slice3A_18 : vector<1024x64xf32> to vector<1x1024x64xf32>
    tpu.vector_store %arg4[%swap3A_19, %swap3A_20, %swap3A_21], %swap3A_24 {strides = array<i32>} : memref<4x1024x64xf32, #tpu.memory_space<vmem>>, vector<1x1024x64xf32>,
    %slice3A_25 = vector.extract_strided_slice %select_n3A {offsets = [0, 128], sizes = [1024, 64], strides = [1, 1]} : vector<1024x256xf32> to vector<1024x64xf32>
    %swap3A_26 = arith.constant 2 : index
    %swap3A_27 = arith.constant 0 : index
    %swap3A_28 = arith.constant 0 : index
    %swap3A_29 = vector.load %arg4[%swap3A_26, %swap3A_27, %swap3A_28] : memref<4x1024x64xf32, #tpu.memory_space<vmem>>, vector<1x1024x64xf32>
    %swap3A_30 = vector.shape_cast %swap3A_29 : vector<1x1024x64xf32> to vector<1024x64xf32>
    %swap3A_31 = vector.shape_cast %slice3A_25 : vector<1024x64xf32> to vector<1x1024x64xf32>
    tpu.vector_store %arg4[%swap3A_26, %swap3A_27, %swap3A_28], %swap3A_31 {strides = array<i32>} : memref<4x1024x64xf32, #tpu.memory_space<vmem>>, vector<1x1024x64xf32>,
    %slice3A_32 = vector.extract_strided_slice %select_n3A {offsets = [0, 192], sizes = [1024, 64], strides = [1, 1]} : vector<1024x256xf32> to vector<1024x64xf32>
    %swap3A_33 = arith.constant 3 : index
    %swap3A_34 = arith.constant 0 : index
    %swap3A_35 = arith.constant 0 : index
    %swap3A_36 = vector.load %arg4[%swap3A_33, %swap3A_34, %swap3A_35] : memref<4x1024x64xf32, #tpu.memory_space<vmem>>, vector<1x1024x64xf32>
    %swap3A_37 = vector.shape_cast %swap3A_36 : vector<1x1024x64xf32> to vector<1024x64xf32>
    %swap3A_38 = vector.shape_cast %slice3A_32 : vector<1024x64xf32> to vector<1x1024x64xf32>
    tpu.vector_store %arg4[%swap3A_33, %swap3A_34, %swap3A_35], %swap3A_38 {strides = array<i32>} : memref<4x1024x64xf32, #tpu.memory_space<vmem>>, vector<1x1024x64xf32>,
    %get3A_39 = arith.constant 0 : index
    %get3A_40 = arith.constant 0 : index
    %get3A_41 = vector.load %arg3[%get3A_39, %get3A_40] : memref<256x16xf32, #tpu.memory_space<vmem>>, vector<256x16xf32>
    %dot_general3A_42 = arith.constant dense<0.000000e+00> : vector<1024x16xf32>
    %dot_general3A_43 = tpu.matmul %select_n3A, %get3A_41, %dot_general3A_42 {dimension_numbers = #tpu.dot_dimension_numbers<[1], [0], [0], [1], [0, 0, 1, 1], [], []>, transpose_lhs_hint = false} : vector<1024x256xf32>, vector<256x16xf32>, vector<1024x16xf32> -> vector<1024x16xf32>
    %swap3A_44 = arith.constant 0 : index
    %swap3A_45 = arith.constant 0 : index
    %swap3A_46 = vector.load %arg5[%swap3A_44, %swap3A_45] : memref<1024x16xf32, #tpu.memory_space<vmem>>, vector<1024x16xf32>
    tpu.vector_store %arg5[%swap3A_44, %swap3A_45], %dot_general3A_43 {strides = array<i32>} : memref<1024x16xf32, #tpu.memory_space<vmem>>, vector<1024x16xf32>,
    return
  }
  func.func @transform_0(%arg0: i32) -> (i32, i32) {
    %c0_i32 = arith.constant 0 : i32
    %c0_i32_0 = arith.constant 0 : i32
    return %arg0, %c0_i32 : i32, i32
  }
  func.func @transform_1(%arg0: i32) -> (i32, i32) {
    %c0_i32 = arith.constant 0 : i32
    %c0_i32_0 = arith.constant 0 : i32
    %c0_i32_1 = arith.constant 0 : i32
    return %c0_i32, %c0_i32_0 : i32, i32
  }
  func.func @transform_2(%arg0: i32) -> (i32, i32) {
    %c0_i32 = arith.constant 0 : i32
    %c0_i32_0 = arith.constant 0 : i32
    %c0_i32_1 = arith.constant 0 : i32
    return %c0_i32, %c0_i32_0 : i32, i32
  }
  func.func @transform_3(%arg0: i32) -> (i32, i32, i32) {
    %c0_i32 = arith.constant 0 : i32
    %c0_i32_0 = arith.constant 0 : i32
    %c0_i32_1 = arith.constant 0 : i32
    return %c0_i32, %arg0, %c0_i32_0 : i32, i32, i32
  }
  func.func @transform_4(%arg0: i32) -> (i32, i32) {
    %c0_i32 = arith.constant 0 : i32
    %c0_i32_0 = arith.constant 0 : i32
    return %arg0, %c0_i32 : i32, i32
  }
}

module attributes {stable_mosaic.version = 14 : i64} {
  func.func @_rden_body(%arg0: i32, %arg1: memref<2x1024x8xf32, #tpu.memory_space<vmem>>, %arg2: memref<8x256xf32, #tpu.memory_space<vmem>>, %arg3: memref<1024x256xf32, #tpu.memory_space<vmem>>) attributes {dimension_semantics = [#tpu.dimension_semantics<arbitrary>], iteration_bounds = array<i64: 10>, scalar_prefetch = 0 : i64, scratch_operands = 0 : i64, tpu.core_type = #tpu.core_type<tc>, window_params = [{transform_indices = @transform_0, window_bounds = array<i64: 2, 1024, 8>}, {pipeline_mode = #tpu.pipeline_mode<synchronous>, transform_indices = @transform_1, window_bounds = array<i64: 8, 256>}, {transform_indices = @transform_2, window_bounds = array<i64: 1024, 256>}]} {
    %get3A = arith.constant 0 : index
    %get3A_0 = arith.constant 0 : index
    %get3A_1 = arith.constant 0 : index
    %get3A_2 = vector.load %arg1[%get3A, %get3A_0, %get3A_1] : memref<2x1024x8xf32, #tpu.memory_space<vmem>>, vector<1x1024x8xf32>
    %get3A_3 = vector.shape_cast %get3A_2 : vector<1x1024x8xf32> to vector<1024x8xf32>
    %get3A_4 = arith.constant 1 : index
    %get3A_5 = arith.constant 0 : index
    %get3A_6 = arith.constant 0 : index
    %get3A_7 = vector.load %arg1[%get3A_4, %get3A_5, %get3A_6] : memref<2x1024x8xf32, #tpu.memory_space<vmem>>, vector<1x1024x8xf32>
    %get3A_8 = vector.shape_cast %get3A_7 : vector<1x1024x8xf32> to vector<1024x8xf32>
    %add3A = arith.addf %get3A_3, %get3A_8 : vector<1024x8xf32>
    %div3A = arith.constant 1.000000e+00 : f32
    %div3A_9 = vector.broadcast %div3A : f32 to vector<1024x8xf32>
    %div3A_10 = arith.divf %div3A_9, %add3A : vector<1024x8xf32>
    %get3A_11 = arith.constant 0 : index
    %get3A_12 = arith.constant 0 : index
    %get3A_13 = vector.load %arg2[%get3A_11, %get3A_12] : memref<8x256xf32, #tpu.memory_space<vmem>>, vector<8x256xf32>
    %dot_general3A = arith.constant dense<0.000000e+00> : vector<1024x256xf32>
    %dot_general3A_14 = tpu.matmul %div3A_10, %get3A_13, %dot_general3A {dimension_numbers = #tpu.dot_dimension_numbers<[1], [0], [0], [1], [0, 0, 1, 1], [], []>, transpose_lhs_hint = false} : vector<1024x8xf32>, vector<8x256xf32>, vector<1024x256xf32> -> vector<1024x256xf32>
    %swap3A = arith.constant 0 : index
    %swap3A_15 = arith.constant 0 : index
    %swap3A_16 = vector.load %arg3[%swap3A, %swap3A_15] : memref<1024x256xf32, #tpu.memory_space<vmem>>, vector<1024x256xf32>
    tpu.vector_store %arg3[%swap3A, %swap3A_15], %dot_general3A_14 {strides = array<i32>} : memref<1024x256xf32, #tpu.memory_space<vmem>>, vector<1024x256xf32>,
    return
  }
  func.func @transform_0(%arg0: i32) -> (i32, i32, i32) {
    %c0_i32 = arith.constant 0 : i32
    %c0_i32_0 = arith.constant 0 : i32
    %c0_i32_1 = arith.constant 0 : i32
    return %c0_i32, %arg0, %c0_i32_0 : i32, i32, i32
  }
  func.func @transform_1(%arg0: i32) -> (i32, i32) {
    %c0_i32 = arith.constant 0 : i32
    %c0_i32_0 = arith.constant 0 : i32
    %c0_i32_1 = arith.constant 0 : i32
    return %c0_i32, %c0_i32_0 : i32, i32
  }
  func.func @transform_2(%arg0: i32) -> (i32, i32) {
    %c0_i32 = arith.constant 0 : i32
    %c0_i32_0 = arith.constant 0 : i32
    return %arg0, %c0_i32 : i32, i32
  }
}

module attributes {stable_mosaic.version = 14 : i64} {
  func.func @_out_body(%arg0: i32, %arg1: memref<1024x64xf32, #tpu.memory_space<vmem>>, %arg2: memref<1024x64xf32, #tpu.memory_space<vmem>>, %arg3: memref<1024x64xf32, #tpu.memory_space<vmem>>, %arg4: memref<1024x64xf32, #tpu.memory_space<vmem>>, %arg5: memref<1024x256xf32, #tpu.memory_space<vmem>>, %arg6: memref<256x256xf32, #tpu.memory_space<vmem>>, %arg7: memref<1x256xf32, #tpu.memory_space<vmem>>, %arg8: memref<1x256xf32, #tpu.memory_space<vmem>>, %arg9: memref<1024x256xf32, #tpu.memory_space<vmem>>) attributes {dimension_semantics = [#tpu.dimension_semantics<arbitrary>], iteration_bounds = array<i64: 10>, scalar_prefetch = 0 : i64, scratch_operands = 0 : i64, tpu.core_type = #tpu.core_type<tc>, window_params = [{transform_indices = @transform_0, window_bounds = array<i64: 1024, 64>}, {transform_indices = @transform_1, window_bounds = array<i64: 1024, 64>}, {transform_indices = @transform_2, window_bounds = array<i64: 1024, 64>}, {transform_indices = @transform_3, window_bounds = array<i64: 1024, 64>}, {transform_indices = @transform_4, window_bounds = array<i64: 1024, 256>}, {pipeline_mode = #tpu.pipeline_mode<synchronous>, transform_indices = @transform_5, window_bounds = array<i64: 256, 256>}, {pipeline_mode = #tpu.pipeline_mode<synchronous>, transform_indices = @transform_6, window_bounds = array<i64: 1, 256>}, {pipeline_mode = #tpu.pipeline_mode<synchronous>, transform_indices = @transform_7, window_bounds = array<i64: 1, 256>}, {transform_indices = @transform_8, window_bounds = array<i64: 1024, 256>}]} {
    %get3A = arith.constant 0 : index
    %get3A_0 = arith.constant 0 : index
    %get3A_1 = vector.load %arg1[%get3A, %get3A_0] : memref<1024x64xf32, #tpu.memory_space<vmem>>, vector<1024x64xf32>
    %get3A_2 = arith.constant 0 : index
    %get3A_3 = arith.constant 0 : index
    %get3A_4 = vector.load %arg2[%get3A_2, %get3A_3] : memref<1024x64xf32, #tpu.memory_space<vmem>>, vector<1024x64xf32>
    %get3A_5 = arith.constant 0 : index
    %get3A_6 = arith.constant 0 : index
    %get3A_7 = vector.load %arg3[%get3A_5, %get3A_6] : memref<1024x64xf32, #tpu.memory_space<vmem>>, vector<1024x64xf32>
    %get3A_8 = arith.constant 0 : index
    %get3A_9 = arith.constant 0 : index
    %get3A_10 = vector.load %arg4[%get3A_8, %get3A_9] : memref<1024x64xf32, #tpu.memory_space<vmem>>, vector<1024x64xf32>
    %concatenate3A = tpu.concatenate %get3A_1, %get3A_4, %get3A_7, %get3A_10 in 1 : vector<1024x64xf32>, vector<1024x64xf32>, vector<1024x64xf32>, vector<1024x64xf32> -> vector<1024x256xf32>
    %get3A_11 = arith.constant 0 : index
    %get3A_12 = arith.constant 0 : index
    %get3A_13 = vector.load %arg5[%get3A_11, %get3A_12] : memref<1024x256xf32, #tpu.memory_space<vmem>>, vector<1024x256xf32>
    %mul3A = arith.mulf %concatenate3A, %get3A_13 : vector<1024x256xf32>
    %get3A_14 = arith.constant 0 : index
    %get3A_15 = arith.constant 0 : index
    %get3A_16 = vector.load %arg7[%get3A_14, %get3A_15] : memref<1x256xf32, #tpu.memory_space<vmem>>, vector<1x256xf32>
    %add3A = vector.broadcast %get3A_16 : vector<1x256xf32> to vector<1024x256xf32>
    %add3A_17 = arith.addf %mul3A, %add3A : vector<1024x256xf32>
    %convert_element_type3A = arith.truncf %add3A_17 : vector<1024x256xf32> to vector<1024x256xbf16>
    %get3A_18 = arith.constant 0 : index
    %get3A_19 = arith.constant 0 : index
    %get3A_20 = vector.load %arg6[%get3A_18, %get3A_19] : memref<256x256xf32, #tpu.memory_space<vmem>>, vector<256x256xf32>
    %convert_element_type3A_21 = arith.truncf %get3A_20 : vector<256x256xf32> to vector<256x256xbf16>
    %dot_general3A = arith.constant dense<0.000000e+00> : vector<1024x256xf32>
    %dot_general3A_22 = tpu.matmul %convert_element_type3A, %convert_element_type3A_21, %dot_general3A {dimension_numbers = #tpu.dot_dimension_numbers<[1], [0], [0], [1], [0, 0, 1, 1], [], []>, transpose_lhs_hint = false} : vector<1024x256xbf16>, vector<256x256xbf16>, vector<1024x256xf32> -> vector<1024x256xf32>
    %get3A_23 = arith.constant 0 : index
    %get3A_24 = arith.constant 0 : index
    %get3A_25 = vector.load %arg8[%get3A_23, %get3A_24] : memref<1x256xf32, #tpu.memory_space<vmem>>, vector<1x256xf32>
    %add3A_26 = vector.broadcast %get3A_25 : vector<1x256xf32> to vector<1024x256xf32>
    %add3A_27 = arith.addf %dot_general3A_22, %add3A_26 : vector<1024x256xf32>
    %swap3A = arith.constant 0 : index
    %swap3A_28 = arith.constant 0 : index
    %swap3A_29 = vector.load %arg9[%swap3A, %swap3A_28] : memref<1024x256xf32, #tpu.memory_space<vmem>>, vector<1024x256xf32>
    tpu.vector_store %arg9[%swap3A, %swap3A_28], %add3A_27 {strides = array<i32>} : memref<1024x256xf32, #tpu.memory_space<vmem>>, vector<1024x256xf32>,
    return
  }
  func.func @transform_0(%arg0: i32) -> (i32, i32) {
    %c0_i32 = arith.constant 0 : i32
    %c0_i32_0 = arith.constant 0 : i32
    return %arg0, %c0_i32 : i32, i32
  }
  func.func @transform_1(%arg0: i32) -> (i32, i32) {
    %c0_i32 = arith.constant 0 : i32
    %c0_i32_0 = arith.constant 0 : i32
    return %arg0, %c0_i32 : i32, i32
  }
  func.func @transform_2(%arg0: i32) -> (i32, i32) {
    %c0_i32 = arith.constant 0 : i32
    %c0_i32_0 = arith.constant 0 : i32
    return %arg0, %c0_i32 : i32, i32
  }
  func.func @transform_3(%arg0: i32) -> (i32, i32) {
    %c0_i32 = arith.constant 0 : i32
    %c0_i32_0 = arith.constant 0 : i32
    return %arg0, %c0_i32 : i32, i32
  }
  func.func @transform_4(%arg0: i32) -> (i32, i32) {
    %c0_i32 = arith.constant 0 : i32
    %c0_i32_0 = arith.constant 0 : i32
    return %arg0, %c0_i32 : i32, i32
  }
  func.func @transform_5(%arg0: i32) -> (i32, i32) {
    %c0_i32 = arith.constant 0 : i32
    %c0_i32_0 = arith.constant 0 : i32
    %c0_i32_1 = arith.constant 0 : i32
    return %c0_i32, %c0_i32_0 : i32, i32
  }
  func.func @transform_6(%arg0: i32) -> (i32, i32) {
    %c0_i32 = arith.constant 0 : i32
    %c0_i32_0 = arith.constant 0 : i32
    %c0_i32_1 = arith.constant 0 : i32
    return %c0_i32, %c0_i32_0 : i32, i32
  }
  func.func @transform_7(%arg0: i32) -> (i32, i32) {
    %c0_i32 = arith.constant 0 : i32
    %c0_i32_0 = arith.constant 0 : i32
    %c0_i32_1 = arith.constant 0 : i32
    return %c0_i32, %c0_i32_0 : i32, i32
  }
  func.func @transform_8(%arg0: i32) -> (i32, i32) {
    %c0_i32 = arith.constant 0 : i32
    %c0_i32_0 = arith.constant 0 : i32
    return %arg0, %c0_i32 : i32, i32
  }
}

</mosaic_0001>

<sc_bundles>
// kernel: kernel.11.cloned.1.call-start
scs
__scs_entry_jumppad:
0x0: {  	(pc) =	sbr.rel $0x88, $3  }
0x1: {  	(tag) =	ssettag $0x0;
	lr =	simm.s32 $0x1  }
0x2: {  	[smem:$0x3F98] =	sst lr;
	_ =	strace $0xD0000000  }
0x3: {  	_ = 	snop  }
0x4: {  	_ = 	snop  }
0x5: {  	_ = 	snop  }
0x6: {  	_ = 	snop  }
0x7: {  	_ = 	snop  }
__scs_overlays_trampoline_lowered:
0x8: {  	[smem:$0x3FA7] =	sst s0  }
0x9: {  	[smem:$0x3FA8] =	sst s1  }
0xa: {  	[smem:$0x3FA9] =	sst s2  }
0xb: {  	[smem:$0x3FAA] =	sst s3  }
0xc: {  	[smem:$0x3FAB] =	sst s4  }
0xd: {  	[smem:$0x3FAC] =	sst s5  }
0xe: {  	[smem:$0x3FAD] =	sst s6  }
0xf: {  	[smem:$0x3FAE] =	sst s7  }
0x10: {  	[smem:$0x3FAF] =	sst s8  }
0x11: {  	[smem:$0x3FB0] =	sst s9;
	s0 =	simm.s32 @!p0 $0x0  }
0x12: {  	s1 =	sld [smem:$0x3F96];
	s0 =	simm.s32 @p0 $0x1  }
0x13: {  	[smem:$0x3FB1] =	sst s0;
	s0 =	simm.s32 @!p1 $0x0  }
0x14: {  	s2 =	sld [smem:$0x3F95];
	s0 =	simm.s32 @p1 $0x1  }
0x15: {  	[smem:$0x3FB2] =	sst s0;
	s0 =	simm.s32 @!p2 $0x0  }
0x16: {  	s3 =	sld [smem:$0x3FDB];
	s0 =	simm.s32 @p2 $0x1  }
0x17: {  	s4 =	simm.s32 $0x1BF5;
	[smem:$0x3FB4] =	sst s0  }
0x18: {  	s0 =	sld [smem:$0x3F97];
	_ =	swait.ge [sflag:s4], $0x0  }
0x19: {  	s7 =	sld [smem:$0x3F98]  }
0x1a: {  	s8 =	sadd.s32 $0xFFFFE003, lr  }
0x1b: {  	s9 =	sadd.s32 $0xFFFFFEF7, lr;
	s5 =	simm.s32 $0xFFFFFFFF;
	p2 =	slt.u32 s8, $0xFFFFF086  }
0x1c: {  	p1 =	slt.u32 s9, $0xF7A;
	s5 =	simm.s32 @!p2 $0x0  }
0x1d: {  	s5 =	simm.s32 @p1 $0x1;
	p0 =	seq.s32 s7, s2  }
0x1e: {  	s7 =	smul.u32 @!p0 $0xF7A, s2;
	p2 =	seq.s32 @!p0 s5, $0x0  }
0x1f: {  	s9 =	smul.u32 $0xF7A, s1;
	s8 =	simm.s32 @!p0 $0x1BF5;
	p2 =	por !p2, p0  }
0x20: {  	[sflag:s8] =	ssyncset.s32 @!p0 $0xFFFFF086;
	s6 =	sadd.s32 @!p0 s3, s7;
	s7 =	simm.s32 @!p0 $0x108  }
0x21: {  	s3 =	sadd.s32 s3, s9;
	s6 =	sadd.s32 @!p0 $0x88, s6;
	s7 =	simm.s32 @p2 $0x1082  }
0x22: {  	[simem:s7], [sflag:s8] =	dma.local @!p0 [hbm:s6], $0xF7A  }
0x23: {  	s9 =	sor.u32 $0xD0000000, s2;
	s6 =	simm.s32 $0x108;
	_ =	swait.ge @!p0 [sflag:s8], $0x0  }
0x24: {  	s3 =	sadd.s32 $0x88, s3;
	s6 =	simm.s32 @!p1 $0x1082;
	[sflag:s4] =	ssyncset.s32 $0xFFFFF086  }
0x25: {  	[simem:s6], [sflag:s4] =	dma.local [hbm:s3], $0xF7A  }
0x26: {  	[smem:$0x3F98] =	sst s1;
	(tag) =	ssettag s2;
	_ =	strace s9  }
0x27: {  	s1 =	sld [smem:$0x3FA8]  }
0x28: {  	s2 =	sld [smem:$0x3FA9]  }
0x29: {  	s4 =	sld [smem:$0x3FAB]  }
0x2a: {  	p0 =	seq.s32 s5, $0x0;
	s5 =	sld [smem:$0x3FAC]  }
0x2b: {  	s6 =	sld [smem:$0x3FAD]  }
0x2c: {  	s7 =	sld [smem:$0x3FAE]  }
0x2d: {  	s3 =	simm.s32 $0x108;
	s8 =	sld [smem:$0x3FAF]  }
0x2e: {  	s3 =	simm.s32 @!p0 $0x1082;
	s9 =	sld [smem:$0x3FB0]  }
0x2f: {  	lr =	sadd.s32 s0, s3;
	s0 =	sld [smem:$0x3FA7]  }
0x30: {  	s3 =	sld [smem:$0x3FAA]  }
0x31: {  	[smem:$0x3FB3] =	sst s10  }
0x32: {  	s10 =	sld [smem:$0x3FB1];
	_ =	sdelay $0x3  }
0x33: {  	p0 =	seq.s32 s10, $0x1;
	s10 =	sld [smem:$0x3FB3];
	_ =	sdelay $0x3  }
0x34: {  	[smem:$0x3FB3] =	sst s10  }
0x35: {  	s10 =	sld [smem:$0x3FB2];
	_ =	sdelay $0x3  }
0x36: {  	p1 =	seq.s32 s10, $0x1;
	s10 =	sld [smem:$0x3FB3];
	_ =	sdelay $0x3  }
0x37: {  	[smem:$0x3FB3] =	sst s10  }
0x38: {  	s10 =	sld [smem:$0x3FB4]  }
0x39: {  	_ = 	snop;
	(pc) =	sbr.ind lr, $3  }
0x3a: {  	_ = 	snop  }
0x3b: {  	_ = 	snop  }
0x3c: {  	p2 =	seq.s32 s10, $0x1;
	s10 =	sld [smem:$0x3FB3]  }
0x3d: {  	_ =	shalt  }
0x3e: {  	_ =	shalt  }
0x3f: {  	_ =	shalt  }
0x40: {  	_ =	shalt  }
0x41: {  	_ =	shalt  }
0x42: {  	_ =	shalt  }
0x43: {  	_ =	shalt  }
0x44: {  	_ =	shalt  }
0x45: {  	_ =	shalt  }
0x46: {  	_ =	shalt  }
0x47: {  	_ =	shalt  }
0x48: {  	_ =	shalt  }
0x49: {  	_ =	shalt  }
0x4a: {  	_ =	shalt  }
0x4b: {  	_ =	shalt  }
0x4c: {  	_ =	shalt  }
0x4d: {  	_ =	shalt  }
0x4e: {  	_ =	shalt  }
0x4f: {  	_ =	shalt  }
0x50: {  	_ =	shalt  }
0x51: {  	_ =	shalt  }
0x52: {  	_ =	shalt  }
0x53: {  	_ =	shalt  }
0x54: {  	_ =	shalt  }
0x55: {  	_ =	shalt  }
0x56: {  	_ =	shalt  }
0x57: {  	_ =	shalt  }
0x58: {  	_ =	shalt  }
0x59: {  	_ =	shalt  }
0x5a: {  	_ =	shalt  }
0x5b: {  	_ =	shalt  }
0x5c: {  	_ =	shalt  }
0x5d: {  	_ =	shalt  }
0x5e: {  	_ =	shalt  }
0x5f: {  	_ =	shalt  }
0x60: {  	_ =	shalt  }
0x61: {  	_ =	shalt  }
0x62: {  	_ =	shalt  }
0x63: {  	_ =	shalt  }
0x64: {  	_ =	shalt  }
0x65: {  	_ =	shalt  }
0x66: {  	_ =	shalt  }
0x67: {  	_ =	shalt  }
0x68: {  	_ =	shalt  }
0x69: {  	_ =	shalt  }
0x6a: {  	_ =	shalt  }
0x6b: {  	_ =	shalt  }
0x6c: {  	_ =	shalt  }
0x6d: {  	_ =	shalt  }
0x6e: {  	_ =	shalt  }
0x6f: {  	_ =	shalt  }
0x70: {  	_ =	shalt  }
0x71: {  	_ =	shalt  }
0x72: {  	_ =	shalt  }
0x73: {  	_ =	shalt  }
0x74: {  	_ =	shalt  }
0x75: {  	_ =	shalt  }
0x76: {  	_ =	shalt  }
0x77: {  	_ =	shalt  }
0x78: {  	_ =	shalt  }
0x79: {  	_ =	shalt  }
0x7a: {  	_ =	shalt  }
0x7b: {  	_ =	shalt  }
0x7c: {  	_ =	shalt  }
0x7d: {  	_ =	shalt  }
0x7e: {  	_ =	shalt  }
0x7f: {  	_ =	shalt  }
0x80: {  	_ =	shalt  }
0x81: {  	_ =	shalt  }
0x82: {  	_ =	shalt  }
0x83: {  	_ =	shalt  }
0x84: {  	_ =	shalt  }
0x85: {  	_ =	shalt  }
0x86: {  	_ =	shalt  }
0x87: {  	_ =	shalt  }
.Lfunc_end0:
.L_simem_size_0:
called_computation.1_lowered:
.L_overlay_start_0:
0x88: {  	s2 =	sld [smem:$0x3FD9]  }
0x89: {  	s3 =	sld [smem:$0x3FFE];
	_ =	sdelay $0x1  }
0x8a: {  	s1 =	srdreg.scid  }
0x8b: {  	s0 =	sand.u32 $0x1, s1  }
0x8c: {  	s14 =	sshll.u32 s0, $0xA;
	s2 =	sadd.s32 s3, s2  }
0x8d: {  	s2 =	sadd.s32 s2, s14  }
0x8e: {  	[smem:$0x3FBF] =	sst s2  }
0x8f: {  	_ = 	snop  }
0x90: {  	s2 =	sld [smem:$0x3FD0];
	_ =	sdelay $0x2  }
0x91: {  	s15 =	simm.s32 $0xA;
	s4 =	simm.s32 $0x10  }
0x92: {  	[smem:s4], [sflag:s15] =	dma.local [hbm:s2], $0x1  }
0x93: {  	_ =	swait.eq [sflag:s15], $0x1  }
0x94: {  	[sflag:s15] =	ssyncset.done $0x0  }
0x95: {  	s16 =	sld [smem:$0x10];
	[sflag:s15] =	ssyncadd.s32 $0xFFFFFFFF  }
0x96: {  	s17 =	sld [smem:$0x11];
	(tm) =	ssettm $0x1  }
0x97: {  	s18 =	sld [smem:$0x3FFB];
	_ =	sdelay $0x3  }
0x98: {  	_ =	strace s18  }
0x99: {  	s4 =	sld [smem:$0x3FFC];
	_ =	sdelay $0x3  }
0x9a: {  	_ =	strace s4  }
0x9b: {  	s4 =	sld [smem:$0x3FFD];
	_ =	sdelay $0x3  }
0x9c: {  	_ =	strace s4  }
0x9d: {  	_ =	strace $0x8FFFFFFF  }
0x9e: {  	s19 =	sld [smem:$0x3FDB];
	_ =	sdelay $0x1  }
0x9f: {  	s5 =	simm.s32 $_scs_section_size  }
0xa0: {  	s6 =	simm.s32 $_size__tile_overlayer_lowered;
	s7 =	simm.s32 $_tile_overlayer_lowered  }
0xa1: {  	s22 =	simm.s32 $0x1BFF;
	s21 =	sshll.u32 s7, $0x1;
	s4 =	sadd.s32 s5, s19  }
0xa2: {  	s8 =	simm.s32 $0x0;
	s20 =	sshll.u32 s6, $0x1;
	s6 =	sadd.s32 s21, s4  }
0xa3: {  	[timem:s8], [sflag:s22] =	dma.local [hbm:s6], s20  }
0xa4: {  	_ =	swait.ge [sflag:s22], s20  }
0xa5: {  	s5 =	ssub.s32 $0x0, s20;
	[sflag:s22] =	ssyncset.done $0x0  }
0xa6: {  	[sflag:s22] =	ssyncadd.s32 s5;
	_ =	sdelay $0x1  }
0xa7: {  	s23 =	simm.s32 $0x1B8B  }
0xa8: {  	_ =	swait.ge [sflag:s23], $0x1  }
0xa9: {  	[sflag:s23] =	ssyncset.done $0x0  }
0xaa: {  	s25 =	simm.s32 $0x1B8E;
	s24 =	sld [smem:$0x3FFE];
	[sflag:s23] =	ssyncadd.s32 $0xFFFFFFFF  }
0xab: {  	s26 =	simm.s32 $execute0_lowered;
	[smem:$0x3FD2] =	sst s25  }
0xac: {  	s6 =	sshll.u32 s26, $0x1;
	_ =	strace $0x80000049;
	[dreg:$0x1] =	wrdreg $0xFFFFFFFF  }
0xad: {  	s28 =	simm.s32 $_size_execute0_lowered;
	s4 =	sadd.s32 s4, s6;
	[dreg:$0x0] =	wrdreg $0x0  }
0xae: {  	s6 =	sshll.u32 s28, $0x1;
	[dreg:$0x2] =	wrdreg s4  }
0xaf: {  	[dreg:$0x3] =	wrdreg s6  }
0xb0: {  	[dreg:$0x4] =	wrdreg $0xC0  }
0xb1: {  	_ =	task [dreg:s8], $0x5FFFF  }
0xb2: {  	[dreg:$0x1] =	wrdreg $0xFFFFFFFF  }
0xb3: {  	[dreg:$0x0] =	wrdreg $0x60  }
0xb4: {  	[dreg:$0x2] =	wrdreg s17  }
0xb5: {  	[dreg:$0x3] =	wrdreg s24  }
0xb6: {  	[dreg:$0x4] =	wrdreg s16  }
0xb7: {  	[dreg:$0x5] =	wrdreg $0xE0000  }
0xb8: {  	[dreg:$0x6] =	wrdreg $0x9  }
0xb9: {  	_ =	task.clear_ibuf [dreg:s8], $0x7FFFF;
	_ =	strace $0x90000049  }
0xba: {  	s29 =	simm.s32 $0x9;
	_ =	strace $0x8000004B  }
0xbb: {  	_ =	swait.ge [sflag:s29], $0x1  }
0xbc: {  	[sflag:s29] =	ssyncadd.s32 $0xFFFFFFFF  }
0xbd: {  	_ =	strace $0x9000004B  }
0xbe: {  	_ =	sfence  }
0xbf: {  	s30 =	sld [smem:$0x0];
	_ =	sdelay $0x2  }
0xc0: {  	s31 =	sshll.u32 s1, $0xD;
	s1 =	sshrl.u32 s1, $0x2  }
0xc1: {  	s3 =	sand.u32 $0x4000, s31;
	s1 =	sadd.s32 s1, s30  }
0xc2: {  	s0 =	sor.u32 s3, s0;
	s1 =	sshll.u32 s1, $0x11  }
0xc3: {  	s0 =	sor.u32 s1, s0  }
0xc4: {  	s0 =	sadd.s32 $0x8F2B, s0  }
0xc5: {  	[sflag:s0] =	ssyncadd.remote.s32 $0x1  }
0xc6: {  	_ =	sfence.sel $0xFFFF  }
0xc7: {  	[dreg:$0x0] =	wrdreg $0xFFFFFFFF;
	(pc) =	sbr.abs _section_cstart, $3  }
0xc8: {  	[dreg:$0x1] =	wrdreg $0xFFFFFFFF  }
0xc9: {  	_ =	task.clear_ibuf [dreg:s8], $0x2FFFF;
	_ =	strace $0x9FFFFFFF  }
0xca: {  	(tm) =	ssettm $0x7FFFFFFF  }
0xcb: {  	_ =	shalt  }
tec
execute0_lowered:
.L_overlay_start_1:
0x0: {  	(tag) =	ssettag $0x1  }
0x1: {  	s0 =	rddreg [dreg:$0x0]  }
0x2: {  	s1 =	rddreg [dreg:$0x1]  }
0x3: {  	s2 =	rddreg [dreg:$0x2]  }
0x4: {  	s3 =	rddreg [dreg:$0x3]  }
0x5: {  	s16 =	stileid.u32;
	s4 =	simm.s32 $0x0;
	s5 =	srdreg.scid  }
0x6: {  	s18 =	simm.s32 $0x80;
	s19 =	simm.s32 $0x5000;
	s6 =	smul.u32 $0x500, s16  }
0x7: {  	s29 =	simm.s32 $0xB000;
	s30 =	simm.s32 $0xD800;
	s7 =	smul.u32 $0xA000, s16  }
0x8: {  	s31 =	simm.s32 $0x1;
	s11 =	sand.u32 $0x1, s5;
	s20 =	smul.u32 $0x2800, s16  }
0x9: {  	[smem:$0x7FF] =	sst s4;
	s5 =	sadd.s32 $0x6A00, s1;
	s14 =	smul.u32 $0x5000, s11  }
0xa: {  	_ =	strace $0x8000004A;
	s10 =	ssub.s32 $0x2, s11;
	s23 =	smul.u32 $0x140000, s11  }
0xb: {  	s24 =	smul.u32 $0x28000, s11;
	s25 =	sshll.u32 s11, $0x2;
	s8 =	sadd.s32 s6, s1  }
0xc: {  	s13 =	sshrl.u32 s7, $0x3;
	s12 =	sshrl.u32 s10, $0x1;
	s0 =	sadd.s32 s0, s6  }
0xd: {  	s22 =	sadd.s32 s7, s3;
	s9 =	sadd.s32 s13, s1;
	s1 =	sadd.s32 $0xB3200, s1  }
0xe: {  	s15 =	ssub.s32 s10, s12;
	[dreg:$0x5] =	wrdreg s0;
	s21 =	sadd.s32 $0x1A00, s8  }
0xf: {  	[dreg:$0x7] =	wrdreg s22;
	s10 =	sadd.s32 s2, s20;
	s6 =	sshrl.u32 s23, $0x3  }
0x10: {  	s12 =	smul.u32 $0x14000, s16;
	s23 =	sor.u32 $0x39, s25;
	s16 =	simm.s32 $0x3  }
0x11: {  	[dreg:$0x6] =	wrdreg s21;
	s9 =	sadd.s32 $0x56A00, s9;
	s11 =	sadd.s32 $0x100, s10  }
0x12: {  	s0 =	sadd.s32 s1, s24;
	s1 =	sadd.s32 s1, s6;
	s26 =	smax.u32 s15, $0x1  }
0x13: {  	s15 =	sor.u32 $0x3B, s25;
	s21 =	simm.s32 $0x7000;
	s24 =	simm.s32 $0xD000  }
0x14: {  	s1 =	sadd.s32 $0x14000, s1;
	[dreg:$0x8] =	wrdreg s26;
	s0 =	sadd.s32 s13, s0  }
0x15: {  	s26 =	simm.s32 $0x9000;
	[dreg:$0x9] =	wrdreg s0;
	s28 =	sadd.s32 s13, s1  }
0x16: {  	v0 =	vmov s14;
	s0 =	simm.s32 $0x2;
	s1 =	simm.s32 $0x0;
	[dreg:$0xa] =	wrdreg s28  }
.LBB2_1:
0x17: {  	s6 =	rddreg [dreg:$0x5]  }
0x18: {  	[tilespmem:s4], [sflag:$0x3] =	stream.linear.gather [hbm4b:s6+s4], $0x2800, $0x38;
	[tilespmem:$0x18000] =	vst v63  }
0x19: {  	_ =	swait.ge [sflag:s16], $0x2800  }
0x1a: {  	[sflag:s16] =	ssyncset.done $0x0  }
0x1b: {  	s7 =	simm.s32 $0x2800;
	s28 =	rddreg [dreg:$0x6];
	[sflag:s16] =	ssyncadd.s32 $0xFFFFD800  }
0x1c: {  	[tilespmem:s7], [sflag:$0x3] =	stream.linear.gather [hbm4b:s28+s4], $0x2800, $0x38;
	[tilespmem:$0x18000] =	vst v63  }
0x1d: {  	_ =	swait.ge [sflag:s16], $0x2800  }
0x1e: {  	[sflag:s16] =	ssyncset.done $0x0  }
0x1f: {  	s6 =	simm.s32 $0x2820;
	[sflag:s16] =	ssyncadd.s32 $0xFFFFD800  }
0x20: {  	v3 =	vld [tilespmem:s6+$0xFFFFFFE0]  }
0x21: {  	v4 =	vld [tilespmem:s6+$0x0]  }
0x22: {  	v1 =	vld [tilespmem:s6+$0x10]  }
0x23: {  	v2 =	vld [tilespmem:s6+$0xFFFFFFF0];
	_ =	sdelay $0x1  }
0x24: {  	v3 =	vadd.s32 v0, v3  }
0x25: {  	s8 =	simm.s32 $0x2860;
	s7 =	simm.s32 $0x0;
	[tilespmem:s6+$0xFFFFFFE0] =	vst v3;
	v3 =	vadd.s32 v0, v4  }
.LBB2_2:
0x26: {  	v4 =	vld [tilespmem:s8+$0xFFFFFFE0];
	[tilespmem:s6+$0x0] =	vst v3;
	v1 =	vadd.s32 v0, v1;
	s7 =	sadd.s32 $0x4, s7  }
0x27: {  	v3 =	vld [tilespmem:s8+$0x0];
	v2 =	vadd.s32 v0, v2;
	[tilespmem:s6+$0x10] =	vst v1;
	p0 =	slt.u32 s7, $0x27C  }
.Ltmp0:
0x28: {  	v1 =	vld [tilespmem:s8+$0x10];
	[tilespmem:s6+$0xFFFFFFF0] =	vst v2;
	s6 =	smov.u32 s8;
	(pc) =	sbr.rel @p0 .LBB2_2-.Ltmp0, $3  }
0x29: {  	v2 =	vld [tilespmem:s8+$0xFFFFFFF0];
	_ =	sdelay $0x1  }
0x2a: {  	v4 =	vadd.s32 v0, v4  }
0x2b: {  	s8 =	sadd.s32 $0x40, s8;
	[tilespmem:s6+$0xFFFFFFE0] =	vst v4;
	v3 =	vadd.s32 v0, v3  }
0x2c: {  	[tilespmem:s6+$0x0] =	vst v3;
	v1 =	vadd.s32 v0, v1;
	s7 =	stileid.u32  }
0x2d: {  	s8 =	rddreg [dreg:$0x7];
	v2 =	vadd.s32 v0, v2;
	[tilespmem:s6+$0x10] =	vst v1;
	s7 =	sshll.u32 s7, $0x6  }
0x2e: {  	s25 =	sshrl.u32 s8, $0x3;
	[tilespmem:s6+$0xFFFFFFF0] =	vst v2;
	s20 =	sor.u32 $0x1C03, s7  }
0x2f: {  	[spmem:s25], [sflag:s20] =	dma.local [hbm:s9], $0x1400  }
0x30: {  	_ =	swait.ge [sflag:s16], $0x1400  }
0x31: {  	[sflag:s16] =	ssyncset.done $0x0  }
0x32: {  	[sflag:s16] =	ssyncadd.s32 $0xFFFFEC00  }
0x33: {  	s13 =	simm.s32 $0x2800;
	[bflag:$0x0] =	sbarrier.arrive $0xFFFF  }
0x34: {  	[tilespmem:s19], [sflag:$0x1] =	stream.indirect.gather [hbm4b:s5+s18], $0x40, s13, s18, $0xb8;
	[tilespmem:$0x18000] =	vst v63  }
0x35: {  	s14 =	simm.s32 $0x2880  }
0x36: {  	[tilespmem:s21], [sflag:$0x1] =	stream.indirect.gather [hbm4b:s5+s18], $0x40, s14, s18, $0xb8;
	[tilespmem:$0x18000] =	vst v63  }
0x37: {  	s28 =	simm.s32 $0x0  }
0x38: {  	[tilespmem:s24], [sflag:$0x1] =	stream.linear.gather [hbm4b:s10+s28], $0x800, $0x38;
	[tilespmem:$0x18000] =	vst v63  }
0x39: {  	s17 =	simm.s32 $0x2900  }
0x3a: {  	[tilespmem:s26], [sflag:$0x2] =	stream.indirect.gather [hbm4b:s5+s18], $0x40, s17, s18, $0xb8;
	[tilespmem:$0x18000] =	vst v63  }
0x3b: {  	s22 =	simm.s32 $0x2980  }
0x3c: {  	[tilespmem:s29], [sflag:$0x2] =	stream.indirect.gather [hbm4b:s5+s18], $0x40, s22, s18, $0xb8;
	[tilespmem:$0x18000] =	vst v63  }
0x3d: {  	_ = 	snop  }
0x3e: {  	[tilespmem:s30], [sflag:$0x2] =	stream.linear.gather [hbm4b:s11+s28], $0x800, $0x38;
	[tilespmem:$0x18000] =	vst v63  }
.LBB2_4:
0x3f: {  	_ =	swait.ge [sflag:s31], $0x2000;
	s6 =	sadd.s32 $0xFFFFFFC7, s23  }
0x40: {  	[sflag:s31] =	ssyncset.done $0x0;
	v1 =	vmov s6  }
0x41: {  	[sflag:s31] =	ssyncadd.s32 $0xFFFFE000;
	v1 =	vand.u32 $0xFFFFFFFC, v1  }
0x42: {  	_ =	swait.ge [sflag:s31], $0x2000;
	v1 =	vbroadcast v1, $0x0  }
0x43: {  	[sflag:s31] =	ssyncset.done $0x0  }
0x44: {  	[sflag:s31] =	ssyncadd.s32 $0xFFFFE000  }
0x45: {  	_ =	swait.ge [sflag:s31], $0x800  }
0x46: {  	[sflag:s31] =	ssyncset.done $0x0  }
0x47: {  	[sflag:s31] =	ssyncadd.s32 $0xFFFFF800  }
0x48: {  	s6 =	simm.s32 $0x5100;
	v3 =	vld.idx.msk [tilespmem:v1+s24+$0x0], $0xffff  }
0x49: {  	s7 =	sadd.s32 $0xFFFFFFC8, s23;
	v4 =	vld [tilespmem:s6+$0xFFFFFF00]  }
0x4a: {  	v2 =	vmov s7;
	v5 =	vld [tilespmem:s6+$0xFFFFFF10]  }
0x4b: {  	v2 =	vand.u32 $0xFFFFFFFD, v2  }
0x4c: {  	v2 =	vbroadcast v2, $0x0;
	_ =	sdelay $0x1  }
0x4d: {  	v4 =	vmul.f32 v4, v3  }
0x4e: {  	v3 =	vmul.f32 v5, v3  }
0x4f: {  	[tilespmem:s6+$0xFFFFFF00] =	vst v4  }
0x50: {  	v5 =	vld [tilespmem:s6+$0xFFFFFF20];
	[tilespmem:s6+$0xFFFFFF10] =	vst v3  }
0x51: {  	s14 =	sadd.s32 $0xFFFFFFCF, s23;
	v4 =	vld.idx.msk [tilespmem:v2+s24+$0x0], $0xffff  }
0x52: {  	v6 =	vld [tilespmem:s6+$0xFFFFFF30];
	v3 =	vmov s14  }
0x53: {  	v3 =	vand.u32 $0xFFFFFFFC, v3  }
0x54: {  	v3 =	vbroadcast v3, $0x0;
	_ =	sdelay $0x1  }
0x55: {  	v5 =	vmul.f32 v5, v4  }
0x56: {  	v4 =	vmul.f32 v6, v4  }
0x57: {  	[tilespmem:s6+$0xFFFFFF20] =	vst v5  }
0x58: {  	v6 =	vld [tilespmem:s6+$0xFFFFFF40];
	[tilespmem:s6+$0xFFFFFF30] =	vst v4  }
0x59: {  	s17 =	sadd.s32 $0xFFFFFFD0, s23;
	v5 =	vld.idx.msk [tilespmem:v3+s24+$0x0], $0xffff  }
0x5a: {  	v7 =	vld [tilespmem:s6+$0xFFFFFF50];
	v4 =	vmov s17  }
0x5b: {  	v4 =	vand.u32 $0xFFFFFFFD, v4  }
0x5c: {  	v4 =	vbroadcast v4, $0x0;
	_ =	sdelay $0x1  }
0x5d: {  	v6 =	vmul.f32 v6, v5  }
0x5e: {  	v5 =	vmul.f32 v7, v5  }
0x5f: {  	[tilespmem:s6+$0xFFFFFF40] =	vst v6  }
0x60: {  	v7 =	vld [tilespmem:s6+$0xFFFFFF60];
	[tilespmem:s6+$0xFFFFFF50] =	vst v5  }
0x61: {  	s22 =	sadd.s32 $0xFFFFFFD7, s23;
	v6 =	vld.idx.msk [tilespmem:v4+s24+$0x0], $0xffff  }
0x62: {  	v8 =	vld [tilespmem:s6+$0xFFFFFF70];
	v5 =	vmov s22  }
0x63: {  	v5 =	vand.u32 $0xFFFFFFFC, v5  }
0x64: {  	v5 =	vbroadcast v5, $0x0;
	_ =	sdelay $0x1  }
0x65: {  	v7 =	vmul.f32 v7, v6  }
0x66: {  	v6 =	vmul.f32 v8, v6  }
0x67: {  	[tilespmem:s6+$0xFFFFFF60] =	vst v7  }
0x68: {  	v8 =	vld [tilespmem:s6+$0xFFFFFF80];
	[tilespmem:s6+$0xFFFFFF70] =	vst v6  }
0x69: {  	s8 =	sadd.s32 $0xFFFFFFD8, s23;
	v7 =	vld.idx.msk [tilespmem:v5+s24+$0x0], $0xffff  }
0x6a: {  	v9 =	vld [tilespmem:s6+$0xFFFFFF90];
	v6 =	vmov s8  }
0x6b: {  	v6 =	vand.u32 $0xFFFFFFFD, v6  }
0x6c: {  	v6 =	vbroadcast v6, $0x0;
	_ =	sdelay $0x1  }
0x6d: {  	v8 =	vmul.f32 v8, v7  }
0x6e: {  	v7 =	vmul.f32 v9, v7  }
0x6f: {  	[tilespmem:s6+$0xFFFFFF80] =	vst v8  }
0x70: {  	v9 =	vld [tilespmem:s6+$0xFFFFFFA0];
	[tilespmem:s6+$0xFFFFFF90] =	vst v7  }
0x71: {  	s13 =	sadd.s32 $0xFFFFFFDF, s23;
	v8 =	vld.idx.msk [tilespmem:v6+s24+$0x0], $0xffff  }
0x72: {  	v10 =	vld [tilespmem:s6+$0xFFFFFFB0];
	v7 =	vmov s13  }
0x73: {  	v7 =	vand.u32 $0xFFFFFFFC, v7  }
0x74: {  	v7 =	vbroadcast v7, $0x0;
	_ =	sdelay $0x1  }
0x75: {  	v9 =	vmul.f32 v9, v8  }
0x76: {  	v8 =	vmul.f32 v10, v8  }
0x77: {  	[tilespmem:s6+$0xFFFFFFA0] =	vst v9  }
0x78: {  	v10 =	vld [tilespmem:s6+$0xFFFFFFC0];
	[tilespmem:s6+$0xFFFFFFB0] =	vst v8  }
0x79: {  	s14 =	sadd.s32 $0xFFFFFFE0, s23;
	v9 =	vld.idx.msk [tilespmem:v7+s24+$0x0], $0xffff  }
0x7a: {  	v11 =	vld [tilespmem:s6+$0xFFFFFFD0];
	v8 =	vmov s14  }
0x7b: {  	v8 =	vand.u32 $0xFFFFFFFD, v8  }
0x7c: {  	v8 =	vbroadcast v8, $0x0;
	_ =	sdelay $0x1  }
0x7d: {  	v10 =	vmul.f32 v10, v9  }
0x7e: {  	v9 =	vmul.f32 v11, v9  }
0x7f: {  	[tilespmem:s6+$0xFFFFFFC0] =	vst v10  }
0x80: {  	v11 =	vld [tilespmem:s6+$0xFFFFFFE0];
	[tilespmem:s6+$0xFFFFFFD0] =	vst v9  }
0x81: {  	s17 =	sadd.s32 $0xFFFFFFE7, s23;
	v10 =	vld.idx.msk [tilespmem:v8+s24+$0x0], $0xffff  }
0x82: {  	v12 =	vld [tilespmem:s6+$0xFFFFFFF0];
	v9 =	vmov s17  }
0x83: {  	v9 =	vand.u32 $0xFFFFFFFC, v9  }
0x84: {  	v9 =	vbroadcast v9, $0x0;
	_ =	sdelay $0x1  }
0x85: {  	v11 =	vmul.f32 v11, v10  }
0x86: {  	v10 =	vmul.f32 v12, v10  }
0x87: {  	[tilespmem:s6+$0xFFFFFFE0] =	vst v11  }
0x88: {  	v12 =	vld [tilespmem:s6+$0x0];
	[tilespmem:s6+$0xFFFFFFF0] =	vst v10  }
0x89: {  	s22 =	sadd.s32 $0xFFFFFFE8, s23;
	v11 =	vld.idx.msk [tilespmem:v9+s24+$0x0], $0xffff  }
0x8a: {  	v13 =	vld [tilespmem:s6+$0x10];
	v10 =	vmov s22  }
0x8b: {  	v10 =	vand.u32 $0xFFFFFFFD, v10  }
0x8c: {  	v10 =	vbroadcast v10, $0x0;
	_ =	sdelay $0x1  }
0x8d: {  	v12 =	vmul.f32 v12, v11  }
0x8e: {  	v11 =	vmul.f32 v13, v11  }
0x8f: {  	[tilespmem:s6+$0x0] =	vst v12  }
0x90: {  	v13 =	vld [tilespmem:s6+$0x20];
	[tilespmem:s6+$0x10] =	vst v11  }
0x91: {  	s8 =	sadd.s32 $0xFFFFFFEF, s23;
	v12 =	vld.idx.msk [tilespmem:v10+s24+$0x0], $0xffff  }
0x92: {  	v14 =	vld [tilespmem:s6+$0x30];
	v11 =	vmov s8  }
0x93: {  	v11 =	vand.u32 $0xFFFFFFFC, v11  }
0x94: {  	v11 =	vbroadcast v11, $0x0;
	_ =	sdelay $0x1  }
0x95: {  	v13 =	vmul.f32 v13, v12  }
0x96: {  	v12 =	vmul.f32 v14, v12  }
0x97: {  	[tilespmem:s6+$0x20] =	vst v13  }
0x98: {  	v14 =	vld [tilespmem:s6+$0x40];
	[tilespmem:s6+$0x30] =	vst v12  }
0x99: {  	s13 =	sadd.s32 $0xFFFFFFF0, s23;
	v13 =	vld.idx.msk [tilespmem:v11+s24+$0x0], $0xffff  }
0x9a: {  	v15 =	vld [tilespmem:s6+$0x50];
	v12 =	vmov s13  }
0x9b: {  	v12 =	vand.u32 $0xFFFFFFFD, v12  }
0x9c: {  	v12 =	vbroadcast v12, $0x0;
	_ =	sdelay $0x1  }
0x9d: {  	v14 =	vmul.f32 v14, v13  }
0x9e: {  	v13 =	vmul.f32 v15, v13  }
0x9f: {  	[tilespmem:s6+$0x40] =	vst v14  }
0xa0: {  	v15 =	vld [tilespmem:s6+$0x60];
	[tilespmem:s6+$0x50] =	vst v13  }
0xa1: {  	s14 =	sadd.s32 $0xFFFFFFF7, s23;
	v14 =	vld.idx.msk [tilespmem:v12+s24+$0x0], $0xffff  }
0xa2: {  	v16 =	vld [tilespmem:s6+$0x70];
	v13 =	vmov s14  }
0xa3: {  	v13 =	vand.u32 $0xFFFFFFFC, v13  }
0xa4: {  	v13 =	vbroadcast v13, $0x0;
	_ =	sdelay $0x1  }
0xa5: {  	v15 =	vmul.f32 v15, v14  }
0xa6: {  	v14 =	vmul.f32 v16, v14  }
0xa7: {  	[tilespmem:s6+$0x60] =	vst v15  }
0xa8: {  	v16 =	vld [tilespmem:s6+$0x80];
	[tilespmem:s6+$0x70] =	vst v14  }
0xa9: {  	s17 =	sadd.s32 $0xFFFFFFF8, s23;
	v15 =	vld.idx.msk [tilespmem:v13+s24+$0x0], $0xffff  }
0xaa: {  	v17 =	vld [tilespmem:s6+$0x90];
	v14 =	vmov s17  }
0xab: {  	v14 =	vand.u32 $0xFFFFFFFD, v14  }
0xac: {  	v14 =	vbroadcast v14, $0x0;
	_ =	sdelay $0x1  }
0xad: {  	v16 =	vmul.f32 v16, v15  }
0xae: {  	v15 =	vmul.f32 v17, v15  }
0xaf: {  	v18 =	vld [tilespmem:s6+$0xB0];
	[tilespmem:s6+$0x80] =	vst v16  }
0xb0: {  	v17 =	vld [tilespmem:s6+$0xA0];
	[tilespmem:s6+$0x90] =	vst v15  }
0xb1: {  	s22 =	sadd.s32 $0xFFFFFFFF, s23;
	v16 =	vld.idx.msk [tilespmem:v14+s24+$0x0], $0xffff  }
0xb2: {  	v15 =	vmov s22  }
0xb3: {  	v15 =	vand.u32 $0xFFFFFFFC, v15  }
0xb4: {  	v15 =	vbroadcast v15, $0x0;
	_ =	sdelay $0x1  }
0xb5: {  	v17 =	vmul.f32 v17, v16;
	v16 =	vmul.f32 v18, v16;
	_ =	sdelay $0x1  }
0xb6: {  	v20 =	vld [tilespmem:s6+$0xD0];
	[tilespmem:s6+$0xB0] =	vst v16;
	v16 =	vmov s23  }
0xb7: {  	v18 =	vld [tilespmem:s6+$0xC0];
	[tilespmem:s6+$0xA0] =	vst v17;
	v16 =	vand.u32 $0xFFFFFFFD, v16  }
0xb8: {  	s7 =	simm.s32 $0x5100;
	s8 =	simm.s32 $0x0;
	s13 =	smov.u32 s23;
	v19 =	vld.idx.msk [tilespmem:v15+s24+$0x0], $0xffff;
	v17 =	vbroadcast v16, $0x0  }
.LBB2_5:
0xb9: {  	_ = 	snop  }
0xba: {  	s8 =	sadd.s32 $0x8, s8;
	s13 =	sadd.s32 $0x40, s13;
	s6 =	sadd.s32 $0x200, s6  }
0xbb: {  	p0 =	slt.u32 s8, $0xF8;
	_ =	sdelay $0x1  }
0xbc: {  	v18 =	vmul.f32 v18, v19;
	v19 =	vmul.f32 v20, v19;
	_ =	sdelay $0x1  }
0xbd: {  	[tilespmem:s7+$0xC0] =	vst v18  }
0xbe: {  	[tilespmem:s7+$0xD0] =	vst v19;
	v18 =	vld [tilespmem:s7+$0xE0]  }
0xbf: {  	v17 =	vld.idx.msk [tilespmem:v17+s24+$0x0], $0xffff  }
0xc0: {  	s14 =	sadd.s32 $0xFFFFFFC7, s13;
	v19 =	vld [tilespmem:s7+$0xF0]  }
0xc1: {  	v20 =	vmov s14  }
0xc2: {  	v20 =	vand.u32 $0xFFFFFFFC, v20  }
0xc3: {  	v20 =	vbroadcast v20, $0x0;
	_ =	sdelay $0x1  }
0xc4: {  	v18 =	vmul.f32 v18, v17;
	v17 =	vmul.f32 v19, v17;
	_ =	sdelay $0x1  }
0xc5: {  	[tilespmem:s7+$0xE0] =	vst v18  }
0xc6: {  	v18 =	vld [tilespmem:s6+$0xFFFFFF10];
	[tilespmem:s7+$0xF0] =	vst v17;
	s7 =	smov.u32 s6  }
0xc7: {  	s14 =	sadd.s32 $0xFFFFFFC8, s13;
	v17 =	vld.idx.msk [tilespmem:v20+s24+$0x0], $0xffff  }
0xc8: {  	v20 =	vmov s14;
	v19 =	vld [tilespmem:s6+$0xFFFFFF00]  }
0xc9: {  	v20 =	vand.u32 $0xFFFFFFFD, v20  }
0xca: {  	v20 =	vbroadcast v20, $0x0;
	_ =	sdelay $0x2  }
0xcb: {  	v19 =	vmul.f32 v19, v17;
	v17 =	vmul.f32 v18, v17;
	_ =	sdelay $0x1  }
0xcc: {  	[tilespmem:s6+$0xFFFFFF00] =	vst v19  }
0xcd: {  	s14 =	sadd.s32 $0xFFFFFFCF, s13;
	[tilespmem:s6+$0xFFFFFF10] =	vst v17;
	v17 =	vld [tilespmem:s6+$0xFFFFFF30]  }
0xce: {  	v19 =	vmov s14;
	v18 =	vld.idx.msk [tilespmem:v20+s24+$0x0], $0xffff  }
0xcf: {  	v19 =	vand.u32 $0xFFFFFFFC, v19;
	v20 =	vld [tilespmem:s6+$0xFFFFFF20]  }
0xd0: {  	v19 =	vbroadcast v19, $0x0;
	_ =	sdelay $0x3  }
0xd1: {  	v17 =	vmul.f32 v17, v18;
	v20 =	vmul.f32 v20, v18;
	_ =	sdelay $0x1  }
0xd2: {  	s14 =	sadd.s32 $0xFFFFFFD0, s13;
	[tilespmem:s6+$0xFFFFFF20] =	vst v20  }
0xd3: {  	v18 =	vmov s14;
	[tilespmem:s6+$0xFFFFFF30] =	vst v17;
	v17 =	vld [tilespmem:s6+$0xFFFFFF50]  }
0xd4: {  	v18 =	vand.u32 $0xFFFFFFFD, v18;
	v19 =	vld.idx.msk [tilespmem:v19+s24+$0x0], $0xffff  }
0xd5: {  	v18 =	vbroadcast v18, $0x0;
	v20 =	vld [tilespmem:s6+$0xFFFFFF40];
	_ =	sdelay $0x4  }
0xd6: {  	v17 =	vmul.f32 v17, v19;
	v20 =	vmul.f32 v20, v19  }
0xd7: {  	s14 =	sadd.s32 $0xFFFFFFD7, s13  }
0xd8: {  	v19 =	vmov s14;
	[tilespmem:s6+$0xFFFFFF40] =	vst v20  }
0xd9: {  	v19 =	vand.u32 $0xFFFFFFFC, v19;
	[tilespmem:s6+$0xFFFFFF50] =	vst v17;
	v17 =	vld [tilespmem:s6+$0xFFFFFF70]  }
0xda: {  	v19 =	vbroadcast v19, $0x0;
	v18 =	vld.idx.msk [tilespmem:v18+s24+$0x0], $0xffff  }
0xdb: {  	v20 =	vld [tilespmem:s6+$0xFFFFFF60];
	_ =	sdelay $0x4  }
0xdc: {  	s14 =	sadd.s32 $0xFFFFFFD8, s13;
	v17 =	vmul.f32 v17, v18;
	v20 =	vmul.f32 v20, v18  }
0xdd: {  	v18 =	vmov s14  }
0xde: {  	v18 =	vand.u32 $0xFFFFFFFD, v18;
	[tilespmem:s6+$0xFFFFFF60] =	vst v20  }
0xdf: {  	v18 =	vbroadcast v18, $0x0;
	[tilespmem:s6+$0xFFFFFF70] =	vst v17;
	v17 =	vld [tilespmem:s6+$0xFFFFFF90]  }
0xe0: {  	v19 =	vld.idx.msk [tilespmem:v19+s24+$0x0], $0xffff  }
0xe1: {  	v20 =	vld [tilespmem:s6+$0xFFFFFF80];
	_ =	sdelay $0x3  }
0xe2: {  	s14 =	sadd.s32 $0xFFFFFFDF, s13  }
0xe3: {  	v17 =	vmul.f32 v17, v19;
	v20 =	vmul.f32 v20, v19;
	v19 =	vmov s14  }
0xe4: {  	v19 =	vand.u32 $0xFFFFFFFC, v19  }
0xe5: {  	[tilespmem:s6+$0xFFFFFF80] =	vst v20;
	v19 =	vbroadcast v19, $0x0  }
0xe6: {  	[tilespmem:s6+$0xFFFFFF90] =	vst v17;
	v17 =	vld [tilespmem:s6+$0xFFFFFFB0]  }
0xe7: {  	v18 =	vld.idx.msk [tilespmem:v18+s24+$0x0], $0xffff  }
0xe8: {  	v20 =	vld [tilespmem:s6+$0xFFFFFFA0];
	_ =	sdelay $0x2  }
0xe9: {  	s14 =	sadd.s32 $0xFFFFFFE0, s13  }
0xea: {  	v21 =	vmov s14  }
0xeb: {  	v17 =	vmul.f32 v17, v18;
	v20 =	vmul.f32 v20, v18;
	v18 =	vand.u32 $0xFFFFFFFD, v21  }
0xec: {  	v18 =	vbroadcast v18, $0x0  }
0xed: {  	[tilespmem:s6+$0xFFFFFFA0] =	vst v20  }
0xee: {  	[tilespmem:s6+$0xFFFFFFB0] =	vst v17;
	v17 =	vld [tilespmem:s6+$0xFFFFFFD0]  }
0xef: {  	v19 =	vld.idx.msk [tilespmem:v19+s24+$0x0], $0xffff  }
0xf0: {  	v20 =	vld [tilespmem:s6+$0xFFFFFFC0];
	_ =	sdelay $0x1  }
0xf1: {  	s14 =	sadd.s32 $0xFFFFFFE7, s13  }
0xf2: {  	v22 =	vmov s14;
	v21 =	vld [tilespmem:s6+$0xFFFFFFF0]  }
0xf3: {  	v22 =	vand.u32 $0xFFFFFFFC, v22  }
0xf4: {  	v22 =	vbroadcast v22, $0x0;
	v20 =	vmul.f32 v20, v19  }
0xf5: {  	v17 =	vmul.f32 v17, v19  }
0xf6: {  	[tilespmem:s6+$0xFFFFFFC0] =	vst v20  }
0xf7: {  	[tilespmem:s6+$0xFFFFFFD0] =	vst v17  }
0xf8: {  	v17 =	vld.idx.msk [tilespmem:v18+s24+$0x0], $0xffff  }
0xf9: {  	v18 =	vld [tilespmem:s6+$0xFFFFFFE0]  }
0xfa: {  	s14 =	sadd.s32 $0xFFFFFFE8, s13  }
0xfb: {  	v19 =	vmov s14  }
0xfc: {  	v19 =	vand.u32 $0xFFFFFFFD, v19  }
0xfd: {  	v19 =	vbroadcast v19, $0x0  }
0xfe: {  	v18 =	vmul.f32 v18, v17;
	v17 =	vmul.f32 v21, v17;
	_ =	sdelay $0x1  }
0xff: {  	[tilespmem:s6+$0xFFFFFFE0] =	vst v18  }
0x100: {  	[tilespmem:s6+$0xFFFFFFF0] =	vst v17;
	v17 =	vld [tilespmem:s6+$0x10]  }
0x101: {  	v18 =	vld.idx.msk [tilespmem:v22+s24+$0x0], $0xffff  }
0x102: {  	s14 =	sadd.s32 $0xFFFFFFEF, s13;
	v20 =	vld [tilespmem:s6+$0x0]  }
0x103: {  	v21 =	vmov s14  }
0x104: {  	v21 =	vand.u32 $0xFFFFFFFC, v21  }
0x105: {  	v21 =	vbroadcast v21, $0x0;
	_ =	sdelay $0x1  }
0x106: {  	v17 =	vmul.f32 v17, v18;
	v20 =	vmul.f32 v20, v18;
	_ =	sdelay $0x1  }
0x107: {  	[tilespmem:s6+$0x0] =	vst v20  }
0x108: {  	[tilespmem:s6+$0x10] =	vst v17;
	v17 =	vld [tilespmem:s6+$0x30]  }
0x109: {  	s14 =	sadd.s32 $0xFFFFFFF0, s13;
	v18 =	vld.idx.msk [tilespmem:v19+s24+$0x0], $0xffff  }
0x10a: {  	v20 =	vmov s14;
	v19 =	vld [tilespmem:s6+$0x20]  }
0x10b: {  	v20 =	vand.u32 $0xFFFFFFFD, v20  }
0x10c: {  	v20 =	vbroadcast v20, $0x0;
	_ =	sdelay $0x2  }
0x10d: {  	v17 =	vmul.f32 v17, v18;
	v19 =	vmul.f32 v19, v18;
	_ =	sdelay $0x1  }
0x10e: {  	[tilespmem:s6+$0x20] =	vst v19  }
0x10f: {  	s14 =	sadd.s32 $0xFFFFFFF7, s13;
	[tilespmem:s6+$0x30] =	vst v17;
	v17 =	vld [tilespmem:s6+$0x50]  }
0x110: {  	v19 =	vmov s14;
	v18 =	vld.idx.msk [tilespmem:v21+s24+$0x0], $0xffff  }
0x111: {  	v19 =	vand.u32 $0xFFFFFFFC, v19;
	v21 =	vld [tilespmem:s6+$0x40]  }
0x112: {  	v19 =	vbroadcast v19, $0x0;
	_ =	sdelay $0x3  }
0x113: {  	v17 =	vmul.f32 v17, v18;
	v21 =	vmul.f32 v21, v18;
	_ =	sdelay $0x1  }
0x114: {  	s14 =	sadd.s32 $0xFFFFFFF8, s13;
	[tilespmem:s6+$0x40] =	vst v21  }
0x115: {  	v18 =	vmov s14;
	[tilespmem:s6+$0x50] =	vst v17;
	v17 =	vld [tilespmem:s6+$0x70]  }
0x116: {  	v18 =	vand.u32 $0xFFFFFFFD, v18;
	v20 =	vld.idx.msk [tilespmem:v20+s24+$0x0], $0xffff  }
0x117: {  	v18 =	vbroadcast v18, $0x0;
	v21 =	vld [tilespmem:s6+$0x60];
	_ =	sdelay $0x4  }
0x118: {  	v17 =	vmul.f32 v17, v20;
	v21 =	vmul.f32 v21, v20  }
0x119: {  	s14 =	sadd.s32 $0xFFFFFFFF, s13  }
0x11a: {  	v20 =	vmov s14;
	[tilespmem:s6+$0x60] =	vst v21  }
0x11b: {  	v20 =	vand.u32 $0xFFFFFFFC, v20;
	[tilespmem:s6+$0x70] =	vst v17;
	v17 =	vld [tilespmem:s6+$0x90]  }
0x11c: {  	v20 =	vbroadcast v20, $0x0;
	v19 =	vld.idx.msk [tilespmem:v19+s24+$0x0], $0xffff  }
0x11d: {  	v21 =	vld [tilespmem:s6+$0x80];
	_ =	sdelay $0x4  }
0x11e: {  	v17 =	vmul.f32 v17, v19;
	v21 =	vmul.f32 v21, v19  }
0x11f: {  	v19 =	vmov s13  }
0x120: {  	v19 =	vand.u32 $0xFFFFFFFD, v19;
	[tilespmem:s6+$0x80] =	vst v21  }
0x121: {  	[tilespmem:s6+$0x90] =	vst v17;
	v21 =	vld [tilespmem:s6+$0xB0];
	v17 =	vbroadcast v19, $0x0  }
0x122: {  	v18 =	vld.idx.msk [tilespmem:v18+s24+$0x0], $0xffff  }
0x123: {  	v19 =	vld [tilespmem:s6+$0xA0];
	_ =	sdelay $0x4  }
0x124: {  	v19 =	vmul.f32 v19, v18;
	v18 =	vmul.f32 v21, v18  }
.Ltmp1:
0x125: {  	(pc) =	sbr.rel @p0 .LBB2_5-.Ltmp1, $4  }
0x126: {  	[tilespmem:s6+$0xA0] =	vst v19  }
0x127: {  	[tilespmem:s6+$0xB0] =	vst v18;
	v18 =	vld [tilespmem:s6+$0xC0]  }
0x128: {  	v19 =	vld.idx.msk [tilespmem:v20+s24+$0x0], $0xffff  }
0x129: {  	v20 =	vld [tilespmem:s6+$0xD0]  }
0x12a: {  	_ =	sdelay $0x2  }
0x12b: {  	v18 =	vmul.f32 v18, v19  }
0x12c: {  	v58 =	vmul.f32 v20, v19  }
0x12d: {  	[tilespmem:s7+$0xC0] =	vst v18  }
0x12e: {  	v59 =	vld [tilespmem:s7+$0xE0];
	[tilespmem:s7+$0xD0] =	vst v58  }
0x12f: {  	v17 =	vld.idx.msk [tilespmem:v17+s24+$0x0], $0xffff  }
0x130: {  	v60 =	vld [tilespmem:s7+$0xF0];
	_ =	sdelay $0x3  }
0x131: {  	v18 =	vmul.f32 v59, v17  }
0x132: {  	v17 =	vmul.f32 v60, v17  }
0x133: {  	s6 =	sshll.u32 s28, $0x9;
	[tilespmem:s7+$0xE0] =	vst v18  }
0x134: {  	s6 =	sand.u32 $0x3FFFFE00, s6;
	[tilespmem:s7+$0xF0] =	vst v17  }
0x135: {  	[spmem:s3] =	stream.indirect.scatter.add.f32 [tilespmem:s19], [sflag:$0x3], $0x40, s6, s18, $0xb8;
	[tilespmem:$0x18000] =	vst v63  }
0x136: {  	_ =	swait.ge [sflag:s16], $0x2000  }
0x137: {  	s7 =	sshll.u32 s28, $0x1;
	[sflag:s16] =	ssyncset.done $0x0  }
0x138: {  	s8 =	sor.u32 $0x80, s6;
	s22 =	smin.u32 s7, $0x25;
	[sflag:s16] =	ssyncadd.s32 $0xFFFFE000  }
0x139: {  	[spmem:s3] =	stream.indirect.scatter.add.f32 [tilespmem:s21], [sflag:$0x3], $0x40, s8, s18, $0xb8;
	[tilespmem:$0x18000] =	vst v63  }
0x13a: {  	s8 =	sadd.s32 $0x2, s22;
	_ =	swait.ge [sflag:s16], $0x2000  }
0x13b: {  	s13 =	sshll.u32 s8, $0x8;
	s8 =	sshll.u32 s8, $0xB;
	[sflag:s16] =	ssyncset.done $0x0  }
0x13c: {  	s14 =	sadd.s32 $0x2800, s13;
	s8 =	sadd.s32 s12, s8;
	[sflag:s16] =	ssyncadd.s32 $0xFFFFE000  }
0x13d: {  	[tilespmem:s19], [sflag:$0x1] =	stream.indirect.gather [hbm4b:s5+s18], $0x40, s14, s18, $0xb8;
	[tilespmem:$0x18000] =	vst v63  }
0x13e: {  	s13 =	sadd.s32 $0x2880, s13;
	s8 =	sshrl.u32 s8, $0x3  }
0x13f: {  	[tilespmem:s21], [sflag:$0x1] =	stream.indirect.gather [hbm4b:s5+s18], $0x40, s13, s18, $0xb8;
	[tilespmem:$0x18000] =	vst v63  }
0x140: {  	s8 =	sadd.s32 s2, s8  }
0x141: {  	[tilespmem:s24], [sflag:$0x1] =	stream.linear.gather [hbm4b:s8+s4], $0x800, $0x38;
	[tilespmem:$0x18000] =	vst v63  }
0x142: {  	_ =	swait.ge [sflag:s0], $0x2000  }
0x143: {  	[sflag:s0] =	ssyncset.done $0x0  }
0x144: {  	[sflag:s0] =	ssyncadd.s32 $0xFFFFE000  }
0x145: {  	_ =	swait.ge [sflag:s0], $0x2000  }
0x146: {  	[sflag:s0] =	ssyncset.done $0x0  }
0x147: {  	[sflag:s0] =	ssyncadd.s32 $0xFFFFE000  }
0x148: {  	_ =	swait.ge [sflag:s0], $0x800  }
0x149: {  	[sflag:s0] =	ssyncset.done $0x0  }
0x14a: {  	[sflag:s0] =	ssyncadd.s32 $0xFFFFF800  }
0x14b: {  	s8 =	simm.s32 $0x9100;
	v1 =	vld.idx.msk [tilespmem:v1+s30+$0x0], $0xffff  }
0x14c: {  	v61 =	vld [tilespmem:s8+$0xFFFFFF00]  }
0x14d: {  	v62 =	vld [tilespmem:s8+$0xFFFFFF10];
	_ =	sdelay $0x3  }
0x14e: {  	v17 =	vmul.f32 v61, v1  }
0x14f: {  	v1 =	vmul.f32 v62, v1  }
0x150: {  	[tilespmem:s8+$0xFFFFFF00] =	vst v17  }
0x151: {  	[tilespmem:s8+$0xFFFFFF10] =	vst v1  }
0x152: {  	v1 =	vld.idx.msk [tilespmem:v2+s30+$0x0], $0xffff  }
0x153: {  	v2 =	vld [tilespmem:s8+$0xFFFFFF20]  }
0x154: {  	v63 =	vld [tilespmem:s8+$0xFFFFFF30];
	_ =	sdelay $0x3  }
0x155: {  	v2 =	vmul.f32 v2, v1  }
0x156: {  	v1 =	vmul.f32 v63, v1  }
0x157: {  	[tilespmem:s8+$0xFFFFFF20] =	vst v2  }
0x158: {  	[tilespmem:s8+$0xFFFFFF30] =	vst v1;
	v2 =	vld [tilespmem:s8+$0xFFFFFF40]  }
0x159: {  	v1 =	vld.idx.msk [tilespmem:v3+s30+$0x0], $0xffff  }
0x15a: {  	v3 =	vld [tilespmem:s8+$0xFFFFFF50];
	_ =	sdelay $0x3  }
0x15b: {  	v2 =	vmul.f32 v2, v1  }
0x15c: {  	v1 =	vmul.f32 v3, v1  }
0x15d: {  	[tilespmem:s8+$0xFFFFFF40] =	vst v2  }
0x15e: {  	[tilespmem:s8+$0xFFFFFF50] =	vst v1;
	v2 =	vld [tilespmem:s8+$0xFFFFFF60]  }
0x15f: {  	v1 =	vld.idx.msk [tilespmem:v4+s30+$0x0], $0xffff  }
0x160: {  	v3 =	vld [tilespmem:s8+$0xFFFFFF70];
	_ =	sdelay $0x3  }
0x161: {  	v2 =	vmul.f32 v2, v1  }
0x162: {  	v1 =	vmul.f32 v3, v1  }
0x163: {  	[tilespmem:s8+$0xFFFFFF60] =	vst v2  }
0x164: {  	[tilespmem:s8+$0xFFFFFF70] =	vst v1;
	v2 =	vld [tilespmem:s8+$0xFFFFFF80]  }
0x165: {  	v1 =	vld.idx.msk [tilespmem:v5+s30+$0x0], $0xffff  }
0x166: {  	v3 =	vld [tilespmem:s8+$0xFFFFFF90];
	_ =	sdelay $0x3  }
0x167: {  	v2 =	vmul.f32 v2, v1  }
0x168: {  	v1 =	vmul.f32 v3, v1  }
0x169: {  	[tilespmem:s8+$0xFFFFFF80] =	vst v2  }
0x16a: {  	[tilespmem:s8+$0xFFFFFF90] =	vst v1;
	v2 =	vld [tilespmem:s8+$0xFFFFFFA0]  }
0x16b: {  	v1 =	vld.idx.msk [tilespmem:v6+s30+$0x0], $0xffff  }
0x16c: {  	v3 =	vld [tilespmem:s8+$0xFFFFFFB0];
	_ =	sdelay $0x3  }
0x16d: {  	v2 =	vmul.f32 v2, v1  }
0x16e: {  	v1 =	vmul.f32 v3, v1  }
0x16f: {  	[tilespmem:s8+$0xFFFFFFA0] =	vst v2  }
0x170: {  	[tilespmem:s8+$0xFFFFFFB0] =	vst v1;
	v2 =	vld [tilespmem:s8+$0xFFFFFFC0]  }
0x171: {  	v1 =	vld.idx.msk [tilespmem:v7+s30+$0x0], $0xffff  }
0x172: {  	v3 =	vld [tilespmem:s8+$0xFFFFFFD0];
	_ =	sdelay $0x3  }
0x173: {  	v2 =	vmul.f32 v2, v1  }
0x174: {  	v1 =	vmul.f32 v3, v1  }
0x175: {  	[tilespmem:s8+$0xFFFFFFC0] =	vst v2  }
0x176: {  	[tilespmem:s8+$0xFFFFFFD0] =	vst v1;
	v2 =	vld [tilespmem:s8+$0xFFFFFFE0]  }
0x177: {  	v1 =	vld.idx.msk [tilespmem:v8+s30+$0x0], $0xffff  }
0x178: {  	v4 =	vld [tilespmem:s8+$0xFFFFFFF0];
	_ =	sdelay $0x3  }
0x179: {  	v2 =	vmul.f32 v2, v1  }
0x17a: {  	v1 =	vmul.f32 v4, v1  }
0x17b: {  	[tilespmem:s8+$0xFFFFFFE0] =	vst v2  }
0x17c: {  	[tilespmem:s8+$0xFFFFFFF0] =	vst v1;
	v2 =	vld [tilespmem:s8+$0x0]  }
0x17d: {  	v1 =	vld.idx.msk [tilespmem:v9+s30+$0x0], $0xffff  }
0x17e: {  	v3 =	vld [tilespmem:s8+$0x10];
	_ =	sdelay $0x3  }
0x17f: {  	v2 =	vmul.f32 v2, v1  }
0x180: {  	v1 =	vmul.f32 v3, v1  }
0x181: {  	[tilespmem:s8+$0x0] =	vst v2  }
0x182: {  	[tilespmem:s8+$0x10] =	vst v1;
	v2 =	vld [tilespmem:s8+$0x20]  }
0x183: {  	v1 =	vld.idx.msk [tilespmem:v10+s30+$0x0], $0xffff  }
0x184: {  	v3 =	vld [tilespmem:s8+$0x30];
	_ =	sdelay $0x3  }
0x185: {  	v2 =	vmul.f32 v2, v1  }
0x186: {  	v1 =	vmul.f32 v3, v1  }
0x187: {  	[tilespmem:s8+$0x20] =	vst v2  }
0x188: {  	[tilespmem:s8+$0x30] =	vst v1;
	v2 =	vld [tilespmem:s8+$0x40]  }
0x189: {  	v1 =	vld.idx.msk [tilespmem:v11+s30+$0x0], $0xffff  }
0x18a: {  	v3 =	vld [tilespmem:s8+$0x50];
	_ =	sdelay $0x3  }
0x18b: {  	v2 =	vmul.f32 v2, v1  }
0x18c: {  	v1 =	vmul.f32 v3, v1  }
0x18d: {  	[tilespmem:s8+$0x40] =	vst v2  }
0x18e: {  	[tilespmem:s8+$0x50] =	vst v1;
	v2 =	vld [tilespmem:s8+$0x60]  }
0x18f: {  	v1 =	vld.idx.msk [tilespmem:v12+s30+$0x0], $0xffff  }
0x190: {  	v3 =	vld [tilespmem:s8+$0x70];
	_ =	sdelay $0x3  }
0x191: {  	v2 =	vmul.f32 v2, v1  }
0x192: {  	v1 =	vmul.f32 v3, v1  }
0x193: {  	[tilespmem:s8+$0x60] =	vst v2  }
0x194: {  	[tilespmem:s8+$0x70] =	vst v1;
	v2 =	vld [tilespmem:s8+$0x80]  }
0x195: {  	v1 =	vld.idx.msk [tilespmem:v13+s30+$0x0], $0xffff  }
0x196: {  	v3 =	vld [tilespmem:s8+$0x90];
	_ =	sdelay $0x3  }
0x197: {  	v2 =	vmul.f32 v2, v1  }
0x198: {  	v1 =	vmul.f32 v3, v1  }
0x199: {  	[tilespmem:s8+$0x80] =	vst v2  }
0x19a: {  	[tilespmem:s8+$0x90] =	vst v1;
	v2 =	vld [tilespmem:s8+$0xA0]  }
0x19b: {  	v1 =	vld.idx.msk [tilespmem:v14+s30+$0x0], $0xffff  }
0x19c: {  	v3 =	vld [tilespmem:s8+$0xB0];
	_ =	sdelay $0x3  }
0x19d: {  	v2 =	vmul.f32 v2, v1  }
0x19e: {  	v1 =	vmul.f32 v3, v1  }
0x19f: {  	v4 =	vld [tilespmem:s8+$0xD0];
	[tilespmem:s8+$0xA0] =	vst v2  }
0x1a0: {  	[tilespmem:s8+$0xB0] =	vst v1;
	v2 =	vld [tilespmem:s8+$0xC0]  }
0x1a1: {  	s22 =	simm.s32 $0x0;
	s14 =	smov.u32 s23;
	s13 =	simm.s32 $0x9100;
	v1 =	vbroadcast v16, $0x0;
	v3 =	vld.idx.msk [tilespmem:v15+s30+$0x0], $0xffff  }
.LBB2_7:
0x1a2: {  	_ = 	snop  }
0x1a3: {  	s22 =	sadd.s32 $0x8, s22;
	s14 =	sadd.s32 $0x40, s14;
	s8 =	sadd.s32 $0x200, s8  }
0x1a4: {  	p0 =	slt.u32 s22, $0xF8;
	_ =	sdelay $0x1  }
0x1a5: {  	v2 =	vmul.f32 v2, v3;
	v3 =	vmul.f32 v4, v3;
	_ =	sdelay $0x1  }
0x1a6: {  	[tilespmem:s13+$0xC0] =	vst v2  }
0x1a7: {  	[tilespmem:s13+$0xD0] =	vst v3;
	v2 =	vld [tilespmem:s13+$0xE0]  }
0x1a8: {  	v1 =	vld.idx.msk [tilespmem:v1+s30+$0x0], $0xffff  }
0x1a9: {  	s17 =	sadd.s32 $0xFFFFFFC7, s14;
	v3 =	vld [tilespmem:s13+$0xF0]  }
0x1aa: {  	v4 =	vmov s17  }
0x1ab: {  	v4 =	vand.u32 $0xFFFFFFFC, v4  }
0x1ac: {  	v4 =	vbroadcast v4, $0x0;
	_ =	sdelay $0x1  }
0x1ad: {  	v2 =	vmul.f32 v2, v1;
	v1 =	vmul.f32 v3, v1;
	_ =	sdelay $0x1  }
0x1ae: {  	[tilespmem:s13+$0xE0] =	vst v2  }
0x1af: {  	v2 =	vld [tilespmem:s8+$0xFFFFFF10];
	[tilespmem:s13+$0xF0] =	vst v1;
	s13 =	smov.u32 s8  }
0x1b0: {  	s17 =	sadd.s32 $0xFFFFFFC8, s14;
	v1 =	vld.idx.msk [tilespmem:v4+s30+$0x0], $0xffff  }
0x1b1: {  	v4 =	vmov s17;
	v3 =	vld [tilespmem:s8+$0xFFFFFF00]  }
0x1b2: {  	v4 =	vand.u32 $0xFFFFFFFD, v4  }
0x1b3: {  	v4 =	vbroadcast v4, $0x0;
	_ =	sdelay $0x2  }
0x1b4: {  	v3 =	vmul.f32 v3, v1;
	v1 =	vmul.f32 v2, v1;
	_ =	sdelay $0x1  }
0x1b5: {  	[tilespmem:s8+$0xFFFFFF00] =	vst v3  }
0x1b6: {  	s17 =	sadd.s32 $0xFFFFFFCF, s14;
	[tilespmem:s8+$0xFFFFFF10] =	vst v1;
	v1 =	vld [tilespmem:s8+$0xFFFFFF30]  }
0x1b7: {  	v3 =	vmov s17;
	v2 =	vld.idx.msk [tilespmem:v4+s30+$0x0], $0xffff  }
0x1b8: {  	v3 =	vand.u32 $0xFFFFFFFC, v3;
	v4 =	vld [tilespmem:s8+$0xFFFFFF20]  }
0x1b9: {  	v3 =	vbroadcast v3, $0x0;
	_ =	sdelay $0x3  }
0x1ba: {  	v1 =	vmul.f32 v1, v2;
	v4 =	vmul.f32 v4, v2;
	_ =	sdelay $0x1  }
0x1bb: {  	s17 =	sadd.s32 $0xFFFFFFD0, s14;
	[tilespmem:s8+$0xFFFFFF20] =	vst v4  }
0x1bc: {  	v2 =	vmov s17;
	[tilespmem:s8+$0xFFFFFF30] =	vst v1;
	v1 =	vld [tilespmem:s8+$0xFFFFFF50]  }
0x1bd: {  	v2 =	vand.u32 $0xFFFFFFFD, v2;
	v3 =	vld.idx.msk [tilespmem:v3+s30+$0x0], $0xffff  }
0x1be: {  	v2 =	vbroadcast v2, $0x0;
	v4 =	vld [tilespmem:s8+$0xFFFFFF40];
	_ =	sdelay $0x4  }
0x1bf: {  	v1 =	vmul.f32 v1, v3;
	v4 =	vmul.f32 v4, v3  }
0x1c0: {  	s17 =	sadd.s32 $0xFFFFFFD7, s14  }
0x1c1: {  	v3 =	vmov s17;
	[tilespmem:s8+$0xFFFFFF40] =	vst v4  }
0x1c2: {  	v3 =	vand.u32 $0xFFFFFFFC, v3;
	[tilespmem:s8+$0xFFFFFF50] =	vst v1;
	v1 =	vld [tilespmem:s8+$0xFFFFFF70]  }
0x1c3: {  	v3 =	vbroadcast v3, $0x0;
	v2 =	vld.idx.msk [tilespmem:v2+s30+$0x0], $0xffff  }
0x1c4: {  	v4 =	vld [tilespmem:s8+$0xFFFFFF60];
	_ =	sdelay $0x4  }
0x1c5: {  	s17 =	sadd.s32 $0xFFFFFFD8, s14;
	v1 =	vmul.f32 v1, v2;
	v4 =	vmul.f32 v4, v2  }
0x1c6: {  	v2 =	vmov s17  }
0x1c7: {  	v2 =	vand.u32 $0xFFFFFFFD, v2;
	[tilespmem:s8+$0xFFFFFF60] =	vst v4  }
0x1c8: {  	v2 =	vbroadcast v2, $0x0;
	[tilespmem:s8+$0xFFFFFF70] =	vst v1;
	v1 =	vld [tilespmem:s8+$0xFFFFFF90]  }
0x1c9: {  	v3 =	vld.idx.msk [tilespmem:v3+s30+$0x0], $0xffff  }
0x1ca: {  	v4 =	vld [tilespmem:s8+$0xFFFFFF80];
	_ =	sdelay $0x3  }
0x1cb: {  	s17 =	sadd.s32 $0xFFFFFFDF, s14  }
0x1cc: {  	v1 =	vmul.f32 v1, v3;
	v4 =	vmul.f32 v4, v3;
	v3 =	vmov s17  }
0x1cd: {  	v3 =	vand.u32 $0xFFFFFFFC, v3  }
0x1ce: {  	[tilespmem:s8+$0xFFFFFF80] =	vst v4;
	v3 =	vbroadcast v3, $0x0  }
0x1cf: {  	[tilespmem:s8+$0xFFFFFF90] =	vst v1;
	v1 =	vld [tilespmem:s8+$0xFFFFFFB0]  }
0x1d0: {  	v2 =	vld.idx.msk [tilespmem:v2+s30+$0x0], $0xffff  }
0x1d1: {  	v4 =	vld [tilespmem:s8+$0xFFFFFFA0];
	_ =	sdelay $0x2  }
0x1d2: {  	s17 =	sadd.s32 $0xFFFFFFE0, s14  }
0x1d3: {  	v5 =	vmov s17  }
0x1d4: {  	v1 =	vmul.f32 v1, v2;
	v4 =	vmul.f32 v4, v2;
	v2 =	vand.u32 $0xFFFFFFFD, v5  }
0x1d5: {  	v2 =	vbroadcast v2, $0x0  }
0x1d6: {  	[tilespmem:s8+$0xFFFFFFA0] =	vst v4  }
0x1d7: {  	[tilespmem:s8+$0xFFFFFFB0] =	vst v1;
	v1 =	vld [tilespmem:s8+$0xFFFFFFD0]  }
0x1d8: {  	v3 =	vld.idx.msk [tilespmem:v3+s30+$0x0], $0xffff  }
0x1d9: {  	v4 =	vld [tilespmem:s8+$0xFFFFFFC0];
	_ =	sdelay $0x1  }
0x1da: {  	s17 =	sadd.s32 $0xFFFFFFE7, s14  }
0x1db: {  	v6 =	vmov s17;
	v5 =	vld [tilespmem:s8+$0xFFFFFFF0]  }
0x1dc: {  	v6 =	vand.u32 $0xFFFFFFFC, v6  }
0x1dd: {  	v6 =	vbroadcast v6, $0x0;
	v4 =	vmul.f32 v4, v3  }
0x1de: {  	v1 =	vmul.f32 v1, v3  }
0x1df: {  	[tilespmem:s8+$0xFFFFFFC0] =	vst v4  }
0x1e0: {  	[tilespmem:s8+$0xFFFFFFD0] =	vst v1  }
0x1e1: {  	v1 =	vld.idx.msk [tilespmem:v2+s30+$0x0], $0xffff  }
0x1e2: {  	v2 =	vld [tilespmem:s8+$0xFFFFFFE0]  }
0x1e3: {  	s17 =	sadd.s32 $0xFFFFFFE8, s14  }
0x1e4: {  	v3 =	vmov s17  }
0x1e5: {  	v3 =	vand.u32 $0xFFFFFFFD, v3  }
0x1e6: {  	v3 =	vbroadcast v3, $0x0  }
0x1e7: {  	v2 =	vmul.f32 v2, v1;
	v1 =	vmul.f32 v5, v1;
	_ =	sdelay $0x1  }
0x1e8: {  	[tilespmem:s8+$0xFFFFFFE0] =	vst v2  }
0x1e9: {  	[tilespmem:s8+$0xFFFFFFF0] =	vst v1;
	v1 =	vld [tilespmem:s8+$0x10]  }
0x1ea: {  	v2 =	vld.idx.msk [tilespmem:v6+s30+$0x0], $0xffff  }
0x1eb: {  	s17 =	sadd.s32 $0xFFFFFFEF, s14;
	v4 =	vld [tilespmem:s8+$0x0]  }
0x1ec: {  	v5 =	vmov s17  }
0x1ed: {  	v5 =	vand.u32 $0xFFFFFFFC, v5  }
0x1ee: {  	v5 =	vbroadcast v5, $0x0;
	_ =	sdelay $0x1  }
0x1ef: {  	v1 =	vmul.f32 v1, v2;
	v4 =	vmul.f32 v4, v2;
	_ =	sdelay $0x1  }
0x1f0: {  	[tilespmem:s8+$0x0] =	vst v4  }
0x1f1: {  	[tilespmem:s8+$0x10] =	vst v1;
	v1 =	vld [tilespmem:s8+$0x30]  }
0x1f2: {  	s17 =	sadd.s32 $0xFFFFFFF0, s14;
	v2 =	vld.idx.msk [tilespmem:v3+s30+$0x0], $0xffff  }
0x1f3: {  	v4 =	vmov s17;
	v3 =	vld [tilespmem:s8+$0x20]  }
0x1f4: {  	v4 =	vand.u32 $0xFFFFFFFD, v4  }
0x1f5: {  	v4 =	vbroadcast v4, $0x0;
	_ =	sdelay $0x2  }
0x1f6: {  	v1 =	vmul.f32 v1, v2;
	v3 =	vmul.f32 v3, v2;
	_ =	sdelay $0x1  }
0x1f7: {  	[tilespmem:s8+$0x20] =	vst v3  }
0x1f8: {  	s17 =	sadd.s32 $0xFFFFFFF7, s14;
	[tilespmem:s8+$0x30] =	vst v1;
	v1 =	vld [tilespmem:s8+$0x50]  }
0x1f9: {  	v3 =	vmov s17;
	v2 =	vld.idx.msk [tilespmem:v5+s30+$0x0], $0xffff  }
0x1fa: {  	v3 =	vand.u32 $0xFFFFFFFC, v3;
	v5 =	vld [tilespmem:s8+$0x40]  }
0x1fb: {  	v3 =	vbroadcast v3, $0x0;
	_ =	sdelay $0x3  }
0x1fc: {  	v1 =	vmul.f32 v1, v2;
	v5 =	vmul.f32 v5, v2;
	_ =	sdelay $0x1  }
0x1fd: {  	s17 =	sadd.s32 $0xFFFFFFF8, s14;
	[tilespmem:s8+$0x40] =	vst v5  }
0x1fe: {  	v2 =	vmov s17;
	[tilespmem:s8+$0x50] =	vst v1;
	v1 =	vld [tilespmem:s8+$0x70]  }
0x1ff: {  	v2 =	vand.u32 $0xFFFFFFFD, v2;
	v4 =	vld.idx.msk [tilespmem:v4+s30+$0x0], $0xffff  }
0x200: {  	v2 =	vbroadcast v2, $0x0;
	v5 =	vld [tilespmem:s8+$0x60];
	_ =	sdelay $0x4  }
0x201: {  	v1 =	vmul.f32 v1, v4;
	v5 =	vmul.f32 v5, v4  }
0x202: {  	s17 =	sadd.s32 $0xFFFFFFFF, s14  }
0x203: {  	v4 =	vmov s17;
	[tilespmem:s8+$0x60] =	vst v5  }
0x204: {  	v4 =	vand.u32 $0xFFFFFFFC, v4;
	[tilespmem:s8+$0x70] =	vst v1;
	v1 =	vld [tilespmem:s8+$0x90]  }
0x205: {  	v4 =	vbroadcast v4, $0x0;
	v3 =	vld.idx.msk [tilespmem:v3+s30+$0x0], $0xffff  }
0x206: {  	v5 =	vld [tilespmem:s8+$0x80];
	_ =	sdelay $0x4  }
0x207: {  	v1 =	vmul.f32 v1, v3;
	v5 =	vmul.f32 v5, v3  }
0x208: {  	v3 =	vmov s14  }
0x209: {  	v3 =	vand.u32 $0xFFFFFFFD, v3;
	[tilespmem:s8+$0x80] =	vst v5  }
0x20a: {  	[tilespmem:s8+$0x90] =	vst v1;
	v5 =	vld [tilespmem:s8+$0xB0];
	v1 =	vbroadcast v3, $0x0  }
0x20b: {  	v2 =	vld.idx.msk [tilespmem:v2+s30+$0x0], $0xffff  }
0x20c: {  	v3 =	vld [tilespmem:s8+$0xA0];
	_ =	sdelay $0x4  }
0x20d: {  	v3 =	vmul.f32 v3, v2;
	v2 =	vmul.f32 v5, v2  }
.Ltmp2:
0x20e: {  	(pc) =	sbr.rel @p0 .LBB2_7-.Ltmp2, $4  }
0x20f: {  	[tilespmem:s8+$0xA0] =	vst v3  }
0x210: {  	[tilespmem:s8+$0xB0] =	vst v2;
	v2 =	vld [tilespmem:s8+$0xC0]  }
0x211: {  	v3 =	vld.idx.msk [tilespmem:v4+s30+$0x0], $0xffff  }
0x212: {  	v4 =	vld [tilespmem:s8+$0xD0]  }
0x213: {  	_ =	sdelay $0x2  }
0x214: {  	v2 =	vmul.f32 v2, v3  }
0x215: {  	v3 =	vmul.f32 v4, v3  }
0x216: {  	[tilespmem:s13+$0xC0] =	vst v2  }
0x217: {  	v2 =	vld [tilespmem:s13+$0xE0];
	[tilespmem:s13+$0xD0] =	vst v3  }
0x218: {  	v1 =	vld.idx.msk [tilespmem:v1+s30+$0x0], $0xffff  }
0x219: {  	v3 =	vld [tilespmem:s13+$0xF0];
	_ =	sdelay $0x3  }
0x21a: {  	v2 =	vmul.f32 v2, v1  }
0x21b: {  	v1 =	vmul.f32 v3, v1  }
0x21c: {  	[tilespmem:s13+$0xE0] =	vst v2  }
0x21d: {  	s8 =	sadd.s32 $0x100, s6;
	[tilespmem:s13+$0xF0] =	vst v1  }
0x21e: {  	[spmem:s3] =	stream.indirect.scatter.add.f32 [tilespmem:s26], [sflag:$0x3], $0x40, s8, s18, $0xb8;
	[tilespmem:$0x18000] =	vst v63  }
0x21f: {  	_ =	swait.ge [sflag:s16], $0x2000  }
0x220: {  	[sflag:s16] =	ssyncset.done $0x0  }
0x221: {  	s14 =	smin.u32 s7, $0x24;
	s13 =	sadd.s32 $0x180, s6;
	[sflag:s16] =	ssyncadd.s32 $0xFFFFE000  }
0x222: {  	[spmem:s3] =	stream.indirect.scatter.add.f32 [tilespmem:s29], [sflag:$0x3], $0x40, s13, s18, $0xb8;
	[tilespmem:$0x18000] =	vst v63  }
0x223: {  	s28 =	sadd.s32 $0x1, s28;
	s6 =	sadd.s32 $0x3, s14;
	_ =	swait.ge [sflag:s16], $0x2000  }
0x224: {  	p0 =	sne.s32 s28, $0x14;
	s17 =	sshll.u32 s6, $0x8;
	[sflag:s16] =	ssyncset.done $0x0  }
0x225: {  	s6 =	sshll.u32 s6, $0xB;
	s22 =	sadd.s32 $0x2800, s17;
	[sflag:s16] =	ssyncadd.s32 $0xFFFFE000  }
0x226: {  	[tilespmem:s26], [sflag:$0x2] =	stream.indirect.gather [hbm4b:s5+s18], $0x40, s22, s18, $0xb8;
	[tilespmem:$0x18000] =	vst v63  }
.Ltmp3:
0x227: {  	s6 =	sadd.s32 s12, s6;
	(pc) =	sbr.rel @p0 .LBB2_4-.Ltmp3, $4  }
0x228: {  	s7 =	sadd.s32 $0x2880, s17;
	s6 =	sshrl.u32 s6, $0x3  }
0x229: {  	[tilespmem:s29], [sflag:$0x2] =	stream.indirect.gather [hbm4b:s5+s18], $0x40, s7, s18, $0xb8;
	[tilespmem:$0x18000] =	vst v63  }
0x22a: {  	s6 =	sadd.s32 s2, s6  }
0x22b: {  	[tilespmem:s30], [sflag:$0x2] =	stream.linear.gather [hbm4b:s6+s4], $0x800, $0x38;
	[tilespmem:$0x18000] =	vst v63  }
0x22c: {  	_ =	swait.ge [sflag:s31], $0x2000  }
0x22d: {  	[sflag:s31] =	ssyncset.done $0x0  }
0x22e: {  	[sflag:s31] =	ssyncadd.s32 $0xFFFFE000  }
0x22f: {  	_ =	swait.ge [sflag:s31], $0x2000  }
0x230: {  	[sflag:s31] =	ssyncset.done $0x0  }
0x231: {  	[sflag:s31] =	ssyncadd.s32 $0xFFFFE000  }
0x232: {  	_ =	swait.ge [sflag:s31], $0x800  }
0x233: {  	[sflag:s31] =	ssyncset.done $0x0  }
0x234: {  	[sflag:s31] =	ssyncadd.s32 $0xFFFFF800  }
0x235: {  	_ =	swait.ge [sflag:s0], $0x2000  }
0x236: {  	[sflag:s0] =	ssyncset.done $0x0  }
0x237: {  	[sflag:s0] =	ssyncadd.s32 $0xFFFFE000  }
0x238: {  	_ =	swait.ge [sflag:s0], $0x2000  }
0x239: {  	[sflag:s0] =	ssyncset.done $0x0  }
0x23a: {  	[sflag:s0] =	ssyncadd.s32 $0xFFFFE000  }
0x23b: {  	_ =	swait.ge [sflag:s0], $0x800  }
0x23c: {  	[sflag:s0] =	ssyncset.done $0x0  }
0x23d: {  	[sflag:s0] =	ssyncadd.s32 $0xFFFFF800  }
0x23e: {  	[bflag:$0x0] =	sbarrier.arrive $0xFFFF  }
0x23f: {  	s6 =	rddreg [dreg:$0x9]  }
0x240: {  	[hbm:s6], [sflag:s20] =	dma.local [spmem:s25], $0x1400  }
0x241: {  	_ =	swait.ge [sflag:s16], $0x1400  }
0x242: {  	[sflag:s16] =	ssyncset.done $0x0  }
0x243: {  	s6 =	simm.s32 $0x2820;
	[sflag:s16] =	ssyncadd.s32 $0xFFFFEC00  }
0x244: {  	v3 =	vld [tilespmem:s6+$0xFFFFFFE0]  }
0x245: {  	v4 =	vld [tilespmem:s6+$0x0]  }
0x246: {  	v1 =	vld [tilespmem:s6+$0x10]  }
0x247: {  	v2 =	vld [tilespmem:s6+$0xFFFFFFF0];
	_ =	sdelay $0x1  }
0x248: {  	v3 =	vadd.s32 $0x2800, v3  }
0x249: {  	s7 =	simm.s32 $0x0;
	s8 =	simm.s32 $0x2860;
	[tilespmem:s6+$0xFFFFFFE0] =	vst v3;
	v3 =	vadd.s32 $0x2800, v4  }
.LBB2_10:
0x24a: {  	v4 =	vld [tilespmem:s8+$0xFFFFFFE0];
	[tilespmem:s6+$0x0] =	vst v3;
	v1 =	vadd.s32 $0x2800, v1;
	s7 =	sadd.s32 $0x4, s7  }
0x24b: {  	v3 =	vld [tilespmem:s8+$0x0];
	v2 =	vadd.s32 $0x2800, v2;
	[tilespmem:s6+$0x10] =	vst v1;
	p0 =	slt.u32 s7, $0x27C  }
.Ltmp4:
0x24c: {  	v1 =	vld [tilespmem:s8+$0x10];
	[tilespmem:s6+$0xFFFFFFF0] =	vst v2;
	s6 =	smov.u32 s8;
	(pc) =	sbr.rel @p0 .LBB2_10-.Ltmp4, $3  }
0x24d: {  	v2 =	vld [tilespmem:s8+$0xFFFFFFF0];
	_ =	sdelay $0x1  }
0x24e: {  	v4 =	vadd.s32 $0x2800, v4  }
0x24f: {  	s8 =	sadd.s32 $0x40, s8;
	[tilespmem:s6+$0xFFFFFFE0] =	vst v4;
	v3 =	vadd.s32 $0x2800, v3  }
0x250: {  	[tilespmem:s6+$0x0] =	vst v3;
	v1 =	vadd.s32 $0x2800, v1  }
0x251: {  	v2 =	vadd.s32 $0x2800, v2;
	[tilespmem:s6+$0x10] =	vst v1  }
0x252: {  	[tilespmem:s6+$0xFFFFFFF0] =	vst v2  }
0x253: {  	[spmem:s25], [sflag:s20] =	dma.local [hbm:s9], $0x1400  }
0x254: {  	_ =	swait.ge [sflag:s16], $0x1400  }
0x255: {  	[sflag:s16] =	ssyncset.done $0x0  }
0x256: {  	[sflag:s16] =	ssyncadd.s32 $0xFFFFEC00  }
0x257: {  	s13 =	simm.s32 $0x2800;
	[bflag:$0x0] =	sbarrier.arrive $0xFFFF  }
0x258: {  	[tilespmem:s19], [sflag:$0x1] =	stream.indirect.gather [hbm4b:s5+s18], $0x40, s13, s18, $0xb8;
	[tilespmem:$0x18000] =	vst v63  }
0x259: {  	s14 =	simm.s32 $0x2880  }
0x25a: {  	[tilespmem:s21], [sflag:$0x1] =	stream.indirect.gather [hbm4b:s5+s18], $0x40, s14, s18, $0xb8;
	[tilespmem:$0x18000] =	vst v63  }
0x25b: {  	s28 =	simm.s32 $0x0  }
0x25c: {  	[tilespmem:s24], [sflag:$0x1] =	stream.linear.gather [hbm4b:s10+s28], $0x800, $0x38;
	[tilespmem:$0x18000] =	vst v63  }
0x25d: {  	s17 =	simm.s32 $0x2900  }
0x25e: {  	[tilespmem:s26], [sflag:$0x2] =	stream.indirect.gather [hbm4b:s5+s18], $0x40, s17, s18, $0xb8;
	[tilespmem:$0x18000] =	vst v63  }
0x25f: {  	s22 =	simm.s32 $0x2980  }
0x260: {  	[tilespmem:s29], [sflag:$0x2] =	stream.indirect.gather [hbm4b:s5+s18], $0x40, s22, s18, $0xb8;
	[tilespmem:$0x18000] =	vst v63  }
0x261: {  	_ = 	snop  }
0x262: {  	[tilespmem:s30], [sflag:$0x2] =	stream.linear.gather [hbm4b:s11+s28], $0x800, $0x38;
	[tilespmem:$0x18000] =	vst v63  }
.LBB2_12:
0x263: {  	_ =	swait.ge [sflag:s31], $0x2000;
	s6 =	sadd.s32 $0xFFFFFFC7, s15  }
0x264: {  	[sflag:s31] =	ssyncset.done $0x0;
	v1 =	vmov s6  }
0x265: {  	[sflag:s31] =	ssyncadd.s32 $0xFFFFE000;
	v1 =	vand.u32 $0xFFFFFFFE, v1  }
0x266: {  	_ =	swait.ge [sflag:s31], $0x2000;
	v1 =	vbroadcast v1, $0x0  }
0x267: {  	[sflag:s31] =	ssyncset.done $0x0  }
0x268: {  	[sflag:s31] =	ssyncadd.s32 $0xFFFFE000  }
0x269: {  	_ =	swait.ge [sflag:s31], $0x800  }
0x26a: {  	[sflag:s31] =	ssyncset.done $0x0  }
0x26b: {  	[sflag:s31] =	ssyncadd.s32 $0xFFFFF800  }
0x26c: {  	s6 =	simm.s32 $0x5100;
	v3 =	vld.idx.msk [tilespmem:v1+s24+$0x0], $0xffff  }
0x26d: {  	v4 =	vld [tilespmem:s6+$0xFFFFFF00]  }
0x26e: {  	v5 =	vld [tilespmem:s6+$0xFFFFFF10];
	_ =	sdelay $0x1  }
0x26f: {  	s7 =	sadd.s32 $0xFFFFFFC8, s15  }
0x270: {  	v2 =	vmov s7  }
0x271: {  	v4 =	vmul.f32 v4, v3  }
0x272: {  	v3 =	vmul.f32 v5, v3  }
0x273: {  	[tilespmem:s6+$0xFFFFFF00] =	vst v4  }
0x274: {  	v5 =	vld [tilespmem:s6+$0xFFFFFF20];
	[tilespmem:s6+$0xFFFFFF10] =	vst v3  }
0x275: {  	s14 =	sadd.s32 $0xFFFFFFCF, s15;
	v4 =	vld.idx.msk [tilespmem:v2+s24+$0x0], $0xffff  }
0x276: {  	v6 =	vld [tilespmem:s6+$0xFFFFFF30];
	v3 =	vmov s14  }
0x277: {  	v3 =	vand.u32 $0xFFFFFFFE, v3  }
0x278: {  	v3 =	vbroadcast v3, $0x0;
	_ =	sdelay $0x1  }
0x279: {  	v5 =	vmul.f32 v5, v4  }
0x27a: {  	v4 =	vmul.f32 v6, v4  }
0x27b: {  	[tilespmem:s6+$0xFFFFFF20] =	vst v5  }
0x27c: {  	v6 =	vld [tilespmem:s6+$0xFFFFFF40];
	[tilespmem:s6+$0xFFFFFF30] =	vst v4  }
0x27d: {  	v5 =	vld.idx.msk [tilespmem:v3+s24+$0x0], $0xffff  }
0x27e: {  	v7 =	vld [tilespmem:s6+$0xFFFFFF50];
	_ =	sdelay $0x1  }
0x27f: {  	s17 =	sadd.s32 $0xFFFFFFD0, s15  }
0x280: {  	v4 =	vmov s17  }
0x281: {  	v6 =	vmul.f32 v6, v5  }
0x282: {  	v5 =	vmul.f32 v7, v5  }
0x283: {  	[tilespmem:s6+$0xFFFFFF40] =	vst v6  }
0x284: {  	v7 =	vld [tilespmem:s6+$0xFFFFFF60];
	[tilespmem:s6+$0xFFFFFF50] =	vst v5  }
0x285: {  	s22 =	sadd.s32 $0xFFFFFFD7, s15;
	v6 =	vld.idx.msk [tilespmem:v4+s24+$0x0], $0xffff  }
0x286: {  	v8 =	vld [tilespmem:s6+$0xFFFFFF70];
	v5 =	vmov s22  }
0x287: {  	v5 =	vand.u32 $0xFFFFFFFE, v5  }
0x288: {  	v5 =	vbroadcast v5, $0x0;
	_ =	sdelay $0x1  }
0x289: {  	v7 =	vmul.f32 v7, v6  }
0x28a: {  	v6 =	vmul.f32 v8, v6  }
0x28b: {  	[tilespmem:s6+$0xFFFFFF60] =	vst v7  }
0x28c: {  	v8 =	vld [tilespmem:s6+$0xFFFFFF80];
	[tilespmem:s6+$0xFFFFFF70] =	vst v6  }
0x28d: {  	v7 =	vld.idx.msk [tilespmem:v5+s24+$0x0], $0xffff  }
0x28e: {  	v9 =	vld [tilespmem:s6+$0xFFFFFF90];
	_ =	sdelay $0x1  }
0x28f: {  	s8 =	sadd.s32 $0xFFFFFFD8, s15  }
0x290: {  	v6 =	vmov s8  }
0x291: {  	v8 =	vmul.f32 v8, v7  }
0x292: {  	v7 =	vmul.f32 v9, v7  }
0x293: {  	[tilespmem:s6+$0xFFFFFF80] =	vst v8  }
0x294: {  	v9 =	vld [tilespmem:s6+$0xFFFFFFA0];
	[tilespmem:s6+$0xFFFFFF90] =	vst v7  }
0x295: {  	s13 =	sadd.s32 $0xFFFFFFDF, s15;
	v8 =	vld.idx.msk [tilespmem:v6+s24+$0x0], $0xffff  }
0x296: {  	v10 =	vld [tilespmem:s6+$0xFFFFFFB0];
	v7 =	vmov s13  }
0x297: {  	v7 =	vand.u32 $0xFFFFFFFE, v7  }
0x298: {  	v7 =	vbroadcast v7, $0x0;
	_ =	sdelay $0x1  }
0x299: {  	v9 =	vmul.f32 v9, v8  }
0x29a: {  	v8 =	vmul.f32 v10, v8  }
0x29b: {  	[tilespmem:s6+$0xFFFFFFA0] =	vst v9  }
0x29c: {  	v10 =	vld [tilespmem:s6+$0xFFFFFFC0];
	[tilespmem:s6+$0xFFFFFFB0] =	vst v8  }
0x29d: {  	v9 =	vld.idx.msk [tilespmem:v7+s24+$0x0], $0xffff  }
0x29e: {  	v11 =	vld [tilespmem:s6+$0xFFFFFFD0];
	_ =	sdelay $0x1  }
0x29f: {  	s14 =	sadd.s32 $0xFFFFFFE0, s15  }
0x2a0: {  	v8 =	vmov s14  }
0x2a1: {  	v10 =	vmul.f32 v10, v9  }
0x2a2: {  	v9 =	vmul.f32 v11, v9  }
0x2a3: {  	[tilespmem:s6+$0xFFFFFFC0] =	vst v10  }
0x2a4: {  	v11 =	vld [tilespmem:s6+$0xFFFFFFE0];
	[tilespmem:s6+$0xFFFFFFD0] =	vst v9  }
0x2a5: {  	s17 =	sadd.s32 $0xFFFFFFE7, s15;
	v10 =	vld.idx.msk [tilespmem:v8+s24+$0x0], $0xffff  }
0x2a6: {  	v12 =	vld [tilespmem:s6+$0xFFFFFFF0];
	v9 =	vmov s17  }
0x2a7: {  	v9 =	vand.u32 $0xFFFFFFFE, v9  }
0x2a8: {  	v9 =	vbroadcast v9, $0x0;
	_ =	sdelay $0x1  }
0x2a9: {  	v11 =	vmul.f32 v11, v10  }
0x2aa: {  	v10 =	vmul.f32 v12, v10  }
0x2ab: {  	[tilespmem:s6+$0xFFFFFFE0] =	vst v11  }
0x2ac: {  	v12 =	vld [tilespmem:s6+$0x0];
	[tilespmem:s6+$0xFFFFFFF0] =	vst v10  }
0x2ad: {  	v11 =	vld.idx.msk [tilespmem:v9+s24+$0x0], $0xffff  }
0x2ae: {  	v13 =	vld [tilespmem:s6+$0x10];
	_ =	sdelay $0x1  }
0x2af: {  	s22 =	sadd.s32 $0xFFFFFFE8, s15  }
0x2b0: {  	v10 =	vmov s22  }
0x2b1: {  	v12 =	vmul.f32 v12, v11  }
0x2b2: {  	v11 =	vmul.f32 v13, v11  }
0x2b3: {  	[tilespmem:s6+$0x0] =	vst v12  }
0x2b4: {  	v13 =	vld [tilespmem:s6+$0x20];
	[tilespmem:s6+$0x10] =	vst v11  }
0x2b5: {  	s8 =	sadd.s32 $0xFFFFFFEF, s15;
	v12 =	vld.idx.msk [tilespmem:v10+s24+$0x0], $0xffff  }
0x2b6: {  	v14 =	vld [tilespmem:s6+$0x30];
	v11 =	vmov s8  }
0x2b7: {  	v11 =	vand.u32 $0xFFFFFFFE, v11  }
0x2b8: {  	v11 =	vbroadcast v11, $0x0;
	_ =	sdelay $0x1  }
0x2b9: {  	v13 =	vmul.f32 v13, v12  }
0x2ba: {  	v12 =	vmul.f32 v14, v12  }
0x2bb: {  	[tilespmem:s6+$0x20] =	vst v13  }
0x2bc: {  	v14 =	vld [tilespmem:s6+$0x40];
	[tilespmem:s6+$0x30] =	vst v12  }
0x2bd: {  	v13 =	vld.idx.msk [tilespmem:v11+s24+$0x0], $0xffff  }
0x2be: {  	v15 =	vld [tilespmem:s6+$0x50];
	_ =	sdelay $0x1  }
0x2bf: {  	s13 =	sadd.s32 $0xFFFFFFF0, s15  }
0x2c0: {  	v12 =	vmov s13  }
0x2c1: {  	v14 =	vmul.f32 v14, v13  }
0x2c2: {  	v13 =	vmul.f32 v15, v13  }
0x2c3: {  	[tilespmem:s6+$0x40] =	vst v14  }
0x2c4: {  	v15 =	vld [tilespmem:s6+$0x60];
	[tilespmem:s6+$0x50] =	vst v13  }
0x2c5: {  	s14 =	sadd.s32 $0xFFFFFFF7, s15;
	v14 =	vld.idx.msk [tilespmem:v12+s24+$0x0], $0xffff  }
0x2c6: {  	v16 =	vld [tilespmem:s6+$0x70];
	v13 =	vmov s14  }
0x2c7: {  	v13 =	vand.u32 $0xFFFFFFFE, v13  }
0x2c8: {  	v13 =	vbroadcast v13, $0x0;
	_ =	sdelay $0x1  }
0x2c9: {  	v15 =	vmul.f32 v15, v14  }
0x2ca: {  	v14 =	vmul.f32 v16, v14  }
0x2cb: {  	[tilespmem:s6+$0x60] =	vst v15  }
0x2cc: {  	v16 =	vld [tilespmem:s6+$0x80];
	[tilespmem:s6+$0x70] =	vst v14  }
0x2cd: {  	v15 =	vld.idx.msk [tilespmem:v13+s24+$0x0], $0xffff  }
0x2ce: {  	v17 =	vld [tilespmem:s6+$0x90];
	_ =	sdelay $0x1  }
0x2cf: {  	s17 =	sadd.s32 $0xFFFFFFF8, s15  }
0x2d0: {  	v14 =	vmov s17  }
0x2d1: {  	v16 =	vmul.f32 v16, v15  }
0x2d2: {  	v15 =	vmul.f32 v17, v15  }
0x2d3: {  	[tilespmem:s6+$0x80] =	vst v16  }
0x2d4: {  	v17 =	vld [tilespmem:s6+$0xA0];
	[tilespmem:s6+$0x90] =	vst v15  }
0x2d5: {  	s22 =	sadd.s32 $0xFFFFFFFF, s15;
	v16 =	vld.idx.msk [tilespmem:v14+s24+$0x0], $0xffff  }
0x2d6: {  	v18 =	vld [tilespmem:s6+$0xB0];
	v15 =	vmov s22  }
0x2d7: {  	v15 =	vand.u32 $0xFFFFFFFE, v15  }
0x2d8: {  	v15 =	vbroadcast v15, $0x0;
	_ =	sdelay $0x1  }
0x2d9: {  	v17 =	vmul.f32 v17, v16  }
0x2da: {  	v16 =	vmul.f32 v18, v16  }
0x2db: {  	v19 =	vld [tilespmem:s6+$0xD0];
	[tilespmem:s6+$0xA0] =	vst v17  }
0x2dc: {  	[tilespmem:s6+$0xB0] =	vst v16;
	v17 =	vld [tilespmem:s6+$0xC0]  }
0x2dd: {  	s7 =	simm.s32 $0x5100;
	s8 =	simm.s32 $0x0;
	s13 =	smov.u32 s15;
	v16 =	vmov s15;
	v18 =	vld.idx.msk [tilespmem:v15+s24+$0x0], $0xffff  }
.LBB2_13:
0x2de: {  	_ = 	snop  }
0x2df: {  	s8 =	sadd.s32 $0x8, s8;
	s13 =	sadd.s32 $0x40, s13;
	s6 =	sadd.s32 $0x200, s6  }
0x2e0: {  	p0 =	slt.u32 s8, $0xF8;
	_ =	sdelay $0x1  }
0x2e1: {  	v17 =	vmul.f32 v17, v18;
	v18 =	vmul.f32 v19, v18;
	_ =	sdelay $0x1  }
0x2e2: {  	[tilespmem:s7+$0xC0] =	vst v17  }
0x2e3: {  	[tilespmem:s7+$0xD0] =	vst v18;
	v17 =	vld [tilespmem:s7+$0xE0]  }
0x2e4: {  	v16 =	vld.idx.msk [tilespmem:v16+s24+$0x0], $0xffff  }
0x2e5: {  	s14 =	sadd.s32 $0xFFFFFFC7, s13;
	v18 =	vld [tilespmem:s7+$0xF0]  }
0x2e6: {  	v19 =	vmov s14  }
0x2e7: {  	v19 =	vand.u32 $0xFFFFFFFE, v19  }
0x2e8: {  	v19 =	vbroadcast v19, $0x0;
	_ =	sdelay $0x1  }
0x2e9: {  	v17 =	vmul.f32 v17, v16;
	v16 =	vmul.f32 v18, v16;
	_ =	sdelay $0x1  }
0x2ea: {  	[tilespmem:s7+$0xE0] =	vst v17  }
0x2eb: {  	v17 =	vld [tilespmem:s6+$0xFFFFFF10];
	[tilespmem:s7+$0xF0] =	vst v16;
	s7 =	smov.u32 s6  }
0x2ec: {  	v16 =	vld.idx.msk [tilespmem:v19+s24+$0x0], $0xffff  }
0x2ed: {  	v18 =	vld [tilespmem:s6+$0xFFFFFF00];
	_ =	sdelay $0x1  }
0x2ee: {  	s14 =	sadd.s32 $0xFFFFFFC8, s13  }
0x2ef: {  	v19 =	vmov s14;
	_ =	sdelay $0x1  }
0x2f0: {  	v18 =	vmul.f32 v18, v16;
	v16 =	vmul.f32 v17, v16;
	_ =	sdelay $0x1  }
0x2f1: {  	[tilespmem:s6+$0xFFFFFF00] =	vst v18  }
0x2f2: {  	s14 =	sadd.s32 $0xFFFFFFCF, s13;
	[tilespmem:s6+$0xFFFFFF10] =	vst v16;
	v16 =	vld [tilespmem:s6+$0xFFFFFF30]  }
0x2f3: {  	v18 =	vmov s14;
	v17 =	vld.idx.msk [tilespmem:v19+s24+$0x0], $0xffff  }
0x2f4: {  	v18 =	vand.u32 $0xFFFFFFFE, v18;
	v19 =	vld [tilespmem:s6+$0xFFFFFF20]  }
0x2f5: {  	v18 =	vbroadcast v18, $0x0;
	_ =	sdelay $0x3  }
0x2f6: {  	v16 =	vmul.f32 v16, v17;
	v19 =	vmul.f32 v19, v17;
	_ =	sdelay $0x1  }
0x2f7: {  	[tilespmem:s6+$0xFFFFFF20] =	vst v19  }
0x2f8: {  	[tilespmem:s6+$0xFFFFFF30] =	vst v16;
	v16 =	vld [tilespmem:s6+$0xFFFFFF50]  }
0x2f9: {  	v17 =	vld.idx.msk [tilespmem:v18+s24+$0x0], $0xffff  }
0x2fa: {  	s14 =	sadd.s32 $0xFFFFFFD0, s13;
	v18 =	vld [tilespmem:s6+$0xFFFFFF40]  }
0x2fb: {  	v19 =	vmov s14;
	_ =	sdelay $0x3  }
0x2fc: {  	v16 =	vmul.f32 v16, v17;
	v18 =	vmul.f32 v18, v17  }
0x2fd: {  	s14 =	sadd.s32 $0xFFFFFFD7, s13  }
0x2fe: {  	v17 =	vmov s14;
	[tilespmem:s6+$0xFFFFFF40] =	vst v18  }
0x2ff: {  	v17 =	vand.u32 $0xFFFFFFFE, v17;
	[tilespmem:s6+$0xFFFFFF50] =	vst v16;
	v16 =	vld [tilespmem:s6+$0xFFFFFF70]  }
0x300: {  	v17 =	vbroadcast v17, $0x0;
	v18 =	vld.idx.msk [tilespmem:v19+s24+$0x0], $0xffff  }
0x301: {  	v19 =	vld [tilespmem:s6+$0xFFFFFF60];
	_ =	sdelay $0x4  }
0x302: {  	v16 =	vmul.f32 v16, v18;
	v19 =	vmul.f32 v19, v18;
	_ =	sdelay $0x1  }
0x303: {  	[tilespmem:s6+$0xFFFFFF60] =	vst v19  }
0x304: {  	s14 =	sadd.s32 $0xFFFFFFD8, s13;
	[tilespmem:s6+$0xFFFFFF70] =	vst v16;
	v16 =	vld [tilespmem:s6+$0xFFFFFF90]  }
0x305: {  	v18 =	vmov s14;
	v17 =	vld.idx.msk [tilespmem:v17+s24+$0x0], $0xffff  }
0x306: {  	v19 =	vld [tilespmem:s6+$0xFFFFFF80];
	_ =	sdelay $0x3  }
0x307: {  	s14 =	sadd.s32 $0xFFFFFFDF, s13  }
0x308: {  	v16 =	vmul.f32 v16, v17;
	v19 =	vmul.f32 v19, v17;
	v17 =	vmov s14  }
0x309: {  	v17 =	vand.u32 $0xFFFFFFFE, v17  }
0x30a: {  	[tilespmem:s6+$0xFFFFFF80] =	vst v19;
	v17 =	vbroadcast v17, $0x0  }
0x30b: {  	[tilespmem:s6+$0xFFFFFF90] =	vst v16;
	v16 =	vld [tilespmem:s6+$0xFFFFFFB0]  }
0x30c: {  	v18 =	vld.idx.msk [tilespmem:v18+s24+$0x0], $0xffff  }
0x30d: {  	v19 =	vld [tilespmem:s6+$0xFFFFFFA0];
	_ =	sdelay $0x4  }
0x30e: {  	v16 =	vmul.f32 v16, v18;
	v19 =	vmul.f32 v19, v18  }
0x30f: {  	s14 =	sadd.s32 $0xFFFFFFE0, s13  }
0x310: {  	v18 =	vmov s14;
	[tilespmem:s6+$0xFFFFFFA0] =	vst v19  }
0x311: {  	[tilespmem:s6+$0xFFFFFFB0] =	vst v16;
	v16 =	vld [tilespmem:s6+$0xFFFFFFD0]  }
0x312: {  	v17 =	vld.idx.msk [tilespmem:v17+s24+$0x0], $0xffff  }
0x313: {  	v19 =	vld [tilespmem:s6+$0xFFFFFFC0];
	_ =	sdelay $0x1  }
0x314: {  	s14 =	sadd.s32 $0xFFFFFFE7, s13  }
0x315: {  	v21 =	vmov s14;
	v20 =	vld [tilespmem:s6+$0xFFFFFFF0]  }
0x316: {  	v21 =	vand.u32 $0xFFFFFFFE, v21  }
0x317: {  	v21 =	vbroadcast v21, $0x0;
	v19 =	vmul.f32 v19, v17  }
0x318: {  	v16 =	vmul.f32 v16, v17  }
0x319: {  	[tilespmem:s6+$0xFFFFFFC0] =	vst v19  }
0x31a: {  	[tilespmem:s6+$0xFFFFFFD0] =	vst v16  }
0x31b: {  	v16 =	vld.idx.msk [tilespmem:v18+s24+$0x0], $0xffff  }
0x31c: {  	v17 =	vld [tilespmem:s6+$0xFFFFFFE0];
	_ =	sdelay $0x3  }
0x31d: {  	s14 =	sadd.s32 $0xFFFFFFE8, s13  }
0x31e: {  	v18 =	vmov s14;
	v17 =	vmul.f32 v17, v16;
	v16 =	vmul.f32 v20, v16;
	_ =	sdelay $0x1  }
0x31f: {  	[tilespmem:s6+$0xFFFFFFE0] =	vst v17  }
0x320: {  	[tilespmem:s6+$0xFFFFFFF0] =	vst v16;
	v16 =	vld [tilespmem:s6+$0x10]  }
0x321: {  	v17 =	vld.idx.msk [tilespmem:v21+s24+$0x0], $0xffff  }
0x322: {  	s14 =	sadd.s32 $0xFFFFFFEF, s13;
	v19 =	vld [tilespmem:s6+$0x0]  }
0x323: {  	v20 =	vmov s14  }
0x324: {  	v20 =	vand.u32 $0xFFFFFFFE, v20  }
0x325: {  	v20 =	vbroadcast v20, $0x0;
	_ =	sdelay $0x1  }
0x326: {  	v16 =	vmul.f32 v16, v17;
	v19 =	vmul.f32 v19, v17;
	_ =	sdelay $0x1  }
0x327: {  	[tilespmem:s6+$0x0] =	vst v19  }
0x328: {  	[tilespmem:s6+$0x10] =	vst v16;
	v16 =	vld [tilespmem:s6+$0x30]  }
0x329: {  	v17 =	vld.idx.msk [tilespmem:v18+s24+$0x0], $0xffff  }
0x32a: {  	v18 =	vld [tilespmem:s6+$0x20];
	_ =	sdelay $0x1  }
0x32b: {  	s14 =	sadd.s32 $0xFFFFFFF0, s13  }
0x32c: {  	v19 =	vmov s14;
	_ =	sdelay $0x1  }
0x32d: {  	v16 =	vmul.f32 v16, v17;
	v18 =	vmul.f32 v18, v17;
	_ =	sdelay $0x1  }
0x32e: {  	[tilespmem:s6+$0x20] =	vst v18  }
0x32f: {  	s14 =	sadd.s32 $0xFFFFFFF7, s13;
	[tilespmem:s6+$0x30] =	vst v16;
	v16 =	vld [tilespmem:s6+$0x50]  }
0x330: {  	v18 =	vmov s14;
	v17 =	vld.idx.msk [tilespmem:v20+s24+$0x0], $0xffff  }
0x331: {  	v18 =	vand.u32 $0xFFFFFFFE, v18;
	v20 =	vld [tilespmem:s6+$0x40]  }
0x332: {  	v18 =	vbroadcast v18, $0x0;
	_ =	sdelay $0x3  }
0x333: {  	v16 =	vmul.f32 v16, v17;
	v20 =	vmul.f32 v20, v17;
	_ =	sdelay $0x1  }
0x334: {  	[tilespmem:s6+$0x40] =	vst v20  }
0x335: {  	[tilespmem:s6+$0x50] =	vst v16;
	v16 =	vld [tilespmem:s6+$0x70]  }
0x336: {  	v17 =	vld.idx.msk [tilespmem:v19+s24+$0x0], $0xffff  }
0x337: {  	s14 =	sadd.s32 $0xFFFFFFF8, s13;
	v19 =	vld [tilespmem:s6+$0x60]  }
0x338: {  	v20 =	vmov s14;
	_ =	sdelay $0x3  }
0x339: {  	v16 =	vmul.f32 v16, v17;
	v19 =	vmul.f32 v19, v17  }
0x33a: {  	s14 =	sadd.s32 $0xFFFFFFFF, s13  }
0x33b: {  	v17 =	vmov s14;
	[tilespmem:s6+$0x60] =	vst v19  }
0x33c: {  	v17 =	vand.u32 $0xFFFFFFFE, v17;
	[tilespmem:s6+$0x70] =	vst v16;
	v16 =	vld [tilespmem:s6+$0x90]  }
0x33d: {  	v19 =	vbroadcast v17, $0x0;
	v18 =	vld.idx.msk [tilespmem:v18+s24+$0x0], $0xffff  }
0x33e: {  	v17 =	vld [tilespmem:s6+$0x80];
	_ =	sdelay $0x4  }
0x33f: {  	v16 =	vmul.f32 v16, v18;
	v17 =	vmul.f32 v17, v18;
	_ =	sdelay $0x1  }
0x340: {  	[tilespmem:s6+$0x80] =	vst v17  }
0x341: {  	[tilespmem:s6+$0x90] =	vst v16;
	v17 =	vld [tilespmem:s6+$0xB0]  }
0x342: {  	v16 =	vmov s13;
	v18 =	vld.idx.msk [tilespmem:v20+s24+$0x0], $0xffff  }
0x343: {  	v20 =	vld [tilespmem:s6+$0xA0];
	_ =	sdelay $0x4  }
0x344: {  	v17 =	vmul.f32 v17, v18;
	v20 =	vmul.f32 v20, v18  }
.Ltmp5:
0x345: {  	(pc) =	sbr.rel @p0 .LBB2_13-.Ltmp5, $4  }
0x346: {  	[tilespmem:s6+$0xA0] =	vst v20  }
0x347: {  	[tilespmem:s6+$0xB0] =	vst v17;
	v17 =	vld [tilespmem:s6+$0xC0]  }
0x348: {  	v18 =	vld.idx.msk [tilespmem:v19+s24+$0x0], $0xffff  }
0x349: {  	v19 =	vld [tilespmem:s6+$0xD0]  }
0x34a: {  	_ =	sdelay $0x2  }
0x34b: {  	v17 =	vmul.f32 v17, v18  }
0x34c: {  	v58 =	vmul.f32 v19, v18  }
0x34d: {  	[tilespmem:s7+$0xC0] =	vst v17  }
0x34e: {  	v59 =	vld [tilespmem:s7+$0xE0];
	[tilespmem:s7+$0xD0] =	vst v58  }
0x34f: {  	v16 =	vld.idx.msk [tilespmem:v16+s24+$0x0], $0xffff  }
0x350: {  	v60 =	vld [tilespmem:s7+$0xF0];
	_ =	sdelay $0x3  }
0x351: {  	v17 =	vmul.f32 v59, v16  }
0x352: {  	v16 =	vmul.f32 v60, v16  }
0x353: {  	s6 =	sshll.u32 s28, $0x9;
	[tilespmem:s7+$0xE0] =	vst v17  }
0x354: {  	s6 =	sand.u32 $0x3FFFFE00, s6;
	[tilespmem:s7+$0xF0] =	vst v16  }
0x355: {  	[spmem:s3] =	stream.indirect.scatter.add.f32 [tilespmem:s19], [sflag:$0x3], $0x40, s6, s18, $0xb8;
	[tilespmem:$0x18000] =	vst v63  }
0x356: {  	_ =	swait.ge [sflag:s16], $0x2000  }
0x357: {  	s7 =	sshll.u32 s28, $0x1;
	[sflag:s16] =	ssyncset.done $0x0  }
0x358: {  	s8 =	sor.u32 $0x80, s6;
	s22 =	smin.u32 s7, $0x25;
	[sflag:s16] =	ssyncadd.s32 $0xFFFFE000  }
0x359: {  	[spmem:s3] =	stream.indirect.scatter.add.f32 [tilespmem:s21], [sflag:$0x3], $0x40, s8, s18, $0xb8;
	[tilespmem:$0x18000] =	vst v63  }
0x35a: {  	s8 =	sadd.s32 $0x2, s22;
	_ =	swait.ge [sflag:s16], $0x2000  }
0x35b: {  	s13 =	sshll.u32 s8, $0x8;
	s8 =	sshll.u32 s8, $0xB;
	[sflag:s16] =	ssyncset.done $0x0  }
0x35c: {  	s14 =	sadd.s32 $0x2800, s13;
	s8 =	sadd.s32 s12, s8;
	[sflag:s16] =	ssyncadd.s32 $0xFFFFE000  }
0x35d: {  	[tilespmem:s19], [sflag:$0x1] =	stream.indirect.gather [hbm4b:s5+s18], $0x40, s14, s18, $0xb8;
	[tilespmem:$0x18000] =	vst v63  }
0x35e: {  	s13 =	sadd.s32 $0x2880, s13;
	s8 =	sshrl.u32 s8, $0x3  }
0x35f: {  	[tilespmem:s21], [sflag:$0x1] =	stream.indirect.gather [hbm4b:s5+s18], $0x40, s13, s18, $0xb8;
	[tilespmem:$0x18000] =	vst v63  }
0x360: {  	s8 =	sadd.s32 s2, s8  }
0x361: {  	[tilespmem:s24], [sflag:$0x1] =	stream.linear.gather [hbm4b:s8+s4], $0x800, $0x38;
	[tilespmem:$0x18000] =	vst v63  }
0x362: {  	_ =	swait.ge [sflag:s0], $0x2000  }
0x363: {  	[sflag:s0] =	ssyncset.done $0x0  }
0x364: {  	[sflag:s0] =	ssyncadd.s32 $0xFFFFE000  }
0x365: {  	_ =	swait.ge [sflag:s0], $0x2000  }
0x366: {  	[sflag:s0] =	ssyncset.done $0x0  }
0x367: {  	[sflag:s0] =	ssyncadd.s32 $0xFFFFE000  }
0x368: {  	_ =	swait.ge [sflag:s0], $0x800  }
0x369: {  	[sflag:s0] =	ssyncset.done $0x0  }
0x36a: {  	[sflag:s0] =	ssyncadd.s32 $0xFFFFF800  }
0x36b: {  	s8 =	simm.s32 $0x9100;
	v1 =	vld.idx.msk [tilespmem:v1+s30+$0x0], $0xffff  }
0x36c: {  	v61 =	vld [tilespmem:s8+$0xFFFFFF00]  }
0x36d: {  	v62 =	vld [tilespmem:s8+$0xFFFFFF10];
	_ =	sdelay $0x3  }
0x36e: {  	v16 =	vmul.f32 v61, v1  }
0x36f: {  	v1 =	vmul.f32 v62, v1  }
0x370: {  	[tilespmem:s8+$0xFFFFFF00] =	vst v16  }
0x371: {  	[tilespmem:s8+$0xFFFFFF10] =	vst v1  }
0x372: {  	v1 =	vld.idx.msk [tilespmem:v2+s30+$0x0], $0xffff  }
0x373: {  	v2 =	vld [tilespmem:s8+$0xFFFFFF20]  }
0x374: {  	v63 =	vld [tilespmem:s8+$0xFFFFFF30];
	_ =	sdelay $0x3  }
0x375: {  	v2 =	vmul.f32 v2, v1  }
0x376: {  	v1 =	vmul.f32 v63, v1  }
0x377: {  	[tilespmem:s8+$0xFFFFFF20] =	vst v2  }
0x378: {  	[tilespmem:s8+$0xFFFFFF30] =	vst v1;
	v2 =	vld [tilespmem:s8+$0xFFFFFF40]  }
0x379: {  	v1 =	vld.idx.msk [tilespmem:v3+s30+$0x0], $0xffff  }
0x37a: {  	v3 =	vld [tilespmem:s8+$0xFFFFFF50];
	_ =	sdelay $0x3  }
0x37b: {  	v2 =	vmul.f32 v2, v1  }
0x37c: {  	v1 =	vmul.f32 v3, v1  }
0x37d: {  	[tilespmem:s8+$0xFFFFFF40] =	vst v2  }
0x37e: {  	[tilespmem:s8+$0xFFFFFF50] =	vst v1;
	v2 =	vld [tilespmem:s8+$0xFFFFFF60]  }
0x37f: {  	v1 =	vld.idx.msk [tilespmem:v4+s30+$0x0], $0xffff  }
0x380: {  	v3 =	vld [tilespmem:s8+$0xFFFFFF70];
	_ =	sdelay $0x3  }
0x381: {  	v2 =	vmul.f32 v2, v1  }
0x382: {  	v1 =	vmul.f32 v3, v1  }
0x383: {  	[tilespmem:s8+$0xFFFFFF60] =	vst v2  }
0x384: {  	[tilespmem:s8+$0xFFFFFF70] =	vst v1;
	v2 =	vld [tilespmem:s8+$0xFFFFFF80]  }
0x385: {  	v1 =	vld.idx.msk [tilespmem:v5+s30+$0x0], $0xffff  }
0x386: {  	v3 =	vld [tilespmem:s8+$0xFFFFFF90];
	_ =	sdelay $0x3  }
0x387: {  	v2 =	vmul.f32 v2, v1  }
0x388: {  	v1 =	vmul.f32 v3, v1  }
0x389: {  	[tilespmem:s8+$0xFFFFFF80] =	vst v2  }
0x38a: {  	[tilespmem:s8+$0xFFFFFF90] =	vst v1;
	v2 =	vld [tilespmem:s8+$0xFFFFFFA0]  }
0x38b: {  	v1 =	vld.idx.msk [tilespmem:v6+s30+$0x0], $0xffff  }
0x38c: {  	v3 =	vld [tilespmem:s8+$0xFFFFFFB0];
	_ =	sdelay $0x3  }
0x38d: {  	v2 =	vmul.f32 v2, v1  }
0x38e: {  	v1 =	vmul.f32 v3, v1  }
0x38f: {  	[tilespmem:s8+$0xFFFFFFA0] =	vst v2  }
0x390: {  	[tilespmem:s8+$0xFFFFFFB0] =	vst v1;
	v2 =	vld [tilespmem:s8+$0xFFFFFFC0]  }
0x391: {  	v1 =	vld.idx.msk [tilespmem:v7+s30+$0x0], $0xffff  }
0x392: {  	v3 =	vld [tilespmem:s8+$0xFFFFFFD0];
	_ =	sdelay $0x3  }
0x393: {  	v2 =	vmul.f32 v2, v1  }
0x394: {  	v1 =	vmul.f32 v3, v1  }
0x395: {  	[tilespmem:s8+$0xFFFFFFC0] =	vst v2  }
0x396: {  	[tilespmem:s8+$0xFFFFFFD0] =	vst v1;
	v2 =	vld [tilespmem:s8+$0xFFFFFFE0]  }
0x397: {  	v1 =	vld.idx.msk [tilespmem:v8+s30+$0x0], $0xffff  }
0x398: {  	v4 =	vld [tilespmem:s8+$0xFFFFFFF0];
	_ =	sdelay $0x3  }
0x399: {  	v2 =	vmul.f32 v2, v1  }
0x39a: {  	v1 =	vmul.f32 v4, v1  }
0x39b: {  	[tilespmem:s8+$0xFFFFFFE0] =	vst v2  }
0x39c: {  	[tilespmem:s8+$0xFFFFFFF0] =	vst v1;
	v2 =	vld [tilespmem:s8+$0x0]  }
0x39d: {  	v1 =	vld.idx.msk [tilespmem:v9+s30+$0x0], $0xffff  }
0x39e: {  	v3 =	vld [tilespmem:s8+$0x10];
	_ =	sdelay $0x3  }
0x39f: {  	v2 =	vmul.f32 v2, v1  }
0x3a0: {  	v1 =	vmul.f32 v3, v1  }
0x3a1: {  	[tilespmem:s8+$0x0] =	vst v2  }
0x3a2: {  	[tilespmem:s8+$0x10] =	vst v1;
	v2 =	vld [tilespmem:s8+$0x20]  }
0x3a3: {  	v1 =	vld.idx.msk [tilespmem:v10+s30+$0x0], $0xffff  }
0x3a4: {  	v3 =	vld [tilespmem:s8+$0x30];
	_ =	sdelay $0x3  }
0x3a5: {  	v2 =	vmul.f32 v2, v1  }
0x3a6: {  	v1 =	vmul.f32 v3, v1  }
0x3a7: {  	[tilespmem:s8+$0x20] =	vst v2  }
0x3a8: {  	[tilespmem:s8+$0x30] =	vst v1;
	v2 =	vld [tilespmem:s8+$0x40]  }
0x3a9: {  	v1 =	vld.idx.msk [tilespmem:v11+s30+$0x0], $0xffff  }
0x3aa: {  	v3 =	vld [tilespmem:s8+$0x50];
	_ =	sdelay $0x3  }
0x3ab: {  	v2 =	vmul.f32 v2, v1  }
0x3ac: {  	v1 =	vmul.f32 v3, v1  }
0x3ad: {  	[tilespmem:s8+$0x40] =	vst v2  }
0x3ae: {  	[tilespmem:s8+$0x50] =	vst v1;
	v2 =	vld [tilespmem:s8+$0x60]  }
0x3af: {  	v1 =	vld.idx.msk [tilespmem:v12+s30+$0x0], $0xffff  }
0x3b0: {  	v3 =	vld [tilespmem:s8+$0x70];
	_ =	sdelay $0x3  }
0x3b1: {  	v2 =	vmul.f32 v2, v1  }
0x3b2: {  	v1 =	vmul.f32 v3, v1  }
0x3b3: {  	[tilespmem:s8+$0x60] =	vst v2  }
0x3b4: {  	[tilespmem:s8+$0x70] =	vst v1;
	v2 =	vld [tilespmem:s8+$0x80]  }
0x3b5: {  	v1 =	vld.idx.msk [tilespmem:v13+s30+$0x0], $0xffff  }
0x3b6: {  	v3 =	vld [tilespmem:s8+$0x90];
	_ =	sdelay $0x3  }
0x3b7: {  	v2 =	vmul.f32 v2, v1  }
0x3b8: {  	v1 =	vmul.f32 v3, v1  }
0x3b9: {  	[tilespmem:s8+$0x80] =	vst v2  }
0x3ba: {  	[tilespmem:s8+$0x90] =	vst v1;
	v2 =	vld [tilespmem:s8+$0xA0]  }
0x3bb: {  	v1 =	vld.idx.msk [tilespmem:v14+s30+$0x0], $0xffff  }
0x3bc: {  	v3 =	vld [tilespmem:s8+$0xB0];
	_ =	sdelay $0x3  }
0x3bd: {  	v2 =	vmul.f32 v2, v1  }
0x3be: {  	v1 =	vmul.f32 v3, v1  }
0x3bf: {  	v4 =	vld [tilespmem:s8+$0xD0];
	[tilespmem:s8+$0xA0] =	vst v2  }
0x3c0: {  	[tilespmem:s8+$0xB0] =	vst v1;
	v2 =	vld [tilespmem:s8+$0xC0]  }
0x3c1: {  	s22 =	smov.u32 s15;
	s14 =	simm.s32 $0x0;
	s13 =	simm.s32 $0x9100;
	v1 =	vmov s15;
	v3 =	vld.idx.msk [tilespmem:v15+s30+$0x0], $0xffff  }
.LBB2_15:
0x3c2: {  	_ = 	snop  }
0x3c3: {  	s14 =	sadd.s32 $0x8, s14;
	s22 =	sadd.s32 $0x40, s22;
	s8 =	sadd.s32 $0x200, s8  }
0x3c4: {  	p0 =	slt.u32 s14, $0xF8;
	_ =	sdelay $0x1  }
0x3c5: {  	v2 =	vmul.f32 v2, v3;
	v3 =	vmul.f32 v4, v3;
	_ =	sdelay $0x1  }
0x3c6: {  	[tilespmem:s13+$0xC0] =	vst v2  }
0x3c7: {  	[tilespmem:s13+$0xD0] =	vst v3;
	v2 =	vld [tilespmem:s13+$0xE0]  }
0x3c8: {  	v1 =	vld.idx.msk [tilespmem:v1+s30+$0x0], $0xffff  }
0x3c9: {  	s17 =	sadd.s32 $0xFFFFFFC7, s22;
	v3 =	vld [tilespmem:s13+$0xF0]  }
0x3ca: {  	v4 =	vmov s17  }
0x3cb: {  	v4 =	vand.u32 $0xFFFFFFFE, v4  }
0x3cc: {  	v4 =	vbroadcast v4, $0x0;
	_ =	sdelay $0x1  }
0x3cd: {  	v2 =	vmul.f32 v2, v1;
	v1 =	vmul.f32 v3, v1;
	_ =	sdelay $0x1  }
0x3ce: {  	[tilespmem:s13+$0xE0] =	vst v2  }
0x3cf: {  	v2 =	vld [tilespmem:s8+$0xFFFFFF10];
	[tilespmem:s13+$0xF0] =	vst v1;
	s13 =	smov.u32 s8  }
0x3d0: {  	v1 =	vld.idx.msk [tilespmem:v4+s30+$0x0], $0xffff  }
0x3d1: {  	v3 =	vld [tilespmem:s8+$0xFFFFFF00];
	_ =	sdelay $0x1  }
0x3d2: {  	s17 =	sadd.s32 $0xFFFFFFC8, s22  }
0x3d3: {  	v4 =	vmov s17;
	_ =	sdelay $0x1  }
0x3d4: {  	v3 =	vmul.f32 v3, v1;
	v1 =	vmul.f32 v2, v1;
	_ =	sdelay $0x1  }
0x3d5: {  	[tilespmem:s8+$0xFFFFFF00] =	vst v3  }
0x3d6: {  	s17 =	sadd.s32 $0xFFFFFFCF, s22;
	[tilespmem:s8+$0xFFFFFF10] =	vst v1;
	v1 =	vld [tilespmem:s8+$0xFFFFFF30]  }
0x3d7: {  	v3 =	vmov s17;
	v2 =	vld.idx.msk [tilespmem:v4+s30+$0x0], $0xffff  }
0x3d8: {  	v3 =	vand.u32 $0xFFFFFFFE, v3;
	v4 =	vld [tilespmem:s8+$0xFFFFFF20]  }
0x3d9: {  	v3 =	vbroadcast v3, $0x0;
	_ =	sdelay $0x3  }
0x3da: {  	v1 =	vmul.f32 v1, v2;
	v4 =	vmul.f32 v4, v2;
	_ =	sdelay $0x1  }
0x3db: {  	[tilespmem:s8+$0xFFFFFF20] =	vst v4  }
0x3dc: {  	[tilespmem:s8+$0xFFFFFF30] =	vst v1;
	v1 =	vld [tilespmem:s8+$0xFFFFFF50]  }
0x3dd: {  	v2 =	vld.idx.msk [tilespmem:v3+s30+$0x0], $0xffff  }
0x3de: {  	s17 =	sadd.s32 $0xFFFFFFD0, s22;
	v3 =	vld [tilespmem:s8+$0xFFFFFF40]  }
0x3df: {  	v4 =	vmov s17;
	_ =	sdelay $0x3  }
0x3e0: {  	v1 =	vmul.f32 v1, v2;
	v3 =	vmul.f32 v3, v2  }
0x3e1: {  	s17 =	sadd.s32 $0xFFFFFFD7, s22  }
0x3e2: {  	v2 =	vmov s17;
	[tilespmem:s8+$0xFFFFFF40] =	vst v3  }
0x3e3: {  	v2 =	vand.u32 $0xFFFFFFFE, v2;
	[tilespmem:s8+$0xFFFFFF50] =	vst v1;
	v1 =	vld [tilespmem:s8+$0xFFFFFF70]  }
0x3e4: {  	v2 =	vbroadcast v2, $0x0;
	v3 =	vld.idx.msk [tilespmem:v4+s30+$0x0], $0xffff  }
0x3e5: {  	v4 =	vld [tilespmem:s8+$0xFFFFFF60];
	_ =	sdelay $0x4  }
0x3e6: {  	v1 =	vmul.f32 v1, v3;
	v4 =	vmul.f32 v4, v3;
	_ =	sdelay $0x1  }
0x3e7: {  	[tilespmem:s8+$0xFFFFFF60] =	vst v4  }
0x3e8: {  	s17 =	sadd.s32 $0xFFFFFFD8, s22;
	[tilespmem:s8+$0xFFFFFF70] =	vst v1;
	v1 =	vld [tilespmem:s8+$0xFFFFFF90]  }
0x3e9: {  	v3 =	vmov s17;
	v2 =	vld.idx.msk [tilespmem:v2+s30+$0x0], $0xffff  }
0x3ea: {  	v4 =	vld [tilespmem:s8+$0xFFFFFF80];
	_ =	sdelay $0x3  }
0x3eb: {  	s17 =	sadd.s32 $0xFFFFFFDF, s22  }
0x3ec: {  	v1 =	vmul.f32 v1, v2;
	v4 =	vmul.f32 v4, v2;
	v2 =	vmov s17  }
0x3ed: {  	v2 =	vand.u32 $0xFFFFFFFE, v2  }
0x3ee: {  	[tilespmem:s8+$0xFFFFFF80] =	vst v4;
	v2 =	vbroadcast v2, $0x0  }
0x3ef: {  	[tilespmem:s8+$0xFFFFFF90] =	vst v1;
	v1 =	vld [tilespmem:s8+$0xFFFFFFB0]  }
0x3f0: {  	v3 =	vld.idx.msk [tilespmem:v3+s30+$0x0], $0xffff  }
0x3f1: {  	v4 =	vld [tilespmem:s8+$0xFFFFFFA0];
	_ =	sdelay $0x4  }
0x3f2: {  	v1 =	vmul.f32 v1, v3;
	v4 =	vmul.f32 v4, v3  }
0x3f3: {  	s17 =	sadd.s32 $0xFFFFFFE0, s22  }
0x3f4: {  	v3 =	vmov s17;
	[tilespmem:s8+$0xFFFFFFA0] =	vst v4  }
0x3f5: {  	[tilespmem:s8+$0xFFFFFFB0] =	vst v1;
	v1 =	vld [tilespmem:s8+$0xFFFFFFD0]  }
0x3f6: {  	v2 =	vld.idx.msk [tilespmem:v2+s30+$0x0], $0xffff  }
0x3f7: {  	v4 =	vld [tilespmem:s8+$0xFFFFFFC0];
	_ =	sdelay $0x1  }
0x3f8: {  	s17 =	sadd.s32 $0xFFFFFFE7, s22  }
0x3f9: {  	v6 =	vmov s17;
	v5 =	vld [tilespmem:s8+$0xFFFFFFF0]  }
0x3fa: {  	v6 =	vand.u32 $0xFFFFFFFE, v6  }
0x3fb: {  	v6 =	vbroadcast v6, $0x0;
	v4 =	vmul.f32 v4, v2  }
0x3fc: {  	v1 =	vmul.f32 v1, v2  }
0x3fd: {  	[tilespmem:s8+$0xFFFFFFC0] =	vst v4  }
0x3fe: {  	[tilespmem:s8+$0xFFFFFFD0] =	vst v1  }
0x3ff: {  	v1 =	vld.idx.msk [tilespmem:v3+s30+$0x0], $0xffff  }
0x400: {  	v2 =	vld [tilespmem:s8+$0xFFFFFFE0];
	_ =	sdelay $0x3  }
0x401: {  	s17 =	sadd.s32 $0xFFFFFFE8, s22  }
0x402: {  	v3 =	vmov s17;
	v2 =	vmul.f32 v2, v1;
	v1 =	vmul.f32 v5, v1;
	_ =	sdelay $0x1  }
0x403: {  	[tilespmem:s8+$0xFFFFFFE0] =	vst v2  }
0x404: {  	[tilespmem:s8+$0xFFFFFFF0] =	vst v1;
	v1 =	vld [tilespmem:s8+$0x10]  }
0x405: {  	v2 =	vld.idx.msk [tilespmem:v6+s30+$0x0], $0xffff  }
0x406: {  	s17 =	sadd.s32 $0xFFFFFFEF, s22;
	v4 =	vld [tilespmem:s8+$0x0]  }
0x407: {  	v5 =	vmov s17  }
0x408: {  	v5 =	vand.u32 $0xFFFFFFFE, v5  }
0x409: {  	v5 =	vbroadcast v5, $0x0;
	_ =	sdelay $0x1  }
0x40a: {  	v1 =	vmul.f32 v1, v2;
	v4 =	vmul.f32 v4, v2;
	_ =	sdelay $0x1  }
0x40b: {  	[tilespmem:s8+$0x0] =	vst v4  }
0x40c: {  	[tilespmem:s8+$0x10] =	vst v1;
	v1 =	vld [tilespmem:s8+$0x30]  }
0x40d: {  	v2 =	vld.idx.msk [tilespmem:v3+s30+$0x0], $0xffff  }
0x40e: {  	v3 =	vld [tilespmem:s8+$0x20];
	_ =	sdelay $0x1  }
0x40f: {  	s17 =	sadd.s32 $0xFFFFFFF0, s22  }
0x410: {  	v4 =	vmov s17;
	_ =	sdelay $0x1  }
0x411: {  	v1 =	vmul.f32 v1, v2;
	v3 =	vmul.f32 v3, v2;
	_ =	sdelay $0x1  }
0x412: {  	[tilespmem:s8+$0x20] =	vst v3  }
0x413: {  	s17 =	sadd.s32 $0xFFFFFFF7, s22;
	[tilespmem:s8+$0x30] =	vst v1;
	v1 =	vld [tilespmem:s8+$0x50]  }
0x414: {  	v3 =	vmov s17;
	v2 =	vld.idx.msk [tilespmem:v5+s30+$0x0], $0xffff  }
0x415: {  	v3 =	vand.u32 $0xFFFFFFFE, v3;
	v5 =	vld [tilespmem:s8+$0x40]  }
0x416: {  	v3 =	vbroadcast v3, $0x0;
	_ =	sdelay $0x3  }
0x417: {  	v1 =	vmul.f32 v1, v2;
	v5 =	vmul.f32 v5, v2;
	_ =	sdelay $0x1  }
0x418: {  	[tilespmem:s8+$0x40] =	vst v5  }
0x419: {  	[tilespmem:s8+$0x50] =	vst v1;
	v1 =	vld [tilespmem:s8+$0x70]  }
0x41a: {  	v2 =	vld.idx.msk [tilespmem:v4+s30+$0x0], $0xffff  }
0x41b: {  	s17 =	sadd.s32 $0xFFFFFFF8, s22;
	v4 =	vld [tilespmem:s8+$0x60]  }
0x41c: {  	v5 =	vmov s17;
	_ =	sdelay $0x3  }
0x41d: {  	v1 =	vmul.f32 v1, v2;
	v4 =	vmul.f32 v4, v2  }
0x41e: {  	s17 =	sadd.s32 $0xFFFFFFFF, s22  }
0x41f: {  	v2 =	vmov s17;
	[tilespmem:s8+$0x60] =	vst v4  }
0x420: {  	v2 =	vand.u32 $0xFFFFFFFE, v2;
	[tilespmem:s8+$0x70] =	vst v1;
	v1 =	vld [tilespmem:s8+$0x90]  }
0x421: {  	v4 =	vbroadcast v2, $0x0;
	v3 =	vld.idx.msk [tilespmem:v3+s30+$0x0], $0xffff  }
0x422: {  	v2 =	vld [tilespmem:s8+$0x80];
	_ =	sdelay $0x4  }
0x423: {  	v1 =	vmul.f32 v1, v3;
	v2 =	vmul.f32 v2, v3;
	_ =	sdelay $0x1  }
0x424: {  	[tilespmem:s8+$0x80] =	vst v2  }
0x425: {  	[tilespmem:s8+$0x90] =	vst v1;
	v2 =	vld [tilespmem:s8+$0xB0]  }
0x426: {  	v1 =	vmov s22;
	v3 =	vld.idx.msk [tilespmem:v5+s30+$0x0], $0xffff  }
0x427: {  	v5 =	vld [tilespmem:s8+$0xA0];
	_ =	sdelay $0x4  }
0x428: {  	v2 =	vmul.f32 v2, v3;
	v5 =	vmul.f32 v5, v3  }
.Ltmp6:
0x429: {  	(pc) =	sbr.rel @p0 .LBB2_15-.Ltmp6, $4  }
0x42a: {  	[tilespmem:s8+$0xA0] =	vst v5  }
0x42b: {  	[tilespmem:s8+$0xB0] =	vst v2;
	v2 =	vld [tilespmem:s8+$0xC0]  }
0x42c: {  	v3 =	vld.idx.msk [tilespmem:v4+s30+$0x0], $0xffff  }
0x42d: {  	v4 =	vld [tilespmem:s8+$0xD0]  }
0x42e: {  	_ =	sdelay $0x2  }
0x42f: {  	v2 =	vmul.f32 v2, v3  }
0x430: {  	v3 =	vmul.f32 v4, v3  }
0x431: {  	[tilespmem:s13+$0xC0] =	vst v2  }
0x432: {  	v2 =	vld [tilespmem:s13+$0xE0];
	[tilespmem:s13+$0xD0] =	vst v3  }
0x433: {  	v1 =	vld.idx.msk [tilespmem:v1+s30+$0x0], $0xffff  }
0x434: {  	v3 =	vld [tilespmem:s13+$0xF0];
	_ =	sdelay $0x3  }
0x435: {  	v2 =	vmul.f32 v2, v1  }
0x436: {  	v1 =	vmul.f32 v3, v1  }
0x437: {  	[tilespmem:s13+$0xE0] =	vst v2  }
0x438: {  	s8 =	sadd.s32 $0x100, s6;
	[tilespmem:s13+$0xF0] =	vst v1  }
0x439: {  	[spmem:s3] =	stream.indirect.scatter.add.f32 [tilespmem:s26], [sflag:$0x3], $0x40, s8, s18, $0xb8;
	[tilespmem:$0x18000] =	vst v63  }
0x43a: {  	_ =	swait.ge [sflag:s16], $0x2000  }
0x43b: {  	[sflag:s16] =	ssyncset.done $0x0  }
0x43c: {  	s14 =	smin.u32 s7, $0x24;
	s13 =	sadd.s32 $0x180, s6;
	[sflag:s16] =	ssyncadd.s32 $0xFFFFE000  }
0x43d: {  	[spmem:s3] =	stream.indirect.scatter.add.f32 [tilespmem:s29], [sflag:$0x3], $0x40, s13, s18, $0xb8;
	[tilespmem:$0x18000] =	vst v63  }
0x43e: {  	s28 =	sadd.s32 $0x1, s28;
	s6 =	sadd.s32 $0x3, s14;
	_ =	swait.ge [sflag:s16], $0x2000  }
0x43f: {  	p0 =	sne.s32 s28, $0x14;
	s17 =	sshll.u32 s6, $0x8;
	[sflag:s16] =	ssyncset.done $0x0  }
0x440: {  	s6 =	sshll.u32 s6, $0xB;
	s22 =	sadd.s32 $0x2800, s17;
	[sflag:s16] =	ssyncadd.s32 $0xFFFFE000  }
0x441: {  	[tilespmem:s26], [sflag:$0x2] =	stream.indirect.gather [hbm4b:s5+s18], $0x40, s22, s18, $0xb8;
	[tilespmem:$0x18000] =	vst v63  }
.Ltmp7:
0x442: {  	s6 =	sadd.s32 s12, s6;
	(pc) =	sbr.rel @p0 .LBB2_12-.Ltmp7, $4  }
0x443: {  	s7 =	sadd.s32 $0x2880, s17;
	s6 =	sshrl.u32 s6, $0x3  }
0x444: {  	[tilespmem:s29], [sflag:$0x2] =	stream.indirect.gather [hbm4b:s5+s18], $0x40, s7, s18, $0xb8;
	[tilespmem:$0x18000] =	vst v63  }
0x445: {  	s6 =	sadd.s32 s2, s6  }
0x446: {  	[tilespmem:s30], [sflag:$0x2] =	stream.linear.gather [hbm4b:s6+s4], $0x800, $0x38;
	[tilespmem:$0x18000] =	vst v63  }
0x447: {  	_ =	swait.ge [sflag:s31], $0x2000  }
0x448: {  	[sflag:s31] =	ssyncset.done $0x0  }
0x449: {  	[sflag:s31] =	ssyncadd.s32 $0xFFFFE000  }
0x44a: {  	_ =	swait.ge [sflag:s31], $0x2000  }
0x44b: {  	[sflag:s31] =	ssyncset.done $0x0  }
0x44c: {  	[sflag:s31] =	ssyncadd.s32 $0xFFFFE000  }
0x44d: {  	_ =	swait.ge [sflag:s31], $0x800  }
0x44e: {  	[sflag:s31] =	ssyncset.done $0x0  }
0x44f: {  	[sflag:s31] =	ssyncadd.s32 $0xFFFFF800  }
0x450: {  	_ =	swait.ge [sflag:s0], $0x2000  }
0x451: {  	[sflag:s0] =	ssyncset.done $0x0  }
0x452: {  	[sflag:s0] =	ssyncadd.s32 $0xFFFFE000  }
0x453: {  	_ =	swait.ge [sflag:s0], $0x2000  }
0x454: {  	[sflag:s0] =	ssyncset.done $0x0  }
0x455: {  	[sflag:s0] =	ssyncadd.s32 $0xFFFFE000  }
0x456: {  	_ =	swait.ge [sflag:s0], $0x800  }
0x457: {  	[sflag:s0] =	ssyncset.done $0x0  }
0x458: {  	[sflag:s0] =	ssyncadd.s32 $0xFFFFF800  }
0x459: {  	[bflag:$0x0] =	sbarrier.arrive $0xFFFF  }
0x45a: {  	s6 =	rddreg [dreg:$0xa]  }
0x45b: {  	[hbm:s6], [sflag:s20] =	dma.local [spmem:s25], $0x1400  }
0x45c: {  	_ =	swait.ge [sflag:s16], $0x1400  }
0x45d: {  	s1 =	sadd.s32 $0x1, s1;
	s28 =	rddreg [dreg:$0x8]  }
0x45e: {  	p0 =	sne.s32 s1, s28  }
.Ltmp8:
0x45f: {  	_ = 	snop;
	(pc) =	sbr.rel @p0 .LBB2_1-.Ltmp8, $3  }
0x460: {  	_ =	sdelay $0x1  }
0x461: {  	[sflag:s16] =	ssyncset.done $0x0  }
0x462: {  	[sflag:s16] =	ssyncadd.s32 $0xFFFFEC00  }
0x463: {  	_ =	sfence.sel $0x180000  }
0x464: {  	[bflag:$0x0] =	sbarrier.arrive $0xFFFF  }
0x465: {  	_ =	strace $0x9000004A  }
0x466: {  	s0 =	stileid.u32;
	[bflag:$0x2] =	sbarrier.arrive $0xFFFF  }
0x467: {  	p0 =	sne.s32 s0, $0x0;
	s0 =	rddreg [dreg:$0x4]  }
0x468: {  	s0 =	sadd.s32 @!p0 $0x100000, s0  }
0x469: {  	[sflag:s0] =	ssyncadd.tile.s32 @!p0 $0x1;
	_ =	shalt  }
.Lfunc_end2:
_tile_overlayer_lowered:
.L_overlay_start_2:
0x46a: {  	(tag) =	ssettag $0x2  }
0x46b: {  	s0 =	rddreg [dreg:$0x0];
	s2 =	stileid.u32  }
0x46c: {  	s1 =	rddreg [dreg:$0x1];
	p0 =	sne.s32 s2, $0x0  }
0x46d: {  	s3 =	rddreg [dreg:$0x2];
	[bflag:$0x3] =	sbarrier.arrive $0xFFFF;
	s2 =	simm.s32 @!p0 $0x1C03  }
0x46e: {  	[timem:s3], [sflag:s2] =	dma.local @!p0 [hbm:s0], s1  }
0x46f: {  	s0 =	simm.s32 @!p0 $0x3  }
0x470: {  	_ =	swait.ge @!p0 [sflag:s0], s1  }
0x471: {  	s1 =	ssub.s32 @!p0 $0x0, s1;
	[sflag:s0] =	ssyncset.done @!p0 $0x0  }
0x472: {  	[sflag:s0] =	ssyncadd.s32 @!p0 s1  }
0x473: {  	[bflag:$0x3] =	sbarrier.arrive $0xFFFF  }
0x474: {  	_ =	shalt  }

// kernel: kernel.8.cloned.1.call-start
scs
__scs_entry_jumppad:
0x0: {  	(pc) =	sbr.rel $0x88, $3  }
0x1: {  	(tag) =	ssettag $0x0;
	lr =	simm.s32 $0x1  }
0x2: {  	[smem:$0x3F98] =	sst lr;
	_ =	strace $0xD0000000  }
0x3: {  	_ = 	snop  }
0x4: {  	_ = 	snop  }
0x5: {  	_ = 	snop  }
0x6: {  	_ = 	snop  }
0x7: {  	_ = 	snop  }
__scs_overlays_trampoline_lowered:
0x8: {  	[smem:$0x3FA7] =	sst s0  }
0x9: {  	[smem:$0x3FA8] =	sst s1  }
0xa: {  	[smem:$0x3FA9] =	sst s2  }
0xb: {  	[smem:$0x3FAA] =	sst s3  }
0xc: {  	[smem:$0x3FAB] =	sst s4  }
0xd: {  	[smem:$0x3FAC] =	sst s5  }
0xe: {  	[smem:$0x3FAD] =	sst s6  }
0xf: {  	[smem:$0x3FAE] =	sst s7  }
0x10: {  	[smem:$0x3FAF] =	sst s8  }
0x11: {  	[smem:$0x3FB0] =	sst s9;
	s0 =	simm.s32 @!p0 $0x0  }
0x12: {  	s1 =	sld [smem:$0x3F96];
	s0 =	simm.s32 @p0 $0x1  }
0x13: {  	[smem:$0x3FB1] =	sst s0;
	s0 =	simm.s32 @!p1 $0x0  }
0x14: {  	s2 =	sld [smem:$0x3F95];
	s0 =	simm.s32 @p1 $0x1  }
0x15: {  	[smem:$0x3FB2] =	sst s0;
	s0 =	simm.s32 @!p2 $0x0  }
0x16: {  	s3 =	sld [smem:$0x3FDB];
	s0 =	simm.s32 @p2 $0x1  }
0x17: {  	s4 =	simm.s32 $0x1BF5;
	[smem:$0x3FB4] =	sst s0  }
0x18: {  	s0 =	sld [smem:$0x3F97];
	_ =	swait.ge [sflag:s4], $0x0  }
0x19: {  	s7 =	sld [smem:$0x3F98]  }
0x1a: {  	s8 =	sadd.s32 $0xFFFFE003, lr  }
0x1b: {  	s9 =	sadd.s32 $0xFFFFFEF7, lr;
	s5 =	simm.s32 $0xFFFFFFFF;
	p2 =	slt.u32 s8, $0xFFFFF086  }
0x1c: {  	p1 =	slt.u32 s9, $0xF7A;
	s5 =	simm.s32 @!p2 $0x0  }
0x1d: {  	s5 =	simm.s32 @p1 $0x1;
	p0 =	seq.s32 s7, s2  }
0x1e: {  	s7 =	smul.u32 @!p0 $0xF7A, s2;
	p2 =	seq.s32 @!p0 s5, $0x0  }
0x1f: {  	s9 =	smul.u32 $0xF7A, s1;
	s8 =	simm.s32 @!p0 $0x1BF5;
	p2 =	por !p2, p0  }
0x20: {  	[sflag:s8] =	ssyncset.s32 @!p0 $0xFFFFF086;
	s6 =	sadd.s32 @!p0 s3, s7;
	s7 =	simm.s32 @!p0 $0x108  }
0x21: {  	s3 =	sadd.s32 s3, s9;
	s6 =	sadd.s32 @!p0 $0x88, s6;
	s7 =	simm.s32 @p2 $0x1082  }
0x22: {  	[simem:s7], [sflag:s8] =	dma.local @!p0 [hbm:s6], $0xF7A  }
0x23: {  	s9 =	sor.u32 $0xD0000000, s2;
	s6 =	simm.s32 $0x108;
	_ =	swait.ge @!p0 [sflag:s8], $0x0  }
0x24: {  	s3 =	sadd.s32 $0x88, s3;
	s6 =	simm.s32 @!p1 $0x1082;
	[sflag:s4] =	ssyncset.s32 $0xFFFFF086  }
0x25: {  	[simem:s6], [sflag:s4] =	dma.local [hbm:s3], $0xF7A  }
0x26: {  	[smem:$0x3F98] =	sst s1;
	(tag) =	ssettag s2;
	_ =	strace s9  }
0x27: {  	s1 =	sld [smem:$0x3FA8]  }
0x28: {  	s2 =	sld [smem:$0x3FA9]  }
0x29: {  	s4 =	sld [smem:$0x3FAB]  }
0x2a: {  	p0 =	seq.s32 s5, $0x0;
	s5 =	sld [smem:$0x3FAC]  }
0x2b: {  	s6 =	sld [smem:$0x3FAD]  }
0x2c: {  	s7 =	sld [smem:$0x3FAE]  }
0x2d: {  	s3 =	simm.s32 $0x108;
	s8 =	sld [smem:$0x3FAF]  }
0x2e: {  	s3 =	simm.s32 @!p0 $0x1082;
	s9 =	sld [smem:$0x3FB0]  }
0x2f: {  	lr =	sadd.s32 s0, s3;
	s0 =	sld [smem:$0x3FA7]  }
0x30: {  	s3 =	sld [smem:$0x3FAA]  }
0x31: {  	[smem:$0x3FB3] =	sst s10  }
0x32: {  	s10 =	sld [smem:$0x3FB1];
	_ =	sdelay $0x3  }
0x33: {  	p0 =	seq.s32 s10, $0x1;
	s10 =	sld [smem:$0x3FB3];
	_ =	sdelay $0x3  }
0x34: {  	[smem:$0x3FB3] =	sst s10  }
0x35: {  	s10 =	sld [smem:$0x3FB2];
	_ =	sdelay $0x3  }
0x36: {  	p1 =	seq.s32 s10, $0x1;
	s10 =	sld [smem:$0x3FB3];
	_ =	sdelay $0x3  }
0x37: {  	[smem:$0x3FB3] =	sst s10  }
0x38: {  	s10 =	sld [smem:$0x3FB4]  }
0x39: {  	_ = 	snop;
	(pc) =	sbr.ind lr, $3  }
0x3a: {  	_ = 	snop  }
0x3b: {  	_ = 	snop  }
0x3c: {  	p2 =	seq.s32 s10, $0x1;
	s10 =	sld [smem:$0x3FB3]  }
0x3d: {  	_ =	shalt  }
0x3e: {  	_ =	shalt  }
0x3f: {  	_ =	shalt  }
0x40: {  	_ =	shalt  }
0x41: {  	_ =	shalt  }
0x42: {  	_ =	shalt  }
0x43: {  	_ =	shalt  }
0x44: {  	_ =	shalt  }
0x45: {  	_ =	shalt  }
0x46: {  	_ =	shalt  }
0x47: {  	_ =	shalt  }
0x48: {  	_ =	shalt  }
0x49: {  	_ =	shalt  }
0x4a: {  	_ =	shalt  }
0x4b: {  	_ =	shalt  }
0x4c: {  	_ =	shalt  }
0x4d: {  	_ =	shalt  }
0x4e: {  	_ =	shalt  }
0x4f: {  	_ =	shalt  }
0x50: {  	_ =	shalt  }
0x51: {  	_ =	shalt  }
0x52: {  	_ =	shalt  }
0x53: {  	_ =	shalt  }
0x54: {  	_ =	shalt  }
0x55: {  	_ =	shalt  }
0x56: {  	_ =	shalt  }
0x57: {  	_ =	shalt  }
0x58: {  	_ =	shalt  }
0x59: {  	_ =	shalt  }
0x5a: {  	_ =	shalt  }
0x5b: {  	_ =	shalt  }
0x5c: {  	_ =	shalt  }
0x5d: {  	_ =	shalt  }
0x5e: {  	_ =	shalt  }
0x5f: {  	_ =	shalt  }
0x60: {  	_ =	shalt  }
0x61: {  	_ =	shalt  }
0x62: {  	_ =	shalt  }
0x63: {  	_ =	shalt  }
0x64: {  	_ =	shalt  }
0x65: {  	_ =	shalt  }
0x66: {  	_ =	shalt  }
0x67: {  	_ =	shalt  }
0x68: {  	_ =	shalt  }
0x69: {  	_ =	shalt  }
0x6a: {  	_ =	shalt  }
0x6b: {  	_ =	shalt  }
0x6c: {  	_ =	shalt  }
0x6d: {  	_ =	shalt  }
0x6e: {  	_ =	shalt  }
0x6f: {  	_ =	shalt  }
0x70: {  	_ =	shalt  }
0x71: {  	_ =	shalt  }
0x72: {  	_ =	shalt  }
0x73: {  	_ =	shalt  }
0x74: {  	_ =	shalt  }
0x75: {  	_ =	shalt  }
0x76: {  	_ =	shalt  }
0x77: {  	_ =	shalt  }
0x78: {  	_ =	shalt  }
0x79: {  	_ =	shalt  }
0x7a: {  	_ =	shalt  }
0x7b: {  	_ =	shalt  }
0x7c: {  	_ =	shalt  }
0x7d: {  	_ =	shalt  }
0x7e: {  	_ =	shalt  }
0x7f: {  	_ =	shalt  }
0x80: {  	_ =	shalt  }
0x81: {  	_ =	shalt  }
0x82: {  	_ =	shalt  }
0x83: {  	_ =	shalt  }
0x84: {  	_ =	shalt  }
0x85: {  	_ =	shalt  }
0x86: {  	_ =	shalt  }
0x87: {  	_ =	shalt  }
.Lfunc_end0:
.L_simem_size_0:
called_computation_lowered:
.L_overlay_start_0:
0x88: {  	s2 =	sld [smem:$0x3FD9]  }
0x89: {  	s3 =	sld [smem:$0x3FFE];
	_ =	sdelay $0x1  }
0x8a: {  	s1 =	srdreg.scid  }
0x8b: {  	s0 =	sand.u32 $0x1, s1  }
0x8c: {  	s14 =	sshll.u32 s0, $0xA;
	s2 =	sadd.s32 s3, s2  }
0x8d: {  	s2 =	sadd.s32 s2, s14  }
0x8e: {  	[smem:$0x3FBF] =	sst s2  }
0x8f: {  	_ = 	snop  }
0x90: {  	s2 =	sld [smem:$0x3FD0];
	_ =	sdelay $0x2  }
0x91: {  	s15 =	simm.s32 $0xA;
	s4 =	simm.s32 $0x10  }
0x92: {  	[smem:s4], [sflag:s15] =	dma.local [hbm:s2], $0x1  }
0x93: {  	_ =	swait.eq [sflag:s15], $0x1  }
0x94: {  	s16 =	sld [smem:$0x10];
	[sflag:s15] =	ssyncset.done $0x0  }
0x95: {  	s17 =	sld [smem:$0x11];
	[sflag:s15] =	ssyncadd.s32 $0xFFFFFFFF  }
0x96: {  	s18 =	sld [smem:$0x12];
	(tm) =	ssettm $0x1  }
0x97: {  	s5 =	sld [smem:$0x3FFB];
	_ =	sdelay $0x3  }
0x98: {  	_ =	strace s5  }
0x99: {  	s5 =	sld [smem:$0x3FFC];
	_ =	sdelay $0x3  }
0x9a: {  	_ =	strace s5  }
0x9b: {  	s5 =	sld [smem:$0x3FFD];
	_ =	sdelay $0x3  }
0x9c: {  	_ =	strace s5  }
0x9d: {  	_ =	strace $0x8FFFFFFF  }
0x9e: {  	s19 =	sld [smem:$0x3FDB];
	_ =	sdelay $0x1  }
0x9f: {  	s6 =	simm.s32 $_scs_section_size  }
0xa0: {  	s7 =	simm.s32 $_size__tile_overlayer_lowered;
	s8 =	simm.s32 $_tile_overlayer_lowered  }
0xa1: {  	s22 =	simm.s32 $0x1BFF;
	s21 =	sshll.u32 s8, $0x1;
	s5 =	sadd.s32 s6, s19  }
0xa2: {  	s9 =	simm.s32 $0x0;
	s20 =	sshll.u32 s7, $0x1;
	s7 =	sadd.s32 s21, s5  }
0xa3: {  	[timem:s9], [sflag:s22] =	dma.local [hbm:s7], s20  }
0xa4: {  	_ =	swait.ge [sflag:s22], s20  }
0xa5: {  	s6 =	ssub.s32 $0x0, s20;
	[sflag:s22] =	ssyncset.done $0x0  }
0xa6: {  	[sflag:s22] =	ssyncadd.s32 s6;
	_ =	sdelay $0x1  }
0xa7: {  	s23 =	simm.s32 $0x1B8B  }
0xa8: {  	_ =	swait.ge [sflag:s23], $0x1  }
0xa9: {  	[sflag:s23] =	ssyncset.done $0x0  }
0xaa: {  	s25 =	simm.s32 $0x1B8E;
	s24 =	sld [smem:$0x3FFE];
	[sflag:s23] =	ssyncadd.s32 $0xFFFFFFFF  }
0xab: {  	s26 =	simm.s32 $execute0_lowered;
	[smem:$0x3FD2] =	sst s25  }
0xac: {  	s7 =	sshll.u32 s26, $0x1;
	_ =	strace $0x80000046;
	[dreg:$0x1] =	wrdreg $0xFFFFFFFF  }
0xad: {  	s28 =	simm.s32 $_size_execute0_lowered;
	s5 =	sadd.s32 s5, s7;
	[dreg:$0x0] =	wrdreg $0x0  }
0xae: {  	s7 =	sshll.u32 s28, $0x1;
	[dreg:$0x2] =	wrdreg s5  }
0xaf: {  	[dreg:$0x3] =	wrdreg s7  }
0xb0: {  	[dreg:$0x4] =	wrdreg $0xC0  }
0xb1: {  	_ =	task [dreg:s9], $0x5FFFF  }
0xb2: {  	[dreg:$0x1] =	wrdreg $0xFFFFFFFF  }
0xb3: {  	[dreg:$0x0] =	wrdreg $0x60  }
0xb4: {  	[dreg:$0x2] =	wrdreg s17  }
0xb5: {  	[dreg:$0x3] =	wrdreg s24  }
0xb6: {  	[dreg:$0x4] =	wrdreg s18  }
0xb7: {  	[dreg:$0x5] =	wrdreg s16  }
0xb8: {  	[dreg:$0x6] =	wrdreg $0xF0000  }
0xb9: {  	[dreg:$0x7] =	wrdreg $0x9  }
0xba: {  	_ =	task.clear_ibuf [dreg:s9], $0x8FFFF;
	_ =	strace $0x90000046  }
0xbb: {  	s29 =	simm.s32 $0x9;
	_ =	strace $0x80000048  }
0xbc: {  	_ =	swait.ge [sflag:s29], $0x1  }
0xbd: {  	[sflag:s29] =	ssyncadd.s32 $0xFFFFFFFF  }
0xbe: {  	_ =	strace $0x90000048  }
0xbf: {  	_ =	sfence  }
0xc0: {  	s30 =	sld [smem:$0x0];
	_ =	sdelay $0x2  }
0xc1: {  	s31 =	sshll.u32 s1, $0xD;
	s1 =	sshrl.u32 s1, $0x2  }
0xc2: {  	s3 =	sand.u32 $0x4000, s31;
	s1 =	sadd.s32 s1, s30  }
0xc3: {  	s0 =	sor.u32 s3, s0;
	s1 =	sshll.u32 s1, $0x11  }
0xc4: {  	s0 =	sor.u32 s1, s0  }
0xc5: {  	s0 =	sadd.s32 $0x8F2B, s0  }
0xc6: {  	[sflag:s0] =	ssyncadd.remote.s32 $0x1  }
0xc7: {  	_ =	sfence.sel $0xFFFF  }
0xc8: {  	[dreg:$0x0] =	wrdreg $0xFFFFFFFF;
	(pc) =	sbr.abs _section_cstart, $3  }
0xc9: {  	[dreg:$0x1] =	wrdreg $0xFFFFFFFF  }
0xca: {  	_ =	task.clear_ibuf [dreg:s9], $0x2FFFF;
	_ =	strace $0x9FFFFFFF  }
0xcb: {  	(tm) =	ssettm $0x7FFFFFFF  }
tec
execute0_lowered:
.L_overlay_start_1:
0x0: {  	(tag) =	ssettag $0x1  }
0x1: {  	s0 =	rddreg [dreg:$0x0]  }
0x2: {  	s1 =	rddreg [dreg:$0x1]  }
0x3: {  	s6 =	rddreg [dreg:$0x2];
	s3 =	srdreg.scid  }
0x4: {  	s2 =	rddreg [dreg:$0x3];
	s16 =	stileid.u32;
	s4 =	simm.s32 $0x0  }
0x5: {  	s17 =	simm.s32 $0x80;
	s18 =	simm.s32 $0xC800;
	s19 =	simm.s32 $0xD800  }
0x6: {  	s20 =	simm.s32 $0xD000;
	s5 =	sand.u32 $0x1, s3;
	s3 =	rddreg [dreg:$0x4]  }
0x7: {  	s28 =	simm.s32 $0x2;
	s29 =	simm.s32 $0x0;
	[smem:$0x7FF] =	sst s4  }
0x8: {  	s22 =	smul.u32 $0x1400, s16;
	s24 =	sshll.u32 s16, $0x6;
	s7 =	sshll.u32 s5, $0x4  }
0x9: {  	_ =	strace $0x80000047;
	s11 =	smul.u32 $0x2800, s5;
	s12 =	ssub.s32 $0x2, s5  }
0xa: {  	s5 =	sadd.s32 $0xA6A00, s1;
	s8 =	sor.u32 s16, s7;
	s15 =	sshrl.u32 s22, $0x3  }
0xb: {  	s13 =	sshrl.u32 s12, $0x1;
	s23 =	sadd.s32 s22, s3;
	s9 =	smul.u32 $0x280, s8  }
0xc: {  	s7 =	sor.u32 $0x1C03, s24;
	s22 =	simm.s32 $0xE000;
	s25 =	smul.u32 $0x1400, s8  }
0xd: {  	s14 =	sadd.s32 s15, s1;
	s12 =	ssub.s32 s12, s13;
	s8 =	smul.u32 $0x28, s8  }
0xe: {  	s13 =	sshrl.u32 s23, $0x3;
	s23 =	simm.s32 $0x1;
	s14 =	sadd.s32 $0xABA00, s14  }
0xf: {  	s12 =	smax.u32 s12, $0x1;
	s10 =	sadd.s32 s9, s1;
	s1 =	sadd.s32 s11, s1  }
0x10: {  	[dreg:$0x6] =	wrdreg s14;
	s0 =	sadd.s32 s0, s9;
	s30 =	sadd.s32 s6, s25  }
0x11: {  	s14 =	simm.s32 $0x3;
	s25 =	simm.s32 $0xEC00;
	[dreg:$0x7] =	wrdreg s0  }
0x12: {  	v2 =	vlaneseq.u32;
	s26 =	sadd.s32 $0x1A00, s10;
	[dreg:$0x9] =	wrdreg s30;
	s31 =	sadd.s32 $0xAE200, s1  }
0x13: {  	v0 =	vshrl.u32 v2, $0x3;
	v1 =	vand.u32 $0x7, v2;
	v2 =	vor.u32 $0x8, v2;
	[dreg:$0x8] =	wrdreg s26;
	s24 =	sadd.s32 s15, s31;
	s26 =	simm.s32 $0xE800  }
.LBB2_1:
0x14: {  	s0 =	rddreg [dreg:$0x6]  }
0x15: {  	[spmem:s13], [sflag:s7] =	dma.local [hbm:s0], $0x280  }
0x16: {  	_ =	swait.ge [sflag:s14], $0x280  }
0x17: {  	[sflag:s14] =	ssyncset.done $0x0  }
0x18: {  	s15 =	rddreg [dreg:$0x7];
	[sflag:s14] =	ssyncadd.s32 $0xFFFFFD80  }
0x19: {  	[tilespmem:s4], [sflag:$0x3] =	stream.linear.gather [hbm4b:s15+s4], $0x1400, $0x38;
	[tilespmem:$0x10400] =	vst v63  }
0x1a: {  	_ =	swait.ge [sflag:s14], $0x1400  }
0x1b: {  	[sflag:s14] =	ssyncset.done $0x0  }
0x1c: {  	s1 =	simm.s32 $0x1400;
	s16 =	rddreg [dreg:$0x8];
	[sflag:s14] =	ssyncadd.s32 $0xFFFFEC00  }
0x1d: {  	[tilespmem:s1], [sflag:$0x3] =	stream.linear.gather [hbm4b:s16+s4], $0x1400, $0x38;
	[tilespmem:$0x10400] =	vst v63  }
0x1e: {  	_ =	swait.ge [sflag:s14], $0x1400  }
0x1f: {  	[sflag:s14] =	ssyncset.done $0x0  }
0x20: {  	s6 =	simm.s32 $0x2800;
	s21 =	rddreg [dreg:$0x9];
	[sflag:s14] =	ssyncadd.s32 $0xFFFFEC00  }
0x21: {  	[tilespmem:s6], [sflag:$0x3] =	stream.linear.gather [hbm4b:s21+s4], $0xA000, $0x38;
	[tilespmem:$0x10400] =	vst v63  }
0x22: {  	_ =	swait.ge [sflag:s14], $0xA000  }
0x23: {  	[sflag:s14] =	ssyncset.done $0x0  }
0x24: {  	[sflag:s14] =	ssyncadd.s32 $0xFFFF6000  }
0x25: {  	[bflag:$0x0] =	sbarrier.arrive $0xFFFF  }
0x26: {  	[tilespmem:s18], [sflag:$0x1] =	stream.indirect.gather [hbm4b:s5+s17], $0x10, s4, s17, $0xb8;
	[tilespmem:$0x10400] =	vst v63  }
0x27: {  	_ = 	snop  }
0x28: {  	[tilespmem:s19], [sflag:$0x1] =	stream.indirect.gather [hbm4b:s5+s17], $0x10, s1, s17, $0xb8;
	[tilespmem:$0x10400] =	vst v63  }
0x29: {  	s31 =	simm.s32 $0x1480  }
0x2a: {  	[tilespmem:s20], [sflag:$0x2] =	stream.indirect.gather [hbm4b:s5+s17], $0x10, s17, s17, $0xb8;
	[tilespmem:$0x10400] =	vst v63  }
0x2b: {  	s30 =	simm.s32 $0x2820;
	s0 =	simm.s32 $0x0;
	s6 =	simm.s32 $0x2C30  }
0x2c: {  	[tilespmem:s22], [sflag:$0x2] =	stream.indirect.gather [hbm4b:s5+s17], $0x10, s31, s17, $0xb8;
	[tilespmem:$0x10400] =	vst v63  }
.LBB2_2:
0x2d: {  	s1 =	simm.s32 $0x0  }
0x2e: {  	v3 =	vor.u32 s1, v0  }
0x2f: {  	_ =	swait.ge [sflag:s23], $0x800;
	v4 =	vshll.u32 v3, $0x4  }
0x30: {  	[sflag:s23] =	ssyncset.done $0x0;
	v5 =	vor.u32 v1, v4  }
0x31: {  	[sflag:s23] =	ssyncadd.s32 $0xFFFFF800;
	v4 =	vor.u32 v2, v4  }
0x32: {  	_ =	swait.ge [sflag:s23], $0x800  }
0x33: {  	[sflag:s23] =	ssyncset.done $0x0  }
0x34: {  	[sflag:s23] =	ssyncadd.s32 $0xFFFFF800  }
0x35: {  	v5 =	vld.idx.msk [tilespmem:v5+s18+$0x0], $0xffff  }
0x36: {  	v4 =	vld.idx.msk [tilespmem:v4+s19+$0x0], $0xffff;
	_ =	sdelay $0x1  }
0x37: {  	v6 =	vld [tilespmem:s30+$0xFFFFFFE0];
	_ =	sdelay $0x2  }
0x38: {  	v4 =	vadd.f32 v4, v5;
	_ =	sdelay $0x1  }
0x39: {  	v4 =	vadd.f32 v6, v4;
	_ =	sdelay $0x1  }
0x3a: {  	v5 =	vmul.f32 $9.999999770e-03, v4;
	_ =	sdelay $0x1  }
0x3b: {  	v4 =	vmax.f32 v4, v5  }
0x3c: {  	v4 =	vmul.f32 $1.442695020e+00, v4;
	_ =	sdelay $0x1  }
0x3d: {  	(erf) = vpow2.f32 v4;
	_ =	sdelay $0x3  }
0x3e: {  	s21 =	simm.s32 $0x2  }
0x3f: {  	v3 =	vshll.u32 v3, $0x3;
	v4 =	vor.u32 s21, v0  }
0x40: {  	v3 =	vor.u32 v1, v3;
	v5 =	vshll.u32 v4, $0x4  }
0x41: {  	v6 =	vor.u32 v1, v5  }
0x42: {  	v5 =	vor.u32 v2, v5  }
0x43: {  	s1 =	simm.s32 $0xE820;
	v7 =	vpop (erf)  }
0x44: {  	[tilespmem:s1+$0xFFFFFFE0] =	vst v7  }
0x45: {  	[tilespmem:v3+s25+$0x0] =	vst.idx.msk $0xffff, v7  }
0x46: {  	v3 =	vld.idx.msk [tilespmem:v6+s18+$0x0], $0xffff  }
0x47: {  	v5 =	vld.idx.msk [tilespmem:v5+s19+$0x0], $0xffff;
	_ =	sdelay $0x1  }
0x48: {  	v6 =	vld [tilespmem:s30+$0xFFFFFFF0];
	_ =	sdelay $0x2  }
0x49: {  	v3 =	vadd.f32 v5, v3;
	_ =	sdelay $0x1  }
0x4a: {  	v3 =	vadd.f32 v6, v3;
	_ =	sdelay $0x1  }
0x4b: {  	v5 =	vmul.f32 $9.999999770e-03, v3;
	_ =	sdelay $0x1  }
0x4c: {  	v3 =	vmax.f32 v3, v5  }
0x4d: {  	v3 =	vmul.f32 $1.442695020e+00, v3;
	_ =	sdelay $0x1  }
0x4e: {  	(erf) = vpow2.f32 v3;
	_ =	sdelay $0x3  }
0x4f: {  	s9 =	simm.s32 $0x4  }
0x50: {  	v3 =	vshll.u32 v4, $0x3;
	v4 =	vor.u32 s9, v0  }
0x51: {  	v3 =	vor.u32 v1, v3;
	v5 =	vshll.u32 v4, $0x4  }
0x52: {  	v6 =	vor.u32 v1, v5  }
0x53: {  	v5 =	vor.u32 v2, v5  }
0x54: {  	v7 =	vpop (erf)  }
0x55: {  	[tilespmem:s1+$0xFFFFFFF0] =	vst v7  }
0x56: {  	[tilespmem:v3+s25+$0x0] =	vst.idx.msk $0xffff, v7  }
0x57: {  	v3 =	vld.idx.msk [tilespmem:v6+s18+$0x0], $0xffff  }
0x58: {  	v5 =	vld.idx.msk [tilespmem:v5+s19+$0x0], $0xffff;
	_ =	sdelay $0x1  }
0x59: {  	v6 =	vld [tilespmem:s30+$0x0];
	_ =	sdelay $0x2  }
0x5a: {  	v3 =	vadd.f32 v5, v3;
	_ =	sdelay $0x1  }
0x5b: {  	v3 =	vadd.f32 v6, v3;
	_ =	sdelay $0x1  }
0x5c: {  	v5 =	vmul.f32 $9.999999770e-03, v3;
	_ =	sdelay $0x1  }
0x5d: {  	v3 =	vmax.f32 v3, v5  }
0x5e: {  	v3 =	vmul.f32 $1.442695020e+00, v3;
	_ =	sdelay $0x1  }
0x5f: {  	(erf) = vpow2.f32 v3;
	_ =	sdelay $0x3  }
0x60: {  	s31 =	simm.s32 $0x6  }
0x61: {  	v3 =	vshll.u32 v4, $0x3;
	v4 =	vor.u32 s31, v0  }
0x62: {  	v3 =	vor.u32 v1, v3;
	v5 =	vshll.u32 v4, $0x4  }
0x63: {  	v6 =	vor.u32 v1, v5  }
0x64: {  	v5 =	vor.u32 v2, v5  }
0x65: {  	v7 =	vpop (erf)  }
0x66: {  	[tilespmem:s1+$0x0] =	vst v7  }
0x67: {  	[tilespmem:v3+s25+$0x0] =	vst.idx.msk $0xffff, v7  }
0x68: {  	v3 =	vld.idx.msk [tilespmem:v6+s18+$0x0], $0xffff  }
0x69: {  	v5 =	vld.idx.msk [tilespmem:v5+s19+$0x0], $0xffff;
	_ =	sdelay $0x1  }
0x6a: {  	v6 =	vld [tilespmem:s30+$0x10];
	_ =	sdelay $0x2  }
0x6b: {  	v3 =	vadd.f32 v5, v3;
	_ =	sdelay $0x1  }
0x6c: {  	v3 =	vadd.f32 v6, v3;
	_ =	sdelay $0x1  }
0x6d: {  	v5 =	vmul.f32 $9.999999770e-03, v3;
	_ =	sdelay $0x1  }
0x6e: {  	v3 =	vmax.f32 v3, v5  }
0x6f: {  	v3 =	vmul.f32 $1.442695020e+00, v3;
	_ =	sdelay $0x1  }
0x70: {  	(erf) = vpow2.f32 v3;
	_ =	sdelay $0x2  }
0x71: {  	s15 =	simm.s32 $0x8  }
0x72: {  	v4 =	vshll.u32 v4, $0x3;
	v3 =	vor.u32 s15, v0  }
0x73: {  	s16 =	smov.u32 s30;
	s21 =	simm.s32 $0x4;
	s9 =	simm.s32 $0xE820;
	v4 =	vor.u32 v1, v4;
	v5 =	vshll.u32 v3, $0x4;
	v3 =	vshll.u32 v3, $0x3  }
.LBB2_3:
0x74: {  	s21 =	sadd.s32 $0x4, s21;
	v6 =	vor.u32 v1, v5;
	v5 =	vor.u32 v2, v5;
	s1 =	sadd.s32 $0x40, s1;
	s16 =	sadd.s32 $0x40, s16  }
0x75: {  	p0 =	slt.u32 s21, $0x3C;
	_ =	sdelay $0x1  }
0x76: {  	v7 =	vpop (erf)  }
0x77: {  	[tilespmem:s9+$0x10] =	vst v7;
	s9 =	smov.u32 s1  }
0x78: {  	[tilespmem:v4+s25+$0x0] =	vst.idx.msk $0xffff, v7  }
0x79: {  	v4 =	vld.idx.msk [tilespmem:v6+s18+$0x0], $0xffff  }
0x7a: {  	v5 =	vld.idx.msk [tilespmem:v5+s19+$0x0], $0xffff;
	_ =	sdelay $0x2  }
0x7b: {  	v6 =	vld [tilespmem:s16+$0xFFFFFFE0];
	_ =	sdelay $0x2  }
0x7c: {  	v4 =	vadd.f32 v5, v4;
	_ =	sdelay $0x1  }
0x7d: {  	v4 =	vadd.f32 v6, v4;
	_ =	sdelay $0x1  }
0x7e: {  	v5 =	vmul.f32 $9.999999770e-03, v4;
	_ =	sdelay $0x1  }
0x7f: {  	v4 =	vmax.f32 v4, v5  }
0x80: {  	v4 =	vmul.f32 $1.442695020e+00, v4;
	_ =	sdelay $0x1  }
0x81: {  	(erf) = vpow2.f32 v4;
	_ =	sdelay $0x3  }
0x82: {  	s10 =	sadd.s32 $0x2, s15  }
0x83: {  	v4 =	vor.u32 s10, v0  }
0x84: {  	v3 =	vor.u32 v1, v3;
	v5 =	vshll.u32 v4, $0x4;
	v4 =	vshll.u32 v4, $0x3  }
0x85: {  	v6 =	vor.u32 v1, v5  }
0x86: {  	v5 =	vor.u32 v2, v5  }
0x87: {  	v7 =	vpop (erf)  }
0x88: {  	[tilespmem:s1+$0xFFFFFFE0] =	vst v7  }
0x89: {  	[tilespmem:v3+s25+$0x0] =	vst.idx.msk $0xffff, v7  }
0x8a: {  	v3 =	vld.idx.msk [tilespmem:v6+s18+$0x0], $0xffff  }
0x8b: {  	v5 =	vld.idx.msk [tilespmem:v5+s19+$0x0], $0xffff;
	_ =	sdelay $0x2  }
0x8c: {  	v6 =	vld [tilespmem:s16+$0xFFFFFFF0];
	_ =	sdelay $0x2  }
0x8d: {  	v3 =	vadd.f32 v5, v3;
	_ =	sdelay $0x1  }
0x8e: {  	v3 =	vadd.f32 v6, v3;
	_ =	sdelay $0x1  }
0x8f: {  	v5 =	vmul.f32 $9.999999770e-03, v3;
	_ =	sdelay $0x1  }
0x90: {  	v3 =	vmax.f32 v3, v5  }
0x91: {  	v3 =	vmul.f32 $1.442695020e+00, v3;
	_ =	sdelay $0x1  }
0x92: {  	(erf) = vpow2.f32 v3;
	_ =	sdelay $0x3  }
0x93: {  	s10 =	sadd.s32 $0x4, s15  }
0x94: {  	v3 =	vor.u32 s10, v0  }
0x95: {  	v4 =	vor.u32 v1, v4;
	v5 =	vshll.u32 v3, $0x4;
	v3 =	vshll.u32 v3, $0x3  }
0x96: {  	v6 =	vor.u32 v1, v5  }
0x97: {  	v5 =	vor.u32 v2, v5  }
0x98: {  	v7 =	vpop (erf)  }
0x99: {  	[tilespmem:s1+$0xFFFFFFF0] =	vst v7  }
0x9a: {  	[tilespmem:v4+s25+$0x0] =	vst.idx.msk $0xffff, v7  }
0x9b: {  	v4 =	vld.idx.msk [tilespmem:v6+s18+$0x0], $0xffff  }
0x9c: {  	v5 =	vld.idx.msk [tilespmem:v5+s19+$0x0], $0xffff;
	_ =	sdelay $0x2  }
0x9d: {  	v6 =	vld [tilespmem:s16+$0x0];
	_ =	sdelay $0x2  }
0x9e: {  	v4 =	vadd.f32 v5, v4;
	_ =	sdelay $0x1  }
0x9f: {  	v4 =	vadd.f32 v6, v4;
	_ =	sdelay $0x1  }
0xa0: {  	v5 =	vmul.f32 $9.999999770e-03, v4;
	_ =	sdelay $0x1  }
0xa1: {  	v4 =	vmax.f32 v4, v5  }
0xa2: {  	v4 =	vmul.f32 $1.442695020e+00, v4;
	_ =	sdelay $0x1  }
0xa3: {  	(erf) = vpow2.f32 v4;
	_ =	sdelay $0x3  }
0xa4: {  	s10 =	sadd.s32 $0x6, s15  }
0xa5: {  	v4 =	vor.u32 s10, v0  }
0xa6: {  	v3 =	vor.u32 v1, v3;
	v5 =	vshll.u32 v4, $0x4;
	v4 =	vshll.u32 v4, $0x3  }
0xa7: {  	v6 =	vor.u32 v1, v5  }
0xa8: {  	v5 =	vor.u32 v2, v5  }
0xa9: {  	v7 =	vpop (erf)  }
0xaa: {  	[tilespmem:s1+$0x0] =	vst v7  }
0xab: {  	[tilespmem:v3+s25+$0x0] =	vst.idx.msk $0xffff, v7  }
0xac: {  	v3 =	vld.idx.msk [tilespmem:v6+s18+$0x0], $0xffff  }
0xad: {  	v5 =	vld.idx.msk [tilespmem:v5+s19+$0x0], $0xffff  }
0xae: {  	v6 =	vld [tilespmem:s16+$0x10];
	_ =	sdelay $0x4  }
0xaf: {  	v3 =	vadd.f32 v5, v3;
	_ =	sdelay $0x1  }
0xb0: {  	v3 =	vadd.f32 v6, v3;
	_ =	sdelay $0x1  }
0xb1: {  	v5 =	vmul.f32 $9.999999770e-03, v3;
	_ =	sdelay $0x1  }
0xb2: {  	v3 =	vmax.f32 v3, v5  }
0xb3: {  	v3 =	vmul.f32 $1.442695020e+00, v3;
	_ =	sdelay $0x1  }
0xb4: {  	(erf) = vpow2.f32 v3  }
.Ltmp0:
0xb5: {  	(pc) =	sbr.rel @p0 .LBB2_3-.Ltmp0, $4  }
0xb6: {  	_ = 	snop  }
0xb7: {  	s15 =	sadd.s32 $0x8, s15  }
0xb8: {  	v3 =	vor.u32 s15, v0  }
0xb9: {  	v4 =	vor.u32 v1, v4;
	v5 =	vshll.u32 v3, $0x4;
	v3 =	vshll.u32 v3, $0x3  }
0xba: {  	_ = 	snop  }
0xbb: {  	v6 =	vor.u32 v1, v5  }
0xbc: {  	v5 =	vor.u32 v2, v5  }
0xbd: {  	v7 =	vpop (erf)  }
0xbe: {  	[tilespmem:s9+$0x10] =	vst v7  }
0xbf: {  	[tilespmem:v4+s25+$0x0] =	vst.idx.msk $0xffff, v7  }
0xc0: {  	v4 =	vld.idx.msk [tilespmem:v6+s18+$0x0], $0xffff  }
0xc1: {  	v5 =	vld.idx.msk [tilespmem:v5+s19+$0x0], $0xffff  }
0xc2: {  	s21 =	sadd.s32 $0x40, s16  }
0xc3: {  	v6 =	vld [tilespmem:s21+$0xFFFFFFE0];
	_ =	sdelay $0x2  }
0xc4: {  	v4 =	vadd.f32 v5, v4;
	_ =	sdelay $0x1  }
0xc5: {  	v4 =	vadd.f32 v6, v4;
	_ =	sdelay $0x1  }
0xc6: {  	v5 =	vmul.f32 $9.999999770e-03, v4;
	_ =	sdelay $0x1  }
0xc7: {  	v4 =	vmax.f32 v4, v5  }
0xc8: {  	v4 =	vmul.f32 $1.442695020e+00, v4;
	_ =	sdelay $0x1  }
0xc9: {  	(erf) = vpow2.f32 v4;
	_ =	sdelay $0x3  }
0xca: {  	s10 =	sadd.s32 $0x2, s15  }
0xcb: {  	v4 =	vor.u32 s10, v0  }
0xcc: {  	v3 =	vor.u32 v1, v3;
	v5 =	vshll.u32 v4, $0x4  }
0xcd: {  	v6 =	vor.u32 v1, v5  }
0xce: {  	v5 =	vor.u32 v2, v5  }
0xcf: {  	s1 =	sadd.s32 $0x40, s1;
	v7 =	vpop (erf)  }
0xd0: {  	[tilespmem:s1+$0xFFFFFFE0] =	vst v7  }
0xd1: {  	[tilespmem:v3+s25+$0x0] =	vst.idx.msk $0xffff, v7  }
0xd2: {  	v3 =	vld.idx.msk [tilespmem:v6+s18+$0x0], $0xffff  }
0xd3: {  	v5 =	vld.idx.msk [tilespmem:v5+s19+$0x0], $0xffff;
	_ =	sdelay $0x1  }
0xd4: {  	v6 =	vld [tilespmem:s21+$0xFFFFFFF0];
	_ =	sdelay $0x2  }
0xd5: {  	v3 =	vadd.f32 v5, v3;
	_ =	sdelay $0x1  }
0xd6: {  	v3 =	vadd.f32 v6, v3;
	_ =	sdelay $0x1  }
0xd7: {  	v5 =	vmul.f32 $9.999999770e-03, v3;
	_ =	sdelay $0x1  }
0xd8: {  	v3 =	vmax.f32 v3, v5  }
0xd9: {  	v3 =	vmul.f32 $1.442695020e+00, v3;
	_ =	sdelay $0x1  }
0xda: {  	(erf) = vpow2.f32 v3;
	_ =	sdelay $0x3  }
0xdb: {  	s11 =	sadd.s32 $0x4, s15  }
0xdc: {  	v3 =	vshll.u32 v4, $0x3;
	v4 =	vor.u32 s11, v0  }
0xdd: {  	v3 =	vor.u32 v1, v3;
	v5 =	vshll.u32 v4, $0x4  }
0xde: {  	v6 =	vor.u32 v1, v5  }
0xdf: {  	v5 =	vor.u32 v2, v5  }
0xe0: {  	v7 =	vpop (erf)  }
0xe1: {  	[tilespmem:s1+$0xFFFFFFF0] =	vst v7  }
0xe2: {  	[tilespmem:v3+s25+$0x0] =	vst.idx.msk $0xffff, v7  }
0xe3: {  	v3 =	vld.idx.msk [tilespmem:v6+s18+$0x0], $0xffff  }
0xe4: {  	v5 =	vld.idx.msk [tilespmem:v5+s19+$0x0], $0xffff;
	_ =	sdelay $0x1  }
0xe5: {  	v6 =	vld [tilespmem:s21+$0x0];
	_ =	sdelay $0x2  }
0xe6: {  	v3 =	vadd.f32 v5, v3;
	_ =	sdelay $0x1  }
0xe7: {  	v3 =	vadd.f32 v6, v3;
	_ =	sdelay $0x1  }
0xe8: {  	v5 =	vmul.f32 $9.999999770e-03, v3;
	_ =	sdelay $0x1  }
0xe9: {  	v3 =	vmax.f32 v3, v5  }
0xea: {  	v3 =	vmul.f32 $1.442695020e+00, v3;
	_ =	sdelay $0x1  }
0xeb: {  	(erf) = vpow2.f32 v3;
	_ =	sdelay $0x3  }
0xec: {  	s16 =	sadd.s32 $0x6, s15  }
0xed: {  	v3 =	vshll.u32 v4, $0x3;
	v4 =	vor.u32 s16, v0  }
0xee: {  	v3 =	vor.u32 v1, v3;
	v5 =	vshll.u32 v4, $0x4  }
0xef: {  	v6 =	vor.u32 v1, v5  }
0xf0: {  	v5 =	vor.u32 v2, v5  }
0xf1: {  	v7 =	vpop (erf)  }
0xf2: {  	[tilespmem:s1+$0x0] =	vst v7  }
0xf3: {  	[tilespmem:v3+s25+$0x0] =	vst.idx.msk $0xffff, v7  }
0xf4: {  	v3 =	vld.idx.msk [tilespmem:v6+s18+$0x0], $0xffff  }
0xf5: {  	v5 =	vld.idx.msk [tilespmem:v5+s19+$0x0], $0xffff;
	_ =	sdelay $0x1  }
0xf6: {  	v6 =	vld [tilespmem:s21+$0x10];
	_ =	sdelay $0x2  }
0xf7: {  	v3 =	vadd.f32 v5, v3;
	_ =	sdelay $0x1  }
0xf8: {  	v3 =	vadd.f32 v6, v3;
	_ =	sdelay $0x1  }
0xf9: {  	v5 =	vmul.f32 $9.999999770e-03, v3;
	_ =	sdelay $0x1  }
0xfa: {  	v3 =	vmax.f32 v3, v5  }
0xfb: {  	v3 =	vmul.f32 $1.442695020e+00, v3;
	_ =	sdelay $0x1  }
0xfc: {  	(erf) = vpow2.f32 v3;
	_ =	sdelay $0x4  }
0xfd: {  	v3 =	vshll.u32 v4, $0x3  }
0xfe: {  	v3 =	vor.u32 v1, v3;
	_ =	sdelay $0x2  }
0xff: {  	v4 =	vpop (erf)  }
0x100: {  	s21 =	sshll.u32 s0, $0x8;
	[tilespmem:s1+$0x10] =	vst v4  }
0x101: {  	s9 =	sand.u32 $0x3FFFFF00, s21;
	s1 =	sshll.u32 s0, $0x1;
	[tilespmem:v3+s25+$0x0] =	vst.idx.msk $0xffff, v4  }
0x102: {  	[spmem:s3] =	stream.indirect.scatter.add.f32 [tilespmem:s25], [sflag:$0x3], $0x8, s9, s17, $0xb8;
	[tilespmem:$0x10400] =	vst v63  }
0x103: {  	s10 =	sadd.s32 s8, s1;
	_ =	swait.ge [sflag:s14], $0x400  }
0x104: {  	s9 =	sshll.u32 s10, $0x7;
	[sflag:s14] =	ssyncset.done $0x0  }
0x105: {  	s11 =	simm.s32 $0x0;
	s9 =	sadd.s32 s2, s9;
	[sflag:s14] =	ssyncadd.s32 $0xFFFFFC00  }
0x106: {  	[hbm4b:s9+s11] =	stream.linear.scatter [tilespmem:s26], [sflag:$0x3], $0x400, $0x38;
	[tilespmem:$0x10400] =	vst v63  }
0x107: {  	s16 =	smin.u32 s1, $0x25;
	_ =	swait.ge [sflag:s14], $0x400  }
0x108: {  	s9 =	sshll.u32 s16, $0x7;
	[sflag:s14] =	ssyncset.done $0x0  }
0x109: {  	s21 =	sadd.s32 $0x100, s9;
	[sflag:s14] =	ssyncadd.s32 $0xFFFFFC00  }
0x10a: {  	[tilespmem:s18], [sflag:$0x1] =	stream.indirect.gather [hbm4b:s5+s17], $0x10, s21, s17, $0xb8;
	[tilespmem:$0x10400] =	vst v63  }
0x10b: {  	s9 =	sadd.s32 $0x1500, s9  }
0x10c: {  	v3 =	vor.u32 s11, v0;
	[tilespmem:s19], [sflag:$0x1] =	stream.indirect.gather [hbm4b:s5+s17], $0x10, s9, s17, $0xb8;
	[tilespmem:$0x10400] =	vst v63  }
0x10d: {  	v4 =	vshll.u32 v3, $0x4;
	_ =	swait.ge [sflag:s28], $0x800  }
0x10e: {  	v5 =	vor.u32 v1, v4;
	[sflag:s28] =	ssyncset.done $0x0  }
0x10f: {  	v4 =	vor.u32 v2, v4;
	[sflag:s28] =	ssyncadd.s32 $0xFFFFF800  }
0x110: {  	_ =	swait.ge [sflag:s28], $0x800  }
0x111: {  	[sflag:s28] =	ssyncset.done $0x0  }
0x112: {  	[sflag:s28] =	ssyncadd.s32 $0xFFFFF800  }
0x113: {  	v5 =	vld.idx.msk [tilespmem:v5+s20+$0x0], $0xffff  }
0x114: {  	v4 =	vld.idx.msk [tilespmem:v4+s22+$0x0], $0xffff;
	_ =	sdelay $0x1  }
0x115: {  	v6 =	vld [tilespmem:s6+$0xFFFFFFD0];
	_ =	sdelay $0x2  }
0x116: {  	v4 =	vadd.f32 v4, v5;
	_ =	sdelay $0x1  }
0x117: {  	v4 =	vadd.f32 v6, v4;
	_ =	sdelay $0x1  }
0x118: {  	v5 =	vmul.f32 $9.999999770e-03, v4;
	_ =	sdelay $0x1  }
0x119: {  	v4 =	vmax.f32 v4, v5  }
0x11a: {  	v4 =	vmul.f32 $1.442695020e+00, v4;
	_ =	sdelay $0x1  }
0x11b: {  	(erf) = vpow2.f32 v4;
	_ =	sdelay $0x3  }
0x11c: {  	s11 =	simm.s32 $0x2  }
0x11d: {  	v3 =	vshll.u32 v3, $0x3;
	v4 =	vor.u32 s11, v0  }
0x11e: {  	v3 =	vor.u32 v1, v3;
	v5 =	vshll.u32 v4, $0x4  }
0x11f: {  	v6 =	vor.u32 v1, v5  }
0x120: {  	v5 =	vor.u32 v2, v5  }
0x121: {  	s21 =	simm.s32 $0xE820;
	v7 =	vpop (erf)  }
0x122: {  	[tilespmem:s21+$0xFFFFFFE0] =	vst v7  }
0x123: {  	[tilespmem:v3+s25+$0x0] =	vst.idx.msk $0xffff, v7  }
0x124: {  	v3 =	vld.idx.msk [tilespmem:v6+s20+$0x0], $0xffff  }
0x125: {  	v5 =	vld.idx.msk [tilespmem:v5+s22+$0x0], $0xffff;
	_ =	sdelay $0x1  }
0x126: {  	v6 =	vld [tilespmem:s6+$0xFFFFFFE0];
	_ =	sdelay $0x2  }
0x127: {  	v3 =	vadd.f32 v5, v3;
	_ =	sdelay $0x1  }
0x128: {  	v3 =	vadd.f32 v6, v3;
	_ =	sdelay $0x1  }
0x129: {  	v5 =	vmul.f32 $9.999999770e-03, v3;
	_ =	sdelay $0x1  }
0x12a: {  	v3 =	vmax.f32 v3, v5  }
0x12b: {  	v3 =	vmul.f32 $1.442695020e+00, v3;
	_ =	sdelay $0x1  }
0x12c: {  	(erf) = vpow2.f32 v3;
	_ =	sdelay $0x3  }
0x12d: {  	s15 =	simm.s32 $0x4  }
0x12e: {  	v3 =	vshll.u32 v4, $0x3;
	v4 =	vor.u32 s15, v0  }
0x12f: {  	v3 =	vor.u32 v1, v3;
	v5 =	vshll.u32 v4, $0x4  }
0x130: {  	v6 =	vor.u32 v1, v5  }
0x131: {  	v5 =	vor.u32 v2, v5  }
0x132: {  	v7 =	vpop (erf)  }
0x133: {  	[tilespmem:s21+$0xFFFFFFF0] =	vst v7  }
0x134: {  	[tilespmem:v3+s25+$0x0] =	vst.idx.msk $0xffff, v7  }
0x135: {  	v3 =	vld.idx.msk [tilespmem:v6+s20+$0x0], $0xffff  }
0x136: {  	v5 =	vld.idx.msk [tilespmem:v5+s22+$0x0], $0xffff;
	_ =	sdelay $0x1  }
0x137: {  	v6 =	vld [tilespmem:s6+$0xFFFFFFF0];
	_ =	sdelay $0x2  }
0x138: {  	v3 =	vadd.f32 v5, v3;
	_ =	sdelay $0x1  }
0x139: {  	v3 =	vadd.f32 v6, v3;
	_ =	sdelay $0x1  }
0x13a: {  	v5 =	vmul.f32 $9.999999770e-03, v3;
	_ =	sdelay $0x1  }
0x13b: {  	v3 =	vmax.f32 v3, v5  }
0x13c: {  	v3 =	vmul.f32 $1.442695020e+00, v3;
	_ =	sdelay $0x1  }
0x13d: {  	(erf) = vpow2.f32 v3;
	_ =	sdelay $0x3  }
0x13e: {  	s16 =	simm.s32 $0x6  }
0x13f: {  	v3 =	vshll.u32 v4, $0x3;
	v4 =	vor.u32 s16, v0  }
0x140: {  	v3 =	vor.u32 v1, v3;
	v5 =	vshll.u32 v4, $0x4  }
0x141: {  	v6 =	vor.u32 v1, v5  }
0x142: {  	v5 =	vor.u32 v2, v5  }
0x143: {  	v7 =	vpop (erf)  }
0x144: {  	[tilespmem:s21+$0x0] =	vst v7  }
0x145: {  	[tilespmem:v3+s25+$0x0] =	vst.idx.msk $0xffff, v7  }
0x146: {  	v3 =	vld.idx.msk [tilespmem:v6+s20+$0x0], $0xffff  }
0x147: {  	v5 =	vld.idx.msk [tilespmem:v5+s22+$0x0], $0xffff;
	_ =	sdelay $0x1  }
0x148: {  	v6 =	vld [tilespmem:s6+$0x0];
	_ =	sdelay $0x2  }
0x149: {  	v3 =	vadd.f32 v5, v3;
	_ =	sdelay $0x1  }
0x14a: {  	v3 =	vadd.f32 v6, v3;
	_ =	sdelay $0x1  }
0x14b: {  	v5 =	vmul.f32 $9.999999770e-03, v3;
	_ =	sdelay $0x1  }
0x14c: {  	v3 =	vmax.f32 v3, v5  }
0x14d: {  	v3 =	vmul.f32 $1.442695020e+00, v3;
	_ =	sdelay $0x1  }
0x14e: {  	(erf) = vpow2.f32 v3;
	_ =	sdelay $0x2  }
0x14f: {  	s15 =	simm.s32 $0x8  }
0x150: {  	s31 =	smov.u32 s6;
	v4 =	vshll.u32 v4, $0x3;
	v3 =	vor.u32 s15, v0  }
0x151: {  	s10 =	simm.s32 $0xE820;
	s9 =	simm.s32 $0x4;
	s16 =	sshllo.u32 s0, $0x1;
	v4 =	vor.u32 v1, v4;
	v5 =	vshll.u32 v3, $0x4;
	v3 =	vshll.u32 v3, $0x3  }
.LBB2_5:
0x152: {  	s9 =	sadd.s32 $0x4, s9;
	v6 =	vor.u32 v1, v5;
	v5 =	vor.u32 v2, v5;
	s31 =	sadd.s32 $0x40, s31;
	s21 =	sadd.s32 $0x40, s21  }
0x153: {  	p0 =	slt.u32 s9, $0x3C;
	_ =	sdelay $0x1  }
0x154: {  	v7 =	vpop (erf)  }
0x155: {  	[tilespmem:s10+$0x10] =	vst v7;
	s10 =	smov.u32 s21  }
0x156: {  	[tilespmem:v4+s25+$0x0] =	vst.idx.msk $0xffff, v7  }
0x157: {  	v4 =	vld.idx.msk [tilespmem:v6+s20+$0x0], $0xffff  }
0x158: {  	v5 =	vld.idx.msk [tilespmem:v5+s22+$0x0], $0xffff;
	_ =	sdelay $0x2  }
0x159: {  	v6 =	vld [tilespmem:s31+$0xFFFFFFD0];
	_ =	sdelay $0x2  }
0x15a: {  	v4 =	vadd.f32 v5, v4;
	_ =	sdelay $0x1  }
0x15b: {  	v4 =	vadd.f32 v6, v4;
	_ =	sdelay $0x1  }
0x15c: {  	v5 =	vmul.f32 $9.999999770e-03, v4;
	_ =	sdelay $0x1  }
0x15d: {  	v4 =	vmax.f32 v4, v5  }
0x15e: {  	v4 =	vmul.f32 $1.442695020e+00, v4;
	_ =	sdelay $0x1  }
0x15f: {  	(erf) = vpow2.f32 v4;
	_ =	sdelay $0x3  }
0x160: {  	s11 =	sadd.s32 $0x2, s15  }
0x161: {  	v4 =	vor.u32 s11, v0  }
0x162: {  	v3 =	vor.u32 v1, v3;
	v5 =	vshll.u32 v4, $0x4;
	v4 =	vshll.u32 v4, $0x3  }
0x163: {  	v6 =	vor.u32 v1, v5  }
0x164: {  	v5 =	vor.u32 v2, v5  }
0x165: {  	v7 =	vpop (erf)  }
0x166: {  	[tilespmem:s21+$0xFFFFFFE0] =	vst v7  }
0x167: {  	[tilespmem:v3+s25+$0x0] =	vst.idx.msk $0xffff, v7  }
0x168: {  	v3 =	vld.idx.msk [tilespmem:v6+s20+$0x0], $0xffff  }
0x169: {  	v5 =	vld.idx.msk [tilespmem:v5+s22+$0x0], $0xffff;
	_ =	sdelay $0x2  }
0x16a: {  	v6 =	vld [tilespmem:s31+$0xFFFFFFE0];
	_ =	sdelay $0x2  }
0x16b: {  	v3 =	vadd.f32 v5, v3;
	_ =	sdelay $0x1  }
0x16c: {  	v3 =	vadd.f32 v6, v3;
	_ =	sdelay $0x1  }
0x16d: {  	v5 =	vmul.f32 $9.999999770e-03, v3;
	_ =	sdelay $0x1  }
0x16e: {  	v3 =	vmax.f32 v3, v5  }
0x16f: {  	v3 =	vmul.f32 $1.442695020e+00, v3;
	_ =	sdelay $0x1  }
0x170: {  	(erf) = vpow2.f32 v3;
	_ =	sdelay $0x3  }
0x171: {  	s11 =	sadd.s32 $0x4, s15  }
0x172: {  	v3 =	vor.u32 s11, v0  }
0x173: {  	v4 =	vor.u32 v1, v4;
	v5 =	vshll.u32 v3, $0x4;
	v3 =	vshll.u32 v3, $0x3  }
0x174: {  	v6 =	vor.u32 v1, v5  }
0x175: {  	v5 =	vor.u32 v2, v5  }
0x176: {  	v7 =	vpop (erf)  }
0x177: {  	[tilespmem:s21+$0xFFFFFFF0] =	vst v7  }
0x178: {  	[tilespmem:v4+s25+$0x0] =	vst.idx.msk $0xffff, v7  }
0x179: {  	v4 =	vld.idx.msk [tilespmem:v6+s20+$0x0], $0xffff  }
0x17a: {  	v5 =	vld.idx.msk [tilespmem:v5+s22+$0x0], $0xffff;
	_ =	sdelay $0x2  }
0x17b: {  	v6 =	vld [tilespmem:s31+$0xFFFFFFF0];
	_ =	sdelay $0x2  }
0x17c: {  	v4 =	vadd.f32 v5, v4;
	_ =	sdelay $0x1  }
0x17d: {  	v4 =	vadd.f32 v6, v4;
	_ =	sdelay $0x1  }
0x17e: {  	v5 =	vmul.f32 $9.999999770e-03, v4;
	_ =	sdelay $0x1  }
0x17f: {  	v4 =	vmax.f32 v4, v5  }
0x180: {  	v4 =	vmul.f32 $1.442695020e+00, v4;
	_ =	sdelay $0x1  }
0x181: {  	(erf) = vpow2.f32 v4;
	_ =	sdelay $0x3  }
0x182: {  	s11 =	sadd.s32 $0x6, s15  }
0x183: {  	v4 =	vor.u32 s11, v0  }
0x184: {  	v3 =	vor.u32 v1, v3;
	v5 =	vshll.u32 v4, $0x4;
	v4 =	vshll.u32 v4, $0x3  }
0x185: {  	v6 =	vor.u32 v1, v5  }
0x186: {  	v5 =	vor.u32 v2, v5  }
0x187: {  	v7 =	vpop (erf)  }
0x188: {  	[tilespmem:s21+$0x0] =	vst v7  }
0x189: {  	[tilespmem:v3+s25+$0x0] =	vst.idx.msk $0xffff, v7  }
0x18a: {  	v3 =	vld.idx.msk [tilespmem:v6+s20+$0x0], $0xffff  }
0x18b: {  	v5 =	vld.idx.msk [tilespmem:v5+s22+$0x0], $0xffff  }
0x18c: {  	v6 =	vld [tilespmem:s31+$0x0];
	_ =	sdelay $0x4  }
0x18d: {  	v3 =	vadd.f32 v5, v3;
	_ =	sdelay $0x1  }
0x18e: {  	v3 =	vadd.f32 v6, v3;
	_ =	sdelay $0x1  }
0x18f: {  	v5 =	vmul.f32 $9.999999770e-03, v3;
	_ =	sdelay $0x1  }
0x190: {  	v3 =	vmax.f32 v3, v5  }
0x191: {  	v3 =	vmul.f32 $1.442695020e+00, v3;
	_ =	sdelay $0x1  }
0x192: {  	(erf) = vpow2.f32 v3  }
.Ltmp1:
0x193: {  	(pc) =	sbr.rel @p0 .LBB2_5-.Ltmp1, $4  }
0x194: {  	_ = 	snop  }
0x195: {  	s15 =	sadd.s32 $0x8, s15  }
0x196: {  	v3 =	vor.u32 s15, v0  }
0x197: {  	v4 =	vor.u32 v1, v4;
	v5 =	vshll.u32 v3, $0x4;
	v3 =	vshll.u32 v3, $0x3  }
0x198: {  	_ = 	snop  }
0x199: {  	v6 =	vor.u32 v1, v5  }
0x19a: {  	v42 =	vor.u32 v2, v5  }
0x19b: {  	v7 =	vpop (erf)  }
0x19c: {  	[tilespmem:s10+$0x10] =	vst v7  }
0x19d: {  	[tilespmem:v4+s25+$0x0] =	vst.idx.msk $0xffff, v7  }
0x19e: {  	v4 =	vld.idx.msk [tilespmem:v6+s20+$0x0], $0xffff  }
0x19f: {  	v5 =	vld.idx.msk [tilespmem:v42+s22+$0x0], $0xffff  }
0x1a0: {  	s9 =	sadd.s32 $0x40, s31  }
0x1a1: {  	v43 =	vld [tilespmem:s9+$0xFFFFFFD0];
	_ =	sdelay $0x2  }
0x1a2: {  	v4 =	vadd.f32 v5, v4;
	_ =	sdelay $0x1  }
0x1a3: {  	v4 =	vadd.f32 v43, v4;
	_ =	sdelay $0x1  }
0x1a4: {  	v44 =	vmul.f32 $9.999999770e-03, v4;
	_ =	sdelay $0x1  }
0x1a5: {  	v4 =	vmax.f32 v4, v44  }
0x1a6: {  	v4 =	vmul.f32 $1.442695020e+00, v4;
	_ =	sdelay $0x1  }
0x1a7: {  	(erf) = vpow2.f32 v4;
	_ =	sdelay $0x3  }
0x1a8: {  	s11 =	sadd.s32 $0x2, s15  }
0x1a9: {  	v45 =	vor.u32 s11, v0  }
0x1aa: {  	v3 =	vor.u32 v1, v3;
	v46 =	vshll.u32 v45, $0x4  }
0x1ab: {  	v47 =	vor.u32 v1, v46  }
0x1ac: {  	v5 =	vor.u32 v2, v46  }
0x1ad: {  	s21 =	sadd.s32 $0x40, s21;
	v48 =	vpop (erf)  }
0x1ae: {  	[tilespmem:s21+$0xFFFFFFE0] =	vst v48  }
0x1af: {  	[tilespmem:v3+s25+$0x0] =	vst.idx.msk $0xffff, v48  }
0x1b0: {  	v3 =	vld.idx.msk [tilespmem:v47+s20+$0x0], $0xffff  }
0x1b1: {  	v5 =	vld.idx.msk [tilespmem:v5+s22+$0x0], $0xffff;
	_ =	sdelay $0x1  }
0x1b2: {  	v49 =	vld [tilespmem:s9+$0xFFFFFFE0];
	_ =	sdelay $0x2  }
0x1b3: {  	v3 =	vadd.f32 v5, v3;
	_ =	sdelay $0x1  }
0x1b4: {  	v3 =	vadd.f32 v49, v3;
	_ =	sdelay $0x1  }
0x1b5: {  	v50 =	vmul.f32 $9.999999770e-03, v3;
	_ =	sdelay $0x1  }
0x1b6: {  	v3 =	vmax.f32 v3, v50  }
0x1b7: {  	v3 =	vmul.f32 $1.442695020e+00, v3;
	_ =	sdelay $0x1  }
0x1b8: {  	(erf) = vpow2.f32 v3;
	_ =	sdelay $0x3  }
0x1b9: {  	s11 =	sadd.s32 $0x4, s15  }
0x1ba: {  	v51 =	vor.u32 s11, v0;
	v3 =	vshll.u32 v45, $0x3  }
0x1bb: {  	v52 =	vshll.u32 v51, $0x4;
	v3 =	vor.u32 v1, v3  }
0x1bc: {  	v53 =	vor.u32 v1, v52  }
0x1bd: {  	v5 =	vor.u32 v2, v52  }
0x1be: {  	v54 =	vpop (erf)  }
0x1bf: {  	[tilespmem:s21+$0xFFFFFFF0] =	vst v54  }
0x1c0: {  	[tilespmem:v3+s25+$0x0] =	vst.idx.msk $0xffff, v54  }
0x1c1: {  	v3 =	vld.idx.msk [tilespmem:v53+s20+$0x0], $0xffff  }
0x1c2: {  	v5 =	vld.idx.msk [tilespmem:v5+s22+$0x0], $0xffff;
	_ =	sdelay $0x1  }
0x1c3: {  	v55 =	vld [tilespmem:s9+$0xFFFFFFF0];
	_ =	sdelay $0x2  }
0x1c4: {  	v3 =	vadd.f32 v5, v3;
	_ =	sdelay $0x1  }
0x1c5: {  	v3 =	vadd.f32 v55, v3;
	_ =	sdelay $0x1  }
0x1c6: {  	v56 =	vmul.f32 $9.999999770e-03, v3;
	_ =	sdelay $0x1  }
0x1c7: {  	v3 =	vmax.f32 v3, v56  }
0x1c8: {  	v3 =	vmul.f32 $1.442695020e+00, v3;
	_ =	sdelay $0x1  }
0x1c9: {  	(erf) = vpow2.f32 v3;
	_ =	sdelay $0x3  }
0x1ca: {  	s31 =	sadd.s32 $0x6, s15  }
0x1cb: {  	v57 =	vor.u32 s31, v0;
	v3 =	vshll.u32 v51, $0x3  }
0x1cc: {  	v58 =	vshll.u32 v57, $0x4;
	v3 =	vor.u32 v1, v3  }
0x1cd: {  	v59 =	vor.u32 v1, v58  }
0x1ce: {  	v5 =	vor.u32 v2, v58  }
0x1cf: {  	v60 =	vpop (erf)  }
0x1d0: {  	[tilespmem:s21+$0x0] =	vst v60  }
0x1d1: {  	[tilespmem:v3+s25+$0x0] =	vst.idx.msk $0xffff, v60  }
0x1d2: {  	v3 =	vld.idx.msk [tilespmem:v59+s20+$0x0], $0xffff  }
0x1d3: {  	v5 =	vld.idx.msk [tilespmem:v5+s22+$0x0], $0xffff;
	_ =	sdelay $0x1  }
0x1d4: {  	v61 =	vld [tilespmem:s9+$0x0];
	_ =	sdelay $0x2  }
0x1d5: {  	v3 =	vadd.f32 v5, v3;
	_ =	sdelay $0x1  }
0x1d6: {  	v3 =	vadd.f32 v61, v3;
	_ =	sdelay $0x1  }
0x1d7: {  	v62 =	vmul.f32 $9.999999770e-03, v3;
	_ =	sdelay $0x1  }
0x1d8: {  	v3 =	vmax.f32 v3, v62  }
0x1d9: {  	v3 =	vmul.f32 $1.442695020e+00, v3;
	_ =	sdelay $0x1  }
0x1da: {  	(erf) = vpow2.f32 v3;
	_ =	sdelay $0x4  }
0x1db: {  	v3 =	vshll.u32 v57, $0x3  }
0x1dc: {  	v3 =	vor.u32 v1, v3;
	_ =	sdelay $0x2  }
0x1dd: {  	v63 =	vpop (erf)  }
0x1de: {  	s15 =	sshll.u32 s16, $0x7;
	[tilespmem:s21+$0x10] =	vst v63  }
0x1df: {  	s9 =	sand.u32 $0x3FFFFF80, s15;
	s21 =	sadd.s32 s8, s16;
	[tilespmem:v3+s25+$0x0] =	vst.idx.msk $0xffff, v63  }
0x1e0: {  	[spmem:s3] =	stream.indirect.scatter.add.f32 [tilespmem:s25], [sflag:$0x3], $0x8, s9, s17, $0xb8;
	[tilespmem:$0x10400] =	vst v63  }
0x1e1: {  	s9 =	sshll.u32 s21, $0x7;
	_ =	swait.ge [sflag:s14], $0x400  }
0x1e2: {  	s9 =	sand.u32 $0x1FFFFF80, s9;
	[sflag:s14] =	ssyncset.done $0x0  }
0x1e3: {  	s0 =	sadd.s32 $0x1, s0;
	s9 =	sadd.s32 s2, s9;
	[sflag:s14] =	ssyncadd.s32 $0xFFFFFC00  }
0x1e4: {  	[hbm4b:s9+s4] =	stream.linear.scatter [tilespmem:s26], [sflag:$0x3], $0x400, $0x38;
	[tilespmem:$0x10400] =	vst v63  }
0x1e5: {  	s1 =	smin.u32 s1, $0x24;
	p0 =	sne.s32 s0, $0x14;
	_ =	swait.ge [sflag:s14], $0x400  }
.Ltmp2:
0x1e6: {  	s1 =	sshll.u32 s1, $0x7;
	[sflag:s14] =	ssyncset.done $0x0;
	(pc) =	sbr.rel @p0 .LBB2_2-.Ltmp2, $4  }
0x1e7: {  	s31 =	sadd.s32 $0x180, s1;
	[sflag:s14] =	ssyncadd.s32 $0xFFFFFC00  }
0x1e8: {  	[tilespmem:s20], [sflag:$0x2] =	stream.indirect.gather [hbm4b:s5+s17], $0x10, s31, s17, $0xb8;
	[tilespmem:$0x10400] =	vst v63  }
0x1e9: {  	s30 =	sadd.s32 $0x800, s30;
	s6 =	sadd.s32 $0x800, s6;
	s1 =	sadd.s32 $0x1580, s1  }
0x1ea: {  	[tilespmem:s22], [sflag:$0x2] =	stream.indirect.gather [hbm4b:s5+s17], $0x10, s1, s17, $0xb8;
	[tilespmem:$0x10400] =	vst v63  }
0x1eb: {  	_ =	swait.ge [sflag:s23], $0x800  }
0x1ec: {  	[sflag:s23] =	ssyncset.done $0x0  }
0x1ed: {  	[sflag:s23] =	ssyncadd.s32 $0xFFFFF800  }
0x1ee: {  	_ =	swait.ge [sflag:s23], $0x800  }
0x1ef: {  	[sflag:s23] =	ssyncset.done $0x0  }
0x1f0: {  	[sflag:s23] =	ssyncadd.s32 $0xFFFFF800  }
0x1f1: {  	_ =	swait.ge [sflag:s28], $0x800  }
0x1f2: {  	[sflag:s28] =	ssyncset.done $0x0  }
0x1f3: {  	[sflag:s28] =	ssyncadd.s32 $0xFFFFF800  }
0x1f4: {  	_ =	swait.ge [sflag:s28], $0x800  }
0x1f5: {  	s29 =	sadd.s32 $0x1, s29;
	[sflag:s28] =	ssyncset.done $0x0  }
0x1f6: {  	p0 =	sne.s32 s29, s12;
	[sflag:s28] =	ssyncadd.s32 $0xFFFFF800  }
.Ltmp3:
0x1f7: {  	[bflag:$0x0] =	sbarrier.arrive $0xFFFF;
	(pc) =	sbr.rel @p0 .LBB2_1-.Ltmp3, $4  }
0x1f8: {  	[hbm:s24], [sflag:s7] =	dma.local [spmem:s13], $0x280  }
0x1f9: {  	_ =	swait.ge [sflag:s14], $0x280  }
0x1fa: {  	[sflag:s14] =	ssyncset.done $0x0  }
0x1fb: {  	[sflag:s14] =	ssyncadd.s32 $0xFFFFFD80  }
0x1fc: {  	_ =	sfence.sel $0x180000  }
0x1fd: {  	[bflag:$0x0] =	sbarrier.arrive $0xFFFF  }
0x1fe: {  	_ =	strace $0x90000047  }
0x1ff: {  	s0 =	stileid.u32;
	[bflag:$0x2] =	sbarrier.arrive $0xFFFF  }
0x200: {  	p0 =	sne.s32 s0, $0x0;
	s0 =	rddreg [dreg:$0x5]  }
0x201: {  	s0 =	sadd.s32 @!p0 $0x100000, s0  }
0x202: {  	[sflag:s0] =	ssyncadd.tile.s32 @!p0 $0x1;
	_ =	shalt  }
.Lfunc_end2:
_tile_overlayer_lowered:
.L_overlay_start_2:
0x203: {  	(tag) =	ssettag $0x2  }
0x204: {  	s0 =	rddreg [dreg:$0x0];
	s2 =	stileid.u32  }
0x205: {  	s1 =	rddreg [dreg:$0x1];
	p0 =	sne.s32 s2, $0x0  }
0x206: {  	s3 =	rddreg [dreg:$0x2];
	[bflag:$0x3] =	sbarrier.arrive $0xFFFF;
	s2 =	simm.s32 @!p0 $0x1C03  }
0x207: {  	[timem:s3], [sflag:s2] =	dma.local @!p0 [hbm:s0], s1  }
0x208: {  	s0 =	simm.s32 @!p0 $0x3  }
0x209: {  	_ =	swait.ge @!p0 [sflag:s0], s1  }
0x20a: {  	s1 =	ssub.s32 @!p0 $0x0, s1;
	[sflag:s0] =	ssyncset.done @!p0 $0x0  }
0x20b: {  	[sflag:s0] =	ssyncadd.s32 @!p0 s1  }
0x20c: {  	[bflag:$0x3] =	sbarrier.arrive $0xFFFF  }
0x20d: {  	_ =	shalt  }

</sc_bundles>
